<compile_context>
chip_gen: v7x
topology: tpu7x:2x2x1
jax: 0.10.2.dev20260603
libtpu: 0.0.44.dev20260713+nightly
codegen_flags: <defaults>
</compile_context>

<pallas_src>
import functools

import jax
import jax.numpy as jnp
from jax import lax
from jax.experimental import pallas as pl
from jax.experimental.pallas import tpu as pltpu
from jax.experimental.pallas import tpu_sc as plsc

N = 50000
E = 800000
NPAD = 51200
EPAD = 819200
ROWS_PER_SUB = 3200
EDGES_PER_TILE = EPAD // 32
CHUNK = 128
NCHUNK = EDGES_PER_TILE // CHUNK
BLK = 2048
GRID = NPAD // BLK
G = 64
F32 = jnp.float32


def _zero_acc_slice(zbuf, acc, s):
    def z(k, _):
        pltpu.sync_copy(zbuf, acc.at[pl.ds(s * ROWS_PER_SUB + k * 128, 128)])
        return _
    lax.fori_loop(0, 25, z, 0)


def _make_sc_agg(F):
    mesh = plsc.VectorSubcoreMesh(core_axis_name="c", subcore_axis_name="s")
    NROW = EDGES_PER_TILE // CHUNK

    @functools.partial(
        pl.kernel,
        out_type=jax.ShapeDtypeStruct((2, NPAD, F), F32),
        mesh=mesh,
        compiler_params=pltpu.CompilerParams(use_tc_tiling_on_sc=False),
        scratch_types=[
            pltpu.VMEM((NROW, 128), jnp.int32),
            pltpu.VMEM((NROW, 128), jnp.int32),
            pltpu.VMEM((NROW, 128), F32),
            pltpu.VMEM((CHUNK, F), F32),
            pltpu.VMEM_SHARED((NPAD, F), F32),
            pltpu.SemaphoreType.DMA,
        ],
    )
    def sc_agg(h_hbm, src_hbm, dst_hbm, ew_hbm, out_hbm,
               src_all, dst_all, ew_all, r0, acc, g0):
        c = lax.axis_index("c")
        s = lax.axis_index("s")

        def zb(i, _):
            for t in range(F // 16):
                r0[i, pl.ds(t * 16, 16)] = jnp.zeros((16,), F32)
            return _
        lax.fori_loop(0, CHUNK, zb, 0)
        _zero_acc_slice(r0, acc, s)

        rowbase = (c * 16 + s) * NROW
        pltpu.sync_copy(src_hbm.at[pl.ds(rowbase, NROW)], src_all)
        pltpu.sync_copy(dst_hbm.at[pl.ds(rowbase, NROW)], dst_all)
        pltpu.sync_copy(ew_hbm.at[pl.ds(rowbase, NROW)], ew_all)
        plsc.subcore_barrier()

        def outer(i, car):
            pltpu.async_copy(h_hbm.at[src_all.at[i]], r0, g0).wait()

            def mul(q, carry):
                wv = ew_all[i, pl.ds(q * 16, 16)]
                for l in range(16):
                    w = wv[l]
                    for t in range(F // 16):
                        e = q * 16 + l
                        r0[e, pl.ds(t * 16, 16)] = r0[e, pl.ds(t * 16, 16)] * w
                return carry
            lax.fori_loop(0, CHUNK // 16, mul, 0)

            pltpu.sync_copy(r0, acc.at[dst_all.at[i]], add=True)
            return car

        lax.fori_loop(0, NROW, outer, 0)

        plsc.subcore_barrier()

        def wb(k, car):
            r = s * ROWS_PER_SUB + k * 128
            pltpu.sync_copy(acc.at[pl.ds(r, 128)], r0)
            pltpu.sync_copy(r0, out_hbm.at[c, pl.ds(r, 128)])
            return car
        lax.fori_loop(0, ROWS_PER_SUB // 128, wb, 0)

    return sc_agg


def _make_sc_deg():
    mesh = plsc.VectorSubcoreMesh(core_axis_name="c", subcore_axis_name="s")
    NROW = EDGES_PER_TILE // CHUNK

    @functools.partial(
        pl.kernel,
        out_type=jax.ShapeDtypeStruct((2, NPAD), F32),
        mesh=mesh,
        compiler_params=pltpu.CompilerParams(use_tc_tiling_on_sc=False),
        scratch_types=[
            pltpu.VMEM((NROW, 128), jnp.int32),
            pltpu.VMEM((NROW, 128), F32),
            pltpu.VMEM((128,), F32),
            pltpu.VMEM_SHARED((NPAD,), F32),
            pltpu.SemaphoreType.DMA,
            pltpu.SemaphoreType.DMA,
            pltpu.SemaphoreType.DMA,
            pltpu.SemaphoreType.DMA,
        ],
    )
    def sc_deg(dst_hbm, ew_hbm, out_hbm, dst_all, ew_all, zbuf, acc,
               s0, s1, s2, s3):
        c = lax.axis_index("c")
        s = lax.axis_index("s")
        ssem = (s0, s1, s2, s3)

        def zb(i, _):
            zbuf[pl.ds(i * 16, 16)] = jnp.zeros((16,), F32)
            return _
        lax.fori_loop(0, 128 // 16, zb, 0)
        _zero_acc_slice(zbuf, acc, s)

        rowbase = (c * 16 + s) * NROW
        pltpu.sync_copy(dst_hbm.at[pl.ds(rowbase, NROW)], dst_all)
        pltpu.sync_copy(ew_hbm.at[pl.ds(rowbase, NROW)], ew_all)
        plsc.subcore_barrier()

        def outer(g, car):
            for b in range(4):
                i = g * 4 + b

                @pl.when(i >= 4)
                def _():
                    pltpu.make_async_copy(
                        ew_all.at[i - 4], acc.at[dst_all.at[i - 4]], ssem[b]).wait()

                pltpu.async_copy(ew_all.at[i], acc.at[dst_all.at[i]], ssem[b], add=True)
            return car

        lax.fori_loop(0, NROW // 4, outer, 0)
        for b in range(4):
            i = NROW - 4 + b
            pltpu.make_async_copy(ew_all.at[i], acc.at[dst_all.at[i]], ssem[b]).wait()
        plsc.subcore_barrier()

        def wb(k, car):
            r = s * ROWS_PER_SUB + k * 128
            pltpu.sync_copy(acc.at[pl.ds(r, 128)], zbuf)
            pltpu.sync_copy(zbuf, out_hbm.at[c, pl.ds(r, 128)])
            return car
        lax.fori_loop(0, ROWS_PER_SUB // 128, wb, 0)

    return sc_deg


def _dinv(degp_blk):
    return lax.rsqrt(1.0 + degp_blk[0, :] + degp_blk[1, :])


def _tc_a(x, degp, W1):
    def body(x_ref, degp_ref, w_ref, out_ref):
        dinv = _dinv(degp_ref[...])
        t1 = jnp.dot(x_ref[...], w_ref[...], preferred_element_type=F32,
                     precision=lax.Precision.HIGHEST)
        out_ref[...] = t1 * dinv[:, None]

    return pl.pallas_call(
        body,
        grid=(GRID,),
        in_specs=[
            pl.BlockSpec((BLK, 128), lambda i: (i, 0)),
            pl.BlockSpec((2, BLK), lambda i: (0, i)),
            pl.BlockSpec((128, 16), lambda i: (0, 0)),
        ],
        out_specs=pl.BlockSpec((BLK, 16), lambda i: (i, 0)),
        out_shape=jax.ShapeDtypeStruct((NPAD, 16), F32),
    )(x, degp, W1)


def _tc_b(P1, g1p, degp, b1):
    def body(p_ref, g_ref, degp_ref, b_ref, out_ref):
        dinv = _dinv(degp_ref[...])[:, None]
        agg = dinv * (p_ref[0] + p_ref[1] + g_ref[...])
        out_ref[...] = dinv * jax.nn.relu(agg + b_ref[...])

    return pl.pallas_call(
        body,
        grid=(GRID,),
        in_specs=[
            pl.BlockSpec((2, BLK, 16), lambda i: (0, i, 0)),
            pl.BlockSpec((BLK, 16), lambda i: (i, 0)),
            pl.BlockSpec((2, BLK), lambda i: (0, i)),
            pl.BlockSpec((1, 16), lambda i: (0, 0)),
        ],
        out_specs=pl.BlockSpec((BLK, 16), lambda i: (i, 0)),
        out_shape=jax.ShapeDtypeStruct((NPAD, 16), F32),
    )(P1, g1p, degp, b1.reshape(1, 16))


def _tc_c(P2, h1pp, degp, W2, b2):
    def body(p_ref, g_ref, degp_ref, w_ref, b_ref, out_ref):
        dinv = _dinv(degp_ref[...])[:, None]
        agg = dinv * (p_ref[0] + p_ref[1] + g_ref[...])
        h2 = jax.nn.relu(jnp.dot(agg, w_ref[...], preferred_element_type=F32,
                                 precision=lax.Precision.HIGHEST) + b_ref[...])
        out_ref[...] = dinv * h2

    return pl.pallas_call(
        body,
        grid=(GRID,),
        in_specs=[
            pl.BlockSpec((2, BLK, 16), lambda i: (0, i, 0)),
            pl.BlockSpec((BLK, 16), lambda i: (i, 0)),
            pl.BlockSpec((2, BLK), lambda i: (0, i)),
            pl.BlockSpec((16, 32), lambda i: (0, 0)),
            pl.BlockSpec((1, 32), lambda i: (0, 0)),
        ],
        out_specs=pl.BlockSpec((BLK, 32), lambda i: (i, 0)),
        out_shape=jax.ShapeDtypeStruct((NPAD, 32), F32),
    )(P2, h1pp, degp, W2, b2.reshape(1, 32))


def _tc_d(P3a, P3b, h2p, degp, W3, b3, batch2d, Wf, bf):
    def body(pa_ref, pb_ref, g_ref, degp_ref, w_ref, b_ref, batch_ref,
             wf_ref, bf_ref, out_ref, pooled_scr, cnt_scr):
        i = pl.program_id(0)

        @pl.when(i == 0)
        def _():
            pooled_scr[...] = jnp.zeros((G, 64), F32)
            cnt_scr[...] = jnp.zeros((1, G), F32)

        dinv = _dinv(degp_ref[...])[:, None]
        p3 = jnp.concatenate([pa_ref[0] + pa_ref[1], pb_ref[0] + pb_ref[1]], axis=1)
        agg = dinv * (p3 + g_ref[...])
        h3 = jax.nn.relu(jnp.dot(agg, w_ref[...], preferred_element_type=F32,
                                 precision=lax.Precision.HIGHEST) + b_ref[...])
        gid = lax.broadcasted_iota(jnp.int32, (G, 1), 0)
        onehot = (batch_ref[...] == gid).astype(F32)
        pooled_scr[...] += jnp.dot(onehot, h3, preferred_element_type=F32,
                                   precision=lax.Precision.HIGHEST)
        cnt_scr[...] += jnp.sum(onehot, axis=1)[None, :]

        @pl.when(i == GRID - 1)
        def _():
            cnt = jnp.maximum(cnt_scr[...], 1.0)
            pooled = pooled_scr[...] / cnt.reshape(G, 1)
            out_ref[...] = jnp.dot(pooled, wf_ref[...], preferred_element_type=F32,
                                   precision=lax.Precision.HIGHEST) + bf_ref[...]

    return pl.pallas_call(
        body,
        grid=(GRID,),
        in_specs=[
            pl.BlockSpec((2, BLK, 16), lambda i: (0, i, 0)),
            pl.BlockSpec((2, BLK, 16), lambda i: (0, i, 0)),
            pl.BlockSpec((BLK, 32), lambda i: (i, 0)),
            pl.BlockSpec((2, BLK), lambda i: (0, i)),
            pl.BlockSpec((32, 64), lambda i: (0, 0)),
            pl.BlockSpec((1, 64), lambda i: (0, 0)),
            pl.BlockSpec((1, BLK), lambda i: (0, i)),
            pl.BlockSpec((64, 10), lambda i: (0, 0)),
            pl.BlockSpec((1, 10), lambda i: (0, 0)),
        ],
        out_specs=pl.BlockSpec((G, 10), lambda i: (0, 0)),
        out_shape=jax.ShapeDtypeStruct((G, 10), F32),
        scratch_shapes=[
            pltpu.VMEM((G, 64), F32),
            pltpu.VMEM((1, G), F32),
        ],
    )(P3a, P3b, h2p, degp, W3, b3.reshape(1, 64), batch2d, Wf, bf.reshape(1, 10))


_sc_agg16 = _make_sc_agg(16)
_sc_deg = _make_sc_deg()


def kernel(x, edge_index, edge_attr, edge_weights, batch,
           W1, b1, W2, b2, W3, b3, Wf, bf):
    del edge_attr
    src = edge_index[0]
    dst = edge_index[1]
    pad = EPAD - E
    srcp = jnp.concatenate([src, jnp.zeros((pad,), jnp.int32)]).reshape(-1, 128)
    dstp = jnp.concatenate([dst, jnp.zeros((pad,), jnp.int32)]).reshape(-1, 128)
    ewp = jnp.concatenate([edge_weights, jnp.zeros((pad,), F32)]).reshape(-1, 128)
    npad = NPAD - N
    xp = jnp.concatenate([x, jnp.zeros((npad, 128), F32)])
    batch2d = jnp.concatenate([batch, jnp.full((npad,), G, jnp.int32)]).reshape(1, NPAD)

    degp = _sc_deg(dstp, ewp)
    g1p = _tc_a(xp, degp, W1)
    P1 = _sc_agg16(g1p, srcp, dstp, ewp)
    h1pp = _tc_b(P1, g1p, degp, b1)
    P2 = _sc_agg16(h1pp, srcp, dstp, ewp)
    h2p = _tc_c(P2, h1pp, degp, W2, b2)
    P3a = _sc_agg16(h2p[:, :16], srcp, dstp, ewp)
    P3b = _sc_agg16(h2p[:, 16:], srcp, dstp, ewp)
    return _tc_d(P3a, P3b, h2p, degp, W3, b3, batch2d, Wf, bf)

# --- scband reference (transcript-rebuilt; emitter-appended) ---
"""Pipeline reference for scband-gcn-72533407695321 (READ-ONLY COPY).

The authoritative reference and input builder live on the scoring server;
editing this copy changes nothing except your own understanding.
"""

import jax, jax.numpy as jnp
import numpy as np

N = 50000
E = 800000
F_IN = 128
C = 10
G = 64


def setup_inputs(seed: int = 0) -> dict:
    key = jax.random.key(seed)
    ks = jax.random.split(key, 14)
    x = jax.random.normal(ks[0], (N, F_IN), dtype=jnp.float32)
    edge_index = jax.random.randint(ks[1], (2, E), 0, N, dtype=jnp.int32)
    edge_attr = jax.random.normal(ks[2], (E, 4), dtype=jnp.float32)
    edge_weights = jax.random.uniform(ks[3], (E,), dtype=jnp.float32)
    batch = jnp.sort(jax.random.randint(ks[4], (N,), 0, G, dtype=jnp.int32))
    W1 = jax.random.normal(ks[5], (F_IN, 16), dtype=jnp.float32) * (1.0 / np.sqrt(F_IN))
    b1 = jnp.zeros((16,), dtype=jnp.float32)
    W2 = jax.random.normal(ks[6], (16, 32), dtype=jnp.float32) * (1.0 / np.sqrt(16))
    b2 = jnp.zeros((32,), dtype=jnp.float32)
    W3 = jax.random.normal(ks[7], (32, 64), dtype=jnp.float32) * (1.0 / np.sqrt(32))
    b3 = jnp.zeros((64,), dtype=jnp.float32)
    Wf = jax.random.normal(ks[8], (64, C), dtype=jnp.float32) * (1.0 / np.sqrt(64))
    bf = jnp.zeros((C,), dtype=jnp.float32)
    return {"x": x, "edge_index": edge_index, "edge_attr": edge_attr,
            "edge_weights": edge_weights, "batch": batch,
            "W1": W1, "b1": b1, "W2": W2, "b2": b2, "W3": W3, "b3": b3,
            "Wf": Wf, "bf": bf}


def gcn_conv(x, edge_index, edge_weight, W, b):
    # x: [N, in] -> linear transform first (PyG GCNConv)
    n = x.shape[0]
    h = x @ W
    src = edge_index[0]
    dst = edge_index[1]
    # add self loops with weight 1.0 (improved=False)
    loop = jnp.arange(n, dtype=src.dtype)
    src2 = jnp.concatenate([src, loop])
    dst2 = jnp.concatenate([dst, loop])
    ew2 = jnp.concatenate([edge_weight, jnp.ones((n,), dtype=edge_weight.dtype)])
    # symmetric normalization: deg^{-1/2} A deg^{-1/2}
    deg = jax.ops.segment_sum(ew2, dst2, num_segments=n)
    dinv = jnp.where(deg > 0, jax.lax.rsqrt(deg), 0.0)
    norm = dinv[src2] * ew2 * dinv[dst2]
    msg = h[src2] * norm[:, None]
    out = jax.ops.segment_sum(msg, dst2, num_segments=n)
    return out + b


def reference(x, edge_index, edge_attr, edge_weights, batch,
              W1, b1, W2, b2, W3, b3, Wf, bf):
    # edge_attr is unpacked by the torch module but never used
    h = gcn_conv(x, edge_index, edge_weights, W1, b1)
    h = jax.nn.relu(h)
    # dropout is identity in eval mode
    h = gcn_conv(h, edge_index, edge_weights, W2, b2)
    h = jax.nn.relu(h)
    h = gcn_conv(h, edge_index, edge_weights, W3, b3)
    h = jax.nn.relu(h)
    # global mean pool over graphs
    sums = jax.ops.segment_sum(h, batch, num_segments=G)
    cnt = jax.ops.segment_sum(jnp.ones((h.shape[0],), dtype=h.dtype), batch, num_segments=G)
    pooled = sums / jnp.clip(cnt, 1.0)[:, None]
    out = pooled @ Wf + bf
    return out

if __name__ == "__main__":
    import jax
    _d = setup_inputs()
    print(jax.jit(kernel)(*tuple(_d.values())))

</pallas_src>

<mosaic_0001>
#map = affine_map<(d0, d1) -> (0, 0)>
#map1 = affine_map<(d0, d1) -> (0, 0, 0)>
module attributes {stable_mosaic.version = 14 : i64} {
  func.func @sc_agg(%arg0: i32, %arg1: i32, %arg2: memref<51200x16xf32, #tpu.memory_space<hbm>>, %arg3: memref<6400x128xi32, #tpu.memory_space<hbm>>, %arg4: memref<6400x128xi32, #tpu.memory_space<hbm>>, %arg5: memref<6400x128xf32, #tpu.memory_space<hbm>>, %arg6: memref<2x51200x16xf32, #tpu.memory_space<hbm>>, %arg7: memref<200x128xi32, #tpu.memory_space<vmem>>, %arg8: memref<200x128xi32, #tpu.memory_space<vmem>>, %arg9: memref<200x128xf32, #tpu.memory_space<vmem>>, %arg10: memref<128x16xf32, #tpu.memory_space<vmem>>, %arg11: memref<51200x16xf32, #tpu.memory_space<vmem_shared>>, %arg12: memref<!tpu.dma_semaphore, #tpu.memory_space<semaphore_mem>>) attributes {dimension_semantics = [#tpu.dimension_semantics<core_parallel>, #tpu.dimension_semantics<subcore_parallel>], iteration_bounds = array<i64: 2, 16>, scalar_prefetch = 0 : i64, scratch_operands = 6 : i64, tpu.core_type = #tpu.core_type<sc_vector_subcore>, window_params = [{transform_indices = #map}, {transform_indices = #map}, {transform_indices = #map}, {transform_indices = #map}, {transform_indices = #map1}]} {
    %scan3A = arith.constant 0 : i32
    %scan3A_0 = arith.constant 0 : i32
    %scan3A_1 = arith.constant 128 : i32
    %scan3A_2 = arith.addi %scan3A_0, %scan3A_1 : i32
    %scan3A_3 = arith.constant 1 : i32
    scf.for %scan3A_27 = %scan3A_0 to %scan3A_2 step %scan3A_3  : i32 {
      %broadcast_in_dim3A = arith.constant 0.000000e+00 : f32
      %broadcast_in_dim3A_28 = vector.broadcast %broadcast_in_dim3A : f32 to vector<16xf32>
      %swap3A = arith.index_cast %scan3A_27 : i32 to index
      %swap3A_29 = arith.constant 0 : index
      %swap3A_30 = tpu.vector_load %arg10[%swap3A, %swap3A_29] {strides = array<i32>} : memref<128x16xf32, #tpu.memory_space<vmem>>, vector<1x16xf32>,
      %swap3A_31 = vector.shape_cast %swap3A_30 : vector<1x16xf32> to vector<16xf32>
      %swap3A_32 = vector.shape_cast %broadcast_in_dim3A_28 : vector<16xf32> to vector<1x16xf32>
      tpu.vector_store %arg10[%swap3A, %swap3A_29], %swap3A_32 {strides = array<i32>} : memref<128x16xf32, #tpu.memory_space<vmem>>, vector<1x16xf32>,
    }
    %scan3A_4 = arith.constant 128 : i32
    %scan3A_5 = arith.constant 0 : i32
    %scan3A_6 = arith.constant 0 : i32
    %scan3A_7 = arith.constant 25 : i32
    %scan3A_8 = arith.addi %scan3A_6, %scan3A_7 : i32
    %scan3A_9 = arith.constant 1 : i32
    scf.for %scan3A_27 = %scan3A_6 to %scan3A_8 step %scan3A_9  : i32 {
      %mul3A_28 = arith.constant 3200 : i32
      %mul3A_29 = arith.muli %arg1, %mul3A_28 : i32
      %mul3A_30 = arith.constant 128 : i32
      %mul3A_31 = arith.muli %scan3A_27, %mul3A_30 : i32
      %add3A_32 = arith.addi %mul3A_29, %mul3A_31 : i32
      "tpu.region"() ({
        %run_scoped3A = tpu.sem_alloc : memref<!tpu.dma_semaphore, #tpu.memory_space<semaphore_mem>>
        %dma_start3A = arith.constant 0 : i32
        %dma_start3A_33 = tpu.memref_slice %arg11[%add3A_32, %dma_start3A] : memref<51200x16xf32, #tpu.memory_space<vmem_shared>> -> memref<128x16xf32, #tpu.memory_space<vmem_shared>>
        %dma_start3A_34 = arith.constant 0 : i32
        %dma_start3A_35 = tpu.memref_slice %arg11[%add3A_32, %dma_start3A_34] : memref<51200x16xf32, #tpu.memory_space<vmem_shared>> -> memref<128x16xf32, #tpu.memory_space<vmem_shared>>
        tpu.enqueue_dma source(%arg10 : memref<128x16xf32, #tpu.memory_space<vmem>>) target(%dma_start3A_35 : memref<128x16xf32, #tpu.memory_space<vmem_shared>>) target_semaphore(%run_scoped3A : memref<!tpu.dma_semaphore, #tpu.memory_space<semaphore_mem>>)
        %dma_wait3A = arith.constant 0 : i32
        %dma_wait3A_36 = tpu.memref_slice %arg11[%add3A_32, %dma_wait3A] : memref<51200x16xf32, #tpu.memory_space<vmem_shared>> -> memref<128x16xf32, #tpu.memory_space<vmem_shared>>
        %dma_wait3A_37 = arith.constant 0 : i32
        %dma_wait3A_38 = tpu.memref_slice %arg11[%add3A_32, %dma_wait3A_37] : memref<51200x16xf32, #tpu.memory_space<vmem_shared>> -> memref<128x16xf32, #tpu.memory_space<vmem_shared>>
        tpu.wait_dma2 semaphore(%run_scoped3A : memref<!tpu.dma_semaphore, #tpu.memory_space<semaphore_mem>>) src(%arg10 : memref<128x16xf32, #tpu.memory_space<vmem>>) dst(%dma_wait3A_38 : memref<128x16xf32, #tpu.memory_space<vmem_shared>>)
        tpu.yield
      }) : () -> ()
    }
    %scan3A_10 = arith.constant 25 : i32
    %mul3A = arith.constant 16 : i32
    %mul3A_11 = arith.muli %arg0, %mul3A : i32
    %add3A = arith.addi %mul3A_11, %arg1 : i32
    %mul3A_12 = arith.constant 200 : i32
    %mul3A_13 = arith.muli %add3A, %mul3A_12 : i32
    "tpu.region"() ({
      %run_scoped3A = tpu.sem_alloc : memref<!tpu.dma_semaphore, #tpu.memory_space<semaphore_mem>>
      %dma_start3A = arith.constant 0 : i32
      %dma_start3A_27 = tpu.memref_slice %arg3[%mul3A_13, %dma_start3A] : memref<6400x128xi32, #tpu.memory_space<hbm>> -> memref<200x128xi32, #tpu.memory_space<hbm>>
      %dma_start3A_28 = arith.constant 0 : i32
      %dma_start3A_29 = tpu.memref_slice %arg3[%mul3A_13, %dma_start3A_28] : memref<6400x128xi32, #tpu.memory_space<hbm>> -> memref<200x128xi32, #tpu.memory_space<hbm>>
      tpu.enqueue_dma source(%dma_start3A_29 : memref<200x128xi32, #tpu.memory_space<hbm>>) target(%arg7 : memref<200x128xi32, #tpu.memory_space<vmem>>) target_semaphore(%run_scoped3A : memref<!tpu.dma_semaphore, #tpu.memory_space<semaphore_mem>>)
      %dma_wait3A = arith.constant 0 : i32
      %dma_wait3A_30 = tpu.memref_slice %arg3[%mul3A_13, %dma_wait3A] : memref<6400x128xi32, #tpu.memory_space<hbm>> -> memref<200x128xi32, #tpu.memory_space<hbm>>
      %dma_wait3A_31 = arith.constant 0 : i32
      %dma_wait3A_32 = tpu.memref_slice %arg3[%mul3A_13, %dma_wait3A_31] : memref<6400x128xi32, #tpu.memory_space<hbm>> -> memref<200x128xi32, #tpu.memory_space<hbm>>
      tpu.wait_dma2 semaphore(%run_scoped3A : memref<!tpu.dma_semaphore, #tpu.memory_space<semaphore_mem>>) src(%dma_wait3A_32 : memref<200x128xi32, #tpu.memory_space<hbm>>) dst(%arg7 : memref<200x128xi32, #tpu.memory_space<vmem>>)
      tpu.yield
    }) : () -> ()
    "tpu.region"() ({
      %run_scoped3A = tpu.sem_alloc : memref<!tpu.dma_semaphore, #tpu.memory_space<semaphore_mem>>
      %dma_start3A = arith.constant 0 : i32
      %dma_start3A_27 = tpu.memref_slice %arg4[%mul3A_13, %dma_start3A] : memref<6400x128xi32, #tpu.memory_space<hbm>> -> memref<200x128xi32, #tpu.memory_space<hbm>>
      %dma_start3A_28 = arith.constant 0 : i32
      %dma_start3A_29 = tpu.memref_slice %arg4[%mul3A_13, %dma_start3A_28] : memref<6400x128xi32, #tpu.memory_space<hbm>> -> memref<200x128xi32, #tpu.memory_space<hbm>>
      tpu.enqueue_dma source(%dma_start3A_29 : memref<200x128xi32, #tpu.memory_space<hbm>>) target(%arg8 : memref<200x128xi32, #tpu.memory_space<vmem>>) target_semaphore(%run_scoped3A : memref<!tpu.dma_semaphore, #tpu.memory_space<semaphore_mem>>)
      %dma_wait3A = arith.constant 0 : i32
      %dma_wait3A_30 = tpu.memref_slice %arg4[%mul3A_13, %dma_wait3A] : memref<6400x128xi32, #tpu.memory_space<hbm>> -> memref<200x128xi32, #tpu.memory_space<hbm>>
      %dma_wait3A_31 = arith.constant 0 : i32
      %dma_wait3A_32 = tpu.memref_slice %arg4[%mul3A_13, %dma_wait3A_31] : memref<6400x128xi32, #tpu.memory_space<hbm>> -> memref<200x128xi32, #tpu.memory_space<hbm>>
      tpu.wait_dma2 semaphore(%run_scoped3A : memref<!tpu.dma_semaphore, #tpu.memory_space<semaphore_mem>>) src(%dma_wait3A_32 : memref<200x128xi32, #tpu.memory_space<hbm>>) dst(%arg8 : memref<200x128xi32, #tpu.memory_space<vmem>>)
      tpu.yield
    }) : () -> ()
    "tpu.region"() ({
      %run_scoped3A = tpu.sem_alloc : memref<!tpu.dma_semaphore, #tpu.memory_space<semaphore_mem>>
      %dma_start3A = arith.constant 0 : i32
      %dma_start3A_27 = tpu.memref_slice %arg5[%mul3A_13, %dma_start3A] : memref<6400x128xf32, #tpu.memory_space<hbm>> -> memref<200x128xf32, #tpu.memory_space<hbm>>
      %dma_start3A_28 = arith.constant 0 : i32
      %dma_start3A_29 = tpu.memref_slice %arg5[%mul3A_13, %dma_start3A_28] : memref<6400x128xf32, #tpu.memory_space<hbm>> -> memref<200x128xf32, #tpu.memory_space<hbm>>
      tpu.enqueue_dma source(%dma_start3A_29 : memref<200x128xf32, #tpu.memory_space<hbm>>) target(%arg9 : memref<200x128xf32, #tpu.memory_space<vmem>>) target_semaphore(%run_scoped3A : memref<!tpu.dma_semaphore, #tpu.memory_space<semaphore_mem>>)
      %dma_wait3A = arith.constant 0 : i32
      %dma_wait3A_30 = tpu.memref_slice %arg5[%mul3A_13, %dma_wait3A] : memref<6400x128xf32, #tpu.memory_space<hbm>> -> memref<200x128xf32, #tpu.memory_space<hbm>>
      %dma_wait3A_31 = arith.constant 0 : i32
      %dma_wait3A_32 = tpu.memref_slice %arg5[%mul3A_13, %dma_wait3A_31] : memref<6400x128xf32, #tpu.memory_space<hbm>> -> memref<200x128xf32, #tpu.memory_space<hbm>>
      tpu.wait_dma2 semaphore(%run_scoped3A : memref<!tpu.dma_semaphore, #tpu.memory_space<semaphore_mem>>) src(%dma_wait3A_32 : memref<200x128xf32, #tpu.memory_space<hbm>>) dst(%arg9 : memref<200x128xf32, #tpu.memory_space<vmem>>)
      tpu.yield
    }) : () -> ()
    %barrier3A = arith.constant 0 : index
    tpu.barrier barrier_id(%barrier3A)
    %scan3A_14 = arith.constant 0 : i32
    %scan3A_15 = arith.constant 0 : i32
    %scan3A_16 = arith.constant 200 : i32
    %scan3A_17 = arith.addi %scan3A_15, %scan3A_16 : i32
    %scan3A_18 = arith.constant 1 : i32
    scf.for %scan3A_27 = %scan3A_15 to %scan3A_17 step %scan3A_18  : i32 {
      %dma_start3A = arith.constant 0 : i32
      %dma_start3A_28 = tpu.memref_slice %arg7[%scan3A_27, %dma_start3A] : memref<200x128xi32, #tpu.memory_space<vmem>> -> memref<1x128xi32, #tpu.memory_space<vmem>>
      %dma_start3A_29 = tpu.memref_squeeze %dma_start3A_28 : memref<1x128xi32, #tpu.memory_space<vmem>> -> memref<128xi32, #tpu.memory_space<vmem>>
      %dma_start3A_30 = arith.constant 0 : i32
      %dma_start3A_31 = arith.constant 0 : i32
      %dma_start3A_32 = tpu.memref_slice %arg2[%dma_start3A_30, %dma_start3A_31] : memref<51200x16xf32, #tpu.memory_space<hbm>> -> memref<51200x16xf32, #tpu.memory_space<hbm>>
      tpu.enqueue_indirect_dma source(%dma_start3A_32 : memref<51200x16xf32, #tpu.memory_space<hbm>>) target(%arg10 : memref<128x16xf32, #tpu.memory_space<vmem>>) offsets(%dma_start3A_29 : memref<128xi32, #tpu.memory_space<vmem>>) semaphore(%arg12 : memref<!tpu.dma_semaphore, #tpu.memory_space<semaphore_mem>>)
      %dma_wait3A = arith.constant 0 : i32
      %dma_wait3A_33 = tpu.memref_slice %arg7[%scan3A_27, %dma_wait3A] : memref<200x128xi32, #tpu.memory_space<vmem>> -> memref<1x128xi32, #tpu.memory_space<vmem>>
      %dma_wait3A_34 = tpu.memref_squeeze %dma_wait3A_33 : memref<1x128xi32, #tpu.memory_space<vmem>> -> memref<128xi32, #tpu.memory_space<vmem>>
      %dma_wait3A_35 = arith.constant 0 : i32
      %dma_wait3A_36 = arith.constant 0 : i32
      %dma_wait3A_37 = tpu.memref_slice %arg2[%dma_wait3A_35, %dma_wait3A_36] : memref<51200x16xf32, #tpu.memory_space<hbm>> -> memref<51200x16xf32, #tpu.memory_space<hbm>>
      tpu.wait_indirect_dma semaphore(%arg12 : memref<!tpu.dma_semaphore, #tpu.memory_space<semaphore_mem>>) src(%dma_wait3A_37 : memref<51200x16xf32, #tpu.memory_space<hbm>>) dst(%arg10 : memref<128x16xf32, #tpu.memory_space<vmem>>)
      %scan3A_38 = arith.constant 0 : i32
      %scan3A_39 = arith.constant 0 : i32
      %scan3A_40 = arith.constant 8 : i32
      %scan3A_41 = arith.addi %scan3A_39, %scan3A_40 : i32
      %scan3A_42 = arith.constant 1 : i32
      scf.for %scan3A_44 = %scan3A_39 to %scan3A_41 step %scan3A_42  : i32 {
        %mul3A_45 = arith.constant 16 : i32
        %mul3A_46 = arith.muli %scan3A_44, %mul3A_45 : i32
        %get3A = arith.index_cast %scan3A_27 : i32 to index
        %get3A_47 = arith.index_cast %mul3A_46 : i32 to index
        %get3A_48 = tpu.vector_load %arg9[%get3A, %get3A_47] {strides = array<i32>} : memref<200x128xf32, #tpu.memory_space<vmem>>, vector<1x16xf32>,
        %get3A_49 = vector.shape_cast %get3A_48 : vector<1x16xf32> to vector<16xf32>
        %slice3A = vector.extract_strided_slice %get3A_49 {offsets = [0], sizes = [1], strides = [1]} : vector<16xf32> to vector<1xf32>
        %squeeze3A = vector.extract %slice3A[0] : f32 from vector<1xf32>
        %mul3A_50 = arith.constant 16 : i32
        %mul3A_51 = arith.muli %scan3A_44, %mul3A_50 : i32
        %add3A_52 = arith.constant 0 : i32
        %add3A_53 = arith.addi %mul3A_51, %add3A_52 : i32
        %get3A_54 = arith.index_cast %add3A_53 : i32 to index
        %get3A_55 = arith.constant 0 : index
        %get3A_56 = tpu.vector_load %arg10[%get3A_54, %get3A_55] {strides = array<i32>} : memref<128x16xf32, #tpu.memory_space<vmem>>, vector<1x16xf32>,
        %get3A_57 = vector.shape_cast %get3A_56 : vector<1x16xf32> to vector<16xf32>
        %mul3A_58 = vector.broadcast %squeeze3A : f32 to vector<16xf32>
        %mul3A_59 = arith.mulf %get3A_57, %mul3A_58 : vector<16xf32>
        %swap3A = arith.index_cast %add3A_53 : i32 to index
        %swap3A_60 = arith.constant 0 : index
        %swap3A_61 = tpu.vector_load %arg10[%swap3A, %swap3A_60] {strides = array<i32>} : memref<128x16xf32, #tpu.memory_space<vmem>>, vector<1x16xf32>,
        %swap3A_62 = vector.shape_cast %swap3A_61 : vector<1x16xf32> to vector<16xf32>
        %swap3A_63 = vector.shape_cast %mul3A_59 : vector<16xf32> to vector<1x16xf32>
        tpu.vector_store %arg10[%swap3A, %swap3A_60], %swap3A_63 {strides = array<i32>} : memref<128x16xf32, #tpu.memory_space<vmem>>, vector<1x16xf32>,
        %slice3A_64 = vector.extract_strided_slice %get3A_49 {offsets = [1], sizes = [1], strides = [1]} : vector<16xf32> to vector<1xf32>
        %squeeze3A_65 = vector.extract %slice3A_64[0] : f32 from vector<1xf32>
        %mul3A_66 = arith.constant 16 : i32
        %mul3A_67 = arith.muli %scan3A_44, %mul3A_66 : i32
        %add3A_68 = arith.constant 1 : i32
        %add3A_69 = arith.addi %mul3A_67, %add3A_68 : i32
        %get3A_70 = arith.index_cast %add3A_69 : i32 to index
        %get3A_71 = arith.constant 0 : index
        %get3A_72 = tpu.vector_load %arg10[%get3A_70, %get3A_71] {strides = array<i32>} : memref<128x16xf32, #tpu.memory_space<vmem>>, vector<1x16xf32>,
        %get3A_73 = vector.shape_cast %get3A_72 : vector<1x16xf32> to vector<16xf32>
        %mul3A_74 = vector.broadcast %squeeze3A_65 : f32 to vector<16xf32>
        %mul3A_75 = arith.mulf %get3A_73, %mul3A_74 : vector<16xf32>
        %swap3A_76 = arith.index_cast %add3A_69 : i32 to index
        %swap3A_77 = arith.constant 0 : index
        %swap3A_78 = tpu.vector_load %arg10[%swap3A_76, %swap3A_77] {strides = array<i32>} : memref<128x16xf32, #tpu.memory_space<vmem>>, vector<1x16xf32>,
        %swap3A_79 = vector.shape_cast %swap3A_78 : vector<1x16xf32> to vector<16xf32>
        %swap3A_80 = vector.shape_cast %mul3A_75 : vector<16xf32> to vector<1x16xf32>
        tpu.vector_store %arg10[%swap3A_76, %swap3A_77], %swap3A_80 {strides = array<i32>} : memref<128x16xf32, #tpu.memory_space<vmem>>, vector<1x16xf32>,
        %slice3A_81 = vector.extract_strided_slice %get3A_49 {offsets = [2], sizes = [1], strides = [1]} : vector<16xf32> to vector<1xf32>
        %squeeze3A_82 = vector.extract %slice3A_81[0] : f32 from vector<1xf32>
        %mul3A_83 = arith.constant 16 : i32
        %mul3A_84 = arith.muli %scan3A_44, %mul3A_83 : i32
        %add3A_85 = arith.constant 2 : i32
        %add3A_86 = arith.addi %mul3A_84, %add3A_85 : i32
        %get3A_87 = arith.index_cast %add3A_86 : i32 to index
        %get3A_88 = arith.constant 0 : index
        %get3A_89 = tpu.vector_load %arg10[%get3A_87, %get3A_88] {strides = array<i32>} : memref<128x16xf32, #tpu.memory_space<vmem>>, vector<1x16xf32>,
        %get3A_90 = vector.shape_cast %get3A_89 : vector<1x16xf32> to vector<16xf32>
        %mul3A_91 = vector.broadcast %squeeze3A_82 : f32 to vector<16xf32>
        %mul3A_92 = arith.mulf %get3A_90, %mul3A_91 : vector<16xf32>
        %swap3A_93 = arith.index_cast %add3A_86 : i32 to index
        %swap3A_94 = arith.constant 0 : index
        %swap3A_95 = tpu.vector_load %arg10[%swap3A_93, %swap3A_94] {strides = array<i32>} : memref<128x16xf32, #tpu.memory_space<vmem>>, vector<1x16xf32>,
        %swap3A_96 = vector.shape_cast %swap3A_95 : vector<1x16xf32> to vector<16xf32>
        %swap3A_97 = vector.shape_cast %mul3A_92 : vector<16xf32> to vector<1x16xf32>
        tpu.vector_store %arg10[%swap3A_93, %swap3A_94], %swap3A_97 {strides = array<i32>} : memref<128x16xf32, #tpu.memory_space<vmem>>, vector<1x16xf32>,
        %slice3A_98 = vector.extract_strided_slice %get3A_49 {offsets = [3], sizes = [1], strides = [1]} : vector<16xf32> to vector<1xf32>
        %squeeze3A_99 = vector.extract %slice3A_98[0] : f32 from vector<1xf32>
        %mul3A_100 = arith.constant 16 : i32
        %mul3A_101 = arith.muli %scan3A_44, %mul3A_100 : i32
        %add3A_102 = arith.constant 3 : i32
        %add3A_103 = arith.addi %mul3A_101, %add3A_102 : i32
        %get3A_104 = arith.index_cast %add3A_103 : i32 to index
        %get3A_105 = arith.constant 0 : index
        %get3A_106 = tpu.vector_load %arg10[%get3A_104, %get3A_105] {strides = array<i32>} : memref<128x16xf32, #tpu.memory_space<vmem>>, vector<1x16xf32>,
        %get3A_107 = vector.shape_cast %get3A_106 : vector<1x16xf32> to vector<16xf32>
        %mul3A_108 = vector.broadcast %squeeze3A_99 : f32 to vector<16xf32>
        %mul3A_109 = arith.mulf %get3A_107, %mul3A_108 : vector<16xf32>
        %swap3A_110 = arith.index_cast %add3A_103 : i32 to index
        %swap3A_111 = arith.constant 0 : index
        %swap3A_112 = tpu.vector_load %arg10[%swap3A_110, %swap3A_111] {strides = array<i32>} : memref<128x16xf32, #tpu.memory_space<vmem>>, vector<1x16xf32>,
        %swap3A_113 = vector.shape_cast %swap3A_112 : vector<1x16xf32> to vector<16xf32>
        %swap3A_114 = vector.shape_cast %mul3A_109 : vector<16xf32> to vector<1x16xf32>
        tpu.vector_store %arg10[%swap3A_110, %swap3A_111], %swap3A_114 {strides = array<i32>} : memref<128x16xf32, #tpu.memory_space<vmem>>, vector<1x16xf32>,
        %slice3A_115 = vector.extract_strided_slice %get3A_49 {offsets = [4], sizes = [1], strides = [1]} : vector<16xf32> to vector<1xf32>
        %squeeze3A_116 = vector.extract %slice3A_115[0] : f32 from vector<1xf32>
        %mul3A_117 = arith.constant 16 : i32
        %mul3A_118 = arith.muli %scan3A_44, %mul3A_117 : i32
        %add3A_119 = arith.constant 4 : i32
        %add3A_120 = arith.addi %mul3A_118, %add3A_119 : i32
        %get3A_121 = arith.index_cast %add3A_120 : i32 to index
        %get3A_122 = arith.constant 0 : index
        %get3A_123 = tpu.vector_load %arg10[%get3A_121, %get3A_122] {strides = array<i32>} : memref<128x16xf32, #tpu.memory_space<vmem>>, vector<1x16xf32>,
        %get3A_124 = vector.shape_cast %get3A_123 : vector<1x16xf32> to vector<16xf32>
        %mul3A_125 = vector.broadcast %squeeze3A_116 : f32 to vector<16xf32>
        %mul3A_126 = arith.mulf %get3A_124, %mul3A_125 : vector<16xf32>
        %swap3A_127 = arith.index_cast %add3A_120 : i32 to index
        %swap3A_128 = arith.constant 0 : index
        %swap3A_129 = tpu.vector_load %arg10[%swap3A_127, %swap3A_128] {strides = array<i32>} : memref<128x16xf32, #tpu.memory_space<vmem>>, vector<1x16xf32>,
        %swap3A_130 = vector.shape_cast %swap3A_129 : vector<1x16xf32> to vector<16xf32>
        %swap3A_131 = vector.shape_cast %mul3A_126 : vector<16xf32> to vector<1x16xf32>
        tpu.vector_store %arg10[%swap3A_127, %swap3A_128], %swap3A_131 {strides = array<i32>} : memref<128x16xf32, #tpu.memory_space<vmem>>, vector<1x16xf32>,
        %slice3A_132 = vector.extract_strided_slice %get3A_49 {offsets = [5], sizes = [1], strides = [1]} : vector<16xf32> to vector<1xf32>
        %squeeze3A_133 = vector.extract %slice3A_132[0] : f32 from vector<1xf32>
        %mul3A_134 = arith.constant 16 : i32
        %mul3A_135 = arith.muli %scan3A_44, %mul3A_134 : i32
        %add3A_136 = arith.constant 5 : i32
        %add3A_137 = arith.addi %mul3A_135, %add3A_136 : i32
        %get3A_138 = arith.index_cast %add3A_137 : i32 to index
        %get3A_139 = arith.constant 0 : index
        %get3A_140 = tpu.vector_load %arg10[%get3A_138, %get3A_139] {strides = array<i32>} : memref<128x16xf32, #tpu.memory_space<vmem>>, vector<1x16xf32>,
        %get3A_141 = vector.shape_cast %get3A_140 : vector<1x16xf32> to vector<16xf32>
        %mul3A_142 = vector.broadcast %squeeze3A_133 : f32 to vector<16xf32>
        %mul3A_143 = arith.mulf %get3A_141, %mul3A_142 : vector<16xf32>
        %swap3A_144 = arith.index_cast %add3A_137 : i32 to index
        %swap3A_145 = arith.constant 0 : index
        %swap3A_146 = tpu.vector_load %arg10[%swap3A_144, %swap3A_145] {strides = array<i32>} : memref<128x16xf32, #tpu.memory_space<vmem>>, vector<1x16xf32>,
        %swap3A_147 = vector.shape_cast %swap3A_146 : vector<1x16xf32> to vector<16xf32>
        %swap3A_148 = vector.shape_cast %mul3A_143 : vector<16xf32> to vector<1x16xf32>
        tpu.vector_store %arg10[%swap3A_144, %swap3A_145], %swap3A_148 {strides = array<i32>} : memref<128x16xf32, #tpu.memory_space<vmem>>, vector<1x16xf32>,
        %slice3A_149 = vector.extract_strided_slice %get3A_49 {offsets = [6], sizes = [1], strides = [1]} : vector<16xf32> to vector<1xf32>
        %squeeze3A_150 = vector.extract %slice3A_149[0] : f32 from vector<1xf32>
        %mul3A_151 = arith.constant 16 : i32
        %mul3A_152 = arith.muli %scan3A_44, %mul3A_151 : i32
        %add3A_153 = arith.constant 6 : i32
        %add3A_154 = arith.addi %mul3A_152, %add3A_153 : i32
        %get3A_155 = arith.index_cast %add3A_154 : i32 to index
        %get3A_156 = arith.constant 0 : index
        %get3A_157 = tpu.vector_load %arg10[%get3A_155, %get3A_156] {strides = array<i32>} : memref<128x16xf32, #tpu.memory_space<vmem>>, vector<1x16xf32>,
        %get3A_158 = vector.shape_cast %get3A_157 : vector<1x16xf32> to vector<16xf32>
        %mul3A_159 = vector.broadcast %squeeze3A_150 : f32 to vector<16xf32>
        %mul3A_160 = arith.mulf %get3A_158, %mul3A_159 : vector<16xf32>
        %swap3A_161 = arith.index_cast %add3A_154 : i32 to index
        %swap3A_162 = arith.constant 0 : index
        %swap3A_163 = tpu.vector_load %arg10[%swap3A_161, %swap3A_162] {strides = array<i32>} : memref<128x16xf32, #tpu.memory_space<vmem>>, vector<1x16xf32>,
        %swap3A_164 = vector.shape_cast %swap3A_163 : vector<1x16xf32> to vector<16xf32>
        %swap3A_165 = vector.shape_cast %mul3A_160 : vector<16xf32> to vector<1x16xf32>
        tpu.vector_store %arg10[%swap3A_161, %swap3A_162], %swap3A_165 {strides = array<i32>} : memref<128x16xf32, #tpu.memory_space<vmem>>, vector<1x16xf32>,
        %slice3A_166 = vector.extract_strided_slice %get3A_49 {offsets = [7], sizes = [1], strides = [1]} : vector<16xf32> to vector<1xf32>
        %squeeze3A_167 = vector.extract %slice3A_166[0] : f32 from vector<1xf32>
        %mul3A_168 = arith.constant 16 : i32
        %mul3A_169 = arith.muli %scan3A_44, %mul3A_168 : i32
        %add3A_170 = arith.constant 7 : i32
        %add3A_171 = arith.addi %mul3A_169, %add3A_170 : i32
        %get3A_172 = arith.index_cast %add3A_171 : i32 to index
        %get3A_173 = arith.constant 0 : index
        %get3A_174 = tpu.vector_load %arg10[%get3A_172, %get3A_173] {strides = array<i32>} : memref<128x16xf32, #tpu.memory_space<vmem>>, vector<1x16xf32>,
        %get3A_175 = vector.shape_cast %get3A_174 : vector<1x16xf32> to vector<16xf32>
        %mul3A_176 = vector.broadcast %squeeze3A_167 : f32 to vector<16xf32>
        %mul3A_177 = arith.mulf %get3A_175, %mul3A_176 : vector<16xf32>
        %swap3A_178 = arith.index_cast %add3A_171 : i32 to index
        %swap3A_179 = arith.constant 0 : index
        %swap3A_180 = tpu.vector_load %arg10[%swap3A_178, %swap3A_179] {strides = array<i32>} : memref<128x16xf32, #tpu.memory_space<vmem>>, vector<1x16xf32>,
        %swap3A_181 = vector.shape_cast %swap3A_180 : vector<1x16xf32> to vector<16xf32>
        %swap3A_182 = vector.shape_cast %mul3A_177 : vector<16xf32> to vector<1x16xf32>
        tpu.vector_store %arg10[%swap3A_178, %swap3A_179], %swap3A_182 {strides = array<i32>} : memref<128x16xf32, #tpu.memory_space<vmem>>, vector<1x16xf32>,
        %slice3A_183 = vector.extract_strided_slice %get3A_49 {offsets = [8], sizes = [1], strides = [1]} : vector<16xf32> to vector<1xf32>
        %squeeze3A_184 = vector.extract %slice3A_183[0] : f32 from vector<1xf32>
        %mul3A_185 = arith.constant 16 : i32
        %mul3A_186 = arith.muli %scan3A_44, %mul3A_185 : i32
        %add3A_187 = arith.constant 8 : i32
        %add3A_188 = arith.addi %mul3A_186, %add3A_187 : i32
        %get3A_189 = arith.index_cast %add3A_188 : i32 to index
        %get3A_190 = arith.constant 0 : index
        %get3A_191 = tpu.vector_load %arg10[%get3A_189, %get3A_190] {strides = array<i32>} : memref<128x16xf32, #tpu.memory_space<vmem>>, vector<1x16xf32>,
        %get3A_192 = vector.shape_cast %get3A_191 : vector<1x16xf32> to vector<16xf32>
        %mul3A_193 = vector.broadcast %squeeze3A_184 : f32 to vector<16xf32>
        %mul3A_194 = arith.mulf %get3A_192, %mul3A_193 : vector<16xf32>
        %swap3A_195 = arith.index_cast %add3A_188 : i32 to index
        %swap3A_196 = arith.constant 0 : index
        %swap3A_197 = tpu.vector_load %arg10[%swap3A_195, %swap3A_196] {strides = array<i32>} : memref<128x16xf32, #tpu.memory_space<vmem>>, vector<1x16xf32>,
        %swap3A_198 = vector.shape_cast %swap3A_197 : vector<1x16xf32> to vector<16xf32>
        %swap3A_199 = vector.shape_cast %mul3A_194 : vector<16xf32> to vector<1x16xf32>
        tpu.vector_store %arg10[%swap3A_195, %swap3A_196], %swap3A_199 {strides = array<i32>} : memref<128x16xf32, #tpu.memory_space<vmem>>, vector<1x16xf32>,
        %slice3A_200 = vector.extract_strided_slice %get3A_49 {offsets = [9], sizes = [1], strides = [1]} : vector<16xf32> to vector<1xf32>
        %squeeze3A_201 = vector.extract %slice3A_200[0] : f32 from vector<1xf32>
        %mul3A_202 = arith.constant 16 : i32
        %mul3A_203 = arith.muli %scan3A_44, %mul3A_202 : i32
        %add3A_204 = arith.constant 9 : i32
        %add3A_205 = arith.addi %mul3A_203, %add3A_204 : i32
        %get3A_206 = arith.index_cast %add3A_205 : i32 to index
        %get3A_207 = arith.constant 0 : index
        %get3A_208 = tpu.vector_load %arg10[%get3A_206, %get3A_207] {strides = array<i32>} : memref<128x16xf32, #tpu.memory_space<vmem>>, vector<1x16xf32>,
        %get3A_209 = vector.shape_cast %get3A_208 : vector<1x16xf32> to vector<16xf32>
        %mul3A_210 = vector.broadcast %squeeze3A_201 : f32 to vector<16xf32>
        %mul3A_211 = arith.mulf %get3A_209, %mul3A_210 : vector<16xf32>
        %swap3A_212 = arith.index_cast %add3A_205 : i32 to index
        %swap3A_213 = arith.constant 0 : index
        %swap3A_214 = tpu.vector_load %arg10[%swap3A_212, %swap3A_213] {strides = array<i32>} : memref<128x16xf32, #tpu.memory_space<vmem>>, vector<1x16xf32>,
        %swap3A_215 = vector.shape_cast %swap3A_214 : vector<1x16xf32> to vector<16xf32>
        %swap3A_216 = vector.shape_cast %mul3A_211 : vector<16xf32> to vector<1x16xf32>
        tpu.vector_store %arg10[%swap3A_212, %swap3A_213], %swap3A_216 {strides = array<i32>} : memref<128x16xf32, #tpu.memory_space<vmem>>, vector<1x16xf32>,
        %slice3A_217 = vector.extract_strided_slice %get3A_49 {offsets = [10], sizes = [1], strides = [1]} : vector<16xf32> to vector<1xf32>
        %squeeze3A_218 = vector.extract %slice3A_217[0] : f32 from vector<1xf32>
        %mul3A_219 = arith.constant 16 : i32
        %mul3A_220 = arith.muli %scan3A_44, %mul3A_219 : i32
        %add3A_221 = arith.constant 10 : i32
        %add3A_222 = arith.addi %mul3A_220, %add3A_221 : i32
        %get3A_223 = arith.index_cast %add3A_222 : i32 to index
        %get3A_224 = arith.constant 0 : index
        %get3A_225 = tpu.vector_load %arg10[%get3A_223, %get3A_224] {strides = array<i32>} : memref<128x16xf32, #tpu.memory_space<vmem>>, vector<1x16xf32>,
        %get3A_226 = vector.shape_cast %get3A_225 : vector<1x16xf32> to vector<16xf32>
        %mul3A_227 = vector.broadcast %squeeze3A_218 : f32 to vector<16xf32>
        %mul3A_228 = arith.mulf %get3A_226, %mul3A_227 : vector<16xf32>
        %swap3A_229 = arith.index_cast %add3A_222 : i32 to index
        %swap3A_230 = arith.constant 0 : index
        %swap3A_231 = tpu.vector_load %arg10[%swap3A_229, %swap3A_230] {strides = array<i32>} : memref<128x16xf32, #tpu.memory_space<vmem>>, vector<1x16xf32>,
        %swap3A_232 = vector.shape_cast %swap3A_231 : vector<1x16xf32> to vector<16xf32>
        %swap3A_233 = vector.shape_cast %mul3A_228 : vector<16xf32> to vector<1x16xf32>
        tpu.vector_store %arg10[%swap3A_229, %swap3A_230], %swap3A_233 {strides = array<i32>} : memref<128x16xf32, #tpu.memory_space<vmem>>, vector<1x16xf32>,
        %slice3A_234 = vector.extract_strided_slice %get3A_49 {offsets = [11], sizes = [1], strides = [1]} : vector<16xf32> to vector<1xf32>
        %squeeze3A_235 = vector.extract %slice3A_234[0] : f32 from vector<1xf32>
        %mul3A_236 = arith.constant 16 : i32
        %mul3A_237 = arith.muli %scan3A_44, %mul3A_236 : i32
        %add3A_238 = arith.constant 11 : i32
        %add3A_239 = arith.addi %mul3A_237, %add3A_238 : i32
        %get3A_240 = arith.index_cast %add3A_239 : i32 to index
        %get3A_241 = arith.constant 0 : index
        %get3A_242 = tpu.vector_load %arg10[%get3A_240, %get3A_241] {strides = array<i32>} : memref<128x16xf32, #tpu.memory_space<vmem>>, vector<1x16xf32>,
        %get3A_243 = vector.shape_cast %get3A_242 : vector<1x16xf32> to vector<16xf32>
        %mul3A_244 = vector.broadcast %squeeze3A_235 : f32 to vector<16xf32>
        %mul3A_245 = arith.mulf %get3A_243, %mul3A_244 : vector<16xf32>
        %swap3A_246 = arith.index_cast %add3A_239 : i32 to index
        %swap3A_247 = arith.constant 0 : index
        %swap3A_248 = tpu.vector_load %arg10[%swap3A_246, %swap3A_247] {strides = array<i32>} : memref<128x16xf32, #tpu.memory_space<vmem>>, vector<1x16xf32>,
        %swap3A_249 = vector.shape_cast %swap3A_248 : vector<1x16xf32> to vector<16xf32>
        %swap3A_250 = vector.shape_cast %mul3A_245 : vector<16xf32> to vector<1x16xf32>
        tpu.vector_store %arg10[%swap3A_246, %swap3A_247], %swap3A_250 {strides = array<i32>} : memref<128x16xf32, #tpu.memory_space<vmem>>, vector<1x16xf32>,
        %slice3A_251 = vector.extract_strided_slice %get3A_49 {offsets = [12], sizes = [1], strides = [1]} : vector<16xf32> to vector<1xf32>
        %squeeze3A_252 = vector.extract %slice3A_251[0] : f32 from vector<1xf32>
        %mul3A_253 = arith.constant 16 : i32
        %mul3A_254 = arith.muli %scan3A_44, %mul3A_253 : i32
        %add3A_255 = arith.constant 12 : i32
        %add3A_256 = arith.addi %mul3A_254, %add3A_255 : i32
        %get3A_257 = arith.index_cast %add3A_256 : i32 to index
        %get3A_258 = arith.constant 0 : index
        %get3A_259 = tpu.vector_load %arg10[%get3A_257, %get3A_258] {strides = array<i32>} : memref<128x16xf32, #tpu.memory_space<vmem>>, vector<1x16xf32>,
        %get3A_260 = vector.shape_cast %get3A_259 : vector<1x16xf32> to vector<16xf32>
        %mul3A_261 = vector.broadcast %squeeze3A_252 : f32 to vector<16xf32>
        %mul3A_262 = arith.mulf %get3A_260, %mul3A_261 : vector<16xf32>
        %swap3A_263 = arith.index_cast %add3A_256 : i32 to index
        %swap3A_264 = arith.constant 0 : index
        %swap3A_265 = tpu.vector_load %arg10[%swap3A_263, %swap3A_264] {strides = array<i32>} : memref<128x16xf32, #tpu.memory_space<vmem>>, vector<1x16xf32>,
        %swap3A_266 = vector.shape_cast %swap3A_265 : vector<1x16xf32> to vector<16xf32>
        %swap3A_267 = vector.shape_cast %mul3A_262 : vector<16xf32> to vector<1x16xf32>
        tpu.vector_store %arg10[%swap3A_263, %swap3A_264], %swap3A_267 {strides = array<i32>} : memref<128x16xf32, #tpu.memory_space<vmem>>, vector<1x16xf32>,
        %slice3A_268 = vector.extract_strided_slice %get3A_49 {offsets = [13], sizes = [1], strides = [1]} : vector<16xf32> to vector<1xf32>
        %squeeze3A_269 = vector.extract %slice3A_268[0] : f32 from vector<1xf32>
        %mul3A_270 = arith.constant 16 : i32
        %mul3A_271 = arith.muli %scan3A_44, %mul3A_270 : i32
        %add3A_272 = arith.constant 13 : i32
        %add3A_273 = arith.addi %mul3A_271, %add3A_272 : i32
        %get3A_274 = arith.index_cast %add3A_273 : i32 to index
        %get3A_275 = arith.constant 0 : index
        %get3A_276 = tpu.vector_load %arg10[%get3A_274, %get3A_275] {strides = array<i32>} : memref<128x16xf32, #tpu.memory_space<vmem>>, vector<1x16xf32>,
        %get3A_277 = vector.shape_cast %get3A_276 : vector<1x16xf32> to vector<16xf32>
        %mul3A_278 = vector.broadcast %squeeze3A_269 : f32 to vector<16xf32>
        %mul3A_279 = arith.mulf %get3A_277, %mul3A_278 : vector<16xf32>
        %swap3A_280 = arith.index_cast %add3A_273 : i32 to index
        %swap3A_281 = arith.constant 0 : index
        %swap3A_282 = tpu.vector_load %arg10[%swap3A_280, %swap3A_281] {strides = array<i32>} : memref<128x16xf32, #tpu.memory_space<vmem>>, vector<1x16xf32>,
        %swap3A_283 = vector.shape_cast %swap3A_282 : vector<1x16xf32> to vector<16xf32>
        %swap3A_284 = vector.shape_cast %mul3A_279 : vector<16xf32> to vector<1x16xf32>
        tpu.vector_store %arg10[%swap3A_280, %swap3A_281], %swap3A_284 {strides = array<i32>} : memref<128x16xf32, #tpu.memory_space<vmem>>, vector<1x16xf32>,
        %slice3A_285 = vector.extract_strided_slice %get3A_49 {offsets = [14], sizes = [1], strides = [1]} : vector<16xf32> to vector<1xf32>
        %squeeze3A_286 = vector.extract %slice3A_285[0] : f32 from vector<1xf32>
        %mul3A_287 = arith.constant 16 : i32
        %mul3A_288 = arith.muli %scan3A_44, %mul3A_287 : i32
        %add3A_289 = arith.constant 14 : i32
        %add3A_290 = arith.addi %mul3A_288, %add3A_289 : i32
        %get3A_291 = arith.index_cast %add3A_290 : i32 to index
        %get3A_292 = arith.constant 0 : index
        %get3A_293 = tpu.vector_load %arg10[%get3A_291, %get3A_292] {strides = array<i32>} : memref<128x16xf32, #tpu.memory_space<vmem>>, vector<1x16xf32>,
        %get3A_294 = vector.shape_cast %get3A_293 : vector<1x16xf32> to vector<16xf32>
        %mul3A_295 = vector.broadcast %squeeze3A_286 : f32 to vector<16xf32>
        %mul3A_296 = arith.mulf %get3A_294, %mul3A_295 : vector<16xf32>
        %swap3A_297 = arith.index_cast %add3A_290 : i32 to index
        %swap3A_298 = arith.constant 0 : index
        %swap3A_299 = tpu.vector_load %arg10[%swap3A_297, %swap3A_298] {strides = array<i32>} : memref<128x16xf32, #tpu.memory_space<vmem>>, vector<1x16xf32>,
        %swap3A_300 = vector.shape_cast %swap3A_299 : vector<1x16xf32> to vector<16xf32>
        %swap3A_301 = vector.shape_cast %mul3A_296 : vector<16xf32> to vector<1x16xf32>
        tpu.vector_store %arg10[%swap3A_297, %swap3A_298], %swap3A_301 {strides = array<i32>} : memref<128x16xf32, #tpu.memory_space<vmem>>, vector<1x16xf32>,
        %slice3A_302 = vector.extract_strided_slice %get3A_49 {offsets = [15], sizes = [1], strides = [1]} : vector<16xf32> to vector<1xf32>
        %squeeze3A_303 = vector.extract %slice3A_302[0] : f32 from vector<1xf32>
        %mul3A_304 = arith.constant 16 : i32
        %mul3A_305 = arith.muli %scan3A_44, %mul3A_304 : i32
        %add3A_306 = arith.constant 15 : i32
        %add3A_307 = arith.addi %mul3A_305, %add3A_306 : i32
        %get3A_308 = arith.index_cast %add3A_307 : i32 to index
        %get3A_309 = arith.constant 0 : index
        %get3A_310 = tpu.vector_load %arg10[%get3A_308, %get3A_309] {strides = array<i32>} : memref<128x16xf32, #tpu.memory_space<vmem>>, vector<1x16xf32>,
        %get3A_311 = vector.shape_cast %get3A_310 : vector<1x16xf32> to vector<16xf32>
        %mul3A_312 = vector.broadcast %squeeze3A_303 : f32 to vector<16xf32>
        %mul3A_313 = arith.mulf %get3A_311, %mul3A_312 : vector<16xf32>
        %swap3A_314 = arith.index_cast %add3A_307 : i32 to index
        %swap3A_315 = arith.constant 0 : index
        %swap3A_316 = tpu.vector_load %arg10[%swap3A_314, %swap3A_315] {strides = array<i32>} : memref<128x16xf32, #tpu.memory_space<vmem>>, vector<1x16xf32>,
        %swap3A_317 = vector.shape_cast %swap3A_316 : vector<1x16xf32> to vector<16xf32>
        %swap3A_318 = vector.shape_cast %mul3A_313 : vector<16xf32> to vector<1x16xf32>
        tpu.vector_store %arg10[%swap3A_314, %swap3A_315], %swap3A_318 {strides = array<i32>} : memref<128x16xf32, #tpu.memory_space<vmem>>, vector<1x16xf32>,
      }
      %scan3A_43 = arith.constant 8 : i32
      "tpu.region"() ({
        %run_scoped3A = tpu.sem_alloc : memref<!tpu.dma_semaphore, #tpu.memory_space<semaphore_mem>>
        %dma_start3A_44 = arith.constant 0 : i32
        %dma_start3A_45 = tpu.memref_slice %arg8[%scan3A_27, %dma_start3A_44] : memref<200x128xi32, #tpu.memory_space<vmem>> -> memref<1x128xi32, #tpu.memory_space<vmem>>
        %dma_start3A_46 = tpu.memref_squeeze %dma_start3A_45 : memref<1x128xi32, #tpu.memory_space<vmem>> -> memref<128xi32, #tpu.memory_space<vmem>>
        %dma_start3A_47 = arith.constant 0 : i32
        %dma_start3A_48 = arith.constant 0 : i32
        %dma_start3A_49 = tpu.memref_slice %arg11[%dma_start3A_47, %dma_start3A_48] : memref<51200x16xf32, #tpu.memory_space<vmem_shared>> -> memref<51200x16xf32, #tpu.memory_space<vmem_shared>>
        tpu.enqueue_indirect_dma source(%arg10 : memref<128x16xf32, #tpu.memory_space<vmem>>) target(%dma_start3A_49 : memref<51200x16xf32, #tpu.memory_space<vmem_shared>>) offsets(%dma_start3A_46 : memref<128xi32, #tpu.memory_space<vmem>>) semaphore(%run_scoped3A : memref<!tpu.dma_semaphore, #tpu.memory_space<semaphore_mem>>) {add = true}
        %dma_wait3A_50 = arith.constant 0 : i32
        %dma_wait3A_51 = tpu.memref_slice %arg8[%scan3A_27, %dma_wait3A_50] : memref<200x128xi32, #tpu.memory_space<vmem>> -> memref<1x128xi32, #tpu.memory_space<vmem>>
        %dma_wait3A_52 = tpu.memref_squeeze %dma_wait3A_51 : memref<1x128xi32, #tpu.memory_space<vmem>> -> memref<128xi32, #tpu.memory_space<vmem>>
        %dma_wait3A_53 = arith.constant 0 : i32
        %dma_wait3A_54 = arith.constant 0 : i32
        %dma_wait3A_55 = tpu.memref_slice %arg11[%dma_wait3A_53, %dma_wait3A_54] : memref<51200x16xf32, #tpu.memory_space<vmem_shared>> -> memref<51200x16xf32, #tpu.memory_space<vmem_shared>>
        tpu.wait_indirect_dma semaphore(%run_scoped3A : memref<!tpu.dma_semaphore, #tpu.memory_space<semaphore_mem>>) src(%arg10 : memref<128x16xf32, #tpu.memory_space<vmem>>) dst(%dma_wait3A_55 : memref<51200x16xf32, #tpu.memory_space<vmem_shared>>)
        tpu.yield
      }) : () -> ()
    }
    %scan3A_19 = arith.constant 200 : i32
    %barrier3A_20 = arith.constant 0 : index
    tpu.barrier barrier_id(%barrier3A_20)
    %scan3A_21 = arith.constant 0 : i32
    %scan3A_22 = arith.constant 0 : i32
    %scan3A_23 = arith.constant 25 : i32
    %scan3A_24 = arith.addi %scan3A_22, %scan3A_23 : i32
    %scan3A_25 = arith.constant 1 : i32
    scf.for %scan3A_27 = %scan3A_22 to %scan3A_24 step %scan3A_25  : i32 {
      %mul3A_28 = arith.constant 3200 : i32
      %mul3A_29 = arith.muli %arg1, %mul3A_28 : i32
      %mul3A_30 = arith.constant 128 : i32
      %mul3A_31 = arith.muli %scan3A_27, %mul3A_30 : i32
      %add3A_32 = arith.addi %mul3A_29, %mul3A_31 : i32
      "tpu.region"() ({
        %run_scoped3A = tpu.sem_alloc : memref<!tpu.dma_semaphore, #tpu.memory_space<semaphore_mem>>
        %dma_start3A = arith.constant 0 : i32
        %dma_start3A_33 = tpu.memref_slice %arg11[%add3A_32, %dma_start3A] : memref<51200x16xf32, #tpu.memory_space<vmem_shared>> -> memref<128x16xf32, #tpu.memory_space<vmem_shared>>
        %dma_start3A_34 = arith.constant 0 : i32
        %dma_start3A_35 = tpu.memref_slice %arg11[%add3A_32, %dma_start3A_34] : memref<51200x16xf32, #tpu.memory_space<vmem_shared>> -> memref<128x16xf32, #tpu.memory_space<vmem_shared>>
        tpu.enqueue_dma source(%dma_start3A_35 : memref<128x16xf32, #tpu.memory_space<vmem_shared>>) target(%arg10 : memref<128x16xf32, #tpu.memory_space<vmem>>) target_semaphore(%run_scoped3A : memref<!tpu.dma_semaphore, #tpu.memory_space<semaphore_mem>>)
        %dma_wait3A = arith.constant 0 : i32
        %dma_wait3A_36 = tpu.memref_slice %arg11[%add3A_32, %dma_wait3A] : memref<51200x16xf32, #tpu.memory_space<vmem_shared>> -> memref<128x16xf32, #tpu.memory_space<vmem_shared>>
        %dma_wait3A_37 = arith.constant 0 : i32
        %dma_wait3A_38 = tpu.memref_slice %arg11[%add3A_32, %dma_wait3A_37] : memref<51200x16xf32, #tpu.memory_space<vmem_shared>> -> memref<128x16xf32, #tpu.memory_space<vmem_shared>>
        tpu.wait_dma2 semaphore(%run_scoped3A : memref<!tpu.dma_semaphore, #tpu.memory_space<semaphore_mem>>) src(%dma_wait3A_38 : memref<128x16xf32, #tpu.memory_space<vmem_shared>>) dst(%arg10 : memref<128x16xf32, #tpu.memory_space<vmem>>)
        tpu.yield
      }) : () -> ()
      "tpu.region"() ({
        %run_scoped3A = tpu.sem_alloc : memref<!tpu.dma_semaphore, #tpu.memory_space<semaphore_mem>>
        %dma_start3A = arith.constant 0 : i32
        %dma_start3A_33 = tpu.memref_slice %arg6[%arg0, %add3A_32, %dma_start3A] : memref<2x51200x16xf32, #tpu.memory_space<hbm>> -> memref<1x128x16xf32, #tpu.memory_space<hbm>>
        %dma_start3A_34 = tpu.memref_squeeze %dma_start3A_33 : memref<1x128x16xf32, #tpu.memory_space<hbm>> -> memref<128x16xf32, #tpu.memory_space<hbm>>
        %dma_start3A_35 = arith.constant 0 : i32
        %dma_start3A_36 = tpu.memref_slice %arg6[%arg0, %add3A_32, %dma_start3A_35] : memref<2x51200x16xf32, #tpu.memory_space<hbm>> -> memref<1x128x16xf32, #tpu.memory_space<hbm>>
        %dma_start3A_37 = tpu.memref_squeeze %dma_start3A_36 : memref<1x128x16xf32, #tpu.memory_space<hbm>> -> memref<128x16xf32, #tpu.memory_space<hbm>>
        tpu.enqueue_dma source(%arg10 : memref<128x16xf32, #tpu.memory_space<vmem>>) target(%dma_start3A_37 : memref<128x16xf32, #tpu.memory_space<hbm>>) target_semaphore(%run_scoped3A : memref<!tpu.dma_semaphore, #tpu.memory_space<semaphore_mem>>)
        %dma_wait3A = arith.constant 0 : i32
        %dma_wait3A_38 = tpu.memref_slice %arg6[%arg0, %add3A_32, %dma_wait3A] : memref<2x51200x16xf32, #tpu.memory_space<hbm>> -> memref<1x128x16xf32, #tpu.memory_space<hbm>>
        %dma_wait3A_39 = tpu.memref_squeeze %dma_wait3A_38 : memref<1x128x16xf32, #tpu.memory_space<hbm>> -> memref<128x16xf32, #tpu.memory_space<hbm>>
        %dma_wait3A_40 = arith.constant 0 : i32
        %dma_wait3A_41 = tpu.memref_slice %arg6[%arg0, %add3A_32, %dma_wait3A_40] : memref<2x51200x16xf32, #tpu.memory_space<hbm>> -> memref<1x128x16xf32, #tpu.memory_space<hbm>>
        %dma_wait3A_42 = tpu.memref_squeeze %dma_wait3A_41 : memref<1x128x16xf32, #tpu.memory_space<hbm>> -> memref<128x16xf32, #tpu.memory_space<hbm>>
        tpu.wait_dma2 semaphore(%run_scoped3A : memref<!tpu.dma_semaphore, #tpu.memory_space<semaphore_mem>>) src(%arg10 : memref<128x16xf32, #tpu.memory_space<vmem>>) dst(%dma_wait3A_42 : memref<128x16xf32, #tpu.memory_space<hbm>>)
        tpu.yield
      }) : () -> ()
    }
    %scan3A_26 = arith.constant 25 : i32
    return
  }
}

#map = affine_map<(d0, d1) -> (0, 0)>
module attributes {stable_mosaic.version = 14 : i64} {
  func.func @sc_deg(%arg0: i32, %arg1: i32, %arg2: memref<6400x128xi32, #tpu.memory_space<hbm>>, %arg3: memref<6400x128xf32, #tpu.memory_space<hbm>>, %arg4: memref<2x51200xf32, #tpu.memory_space<hbm>>, %arg5: memref<200x128xi32, #tpu.memory_space<vmem>>, %arg6: memref<200x128xf32, #tpu.memory_space<vmem>>, %arg7: memref<128xf32, #tpu.memory_space<vmem>>, %arg8: memref<51200xf32, #tpu.memory_space<vmem_shared>>, %arg9: memref<!tpu.dma_semaphore, #tpu.memory_space<semaphore_mem>>, %arg10: memref<!tpu.dma_semaphore, #tpu.memory_space<semaphore_mem>>, %arg11: memref<!tpu.dma_semaphore, #tpu.memory_space<semaphore_mem>>, %arg12: memref<!tpu.dma_semaphore, #tpu.memory_space<semaphore_mem>>) attributes {dimension_semantics = [#tpu.dimension_semantics<core_parallel>, #tpu.dimension_semantics<subcore_parallel>], iteration_bounds = array<i64: 2, 16>, scalar_prefetch = 0 : i64, scratch_operands = 8 : i64, tpu.core_type = #tpu.core_type<sc_vector_subcore>, window_params = [{transform_indices = #map}, {transform_indices = #map}, {transform_indices = #map}]} {
    %scan3A = arith.constant 0 : i32
    %scan3A_0 = arith.constant 0 : i32
    %scan3A_1 = arith.constant 8 : i32
    %scan3A_2 = arith.addi %scan3A_0, %scan3A_1 : i32
    %scan3A_3 = arith.constant 1 : i32
    scf.for %scan3A_66 = %scan3A_0 to %scan3A_2 step %scan3A_3  : i32 {
      %broadcast_in_dim3A = arith.constant 0.000000e+00 : f32
      %broadcast_in_dim3A_67 = vector.broadcast %broadcast_in_dim3A : f32 to vector<16xf32>
      %mul3A_68 = arith.constant 16 : i32
      %mul3A_69 = arith.muli %scan3A_66, %mul3A_68 : i32
      %swap3A = arith.index_cast %mul3A_69 : i32 to index
      %swap3A_70 = tpu.vector_load %arg7[%swap3A] {strides = array<i32>} : memref<128xf32, #tpu.memory_space<vmem>>, vector<16xf32>,
      %swap3A_71 = vector.shape_cast %swap3A_70 : vector<16xf32> to vector<16xf32>
      %swap3A_72 = vector.shape_cast %broadcast_in_dim3A_67 : vector<16xf32> to vector<16xf32>
      tpu.vector_store %arg7[%swap3A], %swap3A_72 {strides = array<i32>} : memref<128xf32, #tpu.memory_space<vmem>>, vector<16xf32>,
    }
    %scan3A_4 = arith.constant 8 : i32
    %scan3A_5 = arith.constant 0 : i32
    %scan3A_6 = arith.constant 0 : i32
    %scan3A_7 = arith.constant 25 : i32
    %scan3A_8 = arith.addi %scan3A_6, %scan3A_7 : i32
    %scan3A_9 = arith.constant 1 : i32
    scf.for %scan3A_66 = %scan3A_6 to %scan3A_8 step %scan3A_9  : i32 {
      %mul3A_67 = arith.constant 3200 : i32
      %mul3A_68 = arith.muli %arg1, %mul3A_67 : i32
      %mul3A_69 = arith.constant 128 : i32
      %mul3A_70 = arith.muli %scan3A_66, %mul3A_69 : i32
      %add3A_71 = arith.addi %mul3A_68, %mul3A_70 : i32
      "tpu.region"() ({
        %run_scoped3A = tpu.sem_alloc : memref<!tpu.dma_semaphore, #tpu.memory_space<semaphore_mem>>
        %dma_start3A = tpu.memref_slice %arg8[%add3A_71] : memref<51200xf32, #tpu.memory_space<vmem_shared>> -> memref<128xf32, #tpu.memory_space<vmem_shared>>
        %dma_start3A_72 = tpu.memref_slice %arg8[%add3A_71] : memref<51200xf32, #tpu.memory_space<vmem_shared>> -> memref<128xf32, #tpu.memory_space<vmem_shared>>
        tpu.enqueue_dma source(%arg7 : memref<128xf32, #tpu.memory_space<vmem>>) target(%dma_start3A_72 : memref<128xf32, #tpu.memory_space<vmem_shared>>) target_semaphore(%run_scoped3A : memref<!tpu.dma_semaphore, #tpu.memory_space<semaphore_mem>>)
        %dma_wait3A_73 = tpu.memref_slice %arg8[%add3A_71] : memref<51200xf32, #tpu.memory_space<vmem_shared>> -> memref<128xf32, #tpu.memory_space<vmem_shared>>
        %dma_wait3A_74 = tpu.memref_slice %arg8[%add3A_71] : memref<51200xf32, #tpu.memory_space<vmem_shared>> -> memref<128xf32, #tpu.memory_space<vmem_shared>>
        tpu.wait_dma2 semaphore(%run_scoped3A : memref<!tpu.dma_semaphore, #tpu.memory_space<semaphore_mem>>) src(%arg7 : memref<128xf32, #tpu.memory_space<vmem>>) dst(%dma_wait3A_74 : memref<128xf32, #tpu.memory_space<vmem_shared>>)
        tpu.yield
      }) : () -> ()
    }
    %scan3A_10 = arith.constant 25 : i32
    %mul3A = arith.constant 16 : i32
    %mul3A_11 = arith.muli %arg0, %mul3A : i32
    %add3A = arith.addi %mul3A_11, %arg1 : i32
    %mul3A_12 = arith.constant 200 : i32
    %mul3A_13 = arith.muli %add3A, %mul3A_12 : i32
    "tpu.region"() ({
      %run_scoped3A = tpu.sem_alloc : memref<!tpu.dma_semaphore, #tpu.memory_space<semaphore_mem>>
      %dma_start3A = arith.constant 0 : i32
      %dma_start3A_66 = tpu.memref_slice %arg2[%mul3A_13, %dma_start3A] : memref<6400x128xi32, #tpu.memory_space<hbm>> -> memref<200x128xi32, #tpu.memory_space<hbm>>
      %dma_start3A_67 = arith.constant 0 : i32
      %dma_start3A_68 = tpu.memref_slice %arg2[%mul3A_13, %dma_start3A_67] : memref<6400x128xi32, #tpu.memory_space<hbm>> -> memref<200x128xi32, #tpu.memory_space<hbm>>
      tpu.enqueue_dma source(%dma_start3A_68 : memref<200x128xi32, #tpu.memory_space<hbm>>) target(%arg5 : memref<200x128xi32, #tpu.memory_space<vmem>>) target_semaphore(%run_scoped3A : memref<!tpu.dma_semaphore, #tpu.memory_space<semaphore_mem>>)
      %dma_wait3A_69 = arith.constant 0 : i32
      %dma_wait3A_70 = tpu.memref_slice %arg2[%mul3A_13, %dma_wait3A_69] : memref<6400x128xi32, #tpu.memory_space<hbm>> -> memref<200x128xi32, #tpu.memory_space<hbm>>
      %dma_wait3A_71 = arith.constant 0 : i32
      %dma_wait3A_72 = tpu.memref_slice %arg2[%mul3A_13, %dma_wait3A_71] : memref<6400x128xi32, #tpu.memory_space<hbm>> -> memref<200x128xi32, #tpu.memory_space<hbm>>
      tpu.wait_dma2 semaphore(%run_scoped3A : memref<!tpu.dma_semaphore, #tpu.memory_space<semaphore_mem>>) src(%dma_wait3A_72 : memref<200x128xi32, #tpu.memory_space<hbm>>) dst(%arg5 : memref<200x128xi32, #tpu.memory_space<vmem>>)
      tpu.yield
    }) : () -> ()
    "tpu.region"() ({
      %run_scoped3A = tpu.sem_alloc : memref<!tpu.dma_semaphore, #tpu.memory_space<semaphore_mem>>
      %dma_start3A = arith.constant 0 : i32
      %dma_start3A_66 = tpu.memref_slice %arg3[%mul3A_13, %dma_start3A] : memref<6400x128xf32, #tpu.memory_space<hbm>> -> memref<200x128xf32, #tpu.memory_space<hbm>>
      %dma_start3A_67 = arith.constant 0 : i32
      %dma_start3A_68 = tpu.memref_slice %arg3[%mul3A_13, %dma_start3A_67] : memref<6400x128xf32, #tpu.memory_space<hbm>> -> memref<200x128xf32, #tpu.memory_space<hbm>>
      tpu.enqueue_dma source(%dma_start3A_68 : memref<200x128xf32, #tpu.memory_space<hbm>>) target(%arg6 : memref<200x128xf32, #tpu.memory_space<vmem>>) target_semaphore(%run_scoped3A : memref<!tpu.dma_semaphore, #tpu.memory_space<semaphore_mem>>)
      %dma_wait3A_69 = arith.constant 0 : i32
      %dma_wait3A_70 = tpu.memref_slice %arg3[%mul3A_13, %dma_wait3A_69] : memref<6400x128xf32, #tpu.memory_space<hbm>> -> memref<200x128xf32, #tpu.memory_space<hbm>>
      %dma_wait3A_71 = arith.constant 0 : i32
      %dma_wait3A_72 = tpu.memref_slice %arg3[%mul3A_13, %dma_wait3A_71] : memref<6400x128xf32, #tpu.memory_space<hbm>> -> memref<200x128xf32, #tpu.memory_space<hbm>>
      tpu.wait_dma2 semaphore(%run_scoped3A : memref<!tpu.dma_semaphore, #tpu.memory_space<semaphore_mem>>) src(%dma_wait3A_72 : memref<200x128xf32, #tpu.memory_space<hbm>>) dst(%arg6 : memref<200x128xf32, #tpu.memory_space<vmem>>)
      tpu.yield
    }) : () -> ()
    %barrier3A = arith.constant 0 : index
    tpu.barrier barrier_id(%barrier3A)
    %scan3A_14 = arith.constant 0 : i32
    %scan3A_15 = arith.constant 0 : i32
    %scan3A_16 = arith.constant 50 : i32
    %scan3A_17 = arith.addi %scan3A_15, %scan3A_16 : i32
    %scan3A_18 = arith.constant 1 : i32
    scf.for %scan3A_66 = %scan3A_15 to %scan3A_17 step %scan3A_18  : i32 {
      %mul3A_67 = arith.constant 4 : i32
      %mul3A_68 = arith.muli %scan3A_66, %mul3A_67 : i32
      %add3A_69 = arith.constant 0 : i32
      %add3A_70 = arith.addi %mul3A_68, %add3A_69 : i32
      %ge3A = arith.constant 4 : i32
      %ge3A_71 = arith.cmpi sge, %add3A_70, %ge3A : i32
      %convert_element_type3A = arith.extui %ge3A_71 : i1 to i32
      %cond3A = arith.constant 0 : i32
      %cond3A_72 = arith.cmpi ne, %convert_element_type3A, %cond3A : i32
      scf.if %cond3A_72 {
        %sub3A = arith.constant 4 : i32
        %sub3A_131 = arith.subi %add3A_70, %sub3A : i32
        %sub3A_132 = arith.constant 4 : i32
        %sub3A_133 = arith.subi %add3A_70, %sub3A_132 : i32
        %dma_wait3A_134 = arith.constant 0 : i32
        %dma_wait3A_135 = tpu.memref_slice %arg6[%sub3A_131, %dma_wait3A_134] : memref<200x128xf32, #tpu.memory_space<vmem>> -> memref<1x128xf32, #tpu.memory_space<vmem>>
        %dma_wait3A_136 = tpu.memref_squeeze %dma_wait3A_135 : memref<1x128xf32, #tpu.memory_space<vmem>> -> memref<128xf32, #tpu.memory_space<vmem>>
        %dma_wait3A_137 = arith.constant 0 : i32
        %dma_wait3A_138 = tpu.memref_slice %arg5[%sub3A_133, %dma_wait3A_137] : memref<200x128xi32, #tpu.memory_space<vmem>> -> memref<1x128xi32, #tpu.memory_space<vmem>>
        %dma_wait3A_139 = tpu.memref_squeeze %dma_wait3A_138 : memref<1x128xi32, #tpu.memory_space<vmem>> -> memref<128xi32, #tpu.memory_space<vmem>>
        %dma_wait3A_140 = arith.constant 0 : i32
        %dma_wait3A_141 = tpu.memref_slice %arg8[%dma_wait3A_140] : memref<51200xf32, #tpu.memory_space<vmem_shared>> -> memref<51200xf32, #tpu.memory_space<vmem_shared>>
        tpu.wait_indirect_dma semaphore(%arg9 : memref<!tpu.dma_semaphore, #tpu.memory_space<semaphore_mem>>) src(%dma_wait3A_136 : memref<128xf32, #tpu.memory_space<vmem>>) dst(%dma_wait3A_141 : memref<51200xf32, #tpu.memory_space<vmem_shared>>)
      } else {
      }
      %dma_start3A = arith.constant 0 : i32
      %dma_start3A_73 = tpu.memref_slice %arg6[%add3A_70, %dma_start3A] : memref<200x128xf32, #tpu.memory_space<vmem>> -> memref<1x128xf32, #tpu.memory_space<vmem>>
      %dma_start3A_74 = tpu.memref_squeeze %dma_start3A_73 : memref<1x128xf32, #tpu.memory_space<vmem>> -> memref<128xf32, #tpu.memory_space<vmem>>
      %dma_start3A_75 = arith.constant 0 : i32
      %dma_start3A_76 = tpu.memref_slice %arg5[%add3A_70, %dma_start3A_75] : memref<200x128xi32, #tpu.memory_space<vmem>> -> memref<1x128xi32, #tpu.memory_space<vmem>>
      %dma_start3A_77 = tpu.memref_squeeze %dma_start3A_76 : memref<1x128xi32, #tpu.memory_space<vmem>> -> memref<128xi32, #tpu.memory_space<vmem>>
      %dma_start3A_78 = arith.constant 0 : i32
      %dma_start3A_79 = tpu.memref_slice %arg8[%dma_start3A_78] : memref<51200xf32, #tpu.memory_space<vmem_shared>> -> memref<51200xf32, #tpu.memory_space<vmem_shared>>
      tpu.enqueue_indirect_dma source(%dma_start3A_74 : memref<128xf32, #tpu.memory_space<vmem>>) target(%dma_start3A_79 : memref<51200xf32, #tpu.memory_space<vmem_shared>>) offsets(%dma_start3A_77 : memref<128xi32, #tpu.memory_space<vmem>>) semaphore(%arg9 : memref<!tpu.dma_semaphore, #tpu.memory_space<semaphore_mem>>) {add = true}
      %mul3A_80 = arith.constant 4 : i32
      %mul3A_81 = arith.muli %scan3A_66, %mul3A_80 : i32
      %add3A_82 = arith.constant 1 : i32
      %add3A_83 = arith.addi %mul3A_81, %add3A_82 : i32
      %ge3A_84 = arith.constant 4 : i32
      %ge3A_85 = arith.cmpi sge, %add3A_83, %ge3A_84 : i32
      %convert_element_type3A_86 = arith.extui %ge3A_85 : i1 to i32
      %cond3A_87 = arith.constant 0 : i32
      %cond3A_88 = arith.cmpi ne, %convert_element_type3A_86, %cond3A_87 : i32
      scf.if %cond3A_88 {
        %sub3A = arith.constant 4 : i32
        %sub3A_131 = arith.subi %add3A_83, %sub3A : i32
        %sub3A_132 = arith.constant 4 : i32
        %sub3A_133 = arith.subi %add3A_83, %sub3A_132 : i32
        %dma_wait3A_134 = arith.constant 0 : i32
        %dma_wait3A_135 = tpu.memref_slice %arg6[%sub3A_131, %dma_wait3A_134] : memref<200x128xf32, #tpu.memory_space<vmem>> -> memref<1x128xf32, #tpu.memory_space<vmem>>
        %dma_wait3A_136 = tpu.memref_squeeze %dma_wait3A_135 : memref<1x128xf32, #tpu.memory_space<vmem>> -> memref<128xf32, #tpu.memory_space<vmem>>
        %dma_wait3A_137 = arith.constant 0 : i32
        %dma_wait3A_138 = tpu.memref_slice %arg5[%sub3A_133, %dma_wait3A_137] : memref<200x128xi32, #tpu.memory_space<vmem>> -> memref<1x128xi32, #tpu.memory_space<vmem>>
        %dma_wait3A_139 = tpu.memref_squeeze %dma_wait3A_138 : memref<1x128xi32, #tpu.memory_space<vmem>> -> memref<128xi32, #tpu.memory_space<vmem>>
        %dma_wait3A_140 = arith.constant 0 : i32
        %dma_wait3A_141 = tpu.memref_slice %arg8[%dma_wait3A_140] : memref<51200xf32, #tpu.memory_space<vmem_shared>> -> memref<51200xf32, #tpu.memory_space<vmem_shared>>
        tpu.wait_indirect_dma semaphore(%arg10 : memref<!tpu.dma_semaphore, #tpu.memory_space<semaphore_mem>>) src(%dma_wait3A_136 : memref<128xf32, #tpu.memory_space<vmem>>) dst(%dma_wait3A_141 : memref<51200xf32, #tpu.memory_space<vmem_shared>>)
      } else {
      }
      %dma_start3A_89 = arith.constant 0 : i32
      %dma_start3A_90 = tpu.memref_slice %arg6[%add3A_83, %dma_start3A_89] : memref<200x128xf32, #tpu.memory_space<vmem>> -> memref<1x128xf32, #tpu.memory_space<vmem>>
      %dma_start3A_91 = tpu.memref_squeeze %dma_start3A_90 : memref<1x128xf32, #tpu.memory_space<vmem>> -> memref<128xf32, #tpu.memory_space<vmem>>
      %dma_start3A_92 = arith.constant 0 : i32
      %dma_start3A_93 = tpu.memref_slice %arg5[%add3A_83, %dma_start3A_92] : memref<200x128xi32, #tpu.memory_space<vmem>> -> memref<1x128xi32, #tpu.memory_space<vmem>>
      %dma_start3A_94 = tpu.memref_squeeze %dma_start3A_93 : memref<1x128xi32, #tpu.memory_space<vmem>> -> memref<128xi32, #tpu.memory_space<vmem>>
      %dma_start3A_95 = arith.constant 0 : i32
      %dma_start3A_96 = tpu.memref_slice %arg8[%dma_start3A_95] : memref<51200xf32, #tpu.memory_space<vmem_shared>> -> memref<51200xf32, #tpu.memory_space<vmem_shared>>
      tpu.enqueue_indirect_dma source(%dma_start3A_91 : memref<128xf32, #tpu.memory_space<vmem>>) target(%dma_start3A_96 : memref<51200xf32, #tpu.memory_space<vmem_shared>>) offsets(%dma_start3A_94 : memref<128xi32, #tpu.memory_space<vmem>>) semaphore(%arg10 : memref<!tpu.dma_semaphore, #tpu.memory_space<semaphore_mem>>) {add = true}
      %mul3A_97 = arith.constant 4 : i32
      %mul3A_98 = arith.muli %scan3A_66, %mul3A_97 : i32
      %add3A_99 = arith.constant 2 : i32
      %add3A_100 = arith.addi %mul3A_98, %add3A_99 : i32
      %ge3A_101 = arith.constant 4 : i32
      %ge3A_102 = arith.cmpi sge, %add3A_100, %ge3A_101 : i32
      %convert_element_type3A_103 = arith.extui %ge3A_102 : i1 to i32
      %cond3A_104 = arith.constant 0 : i32
      %cond3A_105 = arith.cmpi ne, %convert_element_type3A_103, %cond3A_104 : i32
      scf.if %cond3A_105 {
        %sub3A = arith.constant 4 : i32
        %sub3A_131 = arith.subi %add3A_100, %sub3A : i32
        %sub3A_132 = arith.constant 4 : i32
        %sub3A_133 = arith.subi %add3A_100, %sub3A_132 : i32
        %dma_wait3A_134 = arith.constant 0 : i32
        %dma_wait3A_135 = tpu.memref_slice %arg6[%sub3A_131, %dma_wait3A_134] : memref<200x128xf32, #tpu.memory_space<vmem>> -> memref<1x128xf32, #tpu.memory_space<vmem>>
        %dma_wait3A_136 = tpu.memref_squeeze %dma_wait3A_135 : memref<1x128xf32, #tpu.memory_space<vmem>> -> memref<128xf32, #tpu.memory_space<vmem>>
        %dma_wait3A_137 = arith.constant 0 : i32
        %dma_wait3A_138 = tpu.memref_slice %arg5[%sub3A_133, %dma_wait3A_137] : memref<200x128xi32, #tpu.memory_space<vmem>> -> memref<1x128xi32, #tpu.memory_space<vmem>>
        %dma_wait3A_139 = tpu.memref_squeeze %dma_wait3A_138 : memref<1x128xi32, #tpu.memory_space<vmem>> -> memref<128xi32, #tpu.memory_space<vmem>>
        %dma_wait3A_140 = arith.constant 0 : i32
        %dma_wait3A_141 = tpu.memref_slice %arg8[%dma_wait3A_140] : memref<51200xf32, #tpu.memory_space<vmem_shared>> -> memref<51200xf32, #tpu.memory_space<vmem_shared>>
        tpu.wait_indirect_dma semaphore(%arg11 : memref<!tpu.dma_semaphore, #tpu.memory_space<semaphore_mem>>) src(%dma_wait3A_136 : memref<128xf32, #tpu.memory_space<vmem>>) dst(%dma_wait3A_141 : memref<51200xf32, #tpu.memory_space<vmem_shared>>)
      } else {
      }
      %dma_start3A_106 = arith.constant 0 : i32
      %dma_start3A_107 = tpu.memref_slice %arg6[%add3A_100, %dma_start3A_106] : memref<200x128xf32, #tpu.memory_space<vmem>> -> memref<1x128xf32, #tpu.memory_space<vmem>>
      %dma_start3A_108 = tpu.memref_squeeze %dma_start3A_107 : memref<1x128xf32, #tpu.memory_space<vmem>> -> memref<128xf32, #tpu.memory_space<vmem>>
      %dma_start3A_109 = arith.constant 0 : i32
      %dma_start3A_110 = tpu.memref_slice %arg5[%add3A_100, %dma_start3A_109] : memref<200x128xi32, #tpu.memory_space<vmem>> -> memref<1x128xi32, #tpu.memory_space<vmem>>
      %dma_start3A_111 = tpu.memref_squeeze %dma_start3A_110 : memref<1x128xi32, #tpu.memory_space<vmem>> -> memref<128xi32, #tpu.memory_space<vmem>>
      %dma_start3A_112 = arith.constant 0 : i32
      %dma_start3A_113 = tpu.memref_slice %arg8[%dma_start3A_112] : memref<51200xf32, #tpu.memory_space<vmem_shared>> -> memref<51200xf32, #tpu.memory_space<vmem_shared>>
      tpu.enqueue_indirect_dma source(%dma_start3A_108 : memref<128xf32, #tpu.memory_space<vmem>>) target(%dma_start3A_113 : memref<51200xf32, #tpu.memory_space<vmem_shared>>) offsets(%dma_start3A_111 : memref<128xi32, #tpu.memory_space<vmem>>) semaphore(%arg11 : memref<!tpu.dma_semaphore, #tpu.memory_space<semaphore_mem>>) {add = true}
      %mul3A_114 = arith.constant 4 : i32
      %mul3A_115 = arith.muli %scan3A_66, %mul3A_114 : i32
      %add3A_116 = arith.constant 3 : i32
      %add3A_117 = arith.addi %mul3A_115, %add3A_116 : i32
      %ge3A_118 = arith.constant 4 : i32
      %ge3A_119 = arith.cmpi sge, %add3A_117, %ge3A_118 : i32
      %convert_element_type3A_120 = arith.extui %ge3A_119 : i1 to i32
      %cond3A_121 = arith.constant 0 : i32
      %cond3A_122 = arith.cmpi ne, %convert_element_type3A_120, %cond3A_121 : i32
      scf.if %cond3A_122 {
        %sub3A = arith.constant 4 : i32
        %sub3A_131 = arith.subi %add3A_117, %sub3A : i32
        %sub3A_132 = arith.constant 4 : i32
        %sub3A_133 = arith.subi %add3A_117, %sub3A_132 : i32
        %dma_wait3A_134 = arith.constant 0 : i32
        %dma_wait3A_135 = tpu.memref_slice %arg6[%sub3A_131, %dma_wait3A_134] : memref<200x128xf32, #tpu.memory_space<vmem>> -> memref<1x128xf32, #tpu.memory_space<vmem>>
        %dma_wait3A_136 = tpu.memref_squeeze %dma_wait3A_135 : memref<1x128xf32, #tpu.memory_space<vmem>> -> memref<128xf32, #tpu.memory_space<vmem>>
        %dma_wait3A_137 = arith.constant 0 : i32
        %dma_wait3A_138 = tpu.memref_slice %arg5[%sub3A_133, %dma_wait3A_137] : memref<200x128xi32, #tpu.memory_space<vmem>> -> memref<1x128xi32, #tpu.memory_space<vmem>>
        %dma_wait3A_139 = tpu.memref_squeeze %dma_wait3A_138 : memref<1x128xi32, #tpu.memory_space<vmem>> -> memref<128xi32, #tpu.memory_space<vmem>>
        %dma_wait3A_140 = arith.constant 0 : i32
        %dma_wait3A_141 = tpu.memref_slice %arg8[%dma_wait3A_140] : memref<51200xf32, #tpu.memory_space<vmem_shared>> -> memref<51200xf32, #tpu.memory_space<vmem_shared>>
        tpu.wait_indirect_dma semaphore(%arg12 : memref<!tpu.dma_semaphore, #tpu.memory_space<semaphore_mem>>) src(%dma_wait3A_136 : memref<128xf32, #tpu.memory_space<vmem>>) dst(%dma_wait3A_141 : memref<51200xf32, #tpu.memory_space<vmem_shared>>)
      } else {
      }
      %dma_start3A_123 = arith.constant 0 : i32
      %dma_start3A_124 = tpu.memref_slice %arg6[%add3A_117, %dma_start3A_123] : memref<200x128xf32, #tpu.memory_space<vmem>> -> memref<1x128xf32, #tpu.memory_space<vmem>>
      %dma_start3A_125 = tpu.memref_squeeze %dma_start3A_124 : memref<1x128xf32, #tpu.memory_space<vmem>> -> memref<128xf32, #tpu.memory_space<vmem>>
      %dma_start3A_126 = arith.constant 0 : i32
      %dma_start3A_127 = tpu.memref_slice %arg5[%add3A_117, %dma_start3A_126] : memref<200x128xi32, #tpu.memory_space<vmem>> -> memref<1x128xi32, #tpu.memory_space<vmem>>
      %dma_start3A_128 = tpu.memref_squeeze %dma_start3A_127 : memref<1x128xi32, #tpu.memory_space<vmem>> -> memref<128xi32, #tpu.memory_space<vmem>>
      %dma_start3A_129 = arith.constant 0 : i32
      %dma_start3A_130 = tpu.memref_slice %arg8[%dma_start3A_129] : memref<51200xf32, #tpu.memory_space<vmem_shared>> -> memref<51200xf32, #tpu.memory_space<vmem_shared>>
      tpu.enqueue_indirect_dma source(%dma_start3A_125 : memref<128xf32, #tpu.memory_space<vmem>>) target(%dma_start3A_130 : memref<51200xf32, #tpu.memory_space<vmem_shared>>) offsets(%dma_start3A_128 : memref<128xi32, #tpu.memory_space<vmem>>) semaphore(%arg12 : memref<!tpu.dma_semaphore, #tpu.memory_space<semaphore_mem>>) {add = true}
    }
    %scan3A_19 = arith.constant 50 : i32
    %dma_wait3A = arith.constant 196 : i32
    %dma_wait3A_20 = arith.constant 196 : i32
    %dma_wait3A_21 = arith.constant 0 : i32
    %dma_wait3A_22 = tpu.memref_slice %arg6[%dma_wait3A, %dma_wait3A_21] : memref<200x128xf32, #tpu.memory_space<vmem>> -> memref<1x128xf32, #tpu.memory_space<vmem>>
    %dma_wait3A_23 = tpu.memref_squeeze %dma_wait3A_22 : memref<1x128xf32, #tpu.memory_space<vmem>> -> memref<128xf32, #tpu.memory_space<vmem>>
    %dma_wait3A_24 = arith.constant 0 : i32
    %dma_wait3A_25 = tpu.memref_slice %arg5[%dma_wait3A_20, %dma_wait3A_24] : memref<200x128xi32, #tpu.memory_space<vmem>> -> memref<1x128xi32, #tpu.memory_space<vmem>>
    %dma_wait3A_26 = tpu.memref_squeeze %dma_wait3A_25 : memref<1x128xi32, #tpu.memory_space<vmem>> -> memref<128xi32, #tpu.memory_space<vmem>>
    %dma_wait3A_27 = arith.constant 0 : i32
    %dma_wait3A_28 = tpu.memref_slice %arg8[%dma_wait3A_27] : memref<51200xf32, #tpu.memory_space<vmem_shared>> -> memref<51200xf32, #tpu.memory_space<vmem_shared>>
    tpu.wait_indirect_dma semaphore(%arg9 : memref<!tpu.dma_semaphore, #tpu.memory_space<semaphore_mem>>) src(%dma_wait3A_23 : memref<128xf32, #tpu.memory_space<vmem>>) dst(%dma_wait3A_28 : memref<51200xf32, #tpu.memory_space<vmem_shared>>)
    %dma_wait3A_29 = arith.constant 197 : i32
    %dma_wait3A_30 = arith.constant 197 : i32
    %dma_wait3A_31 = arith.constant 0 : i32
    %dma_wait3A_32 = tpu.memref_slice %arg6[%dma_wait3A_29, %dma_wait3A_31] : memref<200x128xf32, #tpu.memory_space<vmem>> -> memref<1x128xf32, #tpu.memory_space<vmem>>
    %dma_wait3A_33 = tpu.memref_squeeze %dma_wait3A_32 : memref<1x128xf32, #tpu.memory_space<vmem>> -> memref<128xf32, #tpu.memory_space<vmem>>
    %dma_wait3A_34 = arith.constant 0 : i32
    %dma_wait3A_35 = tpu.memref_slice %arg5[%dma_wait3A_30, %dma_wait3A_34] : memref<200x128xi32, #tpu.memory_space<vmem>> -> memref<1x128xi32, #tpu.memory_space<vmem>>
    %dma_wait3A_36 = tpu.memref_squeeze %dma_wait3A_35 : memref<1x128xi32, #tpu.memory_space<vmem>> -> memref<128xi32, #tpu.memory_space<vmem>>
    %dma_wait3A_37 = arith.constant 0 : i32
    %dma_wait3A_38 = tpu.memref_slice %arg8[%dma_wait3A_37] : memref<51200xf32, #tpu.memory_space<vmem_shared>> -> memref<51200xf32, #tpu.memory_space<vmem_shared>>
    tpu.wait_indirect_dma semaphore(%arg10 : memref<!tpu.dma_semaphore, #tpu.memory_space<semaphore_mem>>) src(%dma_wait3A_33 : memref<128xf32, #tpu.memory_space<vmem>>) dst(%dma_wait3A_38 : memref<51200xf32, #tpu.memory_space<vmem_shared>>)
    %dma_wait3A_39 = arith.constant 198 : i32
    %dma_wait3A_40 = arith.constant 198 : i32
    %dma_wait3A_41 = arith.constant 0 : i32
    %dma_wait3A_42 = tpu.memref_slice %arg6[%dma_wait3A_39, %dma_wait3A_41] : memref<200x128xf32, #tpu.memory_space<vmem>> -> memref<1x128xf32, #tpu.memory_space<vmem>>
    %dma_wait3A_43 = tpu.memref_squeeze %dma_wait3A_42 : memref<1x128xf32, #tpu.memory_space<vmem>> -> memref<128xf32, #tpu.memory_space<vmem>>
    %dma_wait3A_44 = arith.constant 0 : i32
    %dma_wait3A_45 = tpu.memref_slice %arg5[%dma_wait3A_40, %dma_wait3A_44] : memref<200x128xi32, #tpu.memory_space<vmem>> -> memref<1x128xi32, #tpu.memory_space<vmem>>
    %dma_wait3A_46 = tpu.memref_squeeze %dma_wait3A_45 : memref<1x128xi32, #tpu.memory_space<vmem>> -> memref<128xi32, #tpu.memory_space<vmem>>
    %dma_wait3A_47 = arith.constant 0 : i32
    %dma_wait3A_48 = tpu.memref_slice %arg8[%dma_wait3A_47] : memref<51200xf32, #tpu.memory_space<vmem_shared>> -> memref<51200xf32, #tpu.memory_space<vmem_shared>>
    tpu.wait_indirect_dma semaphore(%arg11 : memref<!tpu.dma_semaphore, #tpu.memory_space<semaphore_mem>>) src(%dma_wait3A_43 : memref<128xf32, #tpu.memory_space<vmem>>) dst(%dma_wait3A_48 : memref<51200xf32, #tpu.memory_space<vmem_shared>>)
    %dma_wait3A_49 = arith.constant 199 : i32
    %dma_wait3A_50 = arith.constant 199 : i32
    %dma_wait3A_51 = arith.constant 0 : i32
    %dma_wait3A_52 = tpu.memref_slice %arg6[%dma_wait3A_49, %dma_wait3A_51] : memref<200x128xf32, #tpu.memory_space<vmem>> -> memref<1x128xf32, #tpu.memory_space<vmem>>
    %dma_wait3A_53 = tpu.memref_squeeze %dma_wait3A_52 : memref<1x128xf32, #tpu.memory_space<vmem>> -> memref<128xf32, #tpu.memory_space<vmem>>
    %dma_wait3A_54 = arith.constant 0 : i32
    %dma_wait3A_55 = tpu.memref_slice %arg5[%dma_wait3A_50, %dma_wait3A_54] : memref<200x128xi32, #tpu.memory_space<vmem>> -> memref<1x128xi32, #tpu.memory_space<vmem>>
    %dma_wait3A_56 = tpu.memref_squeeze %dma_wait3A_55 : memref<1x128xi32, #tpu.memory_space<vmem>> -> memref<128xi32, #tpu.memory_space<vmem>>
    %dma_wait3A_57 = arith.constant 0 : i32
    %dma_wait3A_58 = tpu.memref_slice %arg8[%dma_wait3A_57] : memref<51200xf32, #tpu.memory_space<vmem_shared>> -> memref<51200xf32, #tpu.memory_space<vmem_shared>>
    tpu.wait_indirect_dma semaphore(%arg12 : memref<!tpu.dma_semaphore, #tpu.memory_space<semaphore_mem>>) src(%dma_wait3A_53 : memref<128xf32, #tpu.memory_space<vmem>>) dst(%dma_wait3A_58 : memref<51200xf32, #tpu.memory_space<vmem_shared>>)
    %barrier3A_59 = arith.constant 0 : index
    tpu.barrier barrier_id(%barrier3A_59)
    %scan3A_60 = arith.constant 0 : i32
    %scan3A_61 = arith.constant 0 : i32
    %scan3A_62 = arith.constant 25 : i32
    %scan3A_63 = arith.addi %scan3A_61, %scan3A_62 : i32
    %scan3A_64 = arith.constant 1 : i32
    scf.for %scan3A_66 = %scan3A_61 to %scan3A_63 step %scan3A_64  : i32 {
      %mul3A_67 = arith.constant 3200 : i32
      %mul3A_68 = arith.muli %arg1, %mul3A_67 : i32
      %mul3A_69 = arith.constant 128 : i32
      %mul3A_70 = arith.muli %scan3A_66, %mul3A_69 : i32
      %add3A_71 = arith.addi %mul3A_68, %mul3A_70 : i32
      "tpu.region"() ({
        %run_scoped3A = tpu.sem_alloc : memref<!tpu.dma_semaphore, #tpu.memory_space<semaphore_mem>>
        %dma_start3A = tpu.memref_slice %arg8[%add3A_71] : memref<51200xf32, #tpu.memory_space<vmem_shared>> -> memref<128xf32, #tpu.memory_space<vmem_shared>>
        %dma_start3A_72 = tpu.memref_slice %arg8[%add3A_71] : memref<51200xf32, #tpu.memory_space<vmem_shared>> -> memref<128xf32, #tpu.memory_space<vmem_shared>>
        tpu.enqueue_dma source(%dma_start3A_72 : memref<128xf32, #tpu.memory_space<vmem_shared>>) target(%arg7 : memref<128xf32, #tpu.memory_space<vmem>>) target_semaphore(%run_scoped3A : memref<!tpu.dma_semaphore, #tpu.memory_space<semaphore_mem>>)
        %dma_wait3A_73 = tpu.memref_slice %arg8[%add3A_71] : memref<51200xf32, #tpu.memory_space<vmem_shared>> -> memref<128xf32, #tpu.memory_space<vmem_shared>>
        %dma_wait3A_74 = tpu.memref_slice %arg8[%add3A_71] : memref<51200xf32, #tpu.memory_space<vmem_shared>> -> memref<128xf32, #tpu.memory_space<vmem_shared>>
        tpu.wait_dma2 semaphore(%run_scoped3A : memref<!tpu.dma_semaphore, #tpu.memory_space<semaphore_mem>>) src(%dma_wait3A_74 : memref<128xf32, #tpu.memory_space<vmem_shared>>) dst(%arg7 : memref<128xf32, #tpu.memory_space<vmem>>)
        tpu.yield
      }) : () -> ()
      "tpu.region"() ({
        %run_scoped3A = tpu.sem_alloc : memref<!tpu.dma_semaphore, #tpu.memory_space<semaphore_mem>>
        %dma_start3A = tpu.memref_slice %arg4[%arg0, %add3A_71] : memref<2x51200xf32, #tpu.memory_space<hbm>> -> memref<1x128xf32, #tpu.memory_space<hbm>>
        %dma_start3A_72 = tpu.memref_squeeze %dma_start3A : memref<1x128xf32, #tpu.memory_space<hbm>> -> memref<128xf32, #tpu.memory_space<hbm>>
        %dma_start3A_73 = tpu.memref_slice %arg4[%arg0, %add3A_71] : memref<2x51200xf32, #tpu.memory_space<hbm>> -> memref<1x128xf32, #tpu.memory_space<hbm>>
        %dma_start3A_74 = tpu.memref_squeeze %dma_start3A_73 : memref<1x128xf32, #tpu.memory_space<hbm>> -> memref<128xf32, #tpu.memory_space<hbm>>
        tpu.enqueue_dma source(%arg7 : memref<128xf32, #tpu.memory_space<vmem>>) target(%dma_start3A_74 : memref<128xf32, #tpu.memory_space<hbm>>) target_semaphore(%run_scoped3A : memref<!tpu.dma_semaphore, #tpu.memory_space<semaphore_mem>>)
        %dma_wait3A_75 = tpu.memref_slice %arg4[%arg0, %add3A_71] : memref<2x51200xf32, #tpu.memory_space<hbm>> -> memref<1x128xf32, #tpu.memory_space<hbm>>
        %dma_wait3A_76 = tpu.memref_squeeze %dma_wait3A_75 : memref<1x128xf32, #tpu.memory_space<hbm>> -> memref<128xf32, #tpu.memory_space<hbm>>
        %dma_wait3A_77 = tpu.memref_slice %arg4[%arg0, %add3A_71] : memref<2x51200xf32, #tpu.memory_space<hbm>> -> memref<1x128xf32, #tpu.memory_space<hbm>>
        %dma_wait3A_78 = tpu.memref_squeeze %dma_wait3A_77 : memref<1x128xf32, #tpu.memory_space<hbm>> -> memref<128xf32, #tpu.memory_space<hbm>>
        tpu.wait_dma2 semaphore(%run_scoped3A : memref<!tpu.dma_semaphore, #tpu.memory_space<semaphore_mem>>) src(%arg7 : memref<128xf32, #tpu.memory_space<vmem>>) dst(%dma_wait3A_78 : memref<128xf32, #tpu.memory_space<hbm>>)
        tpu.yield
      }) : () -> ()
    }
    %scan3A_65 = arith.constant 25 : i32
    return
  }
}

#map = affine_map<(d0, d1) -> (0, 0)>
#map1 = affine_map<(d0, d1) -> (0, 0, 0)>
module attributes {stable_mosaic.version = 14 : i64} {
  func.func @sc_agg(%arg0: i32, %arg1: i32, %arg2: memref<51200x16xf32, #tpu.memory_space<hbm>>, %arg3: memref<6400x128xi32, #tpu.memory_space<hbm>>, %arg4: memref<6400x128xi32, #tpu.memory_space<hbm>>, %arg5: memref<6400x128xf32, #tpu.memory_space<hbm>>, %arg6: memref<2x51200x16xf32, #tpu.memory_space<hbm>>, %arg7: memref<200x128xi32, #tpu.memory_space<vmem>>, %arg8: memref<200x128xi32, #tpu.memory_space<vmem>>, %arg9: memref<200x128xf32, #tpu.memory_space<vmem>>, %arg10: memref<128x16xf32, #tpu.memory_space<vmem>>, %arg11: memref<51200x16xf32, #tpu.memory_space<vmem_shared>>, %arg12: memref<!tpu.dma_semaphore, #tpu.memory_space<semaphore_mem>>) attributes {dimension_semantics = [#tpu.dimension_semantics<core_parallel>, #tpu.dimension_semantics<subcore_parallel>], iteration_bounds = array<i64: 2, 16>, scalar_prefetch = 0 : i64, scratch_operands = 6 : i64, tpu.core_type = #tpu.core_type<sc_vector_subcore>, window_params = [{transform_indices = #map}, {transform_indices = #map}, {transform_indices = #map}, {transform_indices = #map}, {transform_indices = #map1}]} {
    %scan3A = arith.constant 0 : i32
    %scan3A_0 = arith.constant 0 : i32
    %scan3A_1 = arith.constant 128 : i32
    %scan3A_2 = arith.addi %scan3A_0, %scan3A_1 : i32
    %scan3A_3 = arith.constant 1 : i32
    scf.for %scan3A_27 = %scan3A_0 to %scan3A_2 step %scan3A_3  : i32 {
      %broadcast_in_dim3A = arith.constant 0.000000e+00 : f32
      %broadcast_in_dim3A_28 = vector.broadcast %broadcast_in_dim3A : f32 to vector<16xf32>
      %swap3A = arith.index_cast %scan3A_27 : i32 to index
      %swap3A_29 = arith.constant 0 : index
      %swap3A_30 = tpu.vector_load %arg10[%swap3A, %swap3A_29] {strides = array<i32>} : memref<128x16xf32, #tpu.memory_space<vmem>>, vector<1x16xf32>,
      %swap3A_31 = vector.shape_cast %swap3A_30 : vector<1x16xf32> to vector<16xf32>
      %swap3A_32 = vector.shape_cast %broadcast_in_dim3A_28 : vector<16xf32> to vector<1x16xf32>
      tpu.vector_store %arg10[%swap3A, %swap3A_29], %swap3A_32 {strides = array<i32>} : memref<128x16xf32, #tpu.memory_space<vmem>>, vector<1x16xf32>,
    }
    %scan3A_4 = arith.constant 128 : i32
    %scan3A_5 = arith.constant 0 : i32
    %scan3A_6 = arith.constant 0 : i32
    %scan3A_7 = arith.constant 25 : i32
    %scan3A_8 = arith.addi %scan3A_6, %scan3A_7 : i32
    %scan3A_9 = arith.constant 1 : i32
    scf.for %scan3A_27 = %scan3A_6 to %scan3A_8 step %scan3A_9  : i32 {
      %mul3A_28 = arith.constant 3200 : i32
      %mul3A_29 = arith.muli %arg1, %mul3A_28 : i32
      %mul3A_30 = arith.constant 128 : i32
      %mul3A_31 = arith.muli %scan3A_27, %mul3A_30 : i32
      %add3A_32 = arith.addi %mul3A_29, %mul3A_31 : i32
      "tpu.region"() ({
        %run_scoped3A = tpu.sem_alloc : memref<!tpu.dma_semaphore, #tpu.memory_space<semaphore_mem>>
        %dma_start3A = arith.constant 0 : i32
        %dma_start3A_33 = tpu.memref_slice %arg11[%add3A_32, %dma_start3A] : memref<51200x16xf32, #tpu.memory_space<vmem_shared>> -> memref<128x16xf32, #tpu.memory_space<vmem_shared>>
        %dma_start3A_34 = arith.constant 0 : i32
        %dma_start3A_35 = tpu.memref_slice %arg11[%add3A_32, %dma_start3A_34] : memref<51200x16xf32, #tpu.memory_space<vmem_shared>> -> memref<128x16xf32, #tpu.memory_space<vmem_shared>>
        tpu.enqueue_dma source(%arg10 : memref<128x16xf32, #tpu.memory_space<vmem>>) target(%dma_start3A_35 : memref<128x16xf32, #tpu.memory_space<vmem_shared>>) target_semaphore(%run_scoped3A : memref<!tpu.dma_semaphore, #tpu.memory_space<semaphore_mem>>)
        %dma_wait3A = arith.constant 0 : i32
        %dma_wait3A_36 = tpu.memref_slice %arg11[%add3A_32, %dma_wait3A] : memref<51200x16xf32, #tpu.memory_space<vmem_shared>> -> memref<128x16xf32, #tpu.memory_space<vmem_shared>>
        %dma_wait3A_37 = arith.constant 0 : i32
        %dma_wait3A_38 = tpu.memref_slice %arg11[%add3A_32, %dma_wait3A_37] : memref<51200x16xf32, #tpu.memory_space<vmem_shared>> -> memref<128x16xf32, #tpu.memory_space<vmem_shared>>
        tpu.wait_dma2 semaphore(%run_scoped3A : memref<!tpu.dma_semaphore, #tpu.memory_space<semaphore_mem>>) src(%arg10 : memref<128x16xf32, #tpu.memory_space<vmem>>) dst(%dma_wait3A_38 : memref<128x16xf32, #tpu.memory_space<vmem_shared>>)
        tpu.yield
      }) : () -> ()
    }
    %scan3A_10 = arith.constant 25 : i32
    %mul3A = arith.constant 16 : i32
    %mul3A_11 = arith.muli %arg0, %mul3A : i32
    %add3A = arith.addi %mul3A_11, %arg1 : i32
    %mul3A_12 = arith.constant 200 : i32
    %mul3A_13 = arith.muli %add3A, %mul3A_12 : i32
    "tpu.region"() ({
      %run_scoped3A = tpu.sem_alloc : memref<!tpu.dma_semaphore, #tpu.memory_space<semaphore_mem>>
      %dma_start3A = arith.constant 0 : i32
      %dma_start3A_27 = tpu.memref_slice %arg3[%mul3A_13, %dma_start3A] : memref<6400x128xi32, #tpu.memory_space<hbm>> -> memref<200x128xi32, #tpu.memory_space<hbm>>
      %dma_start3A_28 = arith.constant 0 : i32
      %dma_start3A_29 = tpu.memref_slice %arg3[%mul3A_13, %dma_start3A_28] : memref<6400x128xi32, #tpu.memory_space<hbm>> -> memref<200x128xi32, #tpu.memory_space<hbm>>
      tpu.enqueue_dma source(%dma_start3A_29 : memref<200x128xi32, #tpu.memory_space<hbm>>) target(%arg7 : memref<200x128xi32, #tpu.memory_space<vmem>>) target_semaphore(%run_scoped3A : memref<!tpu.dma_semaphore, #tpu.memory_space<semaphore_mem>>)
      %dma_wait3A = arith.constant 0 : i32
      %dma_wait3A_30 = tpu.memref_slice %arg3[%mul3A_13, %dma_wait3A] : memref<6400x128xi32, #tpu.memory_space<hbm>> -> memref<200x128xi32, #tpu.memory_space<hbm>>
      %dma_wait3A_31 = arith.constant 0 : i32
      %dma_wait3A_32 = tpu.memref_slice %arg3[%mul3A_13, %dma_wait3A_31] : memref<6400x128xi32, #tpu.memory_space<hbm>> -> memref<200x128xi32, #tpu.memory_space<hbm>>
      tpu.wait_dma2 semaphore(%run_scoped3A : memref<!tpu.dma_semaphore, #tpu.memory_space<semaphore_mem>>) src(%dma_wait3A_32 : memref<200x128xi32, #tpu.memory_space<hbm>>) dst(%arg7 : memref<200x128xi32, #tpu.memory_space<vmem>>)
      tpu.yield
    }) : () -> ()
    "tpu.region"() ({
      %run_scoped3A = tpu.sem_alloc : memref<!tpu.dma_semaphore, #tpu.memory_space<semaphore_mem>>
      %dma_start3A = arith.constant 0 : i32
      %dma_start3A_27 = tpu.memref_slice %arg4[%mul3A_13, %dma_start3A] : memref<6400x128xi32, #tpu.memory_space<hbm>> -> memref<200x128xi32, #tpu.memory_space<hbm>>
      %dma_start3A_28 = arith.constant 0 : i32
      %dma_start3A_29 = tpu.memref_slice %arg4[%mul3A_13, %dma_start3A_28] : memref<6400x128xi32, #tpu.memory_space<hbm>> -> memref<200x128xi32, #tpu.memory_space<hbm>>
      tpu.enqueue_dma source(%dma_start3A_29 : memref<200x128xi32, #tpu.memory_space<hbm>>) target(%arg8 : memref<200x128xi32, #tpu.memory_space<vmem>>) target_semaphore(%run_scoped3A : memref<!tpu.dma_semaphore, #tpu.memory_space<semaphore_mem>>)
      %dma_wait3A = arith.constant 0 : i32
      %dma_wait3A_30 = tpu.memref_slice %arg4[%mul3A_13, %dma_wait3A] : memref<6400x128xi32, #tpu.memory_space<hbm>> -> memref<200x128xi32, #tpu.memory_space<hbm>>
      %dma_wait3A_31 = arith.constant 0 : i32
      %dma_wait3A_32 = tpu.memref_slice %arg4[%mul3A_13, %dma_wait3A_31] : memref<6400x128xi32, #tpu.memory_space<hbm>> -> memref<200x128xi32, #tpu.memory_space<hbm>>
      tpu.wait_dma2 semaphore(%run_scoped3A : memref<!tpu.dma_semaphore, #tpu.memory_space<semaphore_mem>>) src(%dma_wait3A_32 : memref<200x128xi32, #tpu.memory_space<hbm>>) dst(%arg8 : memref<200x128xi32, #tpu.memory_space<vmem>>)
      tpu.yield
    }) : () -> ()
    "tpu.region"() ({
      %run_scoped3A = tpu.sem_alloc : memref<!tpu.dma_semaphore, #tpu.memory_space<semaphore_mem>>
      %dma_start3A = arith.constant 0 : i32
      %dma_start3A_27 = tpu.memref_slice %arg5[%mul3A_13, %dma_start3A] : memref<6400x128xf32, #tpu.memory_space<hbm>> -> memref<200x128xf32, #tpu.memory_space<hbm>>
      %dma_start3A_28 = arith.constant 0 : i32
      %dma_start3A_29 = tpu.memref_slice %arg5[%mul3A_13, %dma_start3A_28] : memref<6400x128xf32, #tpu.memory_space<hbm>> -> memref<200x128xf32, #tpu.memory_space<hbm>>
      tpu.enqueue_dma source(%dma_start3A_29 : memref<200x128xf32, #tpu.memory_space<hbm>>) target(%arg9 : memref<200x128xf32, #tpu.memory_space<vmem>>) target_semaphore(%run_scoped3A : memref<!tpu.dma_semaphore, #tpu.memory_space<semaphore_mem>>)
      %dma_wait3A = arith.constant 0 : i32
      %dma_wait3A_30 = tpu.memref_slice %arg5[%mul3A_13, %dma_wait3A] : memref<6400x128xf32, #tpu.memory_space<hbm>> -> memref<200x128xf32, #tpu.memory_space<hbm>>
      %dma_wait3A_31 = arith.constant 0 : i32
      %dma_wait3A_32 = tpu.memref_slice %arg5[%mul3A_13, %dma_wait3A_31] : memref<6400x128xf32, #tpu.memory_space<hbm>> -> memref<200x128xf32, #tpu.memory_space<hbm>>
      tpu.wait_dma2 semaphore(%run_scoped3A : memref<!tpu.dma_semaphore, #tpu.memory_space<semaphore_mem>>) src(%dma_wait3A_32 : memref<200x128xf32, #tpu.memory_space<hbm>>) dst(%arg9 : memref<200x128xf32, #tpu.memory_space<vmem>>)
      tpu.yield
    }) : () -> ()
    %barrier3A = arith.constant 0 : index
    tpu.barrier barrier_id(%barrier3A)
    %scan3A_14 = arith.constant 0 : i32
    %scan3A_15 = arith.constant 0 : i32
    %scan3A_16 = arith.constant 200 : i32
    %scan3A_17 = arith.addi %scan3A_15, %scan3A_16 : i32
    %scan3A_18 = arith.constant 1 : i32
    scf.for %scan3A_27 = %scan3A_15 to %scan3A_17 step %scan3A_18  : i32 {
      %dma_start3A = arith.constant 0 : i32
      %dma_start3A_28 = tpu.memref_slice %arg7[%scan3A_27, %dma_start3A] : memref<200x128xi32, #tpu.memory_space<vmem>> -> memref<1x128xi32, #tpu.memory_space<vmem>>
      %dma_start3A_29 = tpu.memref_squeeze %dma_start3A_28 : memref<1x128xi32, #tpu.memory_space<vmem>> -> memref<128xi32, #tpu.memory_space<vmem>>
      %dma_start3A_30 = arith.constant 0 : i32
      %dma_start3A_31 = arith.constant 0 : i32
      %dma_start3A_32 = tpu.memref_slice %arg2[%dma_start3A_30, %dma_start3A_31] : memref<51200x16xf32, #tpu.memory_space<hbm>> -> memref<51200x16xf32, #tpu.memory_space<hbm>>
      tpu.enqueue_indirect_dma source(%dma_start3A_32 : memref<51200x16xf32, #tpu.memory_space<hbm>>) target(%arg10 : memref<128x16xf32, #tpu.memory_space<vmem>>) offsets(%dma_start3A_29 : memref<128xi32, #tpu.memory_space<vmem>>) semaphore(%arg12 : memref<!tpu.dma_semaphore, #tpu.memory_space<semaphore_mem>>)
      %dma_wait3A = arith.constant 0 : i32
      %dma_wait3A_33 = tpu.memref_slice %arg7[%scan3A_27, %dma_wait3A] : memref<200x128xi32, #tpu.memory_space<vmem>> -> memref<1x128xi32, #tpu.memory_space<vmem>>
      %dma_wait3A_34 = tpu.memref_squeeze %dma_wait3A_33 : memref<1x128xi32, #tpu.memory_space<vmem>> -> memref<128xi32, #tpu.memory_space<vmem>>
      %dma_wait3A_35 = arith.constant 0 : i32
      %dma_wait3A_36 = arith.constant 0 : i32
      %dma_wait3A_37 = tpu.memref_slice %arg2[%dma_wait3A_35, %dma_wait3A_36] : memref<51200x16xf32, #tpu.memory_space<hbm>> -> memref<51200x16xf32, #tpu.memory_space<hbm>>
      tpu.wait_indirect_dma semaphore(%arg12 : memref<!tpu.dma_semaphore, #tpu.memory_space<semaphore_mem>>) src(%dma_wait3A_37 : memref<51200x16xf32, #tpu.memory_space<hbm>>) dst(%arg10 : memref<128x16xf32, #tpu.memory_space<vmem>>)
      %scan3A_38 = arith.constant 0 : i32
      %scan3A_39 = arith.constant 0 : i32
      %scan3A_40 = arith.constant 8 : i32
      %scan3A_41 = arith.addi %scan3A_39, %scan3A_40 : i32
      %scan3A_42 = arith.constant 1 : i32
      scf.for %scan3A_44 = %scan3A_39 to %scan3A_41 step %scan3A_42  : i32 {
        %mul3A_45 = arith.constant 16 : i32
        %mul3A_46 = arith.muli %scan3A_44, %mul3A_45 : i32
        %get3A = arith.index_cast %scan3A_27 : i32 to index
        %get3A_47 = arith.index_cast %mul3A_46 : i32 to index
        %get3A_48 = tpu.vector_load %arg9[%get3A, %get3A_47] {strides = array<i32>} : memref<200x128xf32, #tpu.memory_space<vmem>>, vector<1x16xf32>,
        %get3A_49 = vector.shape_cast %get3A_48 : vector<1x16xf32> to vector<16xf32>
        %slice3A = vector.extract_strided_slice %get3A_49 {offsets = [0], sizes = [1], strides = [1]} : vector<16xf32> to vector<1xf32>
        %squeeze3A = vector.extract %slice3A[0] : f32 from vector<1xf32>
        %mul3A_50 = arith.constant 16 : i32
        %mul3A_51 = arith.muli %scan3A_44, %mul3A_50 : i32
        %add3A_52 = arith.constant 0 : i32
        %add3A_53 = arith.addi %mul3A_51, %add3A_52 : i32
        %get3A_54 = arith.index_cast %add3A_53 : i32 to index
        %get3A_55 = arith.constant 0 : index
        %get3A_56 = tpu.vector_load %arg10[%get3A_54, %get3A_55] {strides = array<i32>} : memref<128x16xf32, #tpu.memory_space<vmem>>, vector<1x16xf32>,
        %get3A_57 = vector.shape_cast %get3A_56 : vector<1x16xf32> to vector<16xf32>
        %mul3A_58 = vector.broadcast %squeeze3A : f32 to vector<16xf32>
        %mul3A_59 = arith.mulf %get3A_57, %mul3A_58 : vector<16xf32>
        %swap3A = arith.index_cast %add3A_53 : i32 to index
        %swap3A_60 = arith.constant 0 : index
        %swap3A_61 = tpu.vector_load %arg10[%swap3A, %swap3A_60] {strides = array<i32>} : memref<128x16xf32, #tpu.memory_space<vmem>>, vector<1x16xf32>,
        %swap3A_62 = vector.shape_cast %swap3A_61 : vector<1x16xf32> to vector<16xf32>
        %swap3A_63 = vector.shape_cast %mul3A_59 : vector<16xf32> to vector<1x16xf32>
        tpu.vector_store %arg10[%swap3A, %swap3A_60], %swap3A_63 {strides = array<i32>} : memref<128x16xf32, #tpu.memory_space<vmem>>, vector<1x16xf32>,
        %slice3A_64 = vector.extract_strided_slice %get3A_49 {offsets = [1], sizes = [1], strides = [1]} : vector<16xf32> to vector<1xf32>
        %squeeze3A_65 = vector.extract %slice3A_64[0] : f32 from vector<1xf32>
        %mul3A_66 = arith.constant 16 : i32
        %mul3A_67 = arith.muli %scan3A_44, %mul3A_66 : i32
        %add3A_68 = arith.constant 1 : i32
        %add3A_69 = arith.addi %mul3A_67, %add3A_68 : i32
        %get3A_70 = arith.index_cast %add3A_69 : i32 to index
        %get3A_71 = arith.constant 0 : index
        %get3A_72 = tpu.vector_load %arg10[%get3A_70, %get3A_71] {strides = array<i32>} : memref<128x16xf32, #tpu.memory_space<vmem>>, vector<1x16xf32>,
        %get3A_73 = vector.shape_cast %get3A_72 : vector<1x16xf32> to vector<16xf32>
        %mul3A_74 = vector.broadcast %squeeze3A_65 : f32 to vector<16xf32>
        %mul3A_75 = arith.mulf %get3A_73, %mul3A_74 : vector<16xf32>
        %swap3A_76 = arith.index_cast %add3A_69 : i32 to index
        %swap3A_77 = arith.constant 0 : index
        %swap3A_78 = tpu.vector_load %arg10[%swap3A_76, %swap3A_77] {strides = array<i32>} : memref<128x16xf32, #tpu.memory_space<vmem>>, vector<1x16xf32>,
        %swap3A_79 = vector.shape_cast %swap3A_78 : vector<1x16xf32> to vector<16xf32>
        %swap3A_80 = vector.shape_cast %mul3A_75 : vector<16xf32> to vector<1x16xf32>
        tpu.vector_store %arg10[%swap3A_76, %swap3A_77], %swap3A_80 {strides = array<i32>} : memref<128x16xf32, #tpu.memory_space<vmem>>, vector<1x16xf32>,
        %slice3A_81 = vector.extract_strided_slice %get3A_49 {offsets = [2], sizes = [1], strides = [1]} : vector<16xf32> to vector<1xf32>
        %squeeze3A_82 = vector.extract %slice3A_81[0] : f32 from vector<1xf32>
        %mul3A_83 = arith.constant 16 : i32
        %mul3A_84 = arith.muli %scan3A_44, %mul3A_83 : i32
        %add3A_85 = arith.constant 2 : i32
        %add3A_86 = arith.addi %mul3A_84, %add3A_85 : i32
        %get3A_87 = arith.index_cast %add3A_86 : i32 to index
        %get3A_88 = arith.constant 0 : index
        %get3A_89 = tpu.vector_load %arg10[%get3A_87, %get3A_88] {strides = array<i32>} : memref<128x16xf32, #tpu.memory_space<vmem>>, vector<1x16xf32>,
        %get3A_90 = vector.shape_cast %get3A_89 : vector<1x16xf32> to vector<16xf32>
        %mul3A_91 = vector.broadcast %squeeze3A_82 : f32 to vector<16xf32>
        %mul3A_92 = arith.mulf %get3A_90, %mul3A_91 : vector<16xf32>
        %swap3A_93 = arith.index_cast %add3A_86 : i32 to index
        %swap3A_94 = arith.constant 0 : index
        %swap3A_95 = tpu.vector_load %arg10[%swap3A_93, %swap3A_94] {strides = array<i32>} : memref<128x16xf32, #tpu.memory_space<vmem>>, vector<1x16xf32>,
        %swap3A_96 = vector.shape_cast %swap3A_95 : vector<1x16xf32> to vector<16xf32>
        %swap3A_97 = vector.shape_cast %mul3A_92 : vector<16xf32> to vector<1x16xf32>
        tpu.vector_store %arg10[%swap3A_93, %swap3A_94], %swap3A_97 {strides = array<i32>} : memref<128x16xf32, #tpu.memory_space<vmem>>, vector<1x16xf32>,
        %slice3A_98 = vector.extract_strided_slice %get3A_49 {offsets = [3], sizes = [1], strides = [1]} : vector<16xf32> to vector<1xf32>
        %squeeze3A_99 = vector.extract %slice3A_98[0] : f32 from vector<1xf32>
        %mul3A_100 = arith.constant 16 : i32
        %mul3A_101 = arith.muli %scan3A_44, %mul3A_100 : i32
        %add3A_102 = arith.constant 3 : i32
        %add3A_103 = arith.addi %mul3A_101, %add3A_102 : i32
        %get3A_104 = arith.index_cast %add3A_103 : i32 to index
        %get3A_105 = arith.constant 0 : index
        %get3A_106 = tpu.vector_load %arg10[%get3A_104, %get3A_105] {strides = array<i32>} : memref<128x16xf32, #tpu.memory_space<vmem>>, vector<1x16xf32>,
        %get3A_107 = vector.shape_cast %get3A_106 : vector<1x16xf32> to vector<16xf32>
        %mul3A_108 = vector.broadcast %squeeze3A_99 : f32 to vector<16xf32>
        %mul3A_109 = arith.mulf %get3A_107, %mul3A_108 : vector<16xf32>
        %swap3A_110 = arith.index_cast %add3A_103 : i32 to index
        %swap3A_111 = arith.constant 0 : index
        %swap3A_112 = tpu.vector_load %arg10[%swap3A_110, %swap3A_111] {strides = array<i32>} : memref<128x16xf32, #tpu.memory_space<vmem>>, vector<1x16xf32>,
        %swap3A_113 = vector.shape_cast %swap3A_112 : vector<1x16xf32> to vector<16xf32>
        %swap3A_114 = vector.shape_cast %mul3A_109 : vector<16xf32> to vector<1x16xf32>
        tpu.vector_store %arg10[%swap3A_110, %swap3A_111], %swap3A_114 {strides = array<i32>} : memref<128x16xf32, #tpu.memory_space<vmem>>, vector<1x16xf32>,
        %slice3A_115 = vector.extract_strided_slice %get3A_49 {offsets = [4], sizes = [1], strides = [1]} : vector<16xf32> to vector<1xf32>
        %squeeze3A_116 = vector.extract %slice3A_115[0] : f32 from vector<1xf32>
        %mul3A_117 = arith.constant 16 : i32
        %mul3A_118 = arith.muli %scan3A_44, %mul3A_117 : i32
        %add3A_119 = arith.constant 4 : i32
        %add3A_120 = arith.addi %mul3A_118, %add3A_119 : i32
        %get3A_121 = arith.index_cast %add3A_120 : i32 to index
        %get3A_122 = arith.constant 0 : index
        %get3A_123 = tpu.vector_load %arg10[%get3A_121, %get3A_122] {strides = array<i32>} : memref<128x16xf32, #tpu.memory_space<vmem>>, vector<1x16xf32>,
        %get3A_124 = vector.shape_cast %get3A_123 : vector<1x16xf32> to vector<16xf32>
        %mul3A_125 = vector.broadcast %squeeze3A_116 : f32 to vector<16xf32>
        %mul3A_126 = arith.mulf %get3A_124, %mul3A_125 : vector<16xf32>
        %swap3A_127 = arith.index_cast %add3A_120 : i32 to index
        %swap3A_128 = arith.constant 0 : index
        %swap3A_129 = tpu.vector_load %arg10[%swap3A_127, %swap3A_128] {strides = array<i32>} : memref<128x16xf32, #tpu.memory_space<vmem>>, vector<1x16xf32>,
        %swap3A_130 = vector.shape_cast %swap3A_129 : vector<1x16xf32> to vector<16xf32>
        %swap3A_131 = vector.shape_cast %mul3A_126 : vector<16xf32> to vector<1x16xf32>
        tpu.vector_store %arg10[%swap3A_127, %swap3A_128], %swap3A_131 {strides = array<i32>} : memref<128x16xf32, #tpu.memory_space<vmem>>, vector<1x16xf32>,
        %slice3A_132 = vector.extract_strided_slice %get3A_49 {offsets = [5], sizes = [1], strides = [1]} : vector<16xf32> to vector<1xf32>
        %squeeze3A_133 = vector.extract %slice3A_132[0] : f32 from vector<1xf32>
        %mul3A_134 = arith.constant 16 : i32
        %mul3A_135 = arith.muli %scan3A_44, %mul3A_134 : i32
        %add3A_136 = arith.constant 5 : i32
        %add3A_137 = arith.addi %mul3A_135, %add3A_136 : i32
        %get3A_138 = arith.index_cast %add3A_137 : i32 to index
        %get3A_139 = arith.constant 0 : index
        %get3A_140 = tpu.vector_load %arg10[%get3A_138, %get3A_139] {strides = array<i32>} : memref<128x16xf32, #tpu.memory_space<vmem>>, vector<1x16xf32>,
        %get3A_141 = vector.shape_cast %get3A_140 : vector<1x16xf32> to vector<16xf32>
        %mul3A_142 = vector.broadcast %squeeze3A_133 : f32 to vector<16xf32>
        %mul3A_143 = arith.mulf %get3A_141, %mul3A_142 : vector<16xf32>
        %swap3A_144 = arith.index_cast %add3A_137 : i32 to index
        %swap3A_145 = arith.constant 0 : index
        %swap3A_146 = tpu.vector_load %arg10[%swap3A_144, %swap3A_145] {strides = array<i32>} : memref<128x16xf32, #tpu.memory_space<vmem>>, vector<1x16xf32>,
        %swap3A_147 = vector.shape_cast %swap3A_146 : vector<1x16xf32> to vector<16xf32>
        %swap3A_148 = vector.shape_cast %mul3A_143 : vector<16xf32> to vector<1x16xf32>
        tpu.vector_store %arg10[%swap3A_144, %swap3A_145], %swap3A_148 {strides = array<i32>} : memref<128x16xf32, #tpu.memory_space<vmem>>, vector<1x16xf32>,
        %slice3A_149 = vector.extract_strided_slice %get3A_49 {offsets = [6], sizes = [1], strides = [1]} : vector<16xf32> to vector<1xf32>
        %squeeze3A_150 = vector.extract %slice3A_149[0] : f32 from vector<1xf32>
        %mul3A_151 = arith.constant 16 : i32
        %mul3A_152 = arith.muli %scan3A_44, %mul3A_151 : i32
        %add3A_153 = arith.constant 6 : i32
        %add3A_154 = arith.addi %mul3A_152, %add3A_153 : i32
        %get3A_155 = arith.index_cast %add3A_154 : i32 to index
        %get3A_156 = arith.constant 0 : index
        %get3A_157 = tpu.vector_load %arg10[%get3A_155, %get3A_156] {strides = array<i32>} : memref<128x16xf32, #tpu.memory_space<vmem>>, vector<1x16xf32>,
        %get3A_158 = vector.shape_cast %get3A_157 : vector<1x16xf32> to vector<16xf32>
        %mul3A_159 = vector.broadcast %squeeze3A_150 : f32 to vector<16xf32>
        %mul3A_160 = arith.mulf %get3A_158, %mul3A_159 : vector<16xf32>
        %swap3A_161 = arith.index_cast %add3A_154 : i32 to index
        %swap3A_162 = arith.constant 0 : index
        %swap3A_163 = tpu.vector_load %arg10[%swap3A_161, %swap3A_162] {strides = array<i32>} : memref<128x16xf32, #tpu.memory_space<vmem>>, vector<1x16xf32>,
        %swap3A_164 = vector.shape_cast %swap3A_163 : vector<1x16xf32> to vector<16xf32>
        %swap3A_165 = vector.shape_cast %mul3A_160 : vector<16xf32> to vector<1x16xf32>
        tpu.vector_store %arg10[%swap3A_161, %swap3A_162], %swap3A_165 {strides = array<i32>} : memref<128x16xf32, #tpu.memory_space<vmem>>, vector<1x16xf32>,
        %slice3A_166 = vector.extract_strided_slice %get3A_49 {offsets = [7], sizes = [1], strides = [1]} : vector<16xf32> to vector<1xf32>
        %squeeze3A_167 = vector.extract %slice3A_166[0] : f32 from vector<1xf32>
        %mul3A_168 = arith.constant 16 : i32
        %mul3A_169 = arith.muli %scan3A_44, %mul3A_168 : i32
        %add3A_170 = arith.constant 7 : i32
        %add3A_171 = arith.addi %mul3A_169, %add3A_170 : i32
        %get3A_172 = arith.index_cast %add3A_171 : i32 to index
        %get3A_173 = arith.constant 0 : index
        %get3A_174 = tpu.vector_load %arg10[%get3A_172, %get3A_173] {strides = array<i32>} : memref<128x16xf32, #tpu.memory_space<vmem>>, vector<1x16xf32>,
        %get3A_175 = vector.shape_cast %get3A_174 : vector<1x16xf32> to vector<16xf32>
        %mul3A_176 = vector.broadcast %squeeze3A_167 : f32 to vector<16xf32>
        %mul3A_177 = arith.mulf %get3A_175, %mul3A_176 : vector<16xf32>
        %swap3A_178 = arith.index_cast %add3A_171 : i32 to index
        %swap3A_179 = arith.constant 0 : index
        %swap3A_180 = tpu.vector_load %arg10[%swap3A_178, %swap3A_179] {strides = array<i32>} : memref<128x16xf32, #tpu.memory_space<vmem>>, vector<1x16xf32>,
        %swap3A_181 = vector.shape_cast %swap3A_180 : vector<1x16xf32> to vector<16xf32>
        %swap3A_182 = vector.shape_cast %mul3A_177 : vector<16xf32> to vector<1x16xf32>
        tpu.vector_store %arg10[%swap3A_178, %swap3A_179], %swap3A_182 {strides = array<i32>} : memref<128x16xf32, #tpu.memory_space<vmem>>, vector<1x16xf32>,
        %slice3A_183 = vector.extract_strided_slice %get3A_49 {offsets = [8], sizes = [1], strides = [1]} : vector<16xf32> to vector<1xf32>
        %squeeze3A_184 = vector.extract %slice3A_183[0] : f32 from vector<1xf32>
        %mul3A_185 = arith.constant 16 : i32
        %mul3A_186 = arith.muli %scan3A_44, %mul3A_185 : i32
        %add3A_187 = arith.constant 8 : i32
        %add3A_188 = arith.addi %mul3A_186, %add3A_187 : i32
        %get3A_189 = arith.index_cast %add3A_188 : i32 to index
        %get3A_190 = arith.constant 0 : index
        %get3A_191 = tpu.vector_load %arg10[%get3A_189, %get3A_190] {strides = array<i32>} : memref<128x16xf32, #tpu.memory_space<vmem>>, vector<1x16xf32>,
        %get3A_192 = vector.shape_cast %get3A_191 : vector<1x16xf32> to vector<16xf32>
        %mul3A_193 = vector.broadcast %squeeze3A_184 : f32 to vector<16xf32>
        %mul3A_194 = arith.mulf %get3A_192, %mul3A_193 : vector<16xf32>
        %swap3A_195 = arith.index_cast %add3A_188 : i32 to index
        %swap3A_196 = arith.constant 0 : index
        %swap3A_197 = tpu.vector_load %arg10[%swap3A_195, %swap3A_196] {strides = array<i32>} : memref<128x16xf32, #tpu.memory_space<vmem>>, vector<1x16xf32>,
        %swap3A_198 = vector.shape_cast %swap3A_197 : vector<1x16xf32> to vector<16xf32>
        %swap3A_199 = vector.shape_cast %mul3A_194 : vector<16xf32> to vector<1x16xf32>
        tpu.vector_store %arg10[%swap3A_195, %swap3A_196], %swap3A_199 {strides = array<i32>} : memref<128x16xf32, #tpu.memory_space<vmem>>, vector<1x16xf32>,
        %slice3A_200 = vector.extract_strided_slice %get3A_49 {offsets = [9], sizes = [1], strides = [1]} : vector<16xf32> to vector<1xf32>
        %squeeze3A_201 = vector.extract %slice3A_200[0] : f32 from vector<1xf32>
        %mul3A_202 = arith.constant 16 : i32
        %mul3A_203 = arith.muli %scan3A_44, %mul3A_202 : i32
        %add3A_204 = arith.constant 9 : i32
        %add3A_205 = arith.addi %mul3A_203, %add3A_204 : i32
        %get3A_206 = arith.index_cast %add3A_205 : i32 to index
        %get3A_207 = arith.constant 0 : index
        %get3A_208 = tpu.vector_load %arg10[%get3A_206, %get3A_207] {strides = array<i32>} : memref<128x16xf32, #tpu.memory_space<vmem>>, vector<1x16xf32>,
        %get3A_209 = vector.shape_cast %get3A_208 : vector<1x16xf32> to vector<16xf32>
        %mul3A_210 = vector.broadcast %squeeze3A_201 : f32 to vector<16xf32>
        %mul3A_211 = arith.mulf %get3A_209, %mul3A_210 : vector<16xf32>
        %swap3A_212 = arith.index_cast %add3A_205 : i32 to index
        %swap3A_213 = arith.constant 0 : index
        %swap3A_214 = tpu.vector_load %arg10[%swap3A_212, %swap3A_213] {strides = array<i32>} : memref<128x16xf32, #tpu.memory_space<vmem>>, vector<1x16xf32>,
        %swap3A_215 = vector.shape_cast %swap3A_214 : vector<1x16xf32> to vector<16xf32>
        %swap3A_216 = vector.shape_cast %mul3A_211 : vector<16xf32> to vector<1x16xf32>
        tpu.vector_store %arg10[%swap3A_212, %swap3A_213], %swap3A_216 {strides = array<i32>} : memref<128x16xf32, #tpu.memory_space<vmem>>, vector<1x16xf32>,
        %slice3A_217 = vector.extract_strided_slice %get3A_49 {offsets = [10], sizes = [1], strides = [1]} : vector<16xf32> to vector<1xf32>
        %squeeze3A_218 = vector.extract %slice3A_217[0] : f32 from vector<1xf32>
        %mul3A_219 = arith.constant 16 : i32
        %mul3A_220 = arith.muli %scan3A_44, %mul3A_219 : i32
        %add3A_221 = arith.constant 10 : i32
        %add3A_222 = arith.addi %mul3A_220, %add3A_221 : i32
        %get3A_223 = arith.index_cast %add3A_222 : i32 to index
        %get3A_224 = arith.constant 0 : index
        %get3A_225 = tpu.vector_load %arg10[%get3A_223, %get3A_224] {strides = array<i32>} : memref<128x16xf32, #tpu.memory_space<vmem>>, vector<1x16xf32>,
        %get3A_226 = vector.shape_cast %get3A_225 : vector<1x16xf32> to vector<16xf32>
        %mul3A_227 = vector.broadcast %squeeze3A_218 : f32 to vector<16xf32>
        %mul3A_228 = arith.mulf %get3A_226, %mul3A_227 : vector<16xf32>
        %swap3A_229 = arith.index_cast %add3A_222 : i32 to index
        %swap3A_230 = arith.constant 0 : index
        %swap3A_231 = tpu.vector_load %arg10[%swap3A_229, %swap3A_230] {strides = array<i32>} : memref<128x16xf32, #tpu.memory_space<vmem>>, vector<1x16xf32>,
        %swap3A_232 = vector.shape_cast %swap3A_231 : vector<1x16xf32> to vector<16xf32>
        %swap3A_233 = vector.shape_cast %mul3A_228 : vector<16xf32> to vector<1x16xf32>
        tpu.vector_store %arg10[%swap3A_229, %swap3A_230], %swap3A_233 {strides = array<i32>} : memref<128x16xf32, #tpu.memory_space<vmem>>, vector<1x16xf32>,
        %slice3A_234 = vector.extract_strided_slice %get3A_49 {offsets = [11], sizes = [1], strides = [1]} : vector<16xf32> to vector<1xf32>
        %squeeze3A_235 = vector.extract %slice3A_234[0] : f32 from vector<1xf32>
        %mul3A_236 = arith.constant 16 : i32
        %mul3A_237 = arith.muli %scan3A_44, %mul3A_236 : i32
        %add3A_238 = arith.constant 11 : i32
        %add3A_239 = arith.addi %mul3A_237, %add3A_238 : i32
        %get3A_240 = arith.index_cast %add3A_239 : i32 to index
        %get3A_241 = arith.constant 0 : index
        %get3A_242 = tpu.vector_load %arg10[%get3A_240, %get3A_241] {strides = array<i32>} : memref<128x16xf32, #tpu.memory_space<vmem>>, vector<1x16xf32>,
        %get3A_243 = vector.shape_cast %get3A_242 : vector<1x16xf32> to vector<16xf32>
        %mul3A_244 = vector.broadcast %squeeze3A_235 : f32 to vector<16xf32>
        %mul3A_245 = arith.mulf %get3A_243, %mul3A_244 : vector<16xf32>
        %swap3A_246 = arith.index_cast %add3A_239 : i32 to index
        %swap3A_247 = arith.constant 0 : index
        %swap3A_248 = tpu.vector_load %arg10[%swap3A_246, %swap3A_247] {strides = array<i32>} : memref<128x16xf32, #tpu.memory_space<vmem>>, vector<1x16xf32>,
        %swap3A_249 = vector.shape_cast %swap3A_248 : vector<1x16xf32> to vector<16xf32>
        %swap3A_250 = vector.shape_cast %mul3A_245 : vector<16xf32> to vector<1x16xf32>
        tpu.vector_store %arg10[%swap3A_246, %swap3A_247], %swap3A_250 {strides = array<i32>} : memref<128x16xf32, #tpu.memory_space<vmem>>, vector<1x16xf32>,
        %slice3A_251 = vector.extract_strided_slice %get3A_49 {offsets = [12], sizes = [1], strides = [1]} : vector<16xf32> to vector<1xf32>
        %squeeze3A_252 = vector.extract %slice3A_251[0] : f32 from vector<1xf32>
        %mul3A_253 = arith.constant 16 : i32
        %mul3A_254 = arith.muli %scan3A_44, %mul3A_253 : i32
        %add3A_255 = arith.constant 12 : i32
        %add3A_256 = arith.addi %mul3A_254, %add3A_255 : i32
        %get3A_257 = arith.index_cast %add3A_256 : i32 to index
        %get3A_258 = arith.constant 0 : index
        %get3A_259 = tpu.vector_load %arg10[%get3A_257, %get3A_258] {strides = array<i32>} : memref<128x16xf32, #tpu.memory_space<vmem>>, vector<1x16xf32>,
        %get3A_260 = vector.shape_cast %get3A_259 : vector<1x16xf32> to vector<16xf32>
        %mul3A_261 = vector.broadcast %squeeze3A_252 : f32 to vector<16xf32>
        %mul3A_262 = arith.mulf %get3A_260, %mul3A_261 : vector<16xf32>
        %swap3A_263 = arith.index_cast %add3A_256 : i32 to index
        %swap3A_264 = arith.constant 0 : index
        %swap3A_265 = tpu.vector_load %arg10[%swap3A_263, %swap3A_264] {strides = array<i32>} : memref<128x16xf32, #tpu.memory_space<vmem>>, vector<1x16xf32>,
        %swap3A_266 = vector.shape_cast %swap3A_265 : vector<1x16xf32> to vector<16xf32>
        %swap3A_267 = vector.shape_cast %mul3A_262 : vector<16xf32> to vector<1x16xf32>
        tpu.vector_store %arg10[%swap3A_263, %swap3A_264], %swap3A_267 {strides = array<i32>} : memref<128x16xf32, #tpu.memory_space<vmem>>, vector<1x16xf32>,
        %slice3A_268 = vector.extract_strided_slice %get3A_49 {offsets = [13], sizes = [1], strides = [1]} : vector<16xf32> to vector<1xf32>
        %squeeze3A_269 = vector.extract %slice3A_268[0] : f32 from vector<1xf32>
        %mul3A_270 = arith.constant 16 : i32
        %mul3A_271 = arith.muli %scan3A_44, %mul3A_270 : i32
        %add3A_272 = arith.constant 13 : i32
        %add3A_273 = arith.addi %mul3A_271, %add3A_272 : i32
        %get3A_274 = arith.index_cast %add3A_273 : i32 to index
        %get3A_275 = arith.constant 0 : index
        %get3A_276 = tpu.vector_load %arg10[%get3A_274, %get3A_275] {strides = array<i32>} : memref<128x16xf32, #tpu.memory_space<vmem>>, vector<1x16xf32>,
        %get3A_277 = vector.shape_cast %get3A_276 : vector<1x16xf32> to vector<16xf32>
        %mul3A_278 = vector.broadcast %squeeze3A_269 : f32 to vector<16xf32>
        %mul3A_279 = arith.mulf %get3A_277, %mul3A_278 : vector<16xf32>
        %swap3A_280 = arith.index_cast %add3A_273 : i32 to index
        %swap3A_281 = arith.constant 0 : index
        %swap3A_282 = tpu.vector_load %arg10[%swap3A_280, %swap3A_281] {strides = array<i32>} : memref<128x16xf32, #tpu.memory_space<vmem>>, vector<1x16xf32>,
        %swap3A_283 = vector.shape_cast %swap3A_282 : vector<1x16xf32> to vector<16xf32>
        %swap3A_284 = vector.shape_cast %mul3A_279 : vector<16xf32> to vector<1x16xf32>
        tpu.vector_store %arg10[%swap3A_280, %swap3A_281], %swap3A_284 {strides = array<i32>} : memref<128x16xf32, #tpu.memory_space<vmem>>, vector<1x16xf32>,
        %slice3A_285 = vector.extract_strided_slice %get3A_49 {offsets = [14], sizes = [1], strides = [1]} : vector<16xf32> to vector<1xf32>
        %squeeze3A_286 = vector.extract %slice3A_285[0] : f32 from vector<1xf32>
        %mul3A_287 = arith.constant 16 : i32
        %mul3A_288 = arith.muli %scan3A_44, %mul3A_287 : i32
        %add3A_289 = arith.constant 14 : i32
        %add3A_290 = arith.addi %mul3A_288, %add3A_289 : i32
        %get3A_291 = arith.index_cast %add3A_290 : i32 to index
        %get3A_292 = arith.constant 0 : index
        %get3A_293 = tpu.vector_load %arg10[%get3A_291, %get3A_292] {strides = array<i32>} : memref<128x16xf32, #tpu.memory_space<vmem>>, vector<1x16xf32>,
        %get3A_294 = vector.shape_cast %get3A_293 : vector<1x16xf32> to vector<16xf32>
        %mul3A_295 = vector.broadcast %squeeze3A_286 : f32 to vector<16xf32>
        %mul3A_296 = arith.mulf %get3A_294, %mul3A_295 : vector<16xf32>
        %swap3A_297 = arith.index_cast %add3A_290 : i32 to index
        %swap3A_298 = arith.constant 0 : index
        %swap3A_299 = tpu.vector_load %arg10[%swap3A_297, %swap3A_298] {strides = array<i32>} : memref<128x16xf32, #tpu.memory_space<vmem>>, vector<1x16xf32>,
        %swap3A_300 = vector.shape_cast %swap3A_299 : vector<1x16xf32> to vector<16xf32>
        %swap3A_301 = vector.shape_cast %mul3A_296 : vector<16xf32> to vector<1x16xf32>
        tpu.vector_store %arg10[%swap3A_297, %swap3A_298], %swap3A_301 {strides = array<i32>} : memref<128x16xf32, #tpu.memory_space<vmem>>, vector<1x16xf32>,
        %slice3A_302 = vector.extract_strided_slice %get3A_49 {offsets = [15], sizes = [1], strides = [1]} : vector<16xf32> to vector<1xf32>
        %squeeze3A_303 = vector.extract %slice3A_302[0] : f32 from vector<1xf32>
        %mul3A_304 = arith.constant 16 : i32
        %mul3A_305 = arith.muli %scan3A_44, %mul3A_304 : i32
        %add3A_306 = arith.constant 15 : i32
        %add3A_307 = arith.addi %mul3A_305, %add3A_306 : i32
        %get3A_308 = arith.index_cast %add3A_307 : i32 to index
        %get3A_309 = arith.constant 0 : index
        %get3A_310 = tpu.vector_load %arg10[%get3A_308, %get3A_309] {strides = array<i32>} : memref<128x16xf32, #tpu.memory_space<vmem>>, vector<1x16xf32>,
        %get3A_311 = vector.shape_cast %get3A_310 : vector<1x16xf32> to vector<16xf32>
        %mul3A_312 = vector.broadcast %squeeze3A_303 : f32 to vector<16xf32>
        %mul3A_313 = arith.mulf %get3A_311, %mul3A_312 : vector<16xf32>
        %swap3A_314 = arith.index_cast %add3A_307 : i32 to index
        %swap3A_315 = arith.constant 0 : index
        %swap3A_316 = tpu.vector_load %arg10[%swap3A_314, %swap3A_315] {strides = array<i32>} : memref<128x16xf32, #tpu.memory_space<vmem>>, vector<1x16xf32>,
        %swap3A_317 = vector.shape_cast %swap3A_316 : vector<1x16xf32> to vector<16xf32>
        %swap3A_318 = vector.shape_cast %mul3A_313 : vector<16xf32> to vector<1x16xf32>
        tpu.vector_store %arg10[%swap3A_314, %swap3A_315], %swap3A_318 {strides = array<i32>} : memref<128x16xf32, #tpu.memory_space<vmem>>, vector<1x16xf32>,
      }
      %scan3A_43 = arith.constant 8 : i32
      "tpu.region"() ({
        %run_scoped3A = tpu.sem_alloc : memref<!tpu.dma_semaphore, #tpu.memory_space<semaphore_mem>>
        %dma_start3A_44 = arith.constant 0 : i32
        %dma_start3A_45 = tpu.memref_slice %arg8[%scan3A_27, %dma_start3A_44] : memref<200x128xi32, #tpu.memory_space<vmem>> -> memref<1x128xi32, #tpu.memory_space<vmem>>
        %dma_start3A_46 = tpu.memref_squeeze %dma_start3A_45 : memref<1x128xi32, #tpu.memory_space<vmem>> -> memref<128xi32, #tpu.memory_space<vmem>>
        %dma_start3A_47 = arith.constant 0 : i32
        %dma_start3A_48 = arith.constant 0 : i32
        %dma_start3A_49 = tpu.memref_slice %arg11[%dma_start3A_47, %dma_start3A_48] : memref<51200x16xf32, #tpu.memory_space<vmem_shared>> -> memref<51200x16xf32, #tpu.memory_space<vmem_shared>>
        tpu.enqueue_indirect_dma source(%arg10 : memref<128x16xf32, #tpu.memory_space<vmem>>) target(%dma_start3A_49 : memref<51200x16xf32, #tpu.memory_space<vmem_shared>>) offsets(%dma_start3A_46 : memref<128xi32, #tpu.memory_space<vmem>>) semaphore(%run_scoped3A : memref<!tpu.dma_semaphore, #tpu.memory_space<semaphore_mem>>) {add = true}
        %dma_wait3A_50 = arith.constant 0 : i32
        %dma_wait3A_51 = tpu.memref_slice %arg8[%scan3A_27, %dma_wait3A_50] : memref<200x128xi32, #tpu.memory_space<vmem>> -> memref<1x128xi32, #tpu.memory_space<vmem>>
        %dma_wait3A_52 = tpu.memref_squeeze %dma_wait3A_51 : memref<1x128xi32, #tpu.memory_space<vmem>> -> memref<128xi32, #tpu.memory_space<vmem>>
        %dma_wait3A_53 = arith.constant 0 : i32
        %dma_wait3A_54 = arith.constant 0 : i32
        %dma_wait3A_55 = tpu.memref_slice %arg11[%dma_wait3A_53, %dma_wait3A_54] : memref<51200x16xf32, #tpu.memory_space<vmem_shared>> -> memref<51200x16xf32, #tpu.memory_space<vmem_shared>>
        tpu.wait_indirect_dma semaphore(%run_scoped3A : memref<!tpu.dma_semaphore, #tpu.memory_space<semaphore_mem>>) src(%arg10 : memref<128x16xf32, #tpu.memory_space<vmem>>) dst(%dma_wait3A_55 : memref<51200x16xf32, #tpu.memory_space<vmem_shared>>)
        tpu.yield
      }) : () -> ()
    }
    %scan3A_19 = arith.constant 200 : i32
    %barrier3A_20 = arith.constant 0 : index
    tpu.barrier barrier_id(%barrier3A_20)
    %scan3A_21 = arith.constant 0 : i32
    %scan3A_22 = arith.constant 0 : i32
    %scan3A_23 = arith.constant 25 : i32
    %scan3A_24 = arith.addi %scan3A_22, %scan3A_23 : i32
    %scan3A_25 = arith.constant 1 : i32
    scf.for %scan3A_27 = %scan3A_22 to %scan3A_24 step %scan3A_25  : i32 {
      %mul3A_28 = arith.constant 3200 : i32
      %mul3A_29 = arith.muli %arg1, %mul3A_28 : i32
      %mul3A_30 = arith.constant 128 : i32
      %mul3A_31 = arith.muli %scan3A_27, %mul3A_30 : i32
      %add3A_32 = arith.addi %mul3A_29, %mul3A_31 : i32
      "tpu.region"() ({
        %run_scoped3A = tpu.sem_alloc : memref<!tpu.dma_semaphore, #tpu.memory_space<semaphore_mem>>
        %dma_start3A = arith.constant 0 : i32
        %dma_start3A_33 = tpu.memref_slice %arg11[%add3A_32, %dma_start3A] : memref<51200x16xf32, #tpu.memory_space<vmem_shared>> -> memref<128x16xf32, #tpu.memory_space<vmem_shared>>
        %dma_start3A_34 = arith.constant 0 : i32
        %dma_start3A_35 = tpu.memref_slice %arg11[%add3A_32, %dma_start3A_34] : memref<51200x16xf32, #tpu.memory_space<vmem_shared>> -> memref<128x16xf32, #tpu.memory_space<vmem_shared>>
        tpu.enqueue_dma source(%dma_start3A_35 : memref<128x16xf32, #tpu.memory_space<vmem_shared>>) target(%arg10 : memref<128x16xf32, #tpu.memory_space<vmem>>) target_semaphore(%run_scoped3A : memref<!tpu.dma_semaphore, #tpu.memory_space<semaphore_mem>>)
        %dma_wait3A = arith.constant 0 : i32
        %dma_wait3A_36 = tpu.memref_slice %arg11[%add3A_32, %dma_wait3A] : memref<51200x16xf32, #tpu.memory_space<vmem_shared>> -> memref<128x16xf32, #tpu.memory_space<vmem_shared>>
        %dma_wait3A_37 = arith.constant 0 : i32
        %dma_wait3A_38 = tpu.memref_slice %arg11[%add3A_32, %dma_wait3A_37] : memref<51200x16xf32, #tpu.memory_space<vmem_shared>> -> memref<128x16xf32, #tpu.memory_space<vmem_shared>>
        tpu.wait_dma2 semaphore(%run_scoped3A : memref<!tpu.dma_semaphore, #tpu.memory_space<semaphore_mem>>) src(%dma_wait3A_38 : memref<128x16xf32, #tpu.memory_space<vmem_shared>>) dst(%arg10 : memref<128x16xf32, #tpu.memory_space<vmem>>)
        tpu.yield
      }) : () -> ()
      "tpu.region"() ({
        %run_scoped3A = tpu.sem_alloc : memref<!tpu.dma_semaphore, #tpu.memory_space<semaphore_mem>>
        %dma_start3A = arith.constant 0 : i32
        %dma_start3A_33 = tpu.memref_slice %arg6[%arg0, %add3A_32, %dma_start3A] : memref<2x51200x16xf32, #tpu.memory_space<hbm>> -> memref<1x128x16xf32, #tpu.memory_space<hbm>>
        %dma_start3A_34 = tpu.memref_squeeze %dma_start3A_33 : memref<1x128x16xf32, #tpu.memory_space<hbm>> -> memref<128x16xf32, #tpu.memory_space<hbm>>
        %dma_start3A_35 = arith.constant 0 : i32
        %dma_start3A_36 = tpu.memref_slice %arg6[%arg0, %add3A_32, %dma_start3A_35] : memref<2x51200x16xf32, #tpu.memory_space<hbm>> -> memref<1x128x16xf32, #tpu.memory_space<hbm>>
        %dma_start3A_37 = tpu.memref_squeeze %dma_start3A_36 : memref<1x128x16xf32, #tpu.memory_space<hbm>> -> memref<128x16xf32, #tpu.memory_space<hbm>>
        tpu.enqueue_dma source(%arg10 : memref<128x16xf32, #tpu.memory_space<vmem>>) target(%dma_start3A_37 : memref<128x16xf32, #tpu.memory_space<hbm>>) target_semaphore(%run_scoped3A : memref<!tpu.dma_semaphore, #tpu.memory_space<semaphore_mem>>)
        %dma_wait3A = arith.constant 0 : i32
        %dma_wait3A_38 = tpu.memref_slice %arg6[%arg0, %add3A_32, %dma_wait3A] : memref<2x51200x16xf32, #tpu.memory_space<hbm>> -> memref<1x128x16xf32, #tpu.memory_space<hbm>>
        %dma_wait3A_39 = tpu.memref_squeeze %dma_wait3A_38 : memref<1x128x16xf32, #tpu.memory_space<hbm>> -> memref<128x16xf32, #tpu.memory_space<hbm>>
        %dma_wait3A_40 = arith.constant 0 : i32
        %dma_wait3A_41 = tpu.memref_slice %arg6[%arg0, %add3A_32, %dma_wait3A_40] : memref<2x51200x16xf32, #tpu.memory_space<hbm>> -> memref<1x128x16xf32, #tpu.memory_space<hbm>>
        %dma_wait3A_42 = tpu.memref_squeeze %dma_wait3A_41 : memref<1x128x16xf32, #tpu.memory_space<hbm>> -> memref<128x16xf32, #tpu.memory_space<hbm>>
        tpu.wait_dma2 semaphore(%run_scoped3A : memref<!tpu.dma_semaphore, #tpu.memory_space<semaphore_mem>>) src(%arg10 : memref<128x16xf32, #tpu.memory_space<vmem>>) dst(%dma_wait3A_42 : memref<128x16xf32, #tpu.memory_space<hbm>>)
        tpu.yield
      }) : () -> ()
    }
    %scan3A_26 = arith.constant 25 : i32
    return
  }
}

#map = affine_map<(d0, d1) -> (0, 0)>
#map1 = affine_map<(d0, d1) -> (0, 0, 0)>
module attributes {stable_mosaic.version = 14 : i64} {
  func.func @sc_agg(%arg0: i32, %arg1: i32, %arg2: memref<51200x16xf32, #tpu.memory_space<hbm>>, %arg3: memref<6400x128xi32, #tpu.memory_space<hbm>>, %arg4: memref<6400x128xi32, #tpu.memory_space<hbm>>, %arg5: memref<6400x128xf32, #tpu.memory_space<hbm>>, %arg6: memref<2x51200x16xf32, #tpu.memory_space<hbm>>, %arg7: memref<200x128xi32, #tpu.memory_space<vmem>>, %arg8: memref<200x128xi32, #tpu.memory_space<vmem>>, %arg9: memref<200x128xf32, #tpu.memory_space<vmem>>, %arg10: memref<128x16xf32, #tpu.memory_space<vmem>>, %arg11: memref<51200x16xf32, #tpu.memory_space<vmem_shared>>, %arg12: memref<!tpu.dma_semaphore, #tpu.memory_space<semaphore_mem>>) attributes {dimension_semantics = [#tpu.dimension_semantics<core_parallel>, #tpu.dimension_semantics<subcore_parallel>], iteration_bounds = array<i64: 2, 16>, scalar_prefetch = 0 : i64, scratch_operands = 6 : i64, tpu.core_type = #tpu.core_type<sc_vector_subcore>, window_params = [{transform_indices = #map}, {transform_indices = #map}, {transform_indices = #map}, {transform_indices = #map}, {transform_indices = #map1}]} {
    %scan3A = arith.constant 0 : i32
    %scan3A_0 = arith.constant 0 : i32
    %scan3A_1 = arith.constant 128 : i32
    %scan3A_2 = arith.addi %scan3A_0, %scan3A_1 : i32
    %scan3A_3 = arith.constant 1 : i32
    scf.for %scan3A_27 = %scan3A_0 to %scan3A_2 step %scan3A_3  : i32 {
      %broadcast_in_dim3A = arith.constant 0.000000e+00 : f32
      %broadcast_in_dim3A_28 = vector.broadcast %broadcast_in_dim3A : f32 to vector<16xf32>
      %swap3A = arith.index_cast %scan3A_27 : i32 to index
      %swap3A_29 = arith.constant 0 : index
      %swap3A_30 = tpu.vector_load %arg10[%swap3A, %swap3A_29] {strides = array<i32>} : memref<128x16xf32, #tpu.memory_space<vmem>>, vector<1x16xf32>,
      %swap3A_31 = vector.shape_cast %swap3A_30 : vector<1x16xf32> to vector<16xf32>
      %swap3A_32 = vector.shape_cast %broadcast_in_dim3A_28 : vector<16xf32> to vector<1x16xf32>
      tpu.vector_store %arg10[%swap3A, %swap3A_29], %swap3A_32 {strides = array<i32>} : memref<128x16xf32, #tpu.memory_space<vmem>>, vector<1x16xf32>,
    }
    %scan3A_4 = arith.constant 128 : i32
    %scan3A_5 = arith.constant 0 : i32
    %scan3A_6 = arith.constant 0 : i32
    %scan3A_7 = arith.constant 25 : i32
    %scan3A_8 = arith.addi %scan3A_6, %scan3A_7 : i32
    %scan3A_9 = arith.constant 1 : i32
    scf.for %scan3A_27 = %scan3A_6 to %scan3A_8 step %scan3A_9  : i32 {
      %mul3A_28 = arith.constant 3200 : i32
      %mul3A_29 = arith.muli %arg1, %mul3A_28 : i32
      %mul3A_30 = arith.constant 128 : i32
      %mul3A_31 = arith.muli %scan3A_27, %mul3A_30 : i32
      %add3A_32 = arith.addi %mul3A_29, %mul3A_31 : i32
      "tpu.region"() ({
        %run_scoped3A = tpu.sem_alloc : memref<!tpu.dma_semaphore, #tpu.memory_space<semaphore_mem>>
        %dma_start3A = arith.constant 0 : i32
        %dma_start3A_33 = tpu.memref_slice %arg11[%add3A_32, %dma_start3A] : memref<51200x16xf32, #tpu.memory_space<vmem_shared>> -> memref<128x16xf32, #tpu.memory_space<vmem_shared>>
        %dma_start3A_34 = arith.constant 0 : i32
        %dma_start3A_35 = tpu.memref_slice %arg11[%add3A_32, %dma_start3A_34] : memref<51200x16xf32, #tpu.memory_space<vmem_shared>> -> memref<128x16xf32, #tpu.memory_space<vmem_shared>>
        tpu.enqueue_dma source(%arg10 : memref<128x16xf32, #tpu.memory_space<vmem>>) target(%dma_start3A_35 : memref<128x16xf32, #tpu.memory_space<vmem_shared>>) target_semaphore(%run_scoped3A : memref<!tpu.dma_semaphore, #tpu.memory_space<semaphore_mem>>)
        %dma_wait3A = arith.constant 0 : i32
        %dma_wait3A_36 = tpu.memref_slice %arg11[%add3A_32, %dma_wait3A] : memref<51200x16xf32, #tpu.memory_space<vmem_shared>> -> memref<128x16xf32, #tpu.memory_space<vmem_shared>>
        %dma_wait3A_37 = arith.constant 0 : i32
        %dma_wait3A_38 = tpu.memref_slice %arg11[%add3A_32, %dma_wait3A_37] : memref<51200x16xf32, #tpu.memory_space<vmem_shared>> -> memref<128x16xf32, #tpu.memory_space<vmem_shared>>
        tpu.wait_dma2 semaphore(%run_scoped3A : memref<!tpu.dma_semaphore, #tpu.memory_space<semaphore_mem>>) src(%arg10 : memref<128x16xf32, #tpu.memory_space<vmem>>) dst(%dma_wait3A_38 : memref<128x16xf32, #tpu.memory_space<vmem_shared>>)
        tpu.yield
      }) : () -> ()
    }
    %scan3A_10 = arith.constant 25 : i32
    %mul3A = arith.constant 16 : i32
    %mul3A_11 = arith.muli %arg0, %mul3A : i32
    %add3A = arith.addi %mul3A_11, %arg1 : i32
    %mul3A_12 = arith.constant 200 : i32
    %mul3A_13 = arith.muli %add3A, %mul3A_12 : i32
    "tpu.region"() ({
      %run_scoped3A = tpu.sem_alloc : memref<!tpu.dma_semaphore, #tpu.memory_space<semaphore_mem>>
      %dma_start3A = arith.constant 0 : i32
      %dma_start3A_27 = tpu.memref_slice %arg3[%mul3A_13, %dma_start3A] : memref<6400x128xi32, #tpu.memory_space<hbm>> -> memref<200x128xi32, #tpu.memory_space<hbm>>
      %dma_start3A_28 = arith.constant 0 : i32
      %dma_start3A_29 = tpu.memref_slice %arg3[%mul3A_13, %dma_start3A_28] : memref<6400x128xi32, #tpu.memory_space<hbm>> -> memref<200x128xi32, #tpu.memory_space<hbm>>
      tpu.enqueue_dma source(%dma_start3A_29 : memref<200x128xi32, #tpu.memory_space<hbm>>) target(%arg7 : memref<200x128xi32, #tpu.memory_space<vmem>>) target_semaphore(%run_scoped3A : memref<!tpu.dma_semaphore, #tpu.memory_space<semaphore_mem>>)
      %dma_wait3A = arith.constant 0 : i32
      %dma_wait3A_30 = tpu.memref_slice %arg3[%mul3A_13, %dma_wait3A] : memref<6400x128xi32, #tpu.memory_space<hbm>> -> memref<200x128xi32, #tpu.memory_space<hbm>>
      %dma_wait3A_31 = arith.constant 0 : i32
      %dma_wait3A_32 = tpu.memref_slice %arg3[%mul3A_13, %dma_wait3A_31] : memref<6400x128xi32, #tpu.memory_space<hbm>> -> memref<200x128xi32, #tpu.memory_space<hbm>>
      tpu.wait_dma2 semaphore(%run_scoped3A : memref<!tpu.dma_semaphore, #tpu.memory_space<semaphore_mem>>) src(%dma_wait3A_32 : memref<200x128xi32, #tpu.memory_space<hbm>>) dst(%arg7 : memref<200x128xi32, #tpu.memory_space<vmem>>)
      tpu.yield
    }) : () -> ()
    "tpu.region"() ({
      %run_scoped3A = tpu.sem_alloc : memref<!tpu.dma_semaphore, #tpu.memory_space<semaphore_mem>>
      %dma_start3A = arith.constant 0 : i32
      %dma_start3A_27 = tpu.memref_slice %arg4[%mul3A_13, %dma_start3A] : memref<6400x128xi32, #tpu.memory_space<hbm>> -> memref<200x128xi32, #tpu.memory_space<hbm>>
      %dma_start3A_28 = arith.constant 0 : i32
      %dma_start3A_29 = tpu.memref_slice %arg4[%mul3A_13, %dma_start3A_28] : memref<6400x128xi32, #tpu.memory_space<hbm>> -> memref<200x128xi32, #tpu.memory_space<hbm>>
      tpu.enqueue_dma source(%dma_start3A_29 : memref<200x128xi32, #tpu.memory_space<hbm>>) target(%arg8 : memref<200x128xi32, #tpu.memory_space<vmem>>) target_semaphore(%run_scoped3A : memref<!tpu.dma_semaphore, #tpu.memory_space<semaphore_mem>>)
      %dma_wait3A = arith.constant 0 : i32
      %dma_wait3A_30 = tpu.memref_slice %arg4[%mul3A_13, %dma_wait3A] : memref<6400x128xi32, #tpu.memory_space<hbm>> -> memref<200x128xi32, #tpu.memory_space<hbm>>
      %dma_wait3A_31 = arith.constant 0 : i32
      %dma_wait3A_32 = tpu.memref_slice %arg4[%mul3A_13, %dma_wait3A_31] : memref<6400x128xi32, #tpu.memory_space<hbm>> -> memref<200x128xi32, #tpu.memory_space<hbm>>
      tpu.wait_dma2 semaphore(%run_scoped3A : memref<!tpu.dma_semaphore, #tpu.memory_space<semaphore_mem>>) src(%dma_wait3A_32 : memref<200x128xi32, #tpu.memory_space<hbm>>) dst(%arg8 : memref<200x128xi32, #tpu.memory_space<vmem>>)
      tpu.yield
    }) : () -> ()
    "tpu.region"() ({
      %run_scoped3A = tpu.sem_alloc : memref<!tpu.dma_semaphore, #tpu.memory_space<semaphore_mem>>
      %dma_start3A = arith.constant 0 : i32
      %dma_start3A_27 = tpu.memref_slice %arg5[%mul3A_13, %dma_start3A] : memref<6400x128xf32, #tpu.memory_space<hbm>> -> memref<200x128xf32, #tpu.memory_space<hbm>>
      %dma_start3A_28 = arith.constant 0 : i32
      %dma_start3A_29 = tpu.memref_slice %arg5[%mul3A_13, %dma_start3A_28] : memref<6400x128xf32, #tpu.memory_space<hbm>> -> memref<200x128xf32, #tpu.memory_space<hbm>>
      tpu.enqueue_dma source(%dma_start3A_29 : memref<200x128xf32, #tpu.memory_space<hbm>>) target(%arg9 : memref<200x128xf32, #tpu.memory_space<vmem>>) target_semaphore(%run_scoped3A : memref<!tpu.dma_semaphore, #tpu.memory_space<semaphore_mem>>)
      %dma_wait3A = arith.constant 0 : i32
      %dma_wait3A_30 = tpu.memref_slice %arg5[%mul3A_13, %dma_wait3A] : memref<6400x128xf32, #tpu.memory_space<hbm>> -> memref<200x128xf32, #tpu.memory_space<hbm>>
      %dma_wait3A_31 = arith.constant 0 : i32
      %dma_wait3A_32 = tpu.memref_slice %arg5[%mul3A_13, %dma_wait3A_31] : memref<6400x128xf32, #tpu.memory_space<hbm>> -> memref<200x128xf32, #tpu.memory_space<hbm>>
      tpu.wait_dma2 semaphore(%run_scoped3A : memref<!tpu.dma_semaphore, #tpu.memory_space<semaphore_mem>>) src(%dma_wait3A_32 : memref<200x128xf32, #tpu.memory_space<hbm>>) dst(%arg9 : memref<200x128xf32, #tpu.memory_space<vmem>>)
      tpu.yield
    }) : () -> ()
    %barrier3A = arith.constant 0 : index
    tpu.barrier barrier_id(%barrier3A)
    %scan3A_14 = arith.constant 0 : i32
    %scan3A_15 = arith.constant 0 : i32
    %scan3A_16 = arith.constant 200 : i32
    %scan3A_17 = arith.addi %scan3A_15, %scan3A_16 : i32
    %scan3A_18 = arith.constant 1 : i32
    scf.for %scan3A_27 = %scan3A_15 to %scan3A_17 step %scan3A_18  : i32 {
      %dma_start3A = arith.constant 0 : i32
      %dma_start3A_28 = tpu.memref_slice %arg7[%scan3A_27, %dma_start3A] : memref<200x128xi32, #tpu.memory_space<vmem>> -> memref<1x128xi32, #tpu.memory_space<vmem>>
      %dma_start3A_29 = tpu.memref_squeeze %dma_start3A_28 : memref<1x128xi32, #tpu.memory_space<vmem>> -> memref<128xi32, #tpu.memory_space<vmem>>
      %dma_start3A_30 = arith.constant 0 : i32
      %dma_start3A_31 = arith.constant 0 : i32
      %dma_start3A_32 = tpu.memref_slice %arg2[%dma_start3A_30, %dma_start3A_31] : memref<51200x16xf32, #tpu.memory_space<hbm>> -> memref<51200x16xf32, #tpu.memory_space<hbm>>
      tpu.enqueue_indirect_dma source(%dma_start3A_32 : memref<51200x16xf32, #tpu.memory_space<hbm>>) target(%arg10 : memref<128x16xf32, #tpu.memory_space<vmem>>) offsets(%dma_start3A_29 : memref<128xi32, #tpu.memory_space<vmem>>) semaphore(%arg12 : memref<!tpu.dma_semaphore, #tpu.memory_space<semaphore_mem>>)
      %dma_wait3A = arith.constant 0 : i32
      %dma_wait3A_33 = tpu.memref_slice %arg7[%scan3A_27, %dma_wait3A] : memref<200x128xi32, #tpu.memory_space<vmem>> -> memref<1x128xi32, #tpu.memory_space<vmem>>
      %dma_wait3A_34 = tpu.memref_squeeze %dma_wait3A_33 : memref<1x128xi32, #tpu.memory_space<vmem>> -> memref<128xi32, #tpu.memory_space<vmem>>
      %dma_wait3A_35 = arith.constant 0 : i32
      %dma_wait3A_36 = arith.constant 0 : i32
      %dma_wait3A_37 = tpu.memref_slice %arg2[%dma_wait3A_35, %dma_wait3A_36] : memref<51200x16xf32, #tpu.memory_space<hbm>> -> memref<51200x16xf32, #tpu.memory_space<hbm>>
      tpu.wait_indirect_dma semaphore(%arg12 : memref<!tpu.dma_semaphore, #tpu.memory_space<semaphore_mem>>) src(%dma_wait3A_37 : memref<51200x16xf32, #tpu.memory_space<hbm>>) dst(%arg10 : memref<128x16xf32, #tpu.memory_space<vmem>>)
      %scan3A_38 = arith.constant 0 : i32
      %scan3A_39 = arith.constant 0 : i32
      %scan3A_40 = arith.constant 8 : i32
      %scan3A_41 = arith.addi %scan3A_39, %scan3A_40 : i32
      %scan3A_42 = arith.constant 1 : i32
      scf.for %scan3A_44 = %scan3A_39 to %scan3A_41 step %scan3A_42  : i32 {
        %mul3A_45 = arith.constant 16 : i32
        %mul3A_46 = arith.muli %scan3A_44, %mul3A_45 : i32
        %get3A = arith.index_cast %scan3A_27 : i32 to index
        %get3A_47 = arith.index_cast %mul3A_46 : i32 to index
        %get3A_48 = tpu.vector_load %arg9[%get3A, %get3A_47] {strides = array<i32>} : memref<200x128xf32, #tpu.memory_space<vmem>>, vector<1x16xf32>,
        %get3A_49 = vector.shape_cast %get3A_48 : vector<1x16xf32> to vector<16xf32>
        %slice3A = vector.extract_strided_slice %get3A_49 {offsets = [0], sizes = [1], strides = [1]} : vector<16xf32> to vector<1xf32>
        %squeeze3A = vector.extract %slice3A[0] : f32 from vector<1xf32>
        %mul3A_50 = arith.constant 16 : i32
        %mul3A_51 = arith.muli %scan3A_44, %mul3A_50 : i32
        %add3A_52 = arith.constant 0 : i32
        %add3A_53 = arith.addi %mul3A_51, %add3A_52 : i32
        %get3A_54 = arith.index_cast %add3A_53 : i32 to index
        %get3A_55 = arith.constant 0 : index
        %get3A_56 = tpu.vector_load %arg10[%get3A_54, %get3A_55] {strides = array<i32>} : memref<128x16xf32, #tpu.memory_space<vmem>>, vector<1x16xf32>,
        %get3A_57 = vector.shape_cast %get3A_56 : vector<1x16xf32> to vector<16xf32>
        %mul3A_58 = vector.broadcast %squeeze3A : f32 to vector<16xf32>
        %mul3A_59 = arith.mulf %get3A_57, %mul3A_58 : vector<16xf32>
        %swap3A = arith.index_cast %add3A_53 : i32 to index
        %swap3A_60 = arith.constant 0 : index
        %swap3A_61 = tpu.vector_load %arg10[%swap3A, %swap3A_60] {strides = array<i32>} : memref<128x16xf32, #tpu.memory_space<vmem>>, vector<1x16xf32>,
        %swap3A_62 = vector.shape_cast %swap3A_61 : vector<1x16xf32> to vector<16xf32>
        %swap3A_63 = vector.shape_cast %mul3A_59 : vector<16xf32> to vector<1x16xf32>
        tpu.vector_store %arg10[%swap3A, %swap3A_60], %swap3A_63 {strides = array<i32>} : memref<128x16xf32, #tpu.memory_space<vmem>>, vector<1x16xf32>,
        %slice3A_64 = vector.extract_strided_slice %get3A_49 {offsets = [1], sizes = [1], strides = [1]} : vector<16xf32> to vector<1xf32>
        %squeeze3A_65 = vector.extract %slice3A_64[0] : f32 from vector<1xf32>
        %mul3A_66 = arith.constant 16 : i32
        %mul3A_67 = arith.muli %scan3A_44, %mul3A_66 : i32
        %add3A_68 = arith.constant 1 : i32
        %add3A_69 = arith.addi %mul3A_67, %add3A_68 : i32
        %get3A_70 = arith.index_cast %add3A_69 : i32 to index
        %get3A_71 = arith.constant 0 : index
        %get3A_72 = tpu.vector_load %arg10[%get3A_70, %get3A_71] {strides = array<i32>} : memref<128x16xf32, #tpu.memory_space<vmem>>, vector<1x16xf32>,
        %get3A_73 = vector.shape_cast %get3A_72 : vector<1x16xf32> to vector<16xf32>
        %mul3A_74 = vector.broadcast %squeeze3A_65 : f32 to vector<16xf32>
        %mul3A_75 = arith.mulf %get3A_73, %mul3A_74 : vector<16xf32>
        %swap3A_76 = arith.index_cast %add3A_69 : i32 to index
        %swap3A_77 = arith.constant 0 : index
        %swap3A_78 = tpu.vector_load %arg10[%swap3A_76, %swap3A_77] {strides = array<i32>} : memref<128x16xf32, #tpu.memory_space<vmem>>, vector<1x16xf32>,
        %swap3A_79 = vector.shape_cast %swap3A_78 : vector<1x16xf32> to vector<16xf32>
        %swap3A_80 = vector.shape_cast %mul3A_75 : vector<16xf32> to vector<1x16xf32>
        tpu.vector_store %arg10[%swap3A_76, %swap3A_77], %swap3A_80 {strides = array<i32>} : memref<128x16xf32, #tpu.memory_space<vmem>>, vector<1x16xf32>,
        %slice3A_81 = vector.extract_strided_slice %get3A_49 {offsets = [2], sizes = [1], strides = [1]} : vector<16xf32> to vector<1xf32>
        %squeeze3A_82 = vector.extract %slice3A_81[0] : f32 from vector<1xf32>
        %mul3A_83 = arith.constant 16 : i32
        %mul3A_84 = arith.muli %scan3A_44, %mul3A_83 : i32
        %add3A_85 = arith.constant 2 : i32
        %add3A_86 = arith.addi %mul3A_84, %add3A_85 : i32
        %get3A_87 = arith.index_cast %add3A_86 : i32 to index
        %get3A_88 = arith.constant 0 : index
        %get3A_89 = tpu.vector_load %arg10[%get3A_87, %get3A_88] {strides = array<i32>} : memref<128x16xf32, #tpu.memory_space<vmem>>, vector<1x16xf32>,
        %get3A_90 = vector.shape_cast %get3A_89 : vector<1x16xf32> to vector<16xf32>
        %mul3A_91 = vector.broadcast %squeeze3A_82 : f32 to vector<16xf32>
        %mul3A_92 = arith.mulf %get3A_90, %mul3A_91 : vector<16xf32>
        %swap3A_93 = arith.index_cast %add3A_86 : i32 to index
        %swap3A_94 = arith.constant 0 : index
        %swap3A_95 = tpu.vector_load %arg10[%swap3A_93, %swap3A_94] {strides = array<i32>} : memref<128x16xf32, #tpu.memory_space<vmem>>, vector<1x16xf32>,
        %swap3A_96 = vector.shape_cast %swap3A_95 : vector<1x16xf32> to vector<16xf32>
        %swap3A_97 = vector.shape_cast %mul3A_92 : vector<16xf32> to vector<1x16xf32>
        tpu.vector_store %arg10[%swap3A_93, %swap3A_94], %swap3A_97 {strides = array<i32>} : memref<128x16xf32, #tpu.memory_space<vmem>>, vector<1x16xf32>,
        %slice3A_98 = vector.extract_strided_slice %get3A_49 {offsets = [3], sizes = [1], strides = [1]} : vector<16xf32> to vector<1xf32>
        %squeeze3A_99 = vector.extract %slice3A_98[0] : f32 from vector<1xf32>
        %mul3A_100 = arith.constant 16 : i32
        %mul3A_101 = arith.muli %scan3A_44, %mul3A_100 : i32
        %add3A_102 = arith.constant 3 : i32
        %add3A_103 = arith.addi %mul3A_101, %add3A_102 : i32
        %get3A_104 = arith.index_cast %add3A_103 : i32 to index
        %get3A_105 = arith.constant 0 : index
        %get3A_106 = tpu.vector_load %arg10[%get3A_104, %get3A_105] {strides = array<i32>} : memref<128x16xf32, #tpu.memory_space<vmem>>, vector<1x16xf32>,
        %get3A_107 = vector.shape_cast %get3A_106 : vector<1x16xf32> to vector<16xf32>
        %mul3A_108 = vector.broadcast %squeeze3A_99 : f32 to vector<16xf32>
        %mul3A_109 = arith.mulf %get3A_107, %mul3A_108 : vector<16xf32>
        %swap3A_110 = arith.index_cast %add3A_103 : i32 to index
        %swap3A_111 = arith.constant 0 : index
        %swap3A_112 = tpu.vector_load %arg10[%swap3A_110, %swap3A_111] {strides = array<i32>} : memref<128x16xf32, #tpu.memory_space<vmem>>, vector<1x16xf32>,
        %swap3A_113 = vector.shape_cast %swap3A_112 : vector<1x16xf32> to vector<16xf32>
        %swap3A_114 = vector.shape_cast %mul3A_109 : vector<16xf32> to vector<1x16xf32>
        tpu.vector_store %arg10[%swap3A_110, %swap3A_111], %swap3A_114 {strides = array<i32>} : memref<128x16xf32, #tpu.memory_space<vmem>>, vector<1x16xf32>,
        %slice3A_115 = vector.extract_strided_slice %get3A_49 {offsets = [4], sizes = [1], strides = [1]} : vector<16xf32> to vector<1xf32>
        %squeeze3A_116 = vector.extract %slice3A_115[0] : f32 from vector<1xf32>
        %mul3A_117 = arith.constant 16 : i32
        %mul3A_118 = arith.muli %scan3A_44, %mul3A_117 : i32
        %add3A_119 = arith.constant 4 : i32
        %add3A_120 = arith.addi %mul3A_118, %add3A_119 : i32
        %get3A_121 = arith.index_cast %add3A_120 : i32 to index
        %get3A_122 = arith.constant 0 : index
        %get3A_123 = tpu.vector_load %arg10[%get3A_121, %get3A_122] {strides = array<i32>} : memref<128x16xf32, #tpu.memory_space<vmem>>, vector<1x16xf32>,
        %get3A_124 = vector.shape_cast %get3A_123 : vector<1x16xf32> to vector<16xf32>
        %mul3A_125 = vector.broadcast %squeeze3A_116 : f32 to vector<16xf32>
        %mul3A_126 = arith.mulf %get3A_124, %mul3A_125 : vector<16xf32>
        %swap3A_127 = arith.index_cast %add3A_120 : i32 to index
        %swap3A_128 = arith.constant 0 : index
        %swap3A_129 = tpu.vector_load %arg10[%swap3A_127, %swap3A_128] {strides = array<i32>} : memref<128x16xf32, #tpu.memory_space<vmem>>, vector<1x16xf32>,
        %swap3A_130 = vector.shape_cast %swap3A_129 : vector<1x16xf32> to vector<16xf32>
        %swap3A_131 = vector.shape_cast %mul3A_126 : vector<16xf32> to vector<1x16xf32>
        tpu.vector_store %arg10[%swap3A_127, %swap3A_128], %swap3A_131 {strides = array<i32>} : memref<128x16xf32, #tpu.memory_space<vmem>>, vector<1x16xf32>,
        %slice3A_132 = vector.extract_strided_slice %get3A_49 {offsets = [5], sizes = [1], strides = [1]} : vector<16xf32> to vector<1xf32>
        %squeeze3A_133 = vector.extract %slice3A_132[0] : f32 from vector<1xf32>
        %mul3A_134 = arith.constant 16 : i32
        %mul3A_135 = arith.muli %scan3A_44, %mul3A_134 : i32
        %add3A_136 = arith.constant 5 : i32
        %add3A_137 = arith.addi %mul3A_135, %add3A_136 : i32
        %get3A_138 = arith.index_cast %add3A_137 : i32 to index
        %get3A_139 = arith.constant 0 : index
        %get3A_140 = tpu.vector_load %arg10[%get3A_138, %get3A_139] {strides = array<i32>} : memref<128x16xf32, #tpu.memory_space<vmem>>, vector<1x16xf32>,
        %get3A_141 = vector.shape_cast %get3A_140 : vector<1x16xf32> to vector<16xf32>
        %mul3A_142 = vector.broadcast %squeeze3A_133 : f32 to vector<16xf32>
        %mul3A_143 = arith.mulf %get3A_141, %mul3A_142 : vector<16xf32>
        %swap3A_144 = arith.index_cast %add3A_137 : i32 to index
        %swap3A_145 = arith.constant 0 : index
        %swap3A_146 = tpu.vector_load %arg10[%swap3A_144, %swap3A_145] {strides = array<i32>} : memref<128x16xf32, #tpu.memory_space<vmem>>, vector<1x16xf32>,
        %swap3A_147 = vector.shape_cast %swap3A_146 : vector<1x16xf32> to vector<16xf32>
        %swap3A_148 = vector.shape_cast %mul3A_143 : vector<16xf32> to vector<1x16xf32>
        tpu.vector_store %arg10[%swap3A_144, %swap3A_145], %swap3A_148 {strides = array<i32>} : memref<128x16xf32, #tpu.memory_space<vmem>>, vector<1x16xf32>,
        %slice3A_149 = vector.extract_strided_slice %get3A_49 {offsets = [6], sizes = [1], strides = [1]} : vector<16xf32> to vector<1xf32>
        %squeeze3A_150 = vector.extract %slice3A_149[0] : f32 from vector<1xf32>
        %mul3A_151 = arith.constant 16 : i32
        %mul3A_152 = arith.muli %scan3A_44, %mul3A_151 : i32
        %add3A_153 = arith.constant 6 : i32
        %add3A_154 = arith.addi %mul3A_152, %add3A_153 : i32
        %get3A_155 = arith.index_cast %add3A_154 : i32 to index
        %get3A_156 = arith.constant 0 : index
        %get3A_157 = tpu.vector_load %arg10[%get3A_155, %get3A_156] {strides = array<i32>} : memref<128x16xf32, #tpu.memory_space<vmem>>, vector<1x16xf32>,
        %get3A_158 = vector.shape_cast %get3A_157 : vector<1x16xf32> to vector<16xf32>
        %mul3A_159 = vector.broadcast %squeeze3A_150 : f32 to vector<16xf32>
        %mul3A_160 = arith.mulf %get3A_158, %mul3A_159 : vector<16xf32>
        %swap3A_161 = arith.index_cast %add3A_154 : i32 to index
        %swap3A_162 = arith.constant 0 : index
        %swap3A_163 = tpu.vector_load %arg10[%swap3A_161, %swap3A_162] {strides = array<i32>} : memref<128x16xf32, #tpu.memory_space<vmem>>, vector<1x16xf32>,
        %swap3A_164 = vector.shape_cast %swap3A_163 : vector<1x16xf32> to vector<16xf32>
        %swap3A_165 = vector.shape_cast %mul3A_160 : vector<16xf32> to vector<1x16xf32>
        tpu.vector_store %arg10[%swap3A_161, %swap3A_162], %swap3A_165 {strides = array<i32>} : memref<128x16xf32, #tpu.memory_space<vmem>>, vector<1x16xf32>,
        %slice3A_166 = vector.extract_strided_slice %get3A_49 {offsets = [7], sizes = [1], strides = [1]} : vector<16xf32> to vector<1xf32>
        %squeeze3A_167 = vector.extract %slice3A_166[0] : f32 from vector<1xf32>
        %mul3A_168 = arith.constant 16 : i32
        %mul3A_169 = arith.muli %scan3A_44, %mul3A_168 : i32
        %add3A_170 = arith.constant 7 : i32
        %add3A_171 = arith.addi %mul3A_169, %add3A_170 : i32
        %get3A_172 = arith.index_cast %add3A_171 : i32 to index
        %get3A_173 = arith.constant 0 : index
        %get3A_174 = tpu.vector_load %arg10[%get3A_172, %get3A_173] {strides = array<i32>} : memref<128x16xf32, #tpu.memory_space<vmem>>, vector<1x16xf32>,
        %get3A_175 = vector.shape_cast %get3A_174 : vector<1x16xf32> to vector<16xf32>
        %mul3A_176 = vector.broadcast %squeeze3A_167 : f32 to vector<16xf32>
        %mul3A_177 = arith.mulf %get3A_175, %mul3A_176 : vector<16xf32>
        %swap3A_178 = arith.index_cast %add3A_171 : i32 to index
        %swap3A_179 = arith.constant 0 : index
        %swap3A_180 = tpu.vector_load %arg10[%swap3A_178, %swap3A_179] {strides = array<i32>} : memref<128x16xf32, #tpu.memory_space<vmem>>, vector<1x16xf32>,
        %swap3A_181 = vector.shape_cast %swap3A_180 : vector<1x16xf32> to vector<16xf32>
        %swap3A_182 = vector.shape_cast %mul3A_177 : vector<16xf32> to vector<1x16xf32>
        tpu.vector_store %arg10[%swap3A_178, %swap3A_179], %swap3A_182 {strides = array<i32>} : memref<128x16xf32, #tpu.memory_space<vmem>>, vector<1x16xf32>,
        %slice3A_183 = vector.extract_strided_slice %get3A_49 {offsets = [8], sizes = [1], strides = [1]} : vector<16xf32> to vector<1xf32>
        %squeeze3A_184 = vector.extract %slice3A_183[0] : f32 from vector<1xf32>
        %mul3A_185 = arith.constant 16 : i32
        %mul3A_186 = arith.muli %scan3A_44, %mul3A_185 : i32
        %add3A_187 = arith.constant 8 : i32
        %add3A_188 = arith.addi %mul3A_186, %add3A_187 : i32
        %get3A_189 = arith.index_cast %add3A_188 : i32 to index
        %get3A_190 = arith.constant 0 : index
        %get3A_191 = tpu.vector_load %arg10[%get3A_189, %get3A_190] {strides = array<i32>} : memref<128x16xf32, #tpu.memory_space<vmem>>, vector<1x16xf32>,
        %get3A_192 = vector.shape_cast %get3A_191 : vector<1x16xf32> to vector<16xf32>
        %mul3A_193 = vector.broadcast %squeeze3A_184 : f32 to vector<16xf32>
        %mul3A_194 = arith.mulf %get3A_192, %mul3A_193 : vector<16xf32>
        %swap3A_195 = arith.index_cast %add3A_188 : i32 to index
        %swap3A_196 = arith.constant 0 : index
        %swap3A_197 = tpu.vector_load %arg10[%swap3A_195, %swap3A_196] {strides = array<i32>} : memref<128x16xf32, #tpu.memory_space<vmem>>, vector<1x16xf32>,
        %swap3A_198 = vector.shape_cast %swap3A_197 : vector<1x16xf32> to vector<16xf32>
        %swap3A_199 = vector.shape_cast %mul3A_194 : vector<16xf32> to vector<1x16xf32>
        tpu.vector_store %arg10[%swap3A_195, %swap3A_196], %swap3A_199 {strides = array<i32>} : memref<128x16xf32, #tpu.memory_space<vmem>>, vector<1x16xf32>,
        %slice3A_200 = vector.extract_strided_slice %get3A_49 {offsets = [9], sizes = [1], strides = [1]} : vector<16xf32> to vector<1xf32>
        %squeeze3A_201 = vector.extract %slice3A_200[0] : f32 from vector<1xf32>
        %mul3A_202 = arith.constant 16 : i32
        %mul3A_203 = arith.muli %scan3A_44, %mul3A_202 : i32
        %add3A_204 = arith.constant 9 : i32
        %add3A_205 = arith.addi %mul3A_203, %add3A_204 : i32
        %get3A_206 = arith.index_cast %add3A_205 : i32 to index
        %get3A_207 = arith.constant 0 : index
        %get3A_208 = tpu.vector_load %arg10[%get3A_206, %get3A_207] {strides = array<i32>} : memref<128x16xf32, #tpu.memory_space<vmem>>, vector<1x16xf32>,
        %get3A_209 = vector.shape_cast %get3A_208 : vector<1x16xf32> to vector<16xf32>
        %mul3A_210 = vector.broadcast %squeeze3A_201 : f32 to vector<16xf32>
        %mul3A_211 = arith.mulf %get3A_209, %mul3A_210 : vector<16xf32>
        %swap3A_212 = arith.index_cast %add3A_205 : i32 to index
        %swap3A_213 = arith.constant 0 : index
        %swap3A_214 = tpu.vector_load %arg10[%swap3A_212, %swap3A_213] {strides = array<i32>} : memref<128x16xf32, #tpu.memory_space<vmem>>, vector<1x16xf32>,
        %swap3A_215 = vector.shape_cast %swap3A_214 : vector<1x16xf32> to vector<16xf32>
        %swap3A_216 = vector.shape_cast %mul3A_211 : vector<16xf32> to vector<1x16xf32>
        tpu.vector_store %arg10[%swap3A_212, %swap3A_213], %swap3A_216 {strides = array<i32>} : memref<128x16xf32, #tpu.memory_space<vmem>>, vector<1x16xf32>,
        %slice3A_217 = vector.extract_strided_slice %get3A_49 {offsets = [10], sizes = [1], strides = [1]} : vector<16xf32> to vector<1xf32>
        %squeeze3A_218 = vector.extract %slice3A_217[0] : f32 from vector<1xf32>
        %mul3A_219 = arith.constant 16 : i32
        %mul3A_220 = arith.muli %scan3A_44, %mul3A_219 : i32
        %add3A_221 = arith.constant 10 : i32
        %add3A_222 = arith.addi %mul3A_220, %add3A_221 : i32
        %get3A_223 = arith.index_cast %add3A_222 : i32 to index
        %get3A_224 = arith.constant 0 : index
        %get3A_225 = tpu.vector_load %arg10[%get3A_223, %get3A_224] {strides = array<i32>} : memref<128x16xf32, #tpu.memory_space<vmem>>, vector<1x16xf32>,
        %get3A_226 = vector.shape_cast %get3A_225 : vector<1x16xf32> to vector<16xf32>
        %mul3A_227 = vector.broadcast %squeeze3A_218 : f32 to vector<16xf32>
        %mul3A_228 = arith.mulf %get3A_226, %mul3A_227 : vector<16xf32>
        %swap3A_229 = arith.index_cast %add3A_222 : i32 to index
        %swap3A_230 = arith.constant 0 : index
        %swap3A_231 = tpu.vector_load %arg10[%swap3A_229, %swap3A_230] {strides = array<i32>} : memref<128x16xf32, #tpu.memory_space<vmem>>, vector<1x16xf32>,
        %swap3A_232 = vector.shape_cast %swap3A_231 : vector<1x16xf32> to vector<16xf32>
        %swap3A_233 = vector.shape_cast %mul3A_228 : vector<16xf32> to vector<1x16xf32>
        tpu.vector_store %arg10[%swap3A_229, %swap3A_230], %swap3A_233 {strides = array<i32>} : memref<128x16xf32, #tpu.memory_space<vmem>>, vector<1x16xf32>,
        %slice3A_234 = vector.extract_strided_slice %get3A_49 {offsets = [11], sizes = [1], strides = [1]} : vector<16xf32> to vector<1xf32>
        %squeeze3A_235 = vector.extract %slice3A_234[0] : f32 from vector<1xf32>
        %mul3A_236 = arith.constant 16 : i32
        %mul3A_237 = arith.muli %scan3A_44, %mul3A_236 : i32
        %add3A_238 = arith.constant 11 : i32
        %add3A_239 = arith.addi %mul3A_237, %add3A_238 : i32
        %get3A_240 = arith.index_cast %add3A_239 : i32 to index
        %get3A_241 = arith.constant 0 : index
        %get3A_242 = tpu.vector_load %arg10[%get3A_240, %get3A_241] {strides = array<i32>} : memref<128x16xf32, #tpu.memory_space<vmem>>, vector<1x16xf32>,
        %get3A_243 = vector.shape_cast %get3A_242 : vector<1x16xf32> to vector<16xf32>
        %mul3A_244 = vector.broadcast %squeeze3A_235 : f32 to vector<16xf32>
        %mul3A_245 = arith.mulf %get3A_243, %mul3A_244 : vector<16xf32>
        %swap3A_246 = arith.index_cast %add3A_239 : i32 to index
        %swap3A_247 = arith.constant 0 : index
        %swap3A_248 = tpu.vector_load %arg10[%swap3A_246, %swap3A_247] {strides = array<i32>} : memref<128x16xf32, #tpu.memory_space<vmem>>, vector<1x16xf32>,
        %swap3A_249 = vector.shape_cast %swap3A_248 : vector<1x16xf32> to vector<16xf32>
        %swap3A_250 = vector.shape_cast %mul3A_245 : vector<16xf32> to vector<1x16xf32>
        tpu.vector_store %arg10[%swap3A_246, %swap3A_247], %swap3A_250 {strides = array<i32>} : memref<128x16xf32, #tpu.memory_space<vmem>>, vector<1x16xf32>,
        %slice3A_251 = vector.extract_strided_slice %get3A_49 {offsets = [12], sizes = [1], strides = [1]} : vector<16xf32> to vector<1xf32>
        %squeeze3A_252 = vector.extract %slice3A_251[0] : f32 from vector<1xf32>
        %mul3A_253 = arith.constant 16 : i32
        %mul3A_254 = arith.muli %scan3A_44, %mul3A_253 : i32
        %add3A_255 = arith.constant 12 : i32
        %add3A_256 = arith.addi %mul3A_254, %add3A_255 : i32
        %get3A_257 = arith.index_cast %add3A_256 : i32 to index
        %get3A_258 = arith.constant 0 : index
        %get3A_259 = tpu.vector_load %arg10[%get3A_257, %get3A_258] {strides = array<i32>} : memref<128x16xf32, #tpu.memory_space<vmem>>, vector<1x16xf32>,
        %get3A_260 = vector.shape_cast %get3A_259 : vector<1x16xf32> to vector<16xf32>
        %mul3A_261 = vector.broadcast %squeeze3A_252 : f32 to vector<16xf32>
        %mul3A_262 = arith.mulf %get3A_260, %mul3A_261 : vector<16xf32>
        %swap3A_263 = arith.index_cast %add3A_256 : i32 to index
        %swap3A_264 = arith.constant 0 : index
        %swap3A_265 = tpu.vector_load %arg10[%swap3A_263, %swap3A_264] {strides = array<i32>} : memref<128x16xf32, #tpu.memory_space<vmem>>, vector<1x16xf32>,
        %swap3A_266 = vector.shape_cast %swap3A_265 : vector<1x16xf32> to vector<16xf32>
        %swap3A_267 = vector.shape_cast %mul3A_262 : vector<16xf32> to vector<1x16xf32>
        tpu.vector_store %arg10[%swap3A_263, %swap3A_264], %swap3A_267 {strides = array<i32>} : memref<128x16xf32, #tpu.memory_space<vmem>>, vector<1x16xf32>,
        %slice3A_268 = vector.extract_strided_slice %get3A_49 {offsets = [13], sizes = [1], strides = [1]} : vector<16xf32> to vector<1xf32>
        %squeeze3A_269 = vector.extract %slice3A_268[0] : f32 from vector<1xf32>
        %mul3A_270 = arith.constant 16 : i32
        %mul3A_271 = arith.muli %scan3A_44, %mul3A_270 : i32
        %add3A_272 = arith.constant 13 : i32
        %add3A_273 = arith.addi %mul3A_271, %add3A_272 : i32
        %get3A_274 = arith.index_cast %add3A_273 : i32 to index
        %get3A_275 = arith.constant 0 : index
        %get3A_276 = tpu.vector_load %arg10[%get3A_274, %get3A_275] {strides = array<i32>} : memref<128x16xf32, #tpu.memory_space<vmem>>, vector<1x16xf32>,
        %get3A_277 = vector.shape_cast %get3A_276 : vector<1x16xf32> to vector<16xf32>
        %mul3A_278 = vector.broadcast %squeeze3A_269 : f32 to vector<16xf32>
        %mul3A_279 = arith.mulf %get3A_277, %mul3A_278 : vector<16xf32>
        %swap3A_280 = arith.index_cast %add3A_273 : i32 to index
        %swap3A_281 = arith.constant 0 : index
        %swap3A_282 = tpu.vector_load %arg10[%swap3A_280, %swap3A_281] {strides = array<i32>} : memref<128x16xf32, #tpu.memory_space<vmem>>, vector<1x16xf32>,
        %swap3A_283 = vector.shape_cast %swap3A_282 : vector<1x16xf32> to vector<16xf32>
        %swap3A_284 = vector.shape_cast %mul3A_279 : vector<16xf32> to vector<1x16xf32>
        tpu.vector_store %arg10[%swap3A_280, %swap3A_281], %swap3A_284 {strides = array<i32>} : memref<128x16xf32, #tpu.memory_space<vmem>>, vector<1x16xf32>,
        %slice3A_285 = vector.extract_strided_slice %get3A_49 {offsets = [14], sizes = [1], strides = [1]} : vector<16xf32> to vector<1xf32>
        %squeeze3A_286 = vector.extract %slice3A_285[0] : f32 from vector<1xf32>
        %mul3A_287 = arith.constant 16 : i32
        %mul3A_288 = arith.muli %scan3A_44, %mul3A_287 : i32
        %add3A_289 = arith.constant 14 : i32
        %add3A_290 = arith.addi %mul3A_288, %add3A_289 : i32
        %get3A_291 = arith.index_cast %add3A_290 : i32 to index
        %get3A_292 = arith.constant 0 : index
        %get3A_293 = tpu.vector_load %arg10[%get3A_291, %get3A_292] {strides = array<i32>} : memref<128x16xf32, #tpu.memory_space<vmem>>, vector<1x16xf32>,
        %get3A_294 = vector.shape_cast %get3A_293 : vector<1x16xf32> to vector<16xf32>
        %mul3A_295 = vector.broadcast %squeeze3A_286 : f32 to vector<16xf32>
        %mul3A_296 = arith.mulf %get3A_294, %mul3A_295 : vector<16xf32>
        %swap3A_297 = arith.index_cast %add3A_290 : i32 to index
        %swap3A_298 = arith.constant 0 : index
        %swap3A_299 = tpu.vector_load %arg10[%swap3A_297, %swap3A_298] {strides = array<i32>} : memref<128x16xf32, #tpu.memory_space<vmem>>, vector<1x16xf32>,
        %swap3A_300 = vector.shape_cast %swap3A_299 : vector<1x16xf32> to vector<16xf32>
        %swap3A_301 = vector.shape_cast %mul3A_296 : vector<16xf32> to vector<1x16xf32>
        tpu.vector_store %arg10[%swap3A_297, %swap3A_298], %swap3A_301 {strides = array<i32>} : memref<128x16xf32, #tpu.memory_space<vmem>>, vector<1x16xf32>,
        %slice3A_302 = vector.extract_strided_slice %get3A_49 {offsets = [15], sizes = [1], strides = [1]} : vector<16xf32> to vector<1xf32>
        %squeeze3A_303 = vector.extract %slice3A_302[0] : f32 from vector<1xf32>
        %mul3A_304 = arith.constant 16 : i32
        %mul3A_305 = arith.muli %scan3A_44, %mul3A_304 : i32
        %add3A_306 = arith.constant 15 : i32
        %add3A_307 = arith.addi %mul3A_305, %add3A_306 : i32
        %get3A_308 = arith.index_cast %add3A_307 : i32 to index
        %get3A_309 = arith.constant 0 : index
        %get3A_310 = tpu.vector_load %arg10[%get3A_308, %get3A_309] {strides = array<i32>} : memref<128x16xf32, #tpu.memory_space<vmem>>, vector<1x16xf32>,
        %get3A_311 = vector.shape_cast %get3A_310 : vector<1x16xf32> to vector<16xf32>
        %mul3A_312 = vector.broadcast %squeeze3A_303 : f32 to vector<16xf32>
        %mul3A_313 = arith.mulf %get3A_311, %mul3A_312 : vector<16xf32>
        %swap3A_314 = arith.index_cast %add3A_307 : i32 to index
        %swap3A_315 = arith.constant 0 : index
        %swap3A_316 = tpu.vector_load %arg10[%swap3A_314, %swap3A_315] {strides = array<i32>} : memref<128x16xf32, #tpu.memory_space<vmem>>, vector<1x16xf32>,
        %swap3A_317 = vector.shape_cast %swap3A_316 : vector<1x16xf32> to vector<16xf32>
        %swap3A_318 = vector.shape_cast %mul3A_313 : vector<16xf32> to vector<1x16xf32>
        tpu.vector_store %arg10[%swap3A_314, %swap3A_315], %swap3A_318 {strides = array<i32>} : memref<128x16xf32, #tpu.memory_space<vmem>>, vector<1x16xf32>,
      }
      %scan3A_43 = arith.constant 8 : i32
      "tpu.region"() ({
        %run_scoped3A = tpu.sem_alloc : memref<!tpu.dma_semaphore, #tpu.memory_space<semaphore_mem>>
        %dma_start3A_44 = arith.constant 0 : i32
        %dma_start3A_45 = tpu.memref_slice %arg8[%scan3A_27, %dma_start3A_44] : memref<200x128xi32, #tpu.memory_space<vmem>> -> memref<1x128xi32, #tpu.memory_space<vmem>>
        %dma_start3A_46 = tpu.memref_squeeze %dma_start3A_45 : memref<1x128xi32, #tpu.memory_space<vmem>> -> memref<128xi32, #tpu.memory_space<vmem>>
        %dma_start3A_47 = arith.constant 0 : i32
        %dma_start3A_48 = arith.constant 0 : i32
        %dma_start3A_49 = tpu.memref_slice %arg11[%dma_start3A_47, %dma_start3A_48] : memref<51200x16xf32, #tpu.memory_space<vmem_shared>> -> memref<51200x16xf32, #tpu.memory_space<vmem_shared>>
        tpu.enqueue_indirect_dma source(%arg10 : memref<128x16xf32, #tpu.memory_space<vmem>>) target(%dma_start3A_49 : memref<51200x16xf32, #tpu.memory_space<vmem_shared>>) offsets(%dma_start3A_46 : memref<128xi32, #tpu.memory_space<vmem>>) semaphore(%run_scoped3A : memref<!tpu.dma_semaphore, #tpu.memory_space<semaphore_mem>>) {add = true}
        %dma_wait3A_50 = arith.constant 0 : i32
        %dma_wait3A_51 = tpu.memref_slice %arg8[%scan3A_27, %dma_wait3A_50] : memref<200x128xi32, #tpu.memory_space<vmem>> -> memref<1x128xi32, #tpu.memory_space<vmem>>
        %dma_wait3A_52 = tpu.memref_squeeze %dma_wait3A_51 : memref<1x128xi32, #tpu.memory_space<vmem>> -> memref<128xi32, #tpu.memory_space<vmem>>
        %dma_wait3A_53 = arith.constant 0 : i32
        %dma_wait3A_54 = arith.constant 0 : i32
        %dma_wait3A_55 = tpu.memref_slice %arg11[%dma_wait3A_53, %dma_wait3A_54] : memref<51200x16xf32, #tpu.memory_space<vmem_shared>> -> memref<51200x16xf32, #tpu.memory_space<vmem_shared>>
        tpu.wait_indirect_dma semaphore(%run_scoped3A : memref<!tpu.dma_semaphore, #tpu.memory_space<semaphore_mem>>) src(%arg10 : memref<128x16xf32, #tpu.memory_space<vmem>>) dst(%dma_wait3A_55 : memref<51200x16xf32, #tpu.memory_space<vmem_shared>>)
        tpu.yield
      }) : () -> ()
    }
    %scan3A_19 = arith.constant 200 : i32
    %barrier3A_20 = arith.constant 0 : index
    tpu.barrier barrier_id(%barrier3A_20)
    %scan3A_21 = arith.constant 0 : i32
    %scan3A_22 = arith.constant 0 : i32
    %scan3A_23 = arith.constant 25 : i32
    %scan3A_24 = arith.addi %scan3A_22, %scan3A_23 : i32
    %scan3A_25 = arith.constant 1 : i32
    scf.for %scan3A_27 = %scan3A_22 to %scan3A_24 step %scan3A_25  : i32 {
      %mul3A_28 = arith.constant 3200 : i32
      %mul3A_29 = arith.muli %arg1, %mul3A_28 : i32
      %mul3A_30 = arith.constant 128 : i32
      %mul3A_31 = arith.muli %scan3A_27, %mul3A_30 : i32
      %add3A_32 = arith.addi %mul3A_29, %mul3A_31 : i32
      "tpu.region"() ({
        %run_scoped3A = tpu.sem_alloc : memref<!tpu.dma_semaphore, #tpu.memory_space<semaphore_mem>>
        %dma_start3A = arith.constant 0 : i32
        %dma_start3A_33 = tpu.memref_slice %arg11[%add3A_32, %dma_start3A] : memref<51200x16xf32, #tpu.memory_space<vmem_shared>> -> memref<128x16xf32, #tpu.memory_space<vmem_shared>>
        %dma_start3A_34 = arith.constant 0 : i32
        %dma_start3A_35 = tpu.memref_slice %arg11[%add3A_32, %dma_start3A_34] : memref<51200x16xf32, #tpu.memory_space<vmem_shared>> -> memref<128x16xf32, #tpu.memory_space<vmem_shared>>
        tpu.enqueue_dma source(%dma_start3A_35 : memref<128x16xf32, #tpu.memory_space<vmem_shared>>) target(%arg10 : memref<128x16xf32, #tpu.memory_space<vmem>>) target_semaphore(%run_scoped3A : memref<!tpu.dma_semaphore, #tpu.memory_space<semaphore_mem>>)
        %dma_wait3A = arith.constant 0 : i32
        %dma_wait3A_36 = tpu.memref_slice %arg11[%add3A_32, %dma_wait3A] : memref<51200x16xf32, #tpu.memory_space<vmem_shared>> -> memref<128x16xf32, #tpu.memory_space<vmem_shared>>
        %dma_wait3A_37 = arith.constant 0 : i32
        %dma_wait3A_38 = tpu.memref_slice %arg11[%add3A_32, %dma_wait3A_37] : memref<51200x16xf32, #tpu.memory_space<vmem_shared>> -> memref<128x16xf32, #tpu.memory_space<vmem_shared>>
        tpu.wait_dma2 semaphore(%run_scoped3A : memref<!tpu.dma_semaphore, #tpu.memory_space<semaphore_mem>>) src(%dma_wait3A_38 : memref<128x16xf32, #tpu.memory_space<vmem_shared>>) dst(%arg10 : memref<128x16xf32, #tpu.memory_space<vmem>>)
        tpu.yield
      }) : () -> ()
      "tpu.region"() ({
        %run_scoped3A = tpu.sem_alloc : memref<!tpu.dma_semaphore, #tpu.memory_space<semaphore_mem>>
        %dma_start3A = arith.constant 0 : i32
        %dma_start3A_33 = tpu.memref_slice %arg6[%arg0, %add3A_32, %dma_start3A] : memref<2x51200x16xf32, #tpu.memory_space<hbm>> -> memref<1x128x16xf32, #tpu.memory_space<hbm>>
        %dma_start3A_34 = tpu.memref_squeeze %dma_start3A_33 : memref<1x128x16xf32, #tpu.memory_space<hbm>> -> memref<128x16xf32, #tpu.memory_space<hbm>>
        %dma_start3A_35 = arith.constant 0 : i32
        %dma_start3A_36 = tpu.memref_slice %arg6[%arg0, %add3A_32, %dma_start3A_35] : memref<2x51200x16xf32, #tpu.memory_space<hbm>> -> memref<1x128x16xf32, #tpu.memory_space<hbm>>
        %dma_start3A_37 = tpu.memref_squeeze %dma_start3A_36 : memref<1x128x16xf32, #tpu.memory_space<hbm>> -> memref<128x16xf32, #tpu.memory_space<hbm>>
        tpu.enqueue_dma source(%arg10 : memref<128x16xf32, #tpu.memory_space<vmem>>) target(%dma_start3A_37 : memref<128x16xf32, #tpu.memory_space<hbm>>) target_semaphore(%run_scoped3A : memref<!tpu.dma_semaphore, #tpu.memory_space<semaphore_mem>>)
        %dma_wait3A = arith.constant 0 : i32
        %dma_wait3A_38 = tpu.memref_slice %arg6[%arg0, %add3A_32, %dma_wait3A] : memref<2x51200x16xf32, #tpu.memory_space<hbm>> -> memref<1x128x16xf32, #tpu.memory_space<hbm>>
        %dma_wait3A_39 = tpu.memref_squeeze %dma_wait3A_38 : memref<1x128x16xf32, #tpu.memory_space<hbm>> -> memref<128x16xf32, #tpu.memory_space<hbm>>
        %dma_wait3A_40 = arith.constant 0 : i32
        %dma_wait3A_41 = tpu.memref_slice %arg6[%arg0, %add3A_32, %dma_wait3A_40] : memref<2x51200x16xf32, #tpu.memory_space<hbm>> -> memref<1x128x16xf32, #tpu.memory_space<hbm>>
        %dma_wait3A_42 = tpu.memref_squeeze %dma_wait3A_41 : memref<1x128x16xf32, #tpu.memory_space<hbm>> -> memref<128x16xf32, #tpu.memory_space<hbm>>
        tpu.wait_dma2 semaphore(%run_scoped3A : memref<!tpu.dma_semaphore, #tpu.memory_space<semaphore_mem>>) src(%arg10 : memref<128x16xf32, #tpu.memory_space<vmem>>) dst(%dma_wait3A_42 : memref<128x16xf32, #tpu.memory_space<hbm>>)
        tpu.yield
      }) : () -> ()
    }
    %scan3A_26 = arith.constant 25 : i32
    return
  }
}

#map = affine_map<(d0, d1) -> (0, 0)>
#map1 = affine_map<(d0, d1) -> (0, 0, 0)>
module attributes {stable_mosaic.version = 14 : i64} {
  func.func @sc_agg(%arg0: i32, %arg1: i32, %arg2: memref<51200x16xf32, #tpu.memory_space<hbm>>, %arg3: memref<6400x128xi32, #tpu.memory_space<hbm>>, %arg4: memref<6400x128xi32, #tpu.memory_space<hbm>>, %arg5: memref<6400x128xf32, #tpu.memory_space<hbm>>, %arg6: memref<2x51200x16xf32, #tpu.memory_space<hbm>>, %arg7: memref<200x128xi32, #tpu.memory_space<vmem>>, %arg8: memref<200x128xi32, #tpu.memory_space<vmem>>, %arg9: memref<200x128xf32, #tpu.memory_space<vmem>>, %arg10: memref<128x16xf32, #tpu.memory_space<vmem>>, %arg11: memref<51200x16xf32, #tpu.memory_space<vmem_shared>>, %arg12: memref<!tpu.dma_semaphore, #tpu.memory_space<semaphore_mem>>) attributes {dimension_semantics = [#tpu.dimension_semantics<core_parallel>, #tpu.dimension_semantics<subcore_parallel>], iteration_bounds = array<i64: 2, 16>, scalar_prefetch = 0 : i64, scratch_operands = 6 : i64, tpu.core_type = #tpu.core_type<sc_vector_subcore>, window_params = [{transform_indices = #map}, {transform_indices = #map}, {transform_indices = #map}, {transform_indices = #map}, {transform_indices = #map1}]} {
    %scan3A = arith.constant 0 : i32
    %scan3A_0 = arith.constant 0 : i32
    %scan3A_1 = arith.constant 128 : i32
    %scan3A_2 = arith.addi %scan3A_0, %scan3A_1 : i32
    %scan3A_3 = arith.constant 1 : i32
    scf.for %scan3A_27 = %scan3A_0 to %scan3A_2 step %scan3A_3  : i32 {
      %broadcast_in_dim3A = arith.constant 0.000000e+00 : f32
      %broadcast_in_dim3A_28 = vector.broadcast %broadcast_in_dim3A : f32 to vector<16xf32>
      %swap3A = arith.index_cast %scan3A_27 : i32 to index
      %swap3A_29 = arith.constant 0 : index
      %swap3A_30 = tpu.vector_load %arg10[%swap3A, %swap3A_29] {strides = array<i32>} : memref<128x16xf32, #tpu.memory_space<vmem>>, vector<1x16xf32>,
      %swap3A_31 = vector.shape_cast %swap3A_30 : vector<1x16xf32> to vector<16xf32>
      %swap3A_32 = vector.shape_cast %broadcast_in_dim3A_28 : vector<16xf32> to vector<1x16xf32>
      tpu.vector_store %arg10[%swap3A, %swap3A_29], %swap3A_32 {strides = array<i32>} : memref<128x16xf32, #tpu.memory_space<vmem>>, vector<1x16xf32>,
    }
    %scan3A_4 = arith.constant 128 : i32
    %scan3A_5 = arith.constant 0 : i32
    %scan3A_6 = arith.constant 0 : i32
    %scan3A_7 = arith.constant 25 : i32
    %scan3A_8 = arith.addi %scan3A_6, %scan3A_7 : i32
    %scan3A_9 = arith.constant 1 : i32
    scf.for %scan3A_27 = %scan3A_6 to %scan3A_8 step %scan3A_9  : i32 {
      %mul3A_28 = arith.constant 3200 : i32
      %mul3A_29 = arith.muli %arg1, %mul3A_28 : i32
      %mul3A_30 = arith.constant 128 : i32
      %mul3A_31 = arith.muli %scan3A_27, %mul3A_30 : i32
      %add3A_32 = arith.addi %mul3A_29, %mul3A_31 : i32
      "tpu.region"() ({
        %run_scoped3A = tpu.sem_alloc : memref<!tpu.dma_semaphore, #tpu.memory_space<semaphore_mem>>
        %dma_start3A = arith.constant 0 : i32
        %dma_start3A_33 = tpu.memref_slice %arg11[%add3A_32, %dma_start3A] : memref<51200x16xf32, #tpu.memory_space<vmem_shared>> -> memref<128x16xf32, #tpu.memory_space<vmem_shared>>
        %dma_start3A_34 = arith.constant 0 : i32
        %dma_start3A_35 = tpu.memref_slice %arg11[%add3A_32, %dma_start3A_34] : memref<51200x16xf32, #tpu.memory_space<vmem_shared>> -> memref<128x16xf32, #tpu.memory_space<vmem_shared>>
        tpu.enqueue_dma source(%arg10 : memref<128x16xf32, #tpu.memory_space<vmem>>) target(%dma_start3A_35 : memref<128x16xf32, #tpu.memory_space<vmem_shared>>) target_semaphore(%run_scoped3A : memref<!tpu.dma_semaphore, #tpu.memory_space<semaphore_mem>>)
        %dma_wait3A = arith.constant 0 : i32
        %dma_wait3A_36 = tpu.memref_slice %arg11[%add3A_32, %dma_wait3A] : memref<51200x16xf32, #tpu.memory_space<vmem_shared>> -> memref<128x16xf32, #tpu.memory_space<vmem_shared>>
        %dma_wait3A_37 = arith.constant 0 : i32
        %dma_wait3A_38 = tpu.memref_slice %arg11[%add3A_32, %dma_wait3A_37] : memref<51200x16xf32, #tpu.memory_space<vmem_shared>> -> memref<128x16xf32, #tpu.memory_space<vmem_shared>>
        tpu.wait_dma2 semaphore(%run_scoped3A : memref<!tpu.dma_semaphore, #tpu.memory_space<semaphore_mem>>) src(%arg10 : memref<128x16xf32, #tpu.memory_space<vmem>>) dst(%dma_wait3A_38 : memref<128x16xf32, #tpu.memory_space<vmem_shared>>)
        tpu.yield
      }) : () -> ()
    }
    %scan3A_10 = arith.constant 25 : i32
    %mul3A = arith.constant 16 : i32
    %mul3A_11 = arith.muli %arg0, %mul3A : i32
    %add3A = arith.addi %mul3A_11, %arg1 : i32
    %mul3A_12 = arith.constant 200 : i32
    %mul3A_13 = arith.muli %add3A, %mul3A_12 : i32
    "tpu.region"() ({
      %run_scoped3A = tpu.sem_alloc : memref<!tpu.dma_semaphore, #tpu.memory_space<semaphore_mem>>
      %dma_start3A = arith.constant 0 : i32
      %dma_start3A_27 = tpu.memref_slice %arg3[%mul3A_13, %dma_start3A] : memref<6400x128xi32, #tpu.memory_space<hbm>> -> memref<200x128xi32, #tpu.memory_space<hbm>>
      %dma_start3A_28 = arith.constant 0 : i32
      %dma_start3A_29 = tpu.memref_slice %arg3[%mul3A_13, %dma_start3A_28] : memref<6400x128xi32, #tpu.memory_space<hbm>> -> memref<200x128xi32, #tpu.memory_space<hbm>>
      tpu.enqueue_dma source(%dma_start3A_29 : memref<200x128xi32, #tpu.memory_space<hbm>>) target(%arg7 : memref<200x128xi32, #tpu.memory_space<vmem>>) target_semaphore(%run_scoped3A : memref<!tpu.dma_semaphore, #tpu.memory_space<semaphore_mem>>)
      %dma_wait3A = arith.constant 0 : i32
      %dma_wait3A_30 = tpu.memref_slice %arg3[%mul3A_13, %dma_wait3A] : memref<6400x128xi32, #tpu.memory_space<hbm>> -> memref<200x128xi32, #tpu.memory_space<hbm>>
      %dma_wait3A_31 = arith.constant 0 : i32
      %dma_wait3A_32 = tpu.memref_slice %arg3[%mul3A_13, %dma_wait3A_31] : memref<6400x128xi32, #tpu.memory_space<hbm>> -> memref<200x128xi32, #tpu.memory_space<hbm>>
      tpu.wait_dma2 semaphore(%run_scoped3A : memref<!tpu.dma_semaphore, #tpu.memory_space<semaphore_mem>>) src(%dma_wait3A_32 : memref<200x128xi32, #tpu.memory_space<hbm>>) dst(%arg7 : memref<200x128xi32, #tpu.memory_space<vmem>>)
      tpu.yield
    }) : () -> ()
    "tpu.region"() ({
      %run_scoped3A = tpu.sem_alloc : memref<!tpu.dma_semaphore, #tpu.memory_space<semaphore_mem>>
      %dma_start3A = arith.constant 0 : i32
      %dma_start3A_27 = tpu.memref_slice %arg4[%mul3A_13, %dma_start3A] : memref<6400x128xi32, #tpu.memory_space<hbm>> -> memref<200x128xi32, #tpu.memory_space<hbm>>
      %dma_start3A_28 = arith.constant 0 : i32
      %dma_start3A_29 = tpu.memref_slice %arg4[%mul3A_13, %dma_start3A_28] : memref<6400x128xi32, #tpu.memory_space<hbm>> -> memref<200x128xi32, #tpu.memory_space<hbm>>
      tpu.enqueue_dma source(%dma_start3A_29 : memref<200x128xi32, #tpu.memory_space<hbm>>) target(%arg8 : memref<200x128xi32, #tpu.memory_space<vmem>>) target_semaphore(%run_scoped3A : memref<!tpu.dma_semaphore, #tpu.memory_space<semaphore_mem>>)
      %dma_wait3A = arith.constant 0 : i32
      %dma_wait3A_30 = tpu.memref_slice %arg4[%mul3A_13, %dma_wait3A] : memref<6400x128xi32, #tpu.memory_space<hbm>> -> memref<200x128xi32, #tpu.memory_space<hbm>>
      %dma_wait3A_31 = arith.constant 0 : i32
      %dma_wait3A_32 = tpu.memref_slice %arg4[%mul3A_13, %dma_wait3A_31] : memref<6400x128xi32, #tpu.memory_space<hbm>> -> memref<200x128xi32, #tpu.memory_space<hbm>>
      tpu.wait_dma2 semaphore(%run_scoped3A : memref<!tpu.dma_semaphore, #tpu.memory_space<semaphore_mem>>) src(%dma_wait3A_32 : memref<200x128xi32, #tpu.memory_space<hbm>>) dst(%arg8 : memref<200x128xi32, #tpu.memory_space<vmem>>)
      tpu.yield
    }) : () -> ()
    "tpu.region"() ({
      %run_scoped3A = tpu.sem_alloc : memref<!tpu.dma_semaphore, #tpu.memory_space<semaphore_mem>>
      %dma_start3A = arith.constant 0 : i32
      %dma_start3A_27 = tpu.memref_slice %arg5[%mul3A_13, %dma_start3A] : memref<6400x128xf32, #tpu.memory_space<hbm>> -> memref<200x128xf32, #tpu.memory_space<hbm>>
      %dma_start3A_28 = arith.constant 0 : i32
      %dma_start3A_29 = tpu.memref_slice %arg5[%mul3A_13, %dma_start3A_28] : memref<6400x128xf32, #tpu.memory_space<hbm>> -> memref<200x128xf32, #tpu.memory_space<hbm>>
      tpu.enqueue_dma source(%dma_start3A_29 : memref<200x128xf32, #tpu.memory_space<hbm>>) target(%arg9 : memref<200x128xf32, #tpu.memory_space<vmem>>) target_semaphore(%run_scoped3A : memref<!tpu.dma_semaphore, #tpu.memory_space<semaphore_mem>>)
      %dma_wait3A = arith.constant 0 : i32
      %dma_wait3A_30 = tpu.memref_slice %arg5[%mul3A_13, %dma_wait3A] : memref<6400x128xf32, #tpu.memory_space<hbm>> -> memref<200x128xf32, #tpu.memory_space<hbm>>
      %dma_wait3A_31 = arith.constant 0 : i32
      %dma_wait3A_32 = tpu.memref_slice %arg5[%mul3A_13, %dma_wait3A_31] : memref<6400x128xf32, #tpu.memory_space<hbm>> -> memref<200x128xf32, #tpu.memory_space<hbm>>
      tpu.wait_dma2 semaphore(%run_scoped3A : memref<!tpu.dma_semaphore, #tpu.memory_space<semaphore_mem>>) src(%dma_wait3A_32 : memref<200x128xf32, #tpu.memory_space<hbm>>) dst(%arg9 : memref<200x128xf32, #tpu.memory_space<vmem>>)
      tpu.yield
    }) : () -> ()
    %barrier3A = arith.constant 0 : index
    tpu.barrier barrier_id(%barrier3A)
    %scan3A_14 = arith.constant 0 : i32
    %scan3A_15 = arith.constant 0 : i32
    %scan3A_16 = arith.constant 200 : i32
    %scan3A_17 = arith.addi %scan3A_15, %scan3A_16 : i32
    %scan3A_18 = arith.constant 1 : i32
    scf.for %scan3A_27 = %scan3A_15 to %scan3A_17 step %scan3A_18  : i32 {
      %dma_start3A = arith.constant 0 : i32
      %dma_start3A_28 = tpu.memref_slice %arg7[%scan3A_27, %dma_start3A] : memref<200x128xi32, #tpu.memory_space<vmem>> -> memref<1x128xi32, #tpu.memory_space<vmem>>
      %dma_start3A_29 = tpu.memref_squeeze %dma_start3A_28 : memref<1x128xi32, #tpu.memory_space<vmem>> -> memref<128xi32, #tpu.memory_space<vmem>>
      %dma_start3A_30 = arith.constant 0 : i32
      %dma_start3A_31 = arith.constant 0 : i32
      %dma_start3A_32 = tpu.memref_slice %arg2[%dma_start3A_30, %dma_start3A_31] : memref<51200x16xf32, #tpu.memory_space<hbm>> -> memref<51200x16xf32, #tpu.memory_space<hbm>>
      tpu.enqueue_indirect_dma source(%dma_start3A_32 : memref<51200x16xf32, #tpu.memory_space<hbm>>) target(%arg10 : memref<128x16xf32, #tpu.memory_space<vmem>>) offsets(%dma_start3A_29 : memref<128xi32, #tpu.memory_space<vmem>>) semaphore(%arg12 : memref<!tpu.dma_semaphore, #tpu.memory_space<semaphore_mem>>)
      %dma_wait3A = arith.constant 0 : i32
      %dma_wait3A_33 = tpu.memref_slice %arg7[%scan3A_27, %dma_wait3A] : memref<200x128xi32, #tpu.memory_space<vmem>> -> memref<1x128xi32, #tpu.memory_space<vmem>>
      %dma_wait3A_34 = tpu.memref_squeeze %dma_wait3A_33 : memref<1x128xi32, #tpu.memory_space<vmem>> -> memref<128xi32, #tpu.memory_space<vmem>>
      %dma_wait3A_35 = arith.constant 0 : i32
      %dma_wait3A_36 = arith.constant 0 : i32
      %dma_wait3A_37 = tpu.memref_slice %arg2[%dma_wait3A_35, %dma_wait3A_36] : memref<51200x16xf32, #tpu.memory_space<hbm>> -> memref<51200x16xf32, #tpu.memory_space<hbm>>
      tpu.wait_indirect_dma semaphore(%arg12 : memref<!tpu.dma_semaphore, #tpu.memory_space<semaphore_mem>>) src(%dma_wait3A_37 : memref<51200x16xf32, #tpu.memory_space<hbm>>) dst(%arg10 : memref<128x16xf32, #tpu.memory_space<vmem>>)
      %scan3A_38 = arith.constant 0 : i32
      %scan3A_39 = arith.constant 0 : i32
      %scan3A_40 = arith.constant 8 : i32
      %scan3A_41 = arith.addi %scan3A_39, %scan3A_40 : i32
      %scan3A_42 = arith.constant 1 : i32
      scf.for %scan3A_44 = %scan3A_39 to %scan3A_41 step %scan3A_42  : i32 {
        %mul3A_45 = arith.constant 16 : i32
        %mul3A_46 = arith.muli %scan3A_44, %mul3A_45 : i32
        %get3A = arith.index_cast %scan3A_27 : i32 to index
        %get3A_47 = arith.index_cast %mul3A_46 : i32 to index
        %get3A_48 = tpu.vector_load %arg9[%get3A, %get3A_47] {strides = array<i32>} : memref<200x128xf32, #tpu.memory_space<vmem>>, vector<1x16xf32>,
        %get3A_49 = vector.shape_cast %get3A_48 : vector<1x16xf32> to vector<16xf32>
        %slice3A = vector.extract_strided_slice %get3A_49 {offsets = [0], sizes = [1], strides = [1]} : vector<16xf32> to vector<1xf32>
        %squeeze3A = vector.extract %slice3A[0] : f32 from vector<1xf32>
        %mul3A_50 = arith.constant 16 : i32
        %mul3A_51 = arith.muli %scan3A_44, %mul3A_50 : i32
        %add3A_52 = arith.constant 0 : i32
        %add3A_53 = arith.addi %mul3A_51, %add3A_52 : i32
        %get3A_54 = arith.index_cast %add3A_53 : i32 to index
        %get3A_55 = arith.constant 0 : index
        %get3A_56 = tpu.vector_load %arg10[%get3A_54, %get3A_55] {strides = array<i32>} : memref<128x16xf32, #tpu.memory_space<vmem>>, vector<1x16xf32>,
        %get3A_57 = vector.shape_cast %get3A_56 : vector<1x16xf32> to vector<16xf32>
        %mul3A_58 = vector.broadcast %squeeze3A : f32 to vector<16xf32>
        %mul3A_59 = arith.mulf %get3A_57, %mul3A_58 : vector<16xf32>
        %swap3A = arith.index_cast %add3A_53 : i32 to index
        %swap3A_60 = arith.constant 0 : index
        %swap3A_61 = tpu.vector_load %arg10[%swap3A, %swap3A_60] {strides = array<i32>} : memref<128x16xf32, #tpu.memory_space<vmem>>, vector<1x16xf32>,
        %swap3A_62 = vector.shape_cast %swap3A_61 : vector<1x16xf32> to vector<16xf32>
        %swap3A_63 = vector.shape_cast %mul3A_59 : vector<16xf32> to vector<1x16xf32>
        tpu.vector_store %arg10[%swap3A, %swap3A_60], %swap3A_63 {strides = array<i32>} : memref<128x16xf32, #tpu.memory_space<vmem>>, vector<1x16xf32>,
        %slice3A_64 = vector.extract_strided_slice %get3A_49 {offsets = [1], sizes = [1], strides = [1]} : vector<16xf32> to vector<1xf32>
        %squeeze3A_65 = vector.extract %slice3A_64[0] : f32 from vector<1xf32>
        %mul3A_66 = arith.constant 16 : i32
        %mul3A_67 = arith.muli %scan3A_44, %mul3A_66 : i32
        %add3A_68 = arith.constant 1 : i32
        %add3A_69 = arith.addi %mul3A_67, %add3A_68 : i32
        %get3A_70 = arith.index_cast %add3A_69 : i32 to index
        %get3A_71 = arith.constant 0 : index
        %get3A_72 = tpu.vector_load %arg10[%get3A_70, %get3A_71] {strides = array<i32>} : memref<128x16xf32, #tpu.memory_space<vmem>>, vector<1x16xf32>,
        %get3A_73 = vector.shape_cast %get3A_72 : vector<1x16xf32> to vector<16xf32>
        %mul3A_74 = vector.broadcast %squeeze3A_65 : f32 to vector<16xf32>
        %mul3A_75 = arith.mulf %get3A_73, %mul3A_74 : vector<16xf32>
        %swap3A_76 = arith.index_cast %add3A_69 : i32 to index
        %swap3A_77 = arith.constant 0 : index
        %swap3A_78 = tpu.vector_load %arg10[%swap3A_76, %swap3A_77] {strides = array<i32>} : memref<128x16xf32, #tpu.memory_space<vmem>>, vector<1x16xf32>,
        %swap3A_79 = vector.shape_cast %swap3A_78 : vector<1x16xf32> to vector<16xf32>
        %swap3A_80 = vector.shape_cast %mul3A_75 : vector<16xf32> to vector<1x16xf32>
        tpu.vector_store %arg10[%swap3A_76, %swap3A_77], %swap3A_80 {strides = array<i32>} : memref<128x16xf32, #tpu.memory_space<vmem>>, vector<1x16xf32>,
        %slice3A_81 = vector.extract_strided_slice %get3A_49 {offsets = [2], sizes = [1], strides = [1]} : vector<16xf32> to vector<1xf32>
        %squeeze3A_82 = vector.extract %slice3A_81[0] : f32 from vector<1xf32>
        %mul3A_83 = arith.constant 16 : i32
        %mul3A_84 = arith.muli %scan3A_44, %mul3A_83 : i32
        %add3A_85 = arith.constant 2 : i32
        %add3A_86 = arith.addi %mul3A_84, %add3A_85 : i32
        %get3A_87 = arith.index_cast %add3A_86 : i32 to index
        %get3A_88 = arith.constant 0 : index
        %get3A_89 = tpu.vector_load %arg10[%get3A_87, %get3A_88] {strides = array<i32>} : memref<128x16xf32, #tpu.memory_space<vmem>>, vector<1x16xf32>,
        %get3A_90 = vector.shape_cast %get3A_89 : vector<1x16xf32> to vector<16xf32>
        %mul3A_91 = vector.broadcast %squeeze3A_82 : f32 to vector<16xf32>
        %mul3A_92 = arith.mulf %get3A_90, %mul3A_91 : vector<16xf32>
        %swap3A_93 = arith.index_cast %add3A_86 : i32 to index
        %swap3A_94 = arith.constant 0 : index
        %swap3A_95 = tpu.vector_load %arg10[%swap3A_93, %swap3A_94] {strides = array<i32>} : memref<128x16xf32, #tpu.memory_space<vmem>>, vector<1x16xf32>,
        %swap3A_96 = vector.shape_cast %swap3A_95 : vector<1x16xf32> to vector<16xf32>
        %swap3A_97 = vector.shape_cast %mul3A_92 : vector<16xf32> to vector<1x16xf32>
        tpu.vector_store %arg10[%swap3A_93, %swap3A_94], %swap3A_97 {strides = array<i32>} : memref<128x16xf32, #tpu.memory_space<vmem>>, vector<1x16xf32>,
        %slice3A_98 = vector.extract_strided_slice %get3A_49 {offsets = [3], sizes = [1], strides = [1]} : vector<16xf32> to vector<1xf32>
        %squeeze3A_99 = vector.extract %slice3A_98[0] : f32 from vector<1xf32>
        %mul3A_100 = arith.constant 16 : i32
        %mul3A_101 = arith.muli %scan3A_44, %mul3A_100 : i32
        %add3A_102 = arith.constant 3 : i32
        %add3A_103 = arith.addi %mul3A_101, %add3A_102 : i32
        %get3A_104 = arith.index_cast %add3A_103 : i32 to index
        %get3A_105 = arith.constant 0 : index
        %get3A_106 = tpu.vector_load %arg10[%get3A_104, %get3A_105] {strides = array<i32>} : memref<128x16xf32, #tpu.memory_space<vmem>>, vector<1x16xf32>,
        %get3A_107 = vector.shape_cast %get3A_106 : vector<1x16xf32> to vector<16xf32>
        %mul3A_108 = vector.broadcast %squeeze3A_99 : f32 to vector<16xf32>
        %mul3A_109 = arith.mulf %get3A_107, %mul3A_108 : vector<16xf32>
        %swap3A_110 = arith.index_cast %add3A_103 : i32 to index
        %swap3A_111 = arith.constant 0 : index
        %swap3A_112 = tpu.vector_load %arg10[%swap3A_110, %swap3A_111] {strides = array<i32>} : memref<128x16xf32, #tpu.memory_space<vmem>>, vector<1x16xf32>,
        %swap3A_113 = vector.shape_cast %swap3A_112 : vector<1x16xf32> to vector<16xf32>
        %swap3A_114 = vector.shape_cast %mul3A_109 : vector<16xf32> to vector<1x16xf32>
        tpu.vector_store %arg10[%swap3A_110, %swap3A_111], %swap3A_114 {strides = array<i32>} : memref<128x16xf32, #tpu.memory_space<vmem>>, vector<1x16xf32>,
        %slice3A_115 = vector.extract_strided_slice %get3A_49 {offsets = [4], sizes = [1], strides = [1]} : vector<16xf32> to vector<1xf32>
        %squeeze3A_116 = vector.extract %slice3A_115[0] : f32 from vector<1xf32>
        %mul3A_117 = arith.constant 16 : i32
        %mul3A_118 = arith.muli %scan3A_44, %mul3A_117 : i32
        %add3A_119 = arith.constant 4 : i32
        %add3A_120 = arith.addi %mul3A_118, %add3A_119 : i32
        %get3A_121 = arith.index_cast %add3A_120 : i32 to index
        %get3A_122 = arith.constant 0 : index
        %get3A_123 = tpu.vector_load %arg10[%get3A_121, %get3A_122] {strides = array<i32>} : memref<128x16xf32, #tpu.memory_space<vmem>>, vector<1x16xf32>,
        %get3A_124 = vector.shape_cast %get3A_123 : vector<1x16xf32> to vector<16xf32>
        %mul3A_125 = vector.broadcast %squeeze3A_116 : f32 to vector<16xf32>
        %mul3A_126 = arith.mulf %get3A_124, %mul3A_125 : vector<16xf32>
        %swap3A_127 = arith.index_cast %add3A_120 : i32 to index
        %swap3A_128 = arith.constant 0 : index
        %swap3A_129 = tpu.vector_load %arg10[%swap3A_127, %swap3A_128] {strides = array<i32>} : memref<128x16xf32, #tpu.memory_space<vmem>>, vector<1x16xf32>,
        %swap3A_130 = vector.shape_cast %swap3A_129 : vector<1x16xf32> to vector<16xf32>
        %swap3A_131 = vector.shape_cast %mul3A_126 : vector<16xf32> to vector<1x16xf32>
        tpu.vector_store %arg10[%swap3A_127, %swap3A_128], %swap3A_131 {strides = array<i32>} : memref<128x16xf32, #tpu.memory_space<vmem>>, vector<1x16xf32>,
        %slice3A_132 = vector.extract_strided_slice %get3A_49 {offsets = [5], sizes = [1], strides = [1]} : vector<16xf32> to vector<1xf32>
        %squeeze3A_133 = vector.extract %slice3A_132[0] : f32 from vector<1xf32>
        %mul3A_134 = arith.constant 16 : i32
        %mul3A_135 = arith.muli %scan3A_44, %mul3A_134 : i32
        %add3A_136 = arith.constant 5 : i32
        %add3A_137 = arith.addi %mul3A_135, %add3A_136 : i32
        %get3A_138 = arith.index_cast %add3A_137 : i32 to index
        %get3A_139 = arith.constant 0 : index
        %get3A_140 = tpu.vector_load %arg10[%get3A_138, %get3A_139] {strides = array<i32>} : memref<128x16xf32, #tpu.memory_space<vmem>>, vector<1x16xf32>,
        %get3A_141 = vector.shape_cast %get3A_140 : vector<1x16xf32> to vector<16xf32>
        %mul3A_142 = vector.broadcast %squeeze3A_133 : f32 to vector<16xf32>
        %mul3A_143 = arith.mulf %get3A_141, %mul3A_142 : vector<16xf32>
        %swap3A_144 = arith.index_cast %add3A_137 : i32 to index
        %swap3A_145 = arith.constant 0 : index
        %swap3A_146 = tpu.vector_load %arg10[%swap3A_144, %swap3A_145] {strides = array<i32>} : memref<128x16xf32, #tpu.memory_space<vmem>>, vector<1x16xf32>,
        %swap3A_147 = vector.shape_cast %swap3A_146 : vector<1x16xf32> to vector<16xf32>
        %swap3A_148 = vector.shape_cast %mul3A_143 : vector<16xf32> to vector<1x16xf32>
        tpu.vector_store %arg10[%swap3A_144, %swap3A_145], %swap3A_148 {strides = array<i32>} : memref<128x16xf32, #tpu.memory_space<vmem>>, vector<1x16xf32>,
        %slice3A_149 = vector.extract_strided_slice %get3A_49 {offsets = [6], sizes = [1], strides = [1]} : vector<16xf32> to vector<1xf32>
        %squeeze3A_150 = vector.extract %slice3A_149[0] : f32 from vector<1xf32>
        %mul3A_151 = arith.constant 16 : i32
        %mul3A_152 = arith.muli %scan3A_44, %mul3A_151 : i32
        %add3A_153 = arith.constant 6 : i32
        %add3A_154 = arith.addi %mul3A_152, %add3A_153 : i32
        %get3A_155 = arith.index_cast %add3A_154 : i32 to index
        %get3A_156 = arith.constant 0 : index
        %get3A_157 = tpu.vector_load %arg10[%get3A_155, %get3A_156] {strides = array<i32>} : memref<128x16xf32, #tpu.memory_space<vmem>>, vector<1x16xf32>,
        %get3A_158 = vector.shape_cast %get3A_157 : vector<1x16xf32> to vector<16xf32>
        %mul3A_159 = vector.broadcast %squeeze3A_150 : f32 to vector<16xf32>
        %mul3A_160 = arith.mulf %get3A_158, %mul3A_159 : vector<16xf32>
        %swap3A_161 = arith.index_cast %add3A_154 : i32 to index
        %swap3A_162 = arith.constant 0 : index
        %swap3A_163 = tpu.vector_load %arg10[%swap3A_161, %swap3A_162] {strides = array<i32>} : memref<128x16xf32, #tpu.memory_space<vmem>>, vector<1x16xf32>,
        %swap3A_164 = vector.shape_cast %swap3A_163 : vector<1x16xf32> to vector<16xf32>
        %swap3A_165 = vector.shape_cast %mul3A_160 : vector<16xf32> to vector<1x16xf32>
        tpu.vector_store %arg10[%swap3A_161, %swap3A_162], %swap3A_165 {strides = array<i32>} : memref<128x16xf32, #tpu.memory_space<vmem>>, vector<1x16xf32>,
        %slice3A_166 = vector.extract_strided_slice %get3A_49 {offsets = [7], sizes = [1], strides = [1]} : vector<16xf32> to vector<1xf32>
        %squeeze3A_167 = vector.extract %slice3A_166[0] : f32 from vector<1xf32>
        %mul3A_168 = arith.constant 16 : i32
        %mul3A_169 = arith.muli %scan3A_44, %mul3A_168 : i32
        %add3A_170 = arith.constant 7 : i32
        %add3A_171 = arith.addi %mul3A_169, %add3A_170 : i32
        %get3A_172 = arith.index_cast %add3A_171 : i32 to index
        %get3A_173 = arith.constant 0 : index
        %get3A_174 = tpu.vector_load %arg10[%get3A_172, %get3A_173] {strides = array<i32>} : memref<128x16xf32, #tpu.memory_space<vmem>>, vector<1x16xf32>,
        %get3A_175 = vector.shape_cast %get3A_174 : vector<1x16xf32> to vector<16xf32>
        %mul3A_176 = vector.broadcast %squeeze3A_167 : f32 to vector<16xf32>
        %mul3A_177 = arith.mulf %get3A_175, %mul3A_176 : vector<16xf32>
        %swap3A_178 = arith.index_cast %add3A_171 : i32 to index
        %swap3A_179 = arith.constant 0 : index
        %swap3A_180 = tpu.vector_load %arg10[%swap3A_178, %swap3A_179] {strides = array<i32>} : memref<128x16xf32, #tpu.memory_space<vmem>>, vector<1x16xf32>,
        %swap3A_181 = vector.shape_cast %swap3A_180 : vector<1x16xf32> to vector<16xf32>
        %swap3A_182 = vector.shape_cast %mul3A_177 : vector<16xf32> to vector<1x16xf32>
        tpu.vector_store %arg10[%swap3A_178, %swap3A_179], %swap3A_182 {strides = array<i32>} : memref<128x16xf32, #tpu.memory_space<vmem>>, vector<1x16xf32>,
        %slice3A_183 = vector.extract_strided_slice %get3A_49 {offsets = [8], sizes = [1], strides = [1]} : vector<16xf32> to vector<1xf32>
        %squeeze3A_184 = vector.extract %slice3A_183[0] : f32 from vector<1xf32>
        %mul3A_185 = arith.constant 16 : i32
        %mul3A_186 = arith.muli %scan3A_44, %mul3A_185 : i32
        %add3A_187 = arith.constant 8 : i32
        %add3A_188 = arith.addi %mul3A_186, %add3A_187 : i32
        %get3A_189 = arith.index_cast %add3A_188 : i32 to index
        %get3A_190 = arith.constant 0 : index
        %get3A_191 = tpu.vector_load %arg10[%get3A_189, %get3A_190] {strides = array<i32>} : memref<128x16xf32, #tpu.memory_space<vmem>>, vector<1x16xf32>,
        %get3A_192 = vector.shape_cast %get3A_191 : vector<1x16xf32> to vector<16xf32>
        %mul3A_193 = vector.broadcast %squeeze3A_184 : f32 to vector<16xf32>
        %mul3A_194 = arith.mulf %get3A_192, %mul3A_193 : vector<16xf32>
        %swap3A_195 = arith.index_cast %add3A_188 : i32 to index
        %swap3A_196 = arith.constant 0 : index
        %swap3A_197 = tpu.vector_load %arg10[%swap3A_195, %swap3A_196] {strides = array<i32>} : memref<128x16xf32, #tpu.memory_space<vmem>>, vector<1x16xf32>,
        %swap3A_198 = vector.shape_cast %swap3A_197 : vector<1x16xf32> to vector<16xf32>
        %swap3A_199 = vector.shape_cast %mul3A_194 : vector<16xf32> to vector<1x16xf32>
        tpu.vector_store %arg10[%swap3A_195, %swap3A_196], %swap3A_199 {strides = array<i32>} : memref<128x16xf32, #tpu.memory_space<vmem>>, vector<1x16xf32>,
        %slice3A_200 = vector.extract_strided_slice %get3A_49 {offsets = [9], sizes = [1], strides = [1]} : vector<16xf32> to vector<1xf32>
        %squeeze3A_201 = vector.extract %slice3A_200[0] : f32 from vector<1xf32>
        %mul3A_202 = arith.constant 16 : i32
        %mul3A_203 = arith.muli %scan3A_44, %mul3A_202 : i32
        %add3A_204 = arith.constant 9 : i32
        %add3A_205 = arith.addi %mul3A_203, %add3A_204 : i32
        %get3A_206 = arith.index_cast %add3A_205 : i32 to index
        %get3A_207 = arith.constant 0 : index
        %get3A_208 = tpu.vector_load %arg10[%get3A_206, %get3A_207] {strides = array<i32>} : memref<128x16xf32, #tpu.memory_space<vmem>>, vector<1x16xf32>,
        %get3A_209 = vector.shape_cast %get3A_208 : vector<1x16xf32> to vector<16xf32>
        %mul3A_210 = vector.broadcast %squeeze3A_201 : f32 to vector<16xf32>
        %mul3A_211 = arith.mulf %get3A_209, %mul3A_210 : vector<16xf32>
        %swap3A_212 = arith.index_cast %add3A_205 : i32 to index
        %swap3A_213 = arith.constant 0 : index
        %swap3A_214 = tpu.vector_load %arg10[%swap3A_212, %swap3A_213] {strides = array<i32>} : memref<128x16xf32, #tpu.memory_space<vmem>>, vector<1x16xf32>,
        %swap3A_215 = vector.shape_cast %swap3A_214 : vector<1x16xf32> to vector<16xf32>
        %swap3A_216 = vector.shape_cast %mul3A_211 : vector<16xf32> to vector<1x16xf32>
        tpu.vector_store %arg10[%swap3A_212, %swap3A_213], %swap3A_216 {strides = array<i32>} : memref<128x16xf32, #tpu.memory_space<vmem>>, vector<1x16xf32>,
        %slice3A_217 = vector.extract_strided_slice %get3A_49 {offsets = [10], sizes = [1], strides = [1]} : vector<16xf32> to vector<1xf32>
        %squeeze3A_218 = vector.extract %slice3A_217[0] : f32 from vector<1xf32>
        %mul3A_219 = arith.constant 16 : i32
        %mul3A_220 = arith.muli %scan3A_44, %mul3A_219 : i32
        %add3A_221 = arith.constant 10 : i32
        %add3A_222 = arith.addi %mul3A_220, %add3A_221 : i32
        %get3A_223 = arith.index_cast %add3A_222 : i32 to index
        %get3A_224 = arith.constant 0 : index
        %get3A_225 = tpu.vector_load %arg10[%get3A_223, %get3A_224] {strides = array<i32>} : memref<128x16xf32, #tpu.memory_space<vmem>>, vector<1x16xf32>,
        %get3A_226 = vector.shape_cast %get3A_225 : vector<1x16xf32> to vector<16xf32>
        %mul3A_227 = vector.broadcast %squeeze3A_218 : f32 to vector<16xf32>
        %mul3A_228 = arith.mulf %get3A_226, %mul3A_227 : vector<16xf32>
        %swap3A_229 = arith.index_cast %add3A_222 : i32 to index
        %swap3A_230 = arith.constant 0 : index
        %swap3A_231 = tpu.vector_load %arg10[%swap3A_229, %swap3A_230] {strides = array<i32>} : memref<128x16xf32, #tpu.memory_space<vmem>>, vector<1x16xf32>,
        %swap3A_232 = vector.shape_cast %swap3A_231 : vector<1x16xf32> to vector<16xf32>
        %swap3A_233 = vector.shape_cast %mul3A_228 : vector<16xf32> to vector<1x16xf32>
        tpu.vector_store %arg10[%swap3A_229, %swap3A_230], %swap3A_233 {strides = array<i32>} : memref<128x16xf32, #tpu.memory_space<vmem>>, vector<1x16xf32>,
        %slice3A_234 = vector.extract_strided_slice %get3A_49 {offsets = [11], sizes = [1], strides = [1]} : vector<16xf32> to vector<1xf32>
        %squeeze3A_235 = vector.extract %slice3A_234[0] : f32 from vector<1xf32>
        %mul3A_236 = arith.constant 16 : i32
        %mul3A_237 = arith.muli %scan3A_44, %mul3A_236 : i32
        %add3A_238 = arith.constant 11 : i32
        %add3A_239 = arith.addi %mul3A_237, %add3A_238 : i32
        %get3A_240 = arith.index_cast %add3A_239 : i32 to index
        %get3A_241 = arith.constant 0 : index
        %get3A_242 = tpu.vector_load %arg10[%get3A_240, %get3A_241] {strides = array<i32>} : memref<128x16xf32, #tpu.memory_space<vmem>>, vector<1x16xf32>,
        %get3A_243 = vector.shape_cast %get3A_242 : vector<1x16xf32> to vector<16xf32>
        %mul3A_244 = vector.broadcast %squeeze3A_235 : f32 to vector<16xf32>
        %mul3A_245 = arith.mulf %get3A_243, %mul3A_244 : vector<16xf32>
        %swap3A_246 = arith.index_cast %add3A_239 : i32 to index
        %swap3A_247 = arith.constant 0 : index
        %swap3A_248 = tpu.vector_load %arg10[%swap3A_246, %swap3A_247] {strides = array<i32>} : memref<128x16xf32, #tpu.memory_space<vmem>>, vector<1x16xf32>,
        %swap3A_249 = vector.shape_cast %swap3A_248 : vector<1x16xf32> to vector<16xf32>
        %swap3A_250 = vector.shape_cast %mul3A_245 : vector<16xf32> to vector<1x16xf32>
        tpu.vector_store %arg10[%swap3A_246, %swap3A_247], %swap3A_250 {strides = array<i32>} : memref<128x16xf32, #tpu.memory_space<vmem>>, vector<1x16xf32>,
        %slice3A_251 = vector.extract_strided_slice %get3A_49 {offsets = [12], sizes = [1], strides = [1]} : vector<16xf32> to vector<1xf32>
        %squeeze3A_252 = vector.extract %slice3A_251[0] : f32 from vector<1xf32>
        %mul3A_253 = arith.constant 16 : i32
        %mul3A_254 = arith.muli %scan3A_44, %mul3A_253 : i32
        %add3A_255 = arith.constant 12 : i32
        %add3A_256 = arith.addi %mul3A_254, %add3A_255 : i32
        %get3A_257 = arith.index_cast %add3A_256 : i32 to index
        %get3A_258 = arith.constant 0 : index
        %get3A_259 = tpu.vector_load %arg10[%get3A_257, %get3A_258] {strides = array<i32>} : memref<128x16xf32, #tpu.memory_space<vmem>>, vector<1x16xf32>,
        %get3A_260 = vector.shape_cast %get3A_259 : vector<1x16xf32> to vector<16xf32>
        %mul3A_261 = vector.broadcast %squeeze3A_252 : f32 to vector<16xf32>
        %mul3A_262 = arith.mulf %get3A_260, %mul3A_261 : vector<16xf32>
        %swap3A_263 = arith.index_cast %add3A_256 : i32 to index
        %swap3A_264 = arith.constant 0 : index
        %swap3A_265 = tpu.vector_load %arg10[%swap3A_263, %swap3A_264] {strides = array<i32>} : memref<128x16xf32, #tpu.memory_space<vmem>>, vector<1x16xf32>,
        %swap3A_266 = vector.shape_cast %swap3A_265 : vector<1x16xf32> to vector<16xf32>
        %swap3A_267 = vector.shape_cast %mul3A_262 : vector<16xf32> to vector<1x16xf32>
        tpu.vector_store %arg10[%swap3A_263, %swap3A_264], %swap3A_267 {strides = array<i32>} : memref<128x16xf32, #tpu.memory_space<vmem>>, vector<1x16xf32>,
        %slice3A_268 = vector.extract_strided_slice %get3A_49 {offsets = [13], sizes = [1], strides = [1]} : vector<16xf32> to vector<1xf32>
        %squeeze3A_269 = vector.extract %slice3A_268[0] : f32 from vector<1xf32>
        %mul3A_270 = arith.constant 16 : i32
        %mul3A_271 = arith.muli %scan3A_44, %mul3A_270 : i32
        %add3A_272 = arith.constant 13 : i32
        %add3A_273 = arith.addi %mul3A_271, %add3A_272 : i32
        %get3A_274 = arith.index_cast %add3A_273 : i32 to index
        %get3A_275 = arith.constant 0 : index
        %get3A_276 = tpu.vector_load %arg10[%get3A_274, %get3A_275] {strides = array<i32>} : memref<128x16xf32, #tpu.memory_space<vmem>>, vector<1x16xf32>,
        %get3A_277 = vector.shape_cast %get3A_276 : vector<1x16xf32> to vector<16xf32>
        %mul3A_278 = vector.broadcast %squeeze3A_269 : f32 to vector<16xf32>
        %mul3A_279 = arith.mulf %get3A_277, %mul3A_278 : vector<16xf32>
        %swap3A_280 = arith.index_cast %add3A_273 : i32 to index
        %swap3A_281 = arith.constant 0 : index
        %swap3A_282 = tpu.vector_load %arg10[%swap3A_280, %swap3A_281] {strides = array<i32>} : memref<128x16xf32, #tpu.memory_space<vmem>>, vector<1x16xf32>,
        %swap3A_283 = vector.shape_cast %swap3A_282 : vector<1x16xf32> to vector<16xf32>
        %swap3A_284 = vector.shape_cast %mul3A_279 : vector<16xf32> to vector<1x16xf32>
        tpu.vector_store %arg10[%swap3A_280, %swap3A_281], %swap3A_284 {strides = array<i32>} : memref<128x16xf32, #tpu.memory_space<vmem>>, vector<1x16xf32>,
        %slice3A_285 = vector.extract_strided_slice %get3A_49 {offsets = [14], sizes = [1], strides = [1]} : vector<16xf32> to vector<1xf32>
        %squeeze3A_286 = vector.extract %slice3A_285[0] : f32 from vector<1xf32>
        %mul3A_287 = arith.constant 16 : i32
        %mul3A_288 = arith.muli %scan3A_44, %mul3A_287 : i32
        %add3A_289 = arith.constant 14 : i32
        %add3A_290 = arith.addi %mul3A_288, %add3A_289 : i32
        %get3A_291 = arith.index_cast %add3A_290 : i32 to index
        %get3A_292 = arith.constant 0 : index
        %get3A_293 = tpu.vector_load %arg10[%get3A_291, %get3A_292] {strides = array<i32>} : memref<128x16xf32, #tpu.memory_space<vmem>>, vector<1x16xf32>,
        %get3A_294 = vector.shape_cast %get3A_293 : vector<1x16xf32> to vector<16xf32>
        %mul3A_295 = vector.broadcast %squeeze3A_286 : f32 to vector<16xf32>
        %mul3A_296 = arith.mulf %get3A_294, %mul3A_295 : vector<16xf32>
        %swap3A_297 = arith.index_cast %add3A_290 : i32 to index
        %swap3A_298 = arith.constant 0 : index
        %swap3A_299 = tpu.vector_load %arg10[%swap3A_297, %swap3A_298] {strides = array<i32>} : memref<128x16xf32, #tpu.memory_space<vmem>>, vector<1x16xf32>,
        %swap3A_300 = vector.shape_cast %swap3A_299 : vector<1x16xf32> to vector<16xf32>
        %swap3A_301 = vector.shape_cast %mul3A_296 : vector<16xf32> to vector<1x16xf32>
        tpu.vector_store %arg10[%swap3A_297, %swap3A_298], %swap3A_301 {strides = array<i32>} : memref<128x16xf32, #tpu.memory_space<vmem>>, vector<1x16xf32>,
        %slice3A_302 = vector.extract_strided_slice %get3A_49 {offsets = [15], sizes = [1], strides = [1]} : vector<16xf32> to vector<1xf32>
        %squeeze3A_303 = vector.extract %slice3A_302[0] : f32 from vector<1xf32>
        %mul3A_304 = arith.constant 16 : i32
        %mul3A_305 = arith.muli %scan3A_44, %mul3A_304 : i32
        %add3A_306 = arith.constant 15 : i32
        %add3A_307 = arith.addi %mul3A_305, %add3A_306 : i32
        %get3A_308 = arith.index_cast %add3A_307 : i32 to index
        %get3A_309 = arith.constant 0 : index
        %get3A_310 = tpu.vector_load %arg10[%get3A_308, %get3A_309] {strides = array<i32>} : memref<128x16xf32, #tpu.memory_space<vmem>>, vector<1x16xf32>,
        %get3A_311 = vector.shape_cast %get3A_310 : vector<1x16xf32> to vector<16xf32>
        %mul3A_312 = vector.broadcast %squeeze3A_303 : f32 to vector<16xf32>
        %mul3A_313 = arith.mulf %get3A_311, %mul3A_312 : vector<16xf32>
        %swap3A_314 = arith.index_cast %add3A_307 : i32 to index
        %swap3A_315 = arith.constant 0 : index
        %swap3A_316 = tpu.vector_load %arg10[%swap3A_314, %swap3A_315] {strides = array<i32>} : memref<128x16xf32, #tpu.memory_space<vmem>>, vector<1x16xf32>,
        %swap3A_317 = vector.shape_cast %swap3A_316 : vector<1x16xf32> to vector<16xf32>
        %swap3A_318 = vector.shape_cast %mul3A_313 : vector<16xf32> to vector<1x16xf32>
        tpu.vector_store %arg10[%swap3A_314, %swap3A_315], %swap3A_318 {strides = array<i32>} : memref<128x16xf32, #tpu.memory_space<vmem>>, vector<1x16xf32>,
      }
      %scan3A_43 = arith.constant 8 : i32
      "tpu.region"() ({
        %run_scoped3A = tpu.sem_alloc : memref<!tpu.dma_semaphore, #tpu.memory_space<semaphore_mem>>
        %dma_start3A_44 = arith.constant 0 : i32
        %dma_start3A_45 = tpu.memref_slice %arg8[%scan3A_27, %dma_start3A_44] : memref<200x128xi32, #tpu.memory_space<vmem>> -> memref<1x128xi32, #tpu.memory_space<vmem>>
        %dma_start3A_46 = tpu.memref_squeeze %dma_start3A_45 : memref<1x128xi32, #tpu.memory_space<vmem>> -> memref<128xi32, #tpu.memory_space<vmem>>
        %dma_start3A_47 = arith.constant 0 : i32
        %dma_start3A_48 = arith.constant 0 : i32
        %dma_start3A_49 = tpu.memref_slice %arg11[%dma_start3A_47, %dma_start3A_48] : memref<51200x16xf32, #tpu.memory_space<vmem_shared>> -> memref<51200x16xf32, #tpu.memory_space<vmem_shared>>
        tpu.enqueue_indirect_dma source(%arg10 : memref<128x16xf32, #tpu.memory_space<vmem>>) target(%dma_start3A_49 : memref<51200x16xf32, #tpu.memory_space<vmem_shared>>) offsets(%dma_start3A_46 : memref<128xi32, #tpu.memory_space<vmem>>) semaphore(%run_scoped3A : memref<!tpu.dma_semaphore, #tpu.memory_space<semaphore_mem>>) {add = true}
        %dma_wait3A_50 = arith.constant 0 : i32
        %dma_wait3A_51 = tpu.memref_slice %arg8[%scan3A_27, %dma_wait3A_50] : memref<200x128xi32, #tpu.memory_space<vmem>> -> memref<1x128xi32, #tpu.memory_space<vmem>>
        %dma_wait3A_52 = tpu.memref_squeeze %dma_wait3A_51 : memref<1x128xi32, #tpu.memory_space<vmem>> -> memref<128xi32, #tpu.memory_space<vmem>>
        %dma_wait3A_53 = arith.constant 0 : i32
        %dma_wait3A_54 = arith.constant 0 : i32
        %dma_wait3A_55 = tpu.memref_slice %arg11[%dma_wait3A_53, %dma_wait3A_54] : memref<51200x16xf32, #tpu.memory_space<vmem_shared>> -> memref<51200x16xf32, #tpu.memory_space<vmem_shared>>
        tpu.wait_indirect_dma semaphore(%run_scoped3A : memref<!tpu.dma_semaphore, #tpu.memory_space<semaphore_mem>>) src(%arg10 : memref<128x16xf32, #tpu.memory_space<vmem>>) dst(%dma_wait3A_55 : memref<51200x16xf32, #tpu.memory_space<vmem_shared>>)
        tpu.yield
      }) : () -> ()
    }
    %scan3A_19 = arith.constant 200 : i32
    %barrier3A_20 = arith.constant 0 : index
    tpu.barrier barrier_id(%barrier3A_20)
    %scan3A_21 = arith.constant 0 : i32
    %scan3A_22 = arith.constant 0 : i32
    %scan3A_23 = arith.constant 25 : i32
    %scan3A_24 = arith.addi %scan3A_22, %scan3A_23 : i32
    %scan3A_25 = arith.constant 1 : i32
    scf.for %scan3A_27 = %scan3A_22 to %scan3A_24 step %scan3A_25  : i32 {
      %mul3A_28 = arith.constant 3200 : i32
      %mul3A_29 = arith.muli %arg1, %mul3A_28 : i32
      %mul3A_30 = arith.constant 128 : i32
      %mul3A_31 = arith.muli %scan3A_27, %mul3A_30 : i32
      %add3A_32 = arith.addi %mul3A_29, %mul3A_31 : i32
      "tpu.region"() ({
        %run_scoped3A = tpu.sem_alloc : memref<!tpu.dma_semaphore, #tpu.memory_space<semaphore_mem>>
        %dma_start3A = arith.constant 0 : i32
        %dma_start3A_33 = tpu.memref_slice %arg11[%add3A_32, %dma_start3A] : memref<51200x16xf32, #tpu.memory_space<vmem_shared>> -> memref<128x16xf32, #tpu.memory_space<vmem_shared>>
        %dma_start3A_34 = arith.constant 0 : i32
        %dma_start3A_35 = tpu.memref_slice %arg11[%add3A_32, %dma_start3A_34] : memref<51200x16xf32, #tpu.memory_space<vmem_shared>> -> memref<128x16xf32, #tpu.memory_space<vmem_shared>>
        tpu.enqueue_dma source(%dma_start3A_35 : memref<128x16xf32, #tpu.memory_space<vmem_shared>>) target(%arg10 : memref<128x16xf32, #tpu.memory_space<vmem>>) target_semaphore(%run_scoped3A : memref<!tpu.dma_semaphore, #tpu.memory_space<semaphore_mem>>)
        %dma_wait3A = arith.constant 0 : i32
        %dma_wait3A_36 = tpu.memref_slice %arg11[%add3A_32, %dma_wait3A] : memref<51200x16xf32, #tpu.memory_space<vmem_shared>> -> memref<128x16xf32, #tpu.memory_space<vmem_shared>>
        %dma_wait3A_37 = arith.constant 0 : i32
        %dma_wait3A_38 = tpu.memref_slice %arg11[%add3A_32, %dma_wait3A_37] : memref<51200x16xf32, #tpu.memory_space<vmem_shared>> -> memref<128x16xf32, #tpu.memory_space<vmem_shared>>
        tpu.wait_dma2 semaphore(%run_scoped3A : memref<!tpu.dma_semaphore, #tpu.memory_space<semaphore_mem>>) src(%dma_wait3A_38 : memref<128x16xf32, #tpu.memory_space<vmem_shared>>) dst(%arg10 : memref<128x16xf32, #tpu.memory_space<vmem>>)
        tpu.yield
      }) : () -> ()
      "tpu.region"() ({
        %run_scoped3A = tpu.sem_alloc : memref<!tpu.dma_semaphore, #tpu.memory_space<semaphore_mem>>
        %dma_start3A = arith.constant 0 : i32
        %dma_start3A_33 = tpu.memref_slice %arg6[%arg0, %add3A_32, %dma_start3A] : memref<2x51200x16xf32, #tpu.memory_space<hbm>> -> memref<1x128x16xf32, #tpu.memory_space<hbm>>
        %dma_start3A_34 = tpu.memref_squeeze %dma_start3A_33 : memref<1x128x16xf32, #tpu.memory_space<hbm>> -> memref<128x16xf32, #tpu.memory_space<hbm>>
        %dma_start3A_35 = arith.constant 0 : i32
        %dma_start3A_36 = tpu.memref_slice %arg6[%arg0, %add3A_32, %dma_start3A_35] : memref<2x51200x16xf32, #tpu.memory_space<hbm>> -> memref<1x128x16xf32, #tpu.memory_space<hbm>>
        %dma_start3A_37 = tpu.memref_squeeze %dma_start3A_36 : memref<1x128x16xf32, #tpu.memory_space<hbm>> -> memref<128x16xf32, #tpu.memory_space<hbm>>
        tpu.enqueue_dma source(%arg10 : memref<128x16xf32, #tpu.memory_space<vmem>>) target(%dma_start3A_37 : memref<128x16xf32, #tpu.memory_space<hbm>>) target_semaphore(%run_scoped3A : memref<!tpu.dma_semaphore, #tpu.memory_space<semaphore_mem>>)
        %dma_wait3A = arith.constant 0 : i32
        %dma_wait3A_38 = tpu.memref_slice %arg6[%arg0, %add3A_32, %dma_wait3A] : memref<2x51200x16xf32, #tpu.memory_space<hbm>> -> memref<1x128x16xf32, #tpu.memory_space<hbm>>
        %dma_wait3A_39 = tpu.memref_squeeze %dma_wait3A_38 : memref<1x128x16xf32, #tpu.memory_space<hbm>> -> memref<128x16xf32, #tpu.memory_space<hbm>>
        %dma_wait3A_40 = arith.constant 0 : i32
        %dma_wait3A_41 = tpu.memref_slice %arg6[%arg0, %add3A_32, %dma_wait3A_40] : memref<2x51200x16xf32, #tpu.memory_space<hbm>> -> memref<1x128x16xf32, #tpu.memory_space<hbm>>
        %dma_wait3A_42 = tpu.memref_squeeze %dma_wait3A_41 : memref<1x128x16xf32, #tpu.memory_space<hbm>> -> memref<128x16xf32, #tpu.memory_space<hbm>>
        tpu.wait_dma2 semaphore(%run_scoped3A : memref<!tpu.dma_semaphore, #tpu.memory_space<semaphore_mem>>) src(%arg10 : memref<128x16xf32, #tpu.memory_space<vmem>>) dst(%dma_wait3A_42 : memref<128x16xf32, #tpu.memory_space<hbm>>)
        tpu.yield
      }) : () -> ()
    }
    %scan3A_26 = arith.constant 25 : i32
    return
  }
}

module attributes {stable_mosaic.version = 14 : i64} {
  func.func @body(%arg0: i32, %arg1: memref<2048x128xf32, #tpu.memory_space<vmem>>, %arg2: memref<2x2048xf32, #tpu.memory_space<vmem>>, %arg3: memref<128x16xf32, #tpu.memory_space<vmem>>, %arg4: memref<2048x16xf32, #tpu.memory_space<vmem>>) attributes {dimension_semantics = [#tpu.dimension_semantics<arbitrary>], iteration_bounds = array<i64: 25>, scalar_prefetch = 0 : i64, scratch_operands = 0 : i64, tpu.core_type = #tpu.core_type<tc>, window_params = [{transform_indices = @transform_0, window_bounds = array<i64: 2048, 128>}, {transform_indices = @transform_1, window_bounds = array<i64: 2, 2048>}, {pipeline_mode = #tpu.pipeline_mode<synchronous>, transform_indices = @transform_2, window_bounds = array<i64: 128, 16>}, {transform_indices = @transform_3, window_bounds = array<i64: 2048, 16>}]} {
    %get3A = arith.constant 0 : index
    %get3A_0 = arith.constant 0 : index
    %get3A_1 = vector.load %arg2[%get3A, %get3A_0] : memref<2x2048xf32, #tpu.memory_space<vmem>>, vector<2x2048xf32>
    %slice3A = vector.extract_strided_slice %get3A_1 {offsets = [0, 0], sizes = [1, 2048], strides = [1, 1]} : vector<2x2048xf32> to vector<1x2048xf32>
    %squeeze3A = vector.shape_cast %slice3A : vector<1x2048xf32> to vector<2048xf32>
    %add3A = arith.constant 1.000000e+00 : f32
    %add3A_2 = vector.broadcast %add3A : f32 to vector<2048xf32>
    %add3A_3 = arith.addf %add3A_2, %squeeze3A : vector<2048xf32>
    %slice3A_4 = vector.extract_strided_slice %get3A_1 {offsets = [1, 0], sizes = [1, 2048], strides = [1, 1]} : vector<2x2048xf32> to vector<1x2048xf32>
    %squeeze3A_5 = vector.shape_cast %slice3A_4 : vector<1x2048xf32> to vector<2048xf32>
    %add3A_6 = arith.addf %add3A_3, %squeeze3A_5 : vector<2048xf32>
    %rsqrt3A = math.rsqrt %add3A_6 : vector<2048xf32>
    %get3A_7 = arith.constant 0 : index
    %get3A_8 = arith.constant 0 : index
    %get3A_9 = vector.load %arg1[%get3A_7, %get3A_8] : memref<2048x128xf32, #tpu.memory_space<vmem>>, vector<2048x128xf32>
    %get3A_10 = arith.constant 0 : index
    %get3A_11 = arith.constant 0 : index
    %get3A_12 = vector.load %arg3[%get3A_10, %get3A_11] : memref<128x16xf32, #tpu.memory_space<vmem>>, vector<128x16xf32>
    %dot_general3A = arith.constant dense<0.000000e+00> : vector<2048x16xf32>
    %dot_general3A_13 = tpu.matmul %get3A_9, %get3A_12, %dot_general3A {dimension_numbers = #tpu.dot_dimension_numbers<[1], [0], [0], [1], [0, 0, 1, 1], [], []>, precision = #tpu.contract_precision<fp32>, transpose_lhs_hint = false} : vector<2048x128xf32>, vector<128x16xf32>, vector<2048x16xf32> -> vector<2048x16xf32>
    %broadcast_in_dim3A = vector.shape_cast %rsqrt3A : vector<2048xf32> to vector<2048x1xf32>
    %mul3A = vector.broadcast %broadcast_in_dim3A : vector<2048x1xf32> to vector<2048x16xf32>
    %mul3A_14 = arith.mulf %dot_general3A_13, %mul3A : vector<2048x16xf32>
    %swap3A = arith.constant 0 : index
    %swap3A_15 = arith.constant 0 : index
    %swap3A_16 = vector.load %arg4[%swap3A, %swap3A_15] : memref<2048x16xf32, #tpu.memory_space<vmem>>, vector<2048x16xf32>
    tpu.vector_store %arg4[%swap3A, %swap3A_15], %mul3A_14 {strides = array<i32>} : memref<2048x16xf32, #tpu.memory_space<vmem>>, vector<2048x16xf32>,
    return
  }
  func.func @transform_0(%arg0: i32) -> (i32, i32) {
    %c0_i32 = arith.constant 0 : i32
    %c0_i32_0 = arith.constant 0 : i32
    return %arg0, %c0_i32 : i32, i32
  }
  func.func @transform_1(%arg0: i32) -> (i32, i32) {
    %c0_i32 = arith.constant 0 : i32
    %c0_i32_0 = arith.constant 0 : i32
    return %c0_i32, %arg0 : i32, i32
  }
  func.func @transform_2(%arg0: i32) -> (i32, i32) {
    %c0_i32 = arith.constant 0 : i32
    %c0_i32_0 = arith.constant 0 : i32
    %c0_i32_1 = arith.constant 0 : i32
    return %c0_i32, %c0_i32_0 : i32, i32
  }
  func.func @transform_3(%arg0: i32) -> (i32, i32) {
    %c0_i32 = arith.constant 0 : i32
    %c0_i32_0 = arith.constant 0 : i32
    return %arg0, %c0_i32 : i32, i32
  }
}

module attributes {stable_mosaic.version = 14 : i64} {
  func.func @body(%arg0: i32, %arg1: memref<2x2048x16xf32, #tpu.memory_space<vmem>>, %arg2: memref<2048x16xf32, #tpu.memory_space<vmem>>, %arg3: memref<2x2048xf32, #tpu.memory_space<vmem>>, %arg4: memref<1x16xf32, #tpu.memory_space<vmem>>, %arg5: memref<2048x16xf32, #tpu.memory_space<vmem>>) attributes {dimension_semantics = [#tpu.dimension_semantics<arbitrary>], iteration_bounds = array<i64: 25>, scalar_prefetch = 0 : i64, scratch_operands = 0 : i64, tpu.core_type = #tpu.core_type<tc>, window_params = [{transform_indices = @transform_0, window_bounds = array<i64: 2, 2048, 16>}, {transform_indices = @transform_1, window_bounds = array<i64: 2048, 16>}, {transform_indices = @transform_2, window_bounds = array<i64: 2, 2048>}, {pipeline_mode = #tpu.pipeline_mode<synchronous>, transform_indices = @transform_3, window_bounds = array<i64: 1, 16>}, {transform_indices = @transform_4, window_bounds = array<i64: 2048, 16>}]} {
    %get3A = arith.constant 0 : index
    %get3A_0 = arith.constant 0 : index
    %get3A_1 = vector.load %arg3[%get3A, %get3A_0] : memref<2x2048xf32, #tpu.memory_space<vmem>>, vector<2x2048xf32>
    %slice3A = vector.extract_strided_slice %get3A_1 {offsets = [0, 0], sizes = [1, 2048], strides = [1, 1]} : vector<2x2048xf32> to vector<1x2048xf32>
    %squeeze3A = vector.shape_cast %slice3A : vector<1x2048xf32> to vector<2048xf32>
    %add3A = arith.constant 1.000000e+00 : f32
    %add3A_2 = vector.broadcast %add3A : f32 to vector<2048xf32>
    %add3A_3 = arith.addf %add3A_2, %squeeze3A : vector<2048xf32>
    %slice3A_4 = vector.extract_strided_slice %get3A_1 {offsets = [1, 0], sizes = [1, 2048], strides = [1, 1]} : vector<2x2048xf32> to vector<1x2048xf32>
    %squeeze3A_5 = vector.shape_cast %slice3A_4 : vector<1x2048xf32> to vector<2048xf32>
    %add3A_6 = arith.addf %add3A_3, %squeeze3A_5 : vector<2048xf32>
    %rsqrt3A = math.rsqrt %add3A_6 : vector<2048xf32>
    %broadcast_in_dim3A = vector.shape_cast %rsqrt3A : vector<2048xf32> to vector<2048x1xf32>
    %get3A_7 = arith.constant 0 : index
    %get3A_8 = arith.constant 0 : index
    %get3A_9 = arith.constant 0 : index
    %get3A_10 = vector.load %arg1[%get3A_7, %get3A_8, %get3A_9] : memref<2x2048x16xf32, #tpu.memory_space<vmem>>, vector<1x2048x16xf32>
    %get3A_11 = vector.shape_cast %get3A_10 : vector<1x2048x16xf32> to vector<2048x16xf32>
    %get3A_12 = arith.constant 1 : index
    %get3A_13 = arith.constant 0 : index
    %get3A_14 = arith.constant 0 : index
    %get3A_15 = vector.load %arg1[%get3A_12, %get3A_13, %get3A_14] : memref<2x2048x16xf32, #tpu.memory_space<vmem>>, vector<1x2048x16xf32>
    %get3A_16 = vector.shape_cast %get3A_15 : vector<1x2048x16xf32> to vector<2048x16xf32>
    %add3A_17 = arith.addf %get3A_11, %get3A_16 : vector<2048x16xf32>
    %get3A_18 = arith.constant 0 : index
    %get3A_19 = arith.constant 0 : index
    %get3A_20 = vector.load %arg2[%get3A_18, %get3A_19] : memref<2048x16xf32, #tpu.memory_space<vmem>>, vector<2048x16xf32>
    %add3A_21 = arith.addf %add3A_17, %get3A_20 : vector<2048x16xf32>
    %mul3A = vector.broadcast %broadcast_in_dim3A : vector<2048x1xf32> to vector<2048x16xf32>
    %mul3A_22 = arith.mulf %mul3A, %add3A_21 : vector<2048x16xf32>
    %get3A_23 = arith.constant 0 : index
    %get3A_24 = arith.constant 0 : index
    %get3A_25 = vector.load %arg4[%get3A_23, %get3A_24] : memref<1x16xf32, #tpu.memory_space<vmem>>, vector<1x16xf32>
    %add3A_26 = vector.broadcast %get3A_25 : vector<1x16xf32> to vector<2048x16xf32>
    %add3A_27 = arith.addf %mul3A_22, %add3A_26 : vector<2048x16xf32>
    %max3A = arith.constant 0.000000e+00 : f32
    %max3A_28 = vector.broadcast %max3A : f32 to vector<2048x16xf32>
    %max3A_29 = arith.maximumf %add3A_27, %max3A_28 : vector<2048x16xf32>
    %mul3A_30 = vector.broadcast %broadcast_in_dim3A : vector<2048x1xf32> to vector<2048x16xf32>
    %mul3A_31 = arith.mulf %mul3A_30, %max3A_29 : vector<2048x16xf32>
    %swap3A = arith.constant 0 : index
    %swap3A_32 = arith.constant 0 : index
    %swap3A_33 = vector.load %arg5[%swap3A, %swap3A_32] : memref<2048x16xf32, #tpu.memory_space<vmem>>, vector<2048x16xf32>
    tpu.vector_store %arg5[%swap3A, %swap3A_32], %mul3A_31 {strides = array<i32>} : memref<2048x16xf32, #tpu.memory_space<vmem>>, vector<2048x16xf32>,
    return
  }
  func.func @transform_0(%arg0: i32) -> (i32, i32, i32) {
    %c0_i32 = arith.constant 0 : i32
    %c0_i32_0 = arith.constant 0 : i32
    %c0_i32_1 = arith.constant 0 : i32
    return %c0_i32, %arg0, %c0_i32_0 : i32, i32, i32
  }
  func.func @transform_1(%arg0: i32) -> (i32, i32) {
    %c0_i32 = arith.constant 0 : i32
    %c0_i32_0 = arith.constant 0 : i32
    return %arg0, %c0_i32 : i32, i32
  }
  func.func @transform_2(%arg0: i32) -> (i32, i32) {
    %c0_i32 = arith.constant 0 : i32
    %c0_i32_0 = arith.constant 0 : i32
    return %c0_i32, %arg0 : i32, i32
  }
  func.func @transform_3(%arg0: i32) -> (i32, i32) {
    %c0_i32 = arith.constant 0 : i32
    %c0_i32_0 = arith.constant 0 : i32
    %c0_i32_1 = arith.constant 0 : i32
    return %c0_i32, %c0_i32_0 : i32, i32
  }
  func.func @transform_4(%arg0: i32) -> (i32, i32) {
    %c0_i32 = arith.constant 0 : i32
    %c0_i32_0 = arith.constant 0 : i32
    return %arg0, %c0_i32 : i32, i32
  }
}

module attributes {stable_mosaic.version = 14 : i64} {
  func.func @body(%arg0: i32, %arg1: memref<2x2048x16xf32, #tpu.memory_space<vmem>>, %arg2: memref<2048x16xf32, #tpu.memory_space<vmem>>, %arg3: memref<2x2048xf32, #tpu.memory_space<vmem>>, %arg4: memref<16x32xf32, #tpu.memory_space<vmem>>, %arg5: memref<1x32xf32, #tpu.memory_space<vmem>>, %arg6: memref<2048x32xf32, #tpu.memory_space<vmem>>) attributes {dimension_semantics = [#tpu.dimension_semantics<arbitrary>], iteration_bounds = array<i64: 25>, scalar_prefetch = 0 : i64, scratch_operands = 0 : i64, tpu.core_type = #tpu.core_type<tc>, window_params = [{transform_indices = @transform_0, window_bounds = array<i64: 2, 2048, 16>}, {transform_indices = @transform_1, window_bounds = array<i64: 2048, 16>}, {transform_indices = @transform_2, window_bounds = array<i64: 2, 2048>}, {pipeline_mode = #tpu.pipeline_mode<synchronous>, transform_indices = @transform_3, window_bounds = array<i64: 16, 32>}, {pipeline_mode = #tpu.pipeline_mode<synchronous>, transform_indices = @transform_4, window_bounds = array<i64: 1, 32>}, {transform_indices = @transform_5, window_bounds = array<i64: 2048, 32>}]} {
    %get3A = arith.constant 0 : index
    %get3A_0 = arith.constant 0 : index
    %get3A_1 = vector.load %arg3[%get3A, %get3A_0] : memref<2x2048xf32, #tpu.memory_space<vmem>>, vector<2x2048xf32>
    %slice3A = vector.extract_strided_slice %get3A_1 {offsets = [0, 0], sizes = [1, 2048], strides = [1, 1]} : vector<2x2048xf32> to vector<1x2048xf32>
    %squeeze3A = vector.shape_cast %slice3A : vector<1x2048xf32> to vector<2048xf32>
    %add3A = arith.constant 1.000000e+00 : f32
    %add3A_2 = vector.broadcast %add3A : f32 to vector<2048xf32>
    %add3A_3 = arith.addf %add3A_2, %squeeze3A : vector<2048xf32>
    %slice3A_4 = vector.extract_strided_slice %get3A_1 {offsets = [1, 0], sizes = [1, 2048], strides = [1, 1]} : vector<2x2048xf32> to vector<1x2048xf32>
    %squeeze3A_5 = vector.shape_cast %slice3A_4 : vector<1x2048xf32> to vector<2048xf32>
    %add3A_6 = arith.addf %add3A_3, %squeeze3A_5 : vector<2048xf32>
    %rsqrt3A = math.rsqrt %add3A_6 : vector<2048xf32>
    %broadcast_in_dim3A = vector.shape_cast %rsqrt3A : vector<2048xf32> to vector<2048x1xf32>
    %get3A_7 = arith.constant 0 : index
    %get3A_8 = arith.constant 0 : index
    %get3A_9 = arith.constant 0 : index
    %get3A_10 = vector.load %arg1[%get3A_7, %get3A_8, %get3A_9] : memref<2x2048x16xf32, #tpu.memory_space<vmem>>, vector<1x2048x16xf32>
    %get3A_11 = vector.shape_cast %get3A_10 : vector<1x2048x16xf32> to vector<2048x16xf32>
    %get3A_12 = arith.constant 1 : index
    %get3A_13 = arith.constant 0 : index
    %get3A_14 = arith.constant 0 : index
    %get3A_15 = vector.load %arg1[%get3A_12, %get3A_13, %get3A_14] : memref<2x2048x16xf32, #tpu.memory_space<vmem>>, vector<1x2048x16xf32>
    %get3A_16 = vector.shape_cast %get3A_15 : vector<1x2048x16xf32> to vector<2048x16xf32>
    %add3A_17 = arith.addf %get3A_11, %get3A_16 : vector<2048x16xf32>
    %get3A_18 = arith.constant 0 : index
    %get3A_19 = arith.constant 0 : index
    %get3A_20 = vector.load %arg2[%get3A_18, %get3A_19] : memref<2048x16xf32, #tpu.memory_space<vmem>>, vector<2048x16xf32>
    %add3A_21 = arith.addf %add3A_17, %get3A_20 : vector<2048x16xf32>
    %mul3A = vector.broadcast %broadcast_in_dim3A : vector<2048x1xf32> to vector<2048x16xf32>
    %mul3A_22 = arith.mulf %mul3A, %add3A_21 : vector<2048x16xf32>
    %get3A_23 = arith.constant 0 : index
    %get3A_24 = arith.constant 0 : index
    %get3A_25 = vector.load %arg4[%get3A_23, %get3A_24] : memref<16x32xf32, #tpu.memory_space<vmem>>, vector<16x32xf32>
    %dot_general3A = arith.constant dense<0.000000e+00> : vector<2048x32xf32>
    %dot_general3A_26 = tpu.matmul %mul3A_22, %get3A_25, %dot_general3A {dimension_numbers = #tpu.dot_dimension_numbers<[1], [0], [0], [1], [0, 0, 1, 1], [], []>, precision = #tpu.contract_precision<fp32>, transpose_lhs_hint = false} : vector<2048x16xf32>, vector<16x32xf32>, vector<2048x32xf32> -> vector<2048x32xf32>
    %get3A_27 = arith.constant 0 : index
    %get3A_28 = arith.constant 0 : index
    %get3A_29 = vector.load %arg5[%get3A_27, %get3A_28] : memref<1x32xf32, #tpu.memory_space<vmem>>, vector<1x32xf32>
    %add3A_30 = vector.broadcast %get3A_29 : vector<1x32xf32> to vector<2048x32xf32>
    %add3A_31 = arith.addf %dot_general3A_26, %add3A_30 : vector<2048x32xf32>
    %max3A = arith.constant 0.000000e+00 : f32
    %max3A_32 = vector.broadcast %max3A : f32 to vector<2048x32xf32>
    %max3A_33 = arith.maximumf %add3A_31, %max3A_32 : vector<2048x32xf32>
    %mul3A_34 = vector.broadcast %broadcast_in_dim3A : vector<2048x1xf32> to vector<2048x32xf32>
    %mul3A_35 = arith.mulf %mul3A_34, %max3A_33 : vector<2048x32xf32>
    %swap3A = arith.constant 0 : index
    %swap3A_36 = arith.constant 0 : index
    %swap3A_37 = vector.load %arg6[%swap3A, %swap3A_36] : memref<2048x32xf32, #tpu.memory_space<vmem>>, vector<2048x32xf32>
    tpu.vector_store %arg6[%swap3A, %swap3A_36], %mul3A_35 {strides = array<i32>} : memref<2048x32xf32, #tpu.memory_space<vmem>>, vector<2048x32xf32>,
    return
  }
  func.func @transform_0(%arg0: i32) -> (i32, i32, i32) {
    %c0_i32 = arith.constant 0 : i32
    %c0_i32_0 = arith.constant 0 : i32
    %c0_i32_1 = arith.constant 0 : i32
    return %c0_i32, %arg0, %c0_i32_0 : i32, i32, i32
  }
  func.func @transform_1(%arg0: i32) -> (i32, i32) {
    %c0_i32 = arith.constant 0 : i32
    %c0_i32_0 = arith.constant 0 : i32
    return %arg0, %c0_i32 : i32, i32
  }
  func.func @transform_2(%arg0: i32) -> (i32, i32) {
    %c0_i32 = arith.constant 0 : i32
    %c0_i32_0 = arith.constant 0 : i32
    return %c0_i32, %arg0 : i32, i32
  }
  func.func @transform_3(%arg0: i32) -> (i32, i32) {
    %c0_i32 = arith.constant 0 : i32
    %c0_i32_0 = arith.constant 0 : i32
    %c0_i32_1 = arith.constant 0 : i32
    return %c0_i32, %c0_i32_0 : i32, i32
  }
  func.func @transform_4(%arg0: i32) -> (i32, i32) {
    %c0_i32 = arith.constant 0 : i32
    %c0_i32_0 = arith.constant 0 : i32
    %c0_i32_1 = arith.constant 0 : i32
    return %c0_i32, %c0_i32_0 : i32, i32
  }
  func.func @transform_5(%arg0: i32) -> (i32, i32) {
    %c0_i32 = arith.constant 0 : i32
    %c0_i32_0 = arith.constant 0 : i32
    return %arg0, %c0_i32 : i32, i32
  }
}

module attributes {stable_mosaic.version = 14 : i64} {
  func.func @body(%arg0: i32, %arg1: memref<2x2048x16xf32, #tpu.memory_space<vmem>>, %arg2: memref<2x2048x16xf32, #tpu.memory_space<vmem>>, %arg3: memref<2048x32xf32, #tpu.memory_space<vmem>>, %arg4: memref<2x2048xf32, #tpu.memory_space<vmem>>, %arg5: memref<32x64xf32, #tpu.memory_space<vmem>>, %arg6: memref<1x64xf32, #tpu.memory_space<vmem>>, %arg7: memref<1x2048xi32, #tpu.memory_space<vmem>>, %arg8: memref<64x10xf32, #tpu.memory_space<vmem>>, %arg9: memref<1x10xf32, #tpu.memory_space<vmem>>, %arg10: memref<64x10xf32, #tpu.memory_space<vmem>>, %arg11: memref<64x64xf32, #tpu.memory_space<vmem>>, %arg12: memref<1x64xf32, #tpu.memory_space<vmem>>) attributes {dimension_semantics = [#tpu.dimension_semantics<arbitrary>], iteration_bounds = array<i64: 25>, scalar_prefetch = 0 : i64, scratch_operands = 2 : i64, tpu.core_type = #tpu.core_type<tc>, window_params = [{transform_indices = @transform_0, window_bounds = array<i64: 2, 2048, 16>}, {transform_indices = @transform_1, window_bounds = array<i64: 2, 2048, 16>}, {transform_indices = @transform_2, window_bounds = array<i64: 2048, 32>}, {transform_indices = @transform_3, window_bounds = array<i64: 2, 2048>}, {pipeline_mode = #tpu.pipeline_mode<synchronous>, transform_indices = @transform_4, window_bounds = array<i64: 32, 64>}, {pipeline_mode = #tpu.pipeline_mode<synchronous>, transform_indices = @transform_5, window_bounds = array<i64: 1, 64>}, {transform_indices = @transform_6, window_bounds = array<i64: 1, 2048>}, {pipeline_mode = #tpu.pipeline_mode<synchronous>, transform_indices = @transform_7, window_bounds = array<i64: 64, 10>}, {pipeline_mode = #tpu.pipeline_mode<synchronous>, transform_indices = @transform_8, window_bounds = array<i64: 1, 10>}, {pipeline_mode = #tpu.pipeline_mode<synchronous>, transform_indices = @transform_9, window_bounds = array<i64: 64, 10>}]} {
    %eq3A = arith.constant 0 : i32
    %eq3A_0 = arith.cmpi eq, %arg0, %eq3A : i32
    %convert_element_type3A = arith.extui %eq3A_0 : i1 to i32
    %cond3A = arith.constant 0 : i32
    %cond3A_1 = arith.cmpi ne, %convert_element_type3A, %cond3A : i32
    scf.if %cond3A_1 {
      %broadcast_in_dim3A_77 = arith.constant 0.000000e+00 : f32
      %broadcast_in_dim3A_78 = vector.broadcast %broadcast_in_dim3A_77 : f32 to vector<64x64xf32>
      %swap3A_79 = arith.constant 0 : index
      %swap3A_80 = arith.constant 0 : index
      %swap3A_81 = vector.load %arg11[%swap3A_79, %swap3A_80] : memref<64x64xf32, #tpu.memory_space<vmem>>, vector<64x64xf32>
      tpu.vector_store %arg11[%swap3A_79, %swap3A_80], %broadcast_in_dim3A_78 {strides = array<i32>} : memref<64x64xf32, #tpu.memory_space<vmem>>, vector<64x64xf32>,
      %broadcast_in_dim3A_82 = arith.constant 0.000000e+00 : f32
      %broadcast_in_dim3A_83 = vector.broadcast %broadcast_in_dim3A_82 : f32 to vector<1x64xf32>
      %swap3A_84 = arith.constant 0 : index
      %swap3A_85 = arith.constant 0 : index
      %swap3A_86 = vector.load %arg12[%swap3A_84, %swap3A_85] : memref<1x64xf32, #tpu.memory_space<vmem>>, vector<1x64xf32>
      tpu.vector_store %arg12[%swap3A_84, %swap3A_85], %broadcast_in_dim3A_83 {strides = array<i32>} : memref<1x64xf32, #tpu.memory_space<vmem>>, vector<1x64xf32>,
    } else {
    }
    %get3A = arith.constant 0 : index
    %get3A_2 = arith.constant 0 : index
    %get3A_3 = vector.load %arg4[%get3A, %get3A_2] : memref<2x2048xf32, #tpu.memory_space<vmem>>, vector<2x2048xf32>
    %slice3A = vector.extract_strided_slice %get3A_3 {offsets = [0, 0], sizes = [1, 2048], strides = [1, 1]} : vector<2x2048xf32> to vector<1x2048xf32>
    %squeeze3A = vector.shape_cast %slice3A : vector<1x2048xf32> to vector<2048xf32>
    %add3A = arith.constant 1.000000e+00 : f32
    %add3A_4 = vector.broadcast %add3A : f32 to vector<2048xf32>
    %add3A_5 = arith.addf %add3A_4, %squeeze3A : vector<2048xf32>
    %slice3A_6 = vector.extract_strided_slice %get3A_3 {offsets = [1, 0], sizes = [1, 2048], strides = [1, 1]} : vector<2x2048xf32> to vector<1x2048xf32>
    %squeeze3A_7 = vector.shape_cast %slice3A_6 : vector<1x2048xf32> to vector<2048xf32>
    %add3A_8 = arith.addf %add3A_5, %squeeze3A_7 : vector<2048xf32>
    %rsqrt3A = math.rsqrt %add3A_8 : vector<2048xf32>
    %broadcast_in_dim3A = vector.shape_cast %rsqrt3A : vector<2048xf32> to vector<2048x1xf32>
    %get3A_9 = arith.constant 0 : index
    %get3A_10 = arith.constant 0 : index
    %get3A_11 = arith.constant 0 : index
    %get3A_12 = vector.load %arg1[%get3A_9, %get3A_10, %get3A_11] : memref<2x2048x16xf32, #tpu.memory_space<vmem>>, vector<1x2048x16xf32>
    %get3A_13 = vector.shape_cast %get3A_12 : vector<1x2048x16xf32> to vector<2048x16xf32>
    %get3A_14 = arith.constant 1 : index
    %get3A_15 = arith.constant 0 : index
    %get3A_16 = arith.constant 0 : index
    %get3A_17 = vector.load %arg1[%get3A_14, %get3A_15, %get3A_16] : memref<2x2048x16xf32, #tpu.memory_space<vmem>>, vector<1x2048x16xf32>
    %get3A_18 = vector.shape_cast %get3A_17 : vector<1x2048x16xf32> to vector<2048x16xf32>
    %add3A_19 = arith.addf %get3A_13, %get3A_18 : vector<2048x16xf32>
    %get3A_20 = arith.constant 0 : index
    %get3A_21 = arith.constant 0 : index
    %get3A_22 = arith.constant 0 : index
    %get3A_23 = vector.load %arg2[%get3A_20, %get3A_21, %get3A_22] : memref<2x2048x16xf32, #tpu.memory_space<vmem>>, vector<1x2048x16xf32>
    %get3A_24 = vector.shape_cast %get3A_23 : vector<1x2048x16xf32> to vector<2048x16xf32>
    %get3A_25 = arith.constant 1 : index
    %get3A_26 = arith.constant 0 : index
    %get3A_27 = arith.constant 0 : index
    %get3A_28 = vector.load %arg2[%get3A_25, %get3A_26, %get3A_27] : memref<2x2048x16xf32, #tpu.memory_space<vmem>>, vector<1x2048x16xf32>
    %get3A_29 = vector.shape_cast %get3A_28 : vector<1x2048x16xf32> to vector<2048x16xf32>
    %add3A_30 = arith.addf %get3A_24, %get3A_29 : vector<2048x16xf32>
    %concatenate3A = tpu.concatenate %add3A_19, %add3A_30 in 1 : vector<2048x16xf32>, vector<2048x16xf32> -> vector<2048x32xf32>
    %get3A_31 = arith.constant 0 : index
    %get3A_32 = arith.constant 0 : index
    %get3A_33 = vector.load %arg3[%get3A_31, %get3A_32] : memref<2048x32xf32, #tpu.memory_space<vmem>>, vector<2048x32xf32>
    %add3A_34 = arith.addf %concatenate3A, %get3A_33 : vector<2048x32xf32>
    %mul3A = vector.broadcast %broadcast_in_dim3A : vector<2048x1xf32> to vector<2048x32xf32>
    %mul3A_35 = arith.mulf %mul3A, %add3A_34 : vector<2048x32xf32>
    %get3A_36 = arith.constant 0 : index
    %get3A_37 = arith.constant 0 : index
    %get3A_38 = vector.load %arg5[%get3A_36, %get3A_37] : memref<32x64xf32, #tpu.memory_space<vmem>>, vector<32x64xf32>
    %dot_general3A = arith.constant dense<0.000000e+00> : vector<2048x64xf32>
    %dot_general3A_39 = tpu.matmul %mul3A_35, %get3A_38, %dot_general3A {dimension_numbers = #tpu.dot_dimension_numbers<[1], [0], [0], [1], [0, 0, 1, 1], [], []>, precision = #tpu.contract_precision<fp32>, transpose_lhs_hint = false} : vector<2048x32xf32>, vector<32x64xf32>, vector<2048x64xf32> -> vector<2048x64xf32>
    %get3A_40 = arith.constant 0 : index
    %get3A_41 = arith.constant 0 : index
    %get3A_42 = vector.load %arg6[%get3A_40, %get3A_41] : memref<1x64xf32, #tpu.memory_space<vmem>>, vector<1x64xf32>
    %add3A_43 = vector.broadcast %get3A_42 : vector<1x64xf32> to vector<2048x64xf32>
    %add3A_44 = arith.addf %dot_general3A_39, %add3A_43 : vector<2048x64xf32>
    %max3A = arith.constant 0.000000e+00 : f32
    %max3A_45 = vector.broadcast %max3A : f32 to vector<2048x64xf32>
    %max3A_46 = arith.maximumf %add3A_44, %max3A_45 : vector<2048x64xf32>
    %iota3A = tpu.iota {dimensions = array<i32: 0>} : vector<64x1xi32>
    %get3A_47 = arith.constant 0 : index
    %get3A_48 = arith.constant 0 : index
    %get3A_49 = vector.load %arg7[%get3A_47, %get3A_48] : memref<1x2048xi32, #tpu.memory_space<vmem>>, vector<1x2048xi32>
    %eq3A_50 = vector.broadcast %get3A_49 : vector<1x2048xi32> to vector<64x2048xi32>
    %eq3A_51 = vector.broadcast %iota3A : vector<64x1xi32> to vector<64x2048xi32>
    %eq3A_52 = arith.cmpi eq, %eq3A_50, %eq3A_51 : vector<64x2048xi32>
    %convert_element_type3A_53 = arith.extui %eq3A_52 : vector<64x2048xi1> to vector<64x2048xi32>
    %convert_element_type3A_54 = arith.sitofp %convert_element_type3A_53 : vector<64x2048xi32> to vector<64x2048xf32>
    %get3A_55 = arith.constant 0 : index
    %get3A_56 = arith.constant 0 : index
    %get3A_57 = vector.load %arg11[%get3A_55, %get3A_56] : memref<64x64xf32, #tpu.memory_space<vmem>>, vector<64x64xf32>
    %dot_general3A_58 = arith.constant dense<0.000000e+00> : vector<64x64xf32>
    %dot_general3A_59 = tpu.matmul %convert_element_type3A_54, %max3A_46, %dot_general3A_58 {dimension_numbers = #tpu.dot_dimension_numbers<[1], [0], [0], [1], [0, 0, 1, 1], [], []>, precision = #tpu.contract_precision<fp32>, transpose_lhs_hint = false} : vector<64x2048xf32>, vector<2048x64xf32>, vector<64x64xf32> -> vector<64x64xf32>
    %add3A_60 = arith.addf %get3A_57, %dot_general3A_59 : vector<64x64xf32>
    %swap3A = arith.constant 0 : index
    %swap3A_61 = arith.constant 0 : index
    %swap3A_62 = vector.load %arg11[%swap3A, %swap3A_61] : memref<64x64xf32, #tpu.memory_space<vmem>>, vector<64x64xf32>
    tpu.vector_store %arg11[%swap3A, %swap3A_61], %add3A_60 {strides = array<i32>} : memref<64x64xf32, #tpu.memory_space<vmem>>, vector<64x64xf32>,
    %get3A_63 = arith.constant 0 : index
    %get3A_64 = arith.constant 0 : index
    %get3A_65 = vector.load %arg12[%get3A_63, %get3A_64] : memref<1x64xf32, #tpu.memory_space<vmem>>, vector<1x64xf32>
    %reduce_sum3A = arith.constant dense<0.000000e+00> : vector<64xf32>
    %reduce_sum3A_66 = vector.multi_reduction <add>, %convert_element_type3A_54, %reduce_sum3A [1] : vector<64x2048xf32> to vector<64xf32>
    %broadcast_in_dim3A_67 = vector.shape_cast %reduce_sum3A_66 : vector<64xf32> to vector<1x64xf32>
    %add3A_68 = arith.addf %get3A_65, %broadcast_in_dim3A_67 : vector<1x64xf32>
    %swap3A_69 = arith.constant 0 : index
    %swap3A_70 = arith.constant 0 : index
    %swap3A_71 = vector.load %arg12[%swap3A_69, %swap3A_70] : memref<1x64xf32, #tpu.memory_space<vmem>>, vector<1x64xf32>
    tpu.vector_store %arg12[%swap3A_69, %swap3A_70], %add3A_68 {strides = array<i32>} : memref<1x64xf32, #tpu.memory_space<vmem>>, vector<1x64xf32>,
    %eq3A_72 = arith.constant 24 : i32
    %eq3A_73 = arith.cmpi eq, %arg0, %eq3A_72 : i32
    %convert_element_type3A_74 = arith.extui %eq3A_73 : i1 to i32
    %cond3A_75 = arith.constant 0 : i32
    %cond3A_76 = arith.cmpi ne, %convert_element_type3A_74, %cond3A_75 : i32
    scf.if %cond3A_76 {
      %get3A_77 = arith.constant 0 : index
      %get3A_78 = arith.constant 0 : index
      %get3A_79 = vector.load %arg12[%get3A_77, %get3A_78] : memref<1x64xf32, #tpu.memory_space<vmem>>, vector<1x64xf32>
      %max3A_80 = arith.constant 1.000000e+00 : f32
      %max3A_81 = vector.broadcast %max3A_80 : f32 to vector<1x64xf32>
      %max3A_82 = arith.maximumf %get3A_79, %max3A_81 : vector<1x64xf32>
      %get3A_83 = arith.constant 0 : index
      %get3A_84 = arith.constant 0 : index
      %get3A_85 = vector.load %arg11[%get3A_83, %get3A_84] : memref<64x64xf32, #tpu.memory_space<vmem>>, vector<64x64xf32>
      %reshape3A = vector.shape_cast %max3A_82 : vector<1x64xf32> to vector<64x1xf32>
      %div3A = vector.broadcast %reshape3A : vector<64x1xf32> to vector<64x64xf32>
      %div3A_86 = arith.divf %get3A_85, %div3A : vector<64x64xf32>
      %get3A_87 = arith.constant 0 : index
      %get3A_88 = arith.constant 0 : index
      %get3A_89 = vector.load %arg8[%get3A_87, %get3A_88] : memref<64x10xf32, #tpu.memory_space<vmem>>, vector<64x10xf32>
      %dot_general3A_90 = arith.constant dense<0.000000e+00> : vector<64x10xf32>
      %dot_general3A_91 = tpu.matmul %div3A_86, %get3A_89, %dot_general3A_90 {dimension_numbers = #tpu.dot_dimension_numbers<[1], [0], [0], [1], [0, 0, 1, 1], [], []>, precision = #tpu.contract_precision<fp32>, transpose_lhs_hint = false} : vector<64x64xf32>, vector<64x10xf32>, vector<64x10xf32> -> vector<64x10xf32>
      %get3A_92 = arith.constant 0 : index
      %get3A_93 = arith.constant 0 : index
      %get3A_94 = vector.load %arg9[%get3A_92, %get3A_93] : memref<1x10xf32, #tpu.memory_space<vmem>>, vector<1x10xf32>
      %add3A_95 = vector.broadcast %get3A_94 : vector<1x10xf32> to vector<64x10xf32>
      %add3A_96 = arith.addf %dot_general3A_91, %add3A_95 : vector<64x10xf32>
      %swap3A_97 = arith.constant 0 : index
      %swap3A_98 = arith.constant 0 : index
      %swap3A_99 = vector.load %arg10[%swap3A_97, %swap3A_98] : memref<64x10xf32, #tpu.memory_space<vmem>>, vector<64x10xf32>
      tpu.vector_store %arg10[%swap3A_97, %swap3A_98], %add3A_96 {strides = array<i32>} : memref<64x10xf32, #tpu.memory_space<vmem>>, vector<64x10xf32>,
    } else {
    }
    return
  }
  func.func @transform_0(%arg0: i32) -> (i32, i32, i32) {
    %c0_i32 = arith.constant 0 : i32
    %c0_i32_0 = arith.constant 0 : i32
    %c0_i32_1 = arith.constant 0 : i32
    return %c0_i32, %arg0, %c0_i32_0 : i32, i32, i32
  }
  func.func @transform_1(%arg0: i32) -> (i32, i32, i32) {
    %c0_i32 = arith.constant 0 : i32
    %c0_i32_0 = arith.constant 0 : i32
    %c0_i32_1 = arith.constant 0 : i32
    return %c0_i32, %arg0, %c0_i32_0 : i32, i32, i32
  }
  func.func @transform_2(%arg0: i32) -> (i32, i32) {
    %c0_i32 = arith.constant 0 : i32
    %c0_i32_0 = arith.constant 0 : i32
    return %arg0, %c0_i32 : i32, i32
  }
  func.func @transform_3(%arg0: i32) -> (i32, i32) {
    %c0_i32 = arith.constant 0 : i32
    %c0_i32_0 = arith.constant 0 : i32
    return %c0_i32, %arg0 : i32, i32
  }
  func.func @transform_4(%arg0: i32) -> (i32, i32) {
    %c0_i32 = arith.constant 0 : i32
    %c0_i32_0 = arith.constant 0 : i32
    %c0_i32_1 = arith.constant 0 : i32
    return %c0_i32, %c0_i32_0 : i32, i32
  }
  func.func @transform_5(%arg0: i32) -> (i32, i32) {
    %c0_i32 = arith.constant 0 : i32
    %c0_i32_0 = arith.constant 0 : i32
    %c0_i32_1 = arith.constant 0 : i32
    return %c0_i32, %c0_i32_0 : i32, i32
  }
  func.func @transform_6(%arg0: i32) -> (i32, i32) {
    %c0_i32 = arith.constant 0 : i32
    %c0_i32_0 = arith.constant 0 : i32
    return %c0_i32, %arg0 : i32, i32
  }
  func.func @transform_7(%arg0: i32) -> (i32, i32) {
    %c0_i32 = arith.constant 0 : i32
    %c0_i32_0 = arith.constant 0 : i32
    %c0_i32_1 = arith.constant 0 : i32
    return %c0_i32, %c0_i32_0 : i32, i32
  }
  func.func @transform_8(%arg0: i32) -> (i32, i32) {
    %c0_i32 = arith.constant 0 : i32
    %c0_i32_0 = arith.constant 0 : i32
    %c0_i32_1 = arith.constant 0 : i32
    return %c0_i32, %c0_i32_0 : i32, i32
  }
  func.func @transform_9(%arg0: i32) -> (i32, i32) {
    %c0_i32 = arith.constant 0 : i32
    %c0_i32_0 = arith.constant 0 : i32
    %c0_i32_1 = arith.constant 0 : i32
    return %c0_i32, %c0_i32_0 : i32, i32
  }
}

</mosaic_0001>

<sc_bundles>
// kernel: kernel.11.cloned.1.call-start
scs
__scs_entry_jumppad:
0x0: {  	(pc) =	sbr.rel $0x88, $3  }
0x1: {  	(tag) =	ssettag $0x0;
	lr =	simm.s32 $0x1  }
0x2: {  	[smem:$0x3F95] =	sst lr;
	_ =	strace $0xD0000000  }
0x3: {  	_ = 	snop  }
0x4: {  	_ = 	snop  }
0x5: {  	_ = 	snop  }
0x6: {  	_ = 	snop  }
0x7: {  	_ = 	snop  }
__scs_overlays_trampoline_lowered:
0x8: {  	[smem:$0x3FA4] =	sst s0  }
0x9: {  	[smem:$0x3FA5] =	sst s1  }
0xa: {  	[smem:$0x3FA6] =	sst s2  }
0xb: {  	[smem:$0x3FA7] =	sst s3  }
0xc: {  	[smem:$0x3FA8] =	sst s4  }
0xd: {  	[smem:$0x3FA9] =	sst s5  }
0xe: {  	[smem:$0x3FAA] =	sst s6  }
0xf: {  	[smem:$0x3FAB] =	sst s7  }
0x10: {  	[smem:$0x3FAC] =	sst s8  }
0x11: {  	[smem:$0x3FAD] =	sst s9;
	s0 =	simm.s32 @!p0 $0x0  }
0x12: {  	s1 =	sld [smem:$0x3F93];
	s0 =	simm.s32 @p0 $0x1  }
0x13: {  	[smem:$0x3FAE] =	sst s0;
	s0 =	simm.s32 @!p1 $0x0  }
0x14: {  	s2 =	sld [smem:$0x3F92];
	s0 =	simm.s32 @p1 $0x1  }
0x15: {  	[smem:$0x3FAF] =	sst s0;
	s0 =	simm.s32 @!p2 $0x0  }
0x16: {  	s3 =	sld [smem:$0x3FDB];
	s0 =	simm.s32 @p2 $0x1  }
0x17: {  	s4 =	simm.s32 $0x1BF5;
	[smem:$0x3FB1] =	sst s0  }
0x18: {  	s0 =	sld [smem:$0x3F94];
	_ =	swait.ge [sflag:s4], $0x0  }
0x19: {  	s7 =	sld [smem:$0x3F95]  }
0x1a: {  	s8 =	sadd.s32 $0xFFFFE003, lr  }
0x1b: {  	s9 =	sadd.s32 $0xFFFFFEF7, lr;
	s5 =	simm.s32 $0xFFFFFFFF;
	p2 =	slt.u32 s8, $0xFFFFF086  }
0x1c: {  	p1 =	slt.u32 s9, $0xF7A;
	s5 =	simm.s32 @!p2 $0x0  }
0x1d: {  	s5 =	simm.s32 @p1 $0x1;
	p0 =	seq.s32 s7, s2  }
0x1e: {  	s7 =	smul.u32 @!p0 $0xF7A, s2;
	p2 =	seq.s32 @!p0 s5, $0x0  }
0x1f: {  	s9 =	smul.u32 $0xF7A, s1;
	s8 =	simm.s32 @!p0 $0x1BF5;
	p2 =	por !p2, p0  }
0x20: {  	[sflag:s8] =	ssyncset.s32 @!p0 $0xFFFFF086;
	s6 =	sadd.s32 @!p0 s3, s7;
	s7 =	simm.s32 @!p0 $0x108  }
0x21: {  	s3 =	sadd.s32 s3, s9;
	s6 =	sadd.s32 @!p0 $0x88, s6;
	s7 =	simm.s32 @p2 $0x1082  }
0x22: {  	[simem:s7], [sflag:s8] =	dma.local @!p0 [hbm:s6], $0xF7A  }
0x23: {  	s9 =	sor.u32 $0xD0000000, s2;
	s6 =	simm.s32 $0x108;
	_ =	swait.ge @!p0 [sflag:s8], $0x0  }
0x24: {  	s3 =	sadd.s32 $0x88, s3;
	s6 =	simm.s32 @!p1 $0x1082;
	[sflag:s4] =	ssyncset.s32 $0xFFFFF086  }
0x25: {  	[simem:s6], [sflag:s4] =	dma.local [hbm:s3], $0xF7A  }
0x26: {  	[smem:$0x3F95] =	sst s1;
	(tag) =	ssettag s2;
	_ =	strace s9  }
0x27: {  	s1 =	sld [smem:$0x3FA5]  }
0x28: {  	s2 =	sld [smem:$0x3FA6]  }
0x29: {  	s4 =	sld [smem:$0x3FA8]  }
0x2a: {  	p0 =	seq.s32 s5, $0x0;
	s5 =	sld [smem:$0x3FA9]  }
0x2b: {  	s6 =	sld [smem:$0x3FAA]  }
0x2c: {  	s7 =	sld [smem:$0x3FAB]  }
0x2d: {  	s3 =	simm.s32 $0x108;
	s8 =	sld [smem:$0x3FAC]  }
0x2e: {  	s3 =	simm.s32 @!p0 $0x1082;
	s9 =	sld [smem:$0x3FAD]  }
0x2f: {  	lr =	sadd.s32 s0, s3;
	s0 =	sld [smem:$0x3FA4]  }
0x30: {  	s3 =	sld [smem:$0x3FA7]  }
0x31: {  	[smem:$0x3FB0] =	sst s10  }
0x32: {  	s10 =	sld [smem:$0x3FAE];
	_ =	sdelay $0x3  }
0x33: {  	p0 =	seq.s32 s10, $0x1;
	s10 =	sld [smem:$0x3FB0];
	_ =	sdelay $0x3  }
0x34: {  	[smem:$0x3FB0] =	sst s10  }
0x35: {  	s10 =	sld [smem:$0x3FAF];
	_ =	sdelay $0x3  }
0x36: {  	p1 =	seq.s32 s10, $0x1;
	s10 =	sld [smem:$0x3FB0];
	_ =	sdelay $0x3  }
0x37: {  	[smem:$0x3FB0] =	sst s10  }
0x38: {  	s10 =	sld [smem:$0x3FB1]  }
0x39: {  	_ = 	snop;
	(pc) =	sbr.ind lr, $3  }
0x3a: {  	_ = 	snop  }
0x3b: {  	_ = 	snop  }
0x3c: {  	p2 =	seq.s32 s10, $0x1;
	s10 =	sld [smem:$0x3FB0]  }
0x3d: {  	_ =	shalt  }
0x3e: {  	_ =	shalt  }
0x3f: {  	_ =	shalt  }
0x40: {  	_ =	shalt  }
0x41: {  	_ =	shalt  }
0x42: {  	_ =	shalt  }
0x43: {  	_ =	shalt  }
0x44: {  	_ =	shalt  }
0x45: {  	_ =	shalt  }
0x46: {  	_ =	shalt  }
0x47: {  	_ =	shalt  }
0x48: {  	_ =	shalt  }
0x49: {  	_ =	shalt  }
0x4a: {  	_ =	shalt  }
0x4b: {  	_ =	shalt  }
0x4c: {  	_ =	shalt  }
0x4d: {  	_ =	shalt  }
0x4e: {  	_ =	shalt  }
0x4f: {  	_ =	shalt  }
0x50: {  	_ =	shalt  }
0x51: {  	_ =	shalt  }
0x52: {  	_ =	shalt  }
0x53: {  	_ =	shalt  }
0x54: {  	_ =	shalt  }
0x55: {  	_ =	shalt  }
0x56: {  	_ =	shalt  }
0x57: {  	_ =	shalt  }
0x58: {  	_ =	shalt  }
0x59: {  	_ =	shalt  }
0x5a: {  	_ =	shalt  }
0x5b: {  	_ =	shalt  }
0x5c: {  	_ =	shalt  }
0x5d: {  	_ =	shalt  }
0x5e: {  	_ =	shalt  }
0x5f: {  	_ =	shalt  }
0x60: {  	_ =	shalt  }
0x61: {  	_ =	shalt  }
0x62: {  	_ =	shalt  }
0x63: {  	_ =	shalt  }
0x64: {  	_ =	shalt  }
0x65: {  	_ =	shalt  }
0x66: {  	_ =	shalt  }
0x67: {  	_ =	shalt  }
0x68: {  	_ =	shalt  }
0x69: {  	_ =	shalt  }
0x6a: {  	_ =	shalt  }
0x6b: {  	_ =	shalt  }
0x6c: {  	_ =	shalt  }
0x6d: {  	_ =	shalt  }
0x6e: {  	_ =	shalt  }
0x6f: {  	_ =	shalt  }
0x70: {  	_ =	shalt  }
0x71: {  	_ =	shalt  }
0x72: {  	_ =	shalt  }
0x73: {  	_ =	shalt  }
0x74: {  	_ =	shalt  }
0x75: {  	_ =	shalt  }
0x76: {  	_ =	shalt  }
0x77: {  	_ =	shalt  }
0x78: {  	_ =	shalt  }
0x79: {  	_ =	shalt  }
0x7a: {  	_ =	shalt  }
0x7b: {  	_ =	shalt  }
0x7c: {  	_ =	shalt  }
0x7d: {  	_ =	shalt  }
0x7e: {  	_ =	shalt  }
0x7f: {  	_ =	shalt  }
0x80: {  	_ =	shalt  }
0x81: {  	_ =	shalt  }
0x82: {  	_ =	shalt  }
0x83: {  	_ =	shalt  }
0x84: {  	_ =	shalt  }
0x85: {  	_ =	shalt  }
0x86: {  	_ =	shalt  }
0x87: {  	_ =	shalt  }
.Lfunc_end0:
.L_simem_size_0:
called_computation_lowered:
.L_overlay_start_0:
0x88: {  	s2 =	sld [smem:$0x3FD9]  }
0x89: {  	s3 =	sld [smem:$0x3FFE];
	_ =	sdelay $0x1  }
0x8a: {  	s1 =	srdreg.scid  }
0x8b: {  	s0 =	sand.u32 $0x1, s1  }
0x8c: {  	s16 =	sshll.u32 s0, $0xA;
	s2 =	sadd.s32 s3, s2  }
0x8d: {  	s2 =	sadd.s32 s2, s16  }
0x8e: {  	[smem:$0x3FBC] =	sst s2  }
0x8f: {  	_ = 	snop  }
0x90: {  	(tm) =	ssettm $0x1  }
0x91: {  	s17 =	sld [smem:$0x3FFB];
	_ =	sdelay $0x3  }
0x92: {  	_ =	strace s17  }
0x93: {  	s2 =	sld [smem:$0x3FFC];
	_ =	sdelay $0x3  }
0x94: {  	_ =	strace s2  }
0x95: {  	s2 =	sld [smem:$0x3FFD];
	_ =	sdelay $0x3  }
0x96: {  	_ =	strace s2  }
0x97: {  	_ =	strace $0x8FFFFFFF  }
0x98: {  	s18 =	sld [smem:$0x3FDB];
	_ =	sdelay $0x1  }
0x99: {  	s19 =	simm.s32 $_scs_section_size  }
0x9a: {  	s4 =	simm.s32 $_size__tile_overlayer_lowered;
	s5 =	simm.s32 $_tile_overlayer_lowered  }
0x9b: {  	s22 =	simm.s32 $0x1BFF;
	s21 =	sshll.u32 s5, $0x1;
	s2 =	sadd.s32 s19, s18  }
0x9c: {  	s6 =	simm.s32 $0x0;
	s20 =	sshll.u32 s4, $0x1;
	s4 =	sadd.s32 s21, s2  }
0x9d: {  	[timem:s6], [sflag:s22] =	dma.local [hbm:s4], s20  }
0x9e: {  	_ =	swait.ge [sflag:s22], s20  }
0x9f: {  	s3 =	ssub.s32 $0x0, s20;
	[sflag:s22] =	ssyncset.done $0x0  }
0xa0: {  	[sflag:s22] =	ssyncadd.s32 s3;
	_ =	sdelay $0x1  }
0xa1: {  	s23 =	simm.s32 $0x1B8B  }
0xa2: {  	_ =	swait.ge [sflag:s23], $0x1  }
0xa3: {  	[sflag:s23] =	ssyncset.done $0x0  }
0xa4: {  	s25 =	simm.s32 $0x1B8E;
	s24 =	sld [smem:$0x3FFE];
	[sflag:s23] =	ssyncadd.s32 $0xFFFFFFFF  }
0xa5: {  	s26 =	simm.s32 $execute0_lowered;
	[smem:$0x3FD2] =	sst s25  }
0xa6: {  	s4 =	sshll.u32 s26, $0x1;
	_ =	strace $0x80000046;
	[dreg:$0x1] =	wrdreg $0xFFFFFFFF  }
0xa7: {  	s28 =	simm.s32 $_size_execute0_lowered;
	s2 =	sadd.s32 s2, s4;
	[dreg:$0x0] =	wrdreg $0x0  }
0xa8: {  	s4 =	sshll.u32 s28, $0x1;
	[dreg:$0x2] =	wrdreg s2  }
0xa9: {  	[dreg:$0x3] =	wrdreg s4  }
0xaa: {  	[dreg:$0x4] =	wrdreg $0xC0  }
0xab: {  	_ =	task [dreg:s6], $0x5FFFF  }
0xac: {  	[dreg:$0x1] =	wrdreg $0xFFFFFFFF  }
0xad: {  	[dreg:$0x0] =	wrdreg $0x60  }
0xae: {  	[dreg:$0x2] =	wrdreg s24  }
0xaf: {  	[dreg:$0x3] =	wrdreg $0xC8800  }
0xb0: {  	[dreg:$0x4] =	wrdreg $0x9  }
0xb1: {  	_ =	task.clear_ibuf [dreg:s6], $0x5FFFF;
	_ =	strace $0x90000046  }
0xb2: {  	s29 =	simm.s32 $0x9;
	_ =	strace $0x80000048  }
0xb3: {  	_ =	swait.ge [sflag:s29], $0x1  }
0xb4: {  	[sflag:s29] =	ssyncadd.s32 $0xFFFFFFFF  }
0xb5: {  	_ =	strace $0x90000048  }
0xb6: {  	_ =	sfence  }
0xb7: {  	s30 =	sld [smem:$0x0];
	_ =	sdelay $0x2  }
0xb8: {  	s31 =	sshll.u32 s1, $0xD;
	s1 =	sshrl.u32 s1, $0x2  }
0xb9: {  	s3 =	sand.u32 $0x4000, s31;
	s1 =	sadd.s32 s1, s30  }
0xba: {  	s0 =	sor.u32 s3, s0;
	s1 =	sshll.u32 s1, $0x11  }
0xbb: {  	s0 =	sor.u32 s1, s0  }
0xbc: {  	s0 =	sadd.s32 $0x8F2B, s0  }
0xbd: {  	[sflag:s0] =	ssyncadd.remote.s32 $0x1  }
0xbe: {  	_ =	sfence.sel $0xFFFF  }
0xbf: {  	[dreg:$0x0] =	wrdreg $0xFFFFFFFF;
	(pc) =	sbr.abs _section_cstart, $3  }
0xc0: {  	[dreg:$0x1] =	wrdreg $0xFFFFFFFF  }
0xc1: {  	_ =	task.clear_ibuf [dreg:s6], $0x2FFFF;
	_ =	strace $0x9FFFFFFF  }
0xc2: {  	(tm) =	ssettm $0x7FFFFFFF  }
0xc3: {  	_ =	shalt  }
tec
execute0_lowered:
.L_overlay_start_1:
0x0: {  	(tag) =	ssettag $0x1  }
0x1: {  	s5 =	rddreg [dreg:$0x0]  }
0x2: {  	s0 =	srdreg.scid;
	s2 =	rddreg [dreg:$0x1]  }
0x3: {  	s3 =	simm.s32 $0x0;
	s11 =	simm.s32 $0x6400;
	s12 =	simm.s32 $0x80  }
0x4: {  	s13 =	simm.s32 $0x6480;
	s14 =	simm.s32 $0x100;
	s15 =	simm.s32 $0x6500  }
0x5: {  	s16 =	simm.s32 $0x180;
	s17 =	simm.s32 $0x6580;
	s18 =	simm.s32 $0x1  }
0x6: {  	s19 =	simm.s32 $0x2;
	s4 =	sand.u32 $0x1, s0;
	s0 =	stileid.u32  }
0x7: {  	s20 =	simm.s32 $0x3;
	s21 =	simm.s32 $0x4;
	s7 =	smul.u32 $0xC80, s0  }
0x8: {  	s22 =	simm.s32 $0x0;
	s1 =	sshll.u32 s4, $0x4;
	s8 =	smul.u32 $0xC800, s4  }
0x9: {  	s9 =	smul.u32 $0x3200, s0;
	s4 =	ssub.s32 $0x2, s4;
	s1 =	sor.u32 s0, s1  }
0xa: {  	[smem:$0x7FF] =	sst s3;
	s30 =	sshrl.u32 s4, $0x1;
	s6 =	smul.u32 $0xC80, s1  }
0xb: {  	s1 =	rddreg [dreg:$0x2];
	_ =	strace $0x80000047;
	s7 =	sadd.s32 s7, s8  }
0xc: {  	s9 =	sshrl.u32 s9, $0x2;
	s31 =	ssub.s32 s4, s30;
	s7 =	sshrl.u32 s7, $0x3  }
0xd: {  	s4 =	sadd.s32 s9, s2;
	s9 =	simm.s32 $0xC800;
	s6 =	sadd.s32 s6, s5  }
0xe: {  	s10 =	sadd.s32 s7, s5;
	s7 =	smax.u32 s31, $0x1;
	s5 =	sadd.s32 $0x2400, s6  }
0xf: {  	v0 =	vimm.f32 $0.0e+00;
	s6 =	sadd.s32 $0x1B400, s6;
	s8 =	sadd.s32 $0x34400, s10;
	s10 =	simm.s32 $0x5  }
.LBB2_1:
0x10: {  	[tilespmem:$0xC800] =	vst v0  }
0x11: {  	[tilespmem:$0xC810] =	vst v0  }
0x12: {  	[tilespmem:$0xC820] =	vst v0  }
0x13: {  	[tilespmem:$0xC830] =	vst v0  }
0x14: {  	[tilespmem:$0xC840] =	vst v0  }
0x15: {  	[tilespmem:$0xC850] =	vst v0  }
0x16: {  	[tilespmem:$0xC860] =	vst v0  }
0x17: {  	[tilespmem:$0xC870] =	vst v0;
	s23 =	sadd.s32 $0x0, s4  }
0x18: {  	[spmem:s23] =	stream.linear.scatter [tilespmem:s9], [sflag:$0x5], $0x80, $0x38;
	[tilespmem:$0xD500] =	vst v63  }
0x19: {  	s23 =	simm.s32 $0x200;
	_ =	swait.ge [sflag:s10], $0x80  }
.LBB2_2:
0x1a: {  	s24 =	sshra.s32 s23, $0x2;
	[sflag:s10] =	ssyncset.done $0x0;
	p0 =	sne.s32 s23, $0x3000  }
.Ltmp0:
0x1b: {  	s24 =	sadd.s32 s24, s4;
	[sflag:s10] =	ssyncadd.s32 $0xFFFFFF80;
	(pc) =	sbr.rel @p0 .LBB2_2-.Ltmp0, $3  }
0x1c: {  	[spmem:s24] =	stream.linear.scatter [tilespmem:s9], [sflag:$0x5], $0x80, $0x38;
	[tilespmem:$0xD500] =	vst v63  }
0x1d: {  	s23 =	sadd.s32 $0x200, s23;
	_ =	sdelay $0x1  }
0x1e: {  	_ =	swait.ge [sflag:s10], $0x80  }
0x1f: {  	[sflag:s10] =	ssyncset.done $0x0  }
0x20: {  	s23 =	simm.s32 $0x0;
	[sflag:s10] =	ssyncadd.s32 $0xFFFFFF80  }
0x21: {  	[tilespmem:s23], [sflag:$0x5] =	stream.linear.gather [hbm4b:s5+s23], $0x6400, $0x38;
	[tilespmem:$0xD500] =	vst v63  }
0x22: {  	_ =	swait.ge [sflag:s10], $0x6400  }
0x23: {  	[sflag:s10] =	ssyncset.done $0x0  }
0x24: {  	[sflag:s10] =	ssyncadd.s32 $0xFFFF9C00  }
0x25: {  	[tilespmem:s11], [sflag:$0x5] =	stream.linear.gather [hbm4b:s6+s23], $0x6400, $0x38;
	[tilespmem:$0xD500] =	vst v63  }
0x26: {  	_ =	swait.ge [sflag:s10], $0x6400  }
0x27: {  	[sflag:s10] =	ssyncset.done $0x0  }
0x28: {  	[sflag:s10] =	ssyncadd.s32 $0xFFFF9C00  }
0x29: {  	[bflag:$0x0] =	sbarrier.arrive $0xFFFF  }
0x2a: {  	[spmem:s2] =	stream.indirect.scatter.add.f32 [tilespmem:s11], [sflag:$0x1], $0x1, s23, s12, $0xb8;
	[tilespmem:$0xD500] =	vst v63  }
0x2b: {  	_ = 	snop  }
0x2c: {  	[spmem:s2] =	stream.indirect.scatter.add.f32 [tilespmem:s13], [sflag:$0x2], $0x1, s12, s12, $0xb8;
	[tilespmem:$0xD500] =	vst v63  }
0x2d: {  	_ = 	snop  }
0x2e: {  	[spmem:s2] =	stream.indirect.scatter.add.f32 [tilespmem:s15], [sflag:$0x3], $0x1, s14, s12, $0xb8;
	[tilespmem:$0xD500] =	vst v63  }
0x2f: {  	_ = 	snop  }
0x30: {  	[spmem:s2] =	stream.indirect.scatter.add.f32 [tilespmem:s17], [sflag:$0x4], $0x1, s16, s12, $0xb8;
	[tilespmem:$0xD500] =	vst v63  }
0x31: {  	_ =	swait.ge [sflag:s18], $0x80  }
0x32: {  	[sflag:s18] =	ssyncset.done $0x0  }
0x33: {  	s26 =	simm.s32 $0x6600;
	s24 =	simm.s32 $0x200;
	[sflag:s18] =	ssyncadd.s32 $0xFFFFFF80  }
0x34: {  	[spmem:s2] =	stream.indirect.scatter.add.f32 [tilespmem:s26], [sflag:$0x1], $0x1, s24, s12, $0xb8;
	[tilespmem:$0xD500] =	vst v63  }
0x35: {  	_ =	swait.ge [sflag:s19], $0x80  }
0x36: {  	[sflag:s19] =	ssyncset.done $0x0  }
0x37: {  	s28 =	simm.s32 $0x6680;
	s29 =	simm.s32 $0x280;
	[sflag:s19] =	ssyncadd.s32 $0xFFFFFF80  }
0x38: {  	[spmem:s2] =	stream.indirect.scatter.add.f32 [tilespmem:s28], [sflag:$0x2], $0x1, s29, s12, $0xb8;
	[tilespmem:$0xD500] =	vst v63  }
0x39: {  	_ =	swait.ge [sflag:s20], $0x80  }
0x3a: {  	[sflag:s20] =	ssyncset.done $0x0  }
0x3b: {  	s30 =	simm.s32 $0x300;
	s31 =	simm.s32 $0x6700;
	[sflag:s20] =	ssyncadd.s32 $0xFFFFFF80  }
0x3c: {  	[spmem:s2] =	stream.indirect.scatter.add.f32 [tilespmem:s31], [sflag:$0x3], $0x1, s30, s12, $0xb8;
	[tilespmem:$0xD500] =	vst v63  }
0x3d: {  	_ =	swait.ge [sflag:s21], $0x80  }
0x3e: {  	s25 =	simm.s32 $0x380;
	[sflag:s21] =	ssyncset.done $0x0  }
0x3f: {  	s23 =	simm.s32 $0x800;
	s24 =	simm.s32 $0x6780;
	[sflag:s21] =	ssyncadd.s32 $0xFFFFFF80  }
.LBB2_4:
0x40: {  	[spmem:s2] =	stream.indirect.scatter.add.f32 [tilespmem:s24], [sflag:$0x4], $0x1, s25, s12, $0xb8;
	[tilespmem:$0xD500] =	vst v63  }
0x41: {  	s24 =	smov.u32 s23  }
0x42: {  	p0 =	sne.s32 s23, $0x18000;
	s23 =	sadd.s32 $0x800, s23;
	_ =	swait.ge [sflag:s18], $0x80  }
0x43: {  	s25 =	sshra.s32 s24, $0x2;
	[sflag:s18] =	ssyncset.done $0x0  }
0x44: {  	s24 =	sadd.s32 $0x6600, s25;
	s26 =	sadd.s32 $0x200, s25;
	[sflag:s18] =	ssyncadd.s32 $0xFFFFFF80  }
0x45: {  	[spmem:s2] =	stream.indirect.scatter.add.f32 [tilespmem:s24], [sflag:$0x1], $0x1, s26, s12, $0xb8;
	[tilespmem:$0xD500] =	vst v63  }
0x46: {  	_ =	swait.ge [sflag:s19], $0x80  }
0x47: {  	[sflag:s19] =	ssyncset.done $0x0  }
0x48: {  	s24 =	sadd.s32 $0x6680, s25;
	s26 =	sadd.s32 $0x280, s25;
	[sflag:s19] =	ssyncadd.s32 $0xFFFFFF80  }
0x49: {  	[spmem:s2] =	stream.indirect.scatter.add.f32 [tilespmem:s24], [sflag:$0x2], $0x1, s26, s12, $0xb8;
	[tilespmem:$0xD500] =	vst v63  }
0x4a: {  	_ =	swait.ge [sflag:s20], $0x80  }
0x4b: {  	s24 =	sadd.s32 $0x300, s25;
	[sflag:s20] =	ssyncset.done $0x0  }
.Ltmp1:
0x4c: {  	s26 =	sadd.s32 $0x6700, s25;
	[sflag:s20] =	ssyncadd.s32 $0xFFFFFF80;
	(pc) =	sbr.rel @p0 .LBB2_4-.Ltmp1, $4  }
0x4d: {  	[spmem:s2] =	stream.indirect.scatter.add.f32 [tilespmem:s26], [sflag:$0x3], $0x1, s24, s12, $0xb8;
	[tilespmem:$0xD500] =	vst v63  }
0x4e: {  	_ =	swait.ge [sflag:s21], $0x80  }
0x4f: {  	[sflag:s21] =	ssyncset.done $0x0  }
0x50: {  	s24 =	sadd.s32 $0x6780, s25;
	s25 =	sadd.s32 $0x380, s25;
	[sflag:s21] =	ssyncadd.s32 $0xFFFFFF80  }
0x51: {  	[spmem:s2] =	stream.indirect.scatter.add.f32 [tilespmem:s24], [sflag:$0x4], $0x1, s25, s12, $0xb8;
	[tilespmem:$0xD500] =	vst v63  }
0x52: {  	_ =	swait.ge [sflag:s18], $0x80  }
0x53: {  	[sflag:s18] =	ssyncset.done $0x0  }
0x54: {  	[sflag:s18] =	ssyncadd.s32 $0xFFFFFF80  }
0x55: {  	_ =	swait.ge [sflag:s19], $0x80  }
0x56: {  	[sflag:s19] =	ssyncset.done $0x0  }
0x57: {  	[sflag:s19] =	ssyncadd.s32 $0xFFFFFF80  }
0x58: {  	_ =	swait.ge [sflag:s20], $0x80  }
0x59: {  	[sflag:s20] =	ssyncset.done $0x0  }
0x5a: {  	[sflag:s20] =	ssyncadd.s32 $0xFFFFFF80  }
0x5b: {  	_ =	swait.ge [sflag:s21], $0x80  }
0x5c: {  	[sflag:s21] =	ssyncset.done $0x0  }
0x5d: {  	[sflag:s21] =	ssyncadd.s32 $0xFFFFFF80  }
0x5e: {  	[bflag:$0x0] =	sbarrier.arrive $0xFFFF  }
0x5f: {  	[tilespmem:s9], [sflag:$0x5] =	stream.linear.gather [spmem:s4], $0x80, $0x38;
	[tilespmem:$0xD500] =	vst v63  }
0x60: {  	_ =	swait.ge [sflag:s10], $0x80  }
0x61: {  	[sflag:s10] =	ssyncset.done $0x0  }
0x62: {  	s23 =	sadd.s32 $0x0, s8;
	[sflag:s10] =	ssyncadd.s32 $0xFFFFFF80  }
0x63: {  	[hbm4b:s23+s3] =	stream.linear.scatter [tilespmem:s9], [sflag:$0x5], $0x80, $0x38;
	[tilespmem:$0xD500] =	vst v63  }
0x64: {  	_ =	swait.ge [sflag:s10], $0x80  }
0x65: {  	s24 =	smov.u32 s4;
	s23 =	simm.s32 $0x10;
	[sflag:s10] =	ssyncset.done $0x0  }
.LBB2_6:
0x66: {  	p0 =	sne.s32 s23, $0x180;
	[sflag:s10] =	ssyncadd.s32 $0xFFFFFF80;
	s24 =	sadd.s32 $0x80, s24  }
0x67: {  	[tilespmem:s9], [sflag:$0x5] =	stream.linear.gather [spmem:s24], $0x80, $0x38;
	[tilespmem:$0xD500] =	vst v63  }
0x68: {  	s25 =	smov.u32 s23;
	s23 =	sadd.s32 $0x10, s23;
	_ =	swait.ge [sflag:s10], $0x80  }
.Ltmp2:
0x69: {  	[sflag:s10] =	ssyncset.done $0x0;
	(pc) =	sbr.rel @p0 .LBB2_6-.Ltmp2, $4  }
0x6a: {  	s25 =	sadd.s32 s25, s8;
	[sflag:s10] =	ssyncadd.s32 $0xFFFFFF80  }
0x6b: {  	[hbm4b:s25+s3] =	stream.linear.scatter [tilespmem:s9], [sflag:$0x5], $0x80, $0x38;
	[tilespmem:$0xD500] =	vst v63  }
0x6c: {  	_ =	swait.ge [sflag:s10], $0x80  }
0x6d: {  	[sflag:s10] =	ssyncset.done $0x0  }
0x6e: {  	s22 =	sadd.s32 $0x1, s22  }
0x6f: {  	p0 =	sne.s32 s22, s7  }
.Ltmp3:
0x70: {  	_ = 	snop;
	(pc) =	sbr.rel @p0 .LBB2_1-.Ltmp3, $2  }
0x71: {  	_ =	sdelay $0x2  }
0x72: {  	[sflag:s10] =	ssyncadd.s32 $0xFFFFFF80  }
0x73: {  	_ =	sfence.sel $0x180000  }
0x74: {  	[bflag:$0x0] =	sbarrier.arrive $0xFFFF  }
0x75: {  	p0 =	sne.s32 s0, $0x0;
	_ =	strace $0x90000047  }
0x76: {  	s0 =	sadd.s32 @!p0 $0x100000, s1;
	[bflag:$0x2] =	sbarrier.arrive $0xFFFF  }
0x77: {  	[sflag:s0] =	ssyncadd.tile.s32 @!p0 $0x1;
	_ =	shalt  }
.Lfunc_end2:
_tile_overlayer_lowered:
.L_overlay_start_2:
0x78: {  	(tag) =	ssettag $0x2  }
0x79: {  	s0 =	rddreg [dreg:$0x0];
	s2 =	stileid.u32  }
0x7a: {  	s1 =	rddreg [dreg:$0x1];
	p0 =	sne.s32 s2, $0x0  }
0x7b: {  	s3 =	rddreg [dreg:$0x2];
	[bflag:$0x3] =	sbarrier.arrive $0xFFFF;
	s2 =	simm.s32 @!p0 $0x1C05  }
0x7c: {  	[timem:s3], [sflag:s2] =	dma.local @!p0 [hbm:s0], s1  }
0x7d: {  	s0 =	simm.s32 @!p0 $0x5  }
0x7e: {  	_ =	swait.ge @!p0 [sflag:s0], s1  }
0x7f: {  	s1 =	ssub.s32 @!p0 $0x0, s1;
	[sflag:s0] =	ssyncset.done @!p0 $0x0  }
0x80: {  	[sflag:s0] =	ssyncadd.s32 @!p0 s1  }
0x81: {  	[bflag:$0x3] =	sbarrier.arrive $0xFFFF  }
0x82: {  	_ =	shalt  }

// kernel: kernel.14.cloned.1.call-start
scs
__scs_entry_jumppad:
0x0: {  	(pc) =	sbr.rel $0x88, $3  }
0x1: {  	(tag) =	ssettag $0x0;
	lr =	simm.s32 $0x1  }
0x2: {  	[smem:$0x3F95] =	sst lr;
	_ =	strace $0xD0000000  }
0x3: {  	_ = 	snop  }
0x4: {  	_ = 	snop  }
0x5: {  	_ = 	snop  }
0x6: {  	_ = 	snop  }
0x7: {  	_ = 	snop  }
__scs_overlays_trampoline_lowered:
0x8: {  	[smem:$0x3FA4] =	sst s0  }
0x9: {  	[smem:$0x3FA5] =	sst s1  }
0xa: {  	[smem:$0x3FA6] =	sst s2  }
0xb: {  	[smem:$0x3FA7] =	sst s3  }
0xc: {  	[smem:$0x3FA8] =	sst s4  }
0xd: {  	[smem:$0x3FA9] =	sst s5  }
0xe: {  	[smem:$0x3FAA] =	sst s6  }
0xf: {  	[smem:$0x3FAB] =	sst s7  }
0x10: {  	[smem:$0x3FAC] =	sst s8  }
0x11: {  	[smem:$0x3FAD] =	sst s9;
	s0 =	simm.s32 @!p0 $0x0  }
0x12: {  	s1 =	sld [smem:$0x3F93];
	s0 =	simm.s32 @p0 $0x1  }
0x13: {  	[smem:$0x3FAE] =	sst s0;
	s0 =	simm.s32 @!p1 $0x0  }
0x14: {  	s2 =	sld [smem:$0x3F92];
	s0 =	simm.s32 @p1 $0x1  }
0x15: {  	[smem:$0x3FAF] =	sst s0;
	s0 =	simm.s32 @!p2 $0x0  }
0x16: {  	s3 =	sld [smem:$0x3FDB];
	s0 =	simm.s32 @p2 $0x1  }
0x17: {  	s4 =	simm.s32 $0x1BF5;
	[smem:$0x3FB1] =	sst s0  }
0x18: {  	s0 =	sld [smem:$0x3F94];
	_ =	swait.ge [sflag:s4], $0x0  }
0x19: {  	s7 =	sld [smem:$0x3F95]  }
0x1a: {  	s8 =	sadd.s32 $0xFFFFE003, lr  }
0x1b: {  	s9 =	sadd.s32 $0xFFFFFEF7, lr;
	s5 =	simm.s32 $0xFFFFFFFF;
	p2 =	slt.u32 s8, $0xFFFFF086  }
0x1c: {  	p1 =	slt.u32 s9, $0xF7A;
	s5 =	simm.s32 @!p2 $0x0  }
0x1d: {  	s5 =	simm.s32 @p1 $0x1;
	p0 =	seq.s32 s7, s2  }
0x1e: {  	s7 =	smul.u32 @!p0 $0xF7A, s2;
	p2 =	seq.s32 @!p0 s5, $0x0  }
0x1f: {  	s9 =	smul.u32 $0xF7A, s1;
	s8 =	simm.s32 @!p0 $0x1BF5;
	p2 =	por !p2, p0  }
0x20: {  	[sflag:s8] =	ssyncset.s32 @!p0 $0xFFFFF086;
	s6 =	sadd.s32 @!p0 s3, s7;
	s7 =	simm.s32 @!p0 $0x108  }
0x21: {  	s3 =	sadd.s32 s3, s9;
	s6 =	sadd.s32 @!p0 $0x88, s6;
	s7 =	simm.s32 @p2 $0x1082  }
0x22: {  	[simem:s7], [sflag:s8] =	dma.local @!p0 [hbm:s6], $0xF7A  }
0x23: {  	s9 =	sor.u32 $0xD0000000, s2;
	s6 =	simm.s32 $0x108;
	_ =	swait.ge @!p0 [sflag:s8], $0x0  }
0x24: {  	s3 =	sadd.s32 $0x88, s3;
	s6 =	simm.s32 @!p1 $0x1082;
	[sflag:s4] =	ssyncset.s32 $0xFFFFF086  }
0x25: {  	[simem:s6], [sflag:s4] =	dma.local [hbm:s3], $0xF7A  }
0x26: {  	[smem:$0x3F95] =	sst s1;
	(tag) =	ssettag s2;
	_ =	strace s9  }
0x27: {  	s1 =	sld [smem:$0x3FA5]  }
0x28: {  	s2 =	sld [smem:$0x3FA6]  }
0x29: {  	s4 =	sld [smem:$0x3FA8]  }
0x2a: {  	p0 =	seq.s32 s5, $0x0;
	s5 =	sld [smem:$0x3FA9]  }
0x2b: {  	s6 =	sld [smem:$0x3FAA]  }
0x2c: {  	s7 =	sld [smem:$0x3FAB]  }
0x2d: {  	s3 =	simm.s32 $0x108;
	s8 =	sld [smem:$0x3FAC]  }
0x2e: {  	s3 =	simm.s32 @!p0 $0x1082;
	s9 =	sld [smem:$0x3FAD]  }
0x2f: {  	lr =	sadd.s32 s0, s3;
	s0 =	sld [smem:$0x3FA4]  }
0x30: {  	s3 =	sld [smem:$0x3FA7]  }
0x31: {  	[smem:$0x3FB0] =	sst s10  }
0x32: {  	s10 =	sld [smem:$0x3FAE];
	_ =	sdelay $0x3  }
0x33: {  	p0 =	seq.s32 s10, $0x1;
	s10 =	sld [smem:$0x3FB0];
	_ =	sdelay $0x3  }
0x34: {  	[smem:$0x3FB0] =	sst s10  }
0x35: {  	s10 =	sld [smem:$0x3FAF];
	_ =	sdelay $0x3  }
0x36: {  	p1 =	seq.s32 s10, $0x1;
	s10 =	sld [smem:$0x3FB0];
	_ =	sdelay $0x3  }
0x37: {  	[smem:$0x3FB0] =	sst s10  }
0x38: {  	s10 =	sld [smem:$0x3FB1]  }
0x39: {  	_ = 	snop;
	(pc) =	sbr.ind lr, $3  }
0x3a: {  	_ = 	snop  }
0x3b: {  	_ = 	snop  }
0x3c: {  	p2 =	seq.s32 s10, $0x1;
	s10 =	sld [smem:$0x3FB0]  }
0x3d: {  	_ =	shalt  }
0x3e: {  	_ =	shalt  }
0x3f: {  	_ =	shalt  }
0x40: {  	_ =	shalt  }
0x41: {  	_ =	shalt  }
0x42: {  	_ =	shalt  }
0x43: {  	_ =	shalt  }
0x44: {  	_ =	shalt  }
0x45: {  	_ =	shalt  }
0x46: {  	_ =	shalt  }
0x47: {  	_ =	shalt  }
0x48: {  	_ =	shalt  }
0x49: {  	_ =	shalt  }
0x4a: {  	_ =	shalt  }
0x4b: {  	_ =	shalt  }
0x4c: {  	_ =	shalt  }
0x4d: {  	_ =	shalt  }
0x4e: {  	_ =	shalt  }
0x4f: {  	_ =	shalt  }
0x50: {  	_ =	shalt  }
0x51: {  	_ =	shalt  }
0x52: {  	_ =	shalt  }
0x53: {  	_ =	shalt  }
0x54: {  	_ =	shalt  }
0x55: {  	_ =	shalt  }
0x56: {  	_ =	shalt  }
0x57: {  	_ =	shalt  }
0x58: {  	_ =	shalt  }
0x59: {  	_ =	shalt  }
0x5a: {  	_ =	shalt  }
0x5b: {  	_ =	shalt  }
0x5c: {  	_ =	shalt  }
0x5d: {  	_ =	shalt  }
0x5e: {  	_ =	shalt  }
0x5f: {  	_ =	shalt  }
0x60: {  	_ =	shalt  }
0x61: {  	_ =	shalt  }
0x62: {  	_ =	shalt  }
0x63: {  	_ =	shalt  }
0x64: {  	_ =	shalt  }
0x65: {  	_ =	shalt  }
0x66: {  	_ =	shalt  }
0x67: {  	_ =	shalt  }
0x68: {  	_ =	shalt  }
0x69: {  	_ =	shalt  }
0x6a: {  	_ =	shalt  }
0x6b: {  	_ =	shalt  }
0x6c: {  	_ =	shalt  }
0x6d: {  	_ =	shalt  }
0x6e: {  	_ =	shalt  }
0x6f: {  	_ =	shalt  }
0x70: {  	_ =	shalt  }
0x71: {  	_ =	shalt  }
0x72: {  	_ =	shalt  }
0x73: {  	_ =	shalt  }
0x74: {  	_ =	shalt  }
0x75: {  	_ =	shalt  }
0x76: {  	_ =	shalt  }
0x77: {  	_ =	shalt  }
0x78: {  	_ =	shalt  }
0x79: {  	_ =	shalt  }
0x7a: {  	_ =	shalt  }
0x7b: {  	_ =	shalt  }
0x7c: {  	_ =	shalt  }
0x7d: {  	_ =	shalt  }
0x7e: {  	_ =	shalt  }
0x7f: {  	_ =	shalt  }
0x80: {  	_ =	shalt  }
0x81: {  	_ =	shalt  }
0x82: {  	_ =	shalt  }
0x83: {  	_ =	shalt  }
0x84: {  	_ =	shalt  }
0x85: {  	_ =	shalt  }
0x86: {  	_ =	shalt  }
0x87: {  	_ =	shalt  }
.Lfunc_end0:
.L_simem_size_0:
called_computation.1_lowered:
.L_overlay_start_0:
0x88: {  	s2 =	sld [smem:$0x3FD9]  }
0x89: {  	s3 =	sld [smem:$0x3FFE];
	_ =	sdelay $0x1  }
0x8a: {  	s1 =	srdreg.scid  }
0x8b: {  	s0 =	sand.u32 $0x1, s1  }
0x8c: {  	s16 =	sshll.u32 s0, $0xA;
	s2 =	sadd.s32 s3, s2  }
0x8d: {  	s2 =	sadd.s32 s2, s16  }
0x8e: {  	[smem:$0x3FBC] =	sst s2  }
0x8f: {  	_ = 	snop  }
0x90: {  	(tm) =	ssettm $0x1  }
0x91: {  	s17 =	sld [smem:$0x3FFB];
	_ =	sdelay $0x3  }
0x92: {  	_ =	strace s17  }
0x93: {  	s2 =	sld [smem:$0x3FFC];
	_ =	sdelay $0x3  }
0x94: {  	_ =	strace s2  }
0x95: {  	s2 =	sld [smem:$0x3FFD];
	_ =	sdelay $0x3  }
0x96: {  	_ =	strace s2  }
0x97: {  	_ =	strace $0x8FFFFFFF  }
0x98: {  	s18 =	sld [smem:$0x3FDB];
	_ =	sdelay $0x1  }
0x99: {  	s19 =	simm.s32 $_scs_section_size  }
0x9a: {  	s4 =	simm.s32 $_size__tile_overlayer_lowered;
	s5 =	simm.s32 $_tile_overlayer_lowered  }
0x9b: {  	s22 =	simm.s32 $0x1BFF;
	s21 =	sshll.u32 s5, $0x1;
	s2 =	sadd.s32 s19, s18  }
0x9c: {  	s6 =	simm.s32 $0x0;
	s20 =	sshll.u32 s4, $0x1;
	s4 =	sadd.s32 s21, s2  }
0x9d: {  	[timem:s6], [sflag:s22] =	dma.local [hbm:s4], s20  }
0x9e: {  	_ =	swait.ge [sflag:s22], s20  }
0x9f: {  	s3 =	ssub.s32 $0x0, s20;
	[sflag:s22] =	ssyncset.done $0x0  }
0xa0: {  	[sflag:s22] =	ssyncadd.s32 s3;
	_ =	sdelay $0x1  }
0xa1: {  	s23 =	simm.s32 $0x1B8B  }
0xa2: {  	_ =	swait.ge [sflag:s23], $0x1  }
0xa3: {  	[sflag:s23] =	ssyncset.done $0x0  }
0xa4: {  	s25 =	simm.s32 $0x1B8E;
	s24 =	sld [smem:$0x3FFE];
	[sflag:s23] =	ssyncadd.s32 $0xFFFFFFFF  }
0xa5: {  	s26 =	simm.s32 $execute0_lowered;
	[smem:$0x3FD2] =	sst s25  }
0xa6: {  	s4 =	sshll.u32 s26, $0x1;
	_ =	strace $0x80000049;
	[dreg:$0x1] =	wrdreg $0xFFFFFFFF  }
0xa7: {  	s28 =	simm.s32 $_size_execute0_lowered;
	s2 =	sadd.s32 s2, s4;
	[dreg:$0x0] =	wrdreg $0x0  }
0xa8: {  	s4 =	sshll.u32 s28, $0x1;
	[dreg:$0x2] =	wrdreg s2  }
0xa9: {  	[dreg:$0x3] =	wrdreg s4  }
0xaa: {  	[dreg:$0x4] =	wrdreg $0xC0  }
0xab: {  	_ =	task [dreg:s6], $0x5FFFF  }
0xac: {  	[dreg:$0x1] =	wrdreg $0xFFFFFFFF  }
0xad: {  	[dreg:$0x0] =	wrdreg $0x60  }
0xae: {  	[dreg:$0x2] =	wrdreg s24  }
0xaf: {  	[dreg:$0x3] =	wrdreg $0x134000  }
0xb0: {  	[dreg:$0x4] =	wrdreg $0x9  }
0xb1: {  	_ =	task.clear_ibuf [dreg:s6], $0x5FFFF;
	_ =	strace $0x90000049  }
0xb2: {  	s29 =	simm.s32 $0x9;
	_ =	strace $0x8000004B  }
0xb3: {  	_ =	swait.ge [sflag:s29], $0x1  }
0xb4: {  	[sflag:s29] =	ssyncadd.s32 $0xFFFFFFFF  }
0xb5: {  	_ =	strace $0x9000004B  }
0xb6: {  	_ =	sfence  }
0xb7: {  	s30 =	sld [smem:$0x0];
	_ =	sdelay $0x2  }
0xb8: {  	s31 =	sshll.u32 s1, $0xD;
	s1 =	sshrl.u32 s1, $0x2  }
0xb9: {  	s3 =	sand.u32 $0x4000, s31;
	s1 =	sadd.s32 s1, s30  }
0xba: {  	s0 =	sor.u32 s3, s0;
	s1 =	sshll.u32 s1, $0x11  }
0xbb: {  	s0 =	sor.u32 s1, s0  }
0xbc: {  	s0 =	sadd.s32 $0x8F2B, s0  }
0xbd: {  	[sflag:s0] =	ssyncadd.remote.s32 $0x1  }
0xbe: {  	_ =	sfence.sel $0xFFFF  }
0xbf: {  	[dreg:$0x0] =	wrdreg $0xFFFFFFFF;
	(pc) =	sbr.abs _section_cstart, $3  }
0xc0: {  	[dreg:$0x1] =	wrdreg $0xFFFFFFFF  }
0xc1: {  	_ =	task.clear_ibuf [dreg:s6], $0x2FFFF;
	_ =	strace $0x9FFFFFFF  }
0xc2: {  	(tm) =	ssettm $0x7FFFFFFF  }
0xc3: {  	_ =	shalt  }
tec
execute0_lowered:
.L_overlay_start_1:
0x0: {  	(tag) =	ssettag $0x1  }
0x1: {  	s5 =	rddreg [dreg:$0x0]  }
0x2: {  	s2 =	rddreg [dreg:$0x1];
	s3 =	srdreg.scid  }
0x3: {  	s0 =	rddreg [dreg:$0x2];
	s1 =	stileid.u32;
	s12 =	simm.s32 $0x2  }
0x4: {  	s13 =	simm.s32 $0x6400;
	s14 =	simm.s32 $0x80;
	s15 =	simm.s32 $0x1  }
0x5: {  	s16 =	simm.s32 $0x0;
	s6 =	sand.u32 $0x1, s3;
	s7 =	smul.u32 $0xC800, s1  }
0x6: {  	s3 =	simm.s32 $0x0;
	s30 =	smul.u32 $0x32000, s1;
	s4 =	sshll.u32 s6, $0x4  }
0x7: {  	[smem:$0x7FF] =	sst s3;
	s9 =	smul.u32 $0xC8000, s6;
	s6 =	ssub.s32 $0x2, s6  }
0x8: {  	s8 =	sor.u32 s1, s4;
	_ =	strace $0x8000004A;
	s4 =	sadd.s32 $0x34400, s5  }
0x9: {  	s10 =	sshrl.u32 s6, $0x1;
	s8 =	smul.u32 $0xC80, s8;
	s7 =	sadd.s32 s7, s9  }
0xa: {  	s31 =	sshrl.u32 s30, $0x2;
	s10 =	ssub.s32 s6, s10;
	s7 =	sshrl.u32 s7, $0x3  }
0xb: {  	s9 =	smax.u32 s10, $0x1;
	s8 =	sadd.s32 s8, s5;
	s11 =	sadd.s32 s7, s5  }
0xc: {  	s5 =	sadd.s32 s31, s2;
	s6 =	sadd.s32 $0xFF600, s8;
	s7 =	sadd.s32 $0x2400, s8  }
0xd: {  	v0 =	vimm.f32 $0.0e+00;
	s8 =	sadd.s32 $0x1B400, s8;
	s10 =	sadd.s32 $0x4D400, s11;
	s11 =	simm.s32 $0x12C00  }
.LBB2_1:
0xe: {  	s17 =	simm.s32 $0x0  }
.LBB2_2:
0xf: {  	p0 =	sne.s32 s17, $0x1FC0  }
.Ltmp0:
0x10: {  	_ = 	snop;
	(pc) =	sbr.rel @p0 .LBB2_2-.Ltmp0, $3  }
0x11: {  	_ =	sdelay $0x1  }
0x12: {  	s18 =	sshra.s32 s17, $0x2  }
0x13: {  	s17 =	sadd.s32 $0x40, s17;
	[tilespmem:s18+$0x12C00] =	vst v0  }
0x14: {  	s17 =	sadd.s32 $0x0, s5  }
0x15: {  	[spmem:s17] =	stream.linear.scatter [tilespmem:s11], [sflag:$0x2], $0x800, $0x38;
	[tilespmem:$0x1FC00] =	vst v63  }
0x16: {  	s17 =	simm.s32 $0x2000;
	_ =	swait.ge [sflag:s12], $0x800  }
.LBB2_4:
0x17: {  	s18 =	sshra.s32 s17, $0x2;
	[sflag:s12] =	ssyncset.done $0x0;
	p0 =	sne.s32 s17, $0x30000  }
.Ltmp1:
0x18: {  	s18 =	sadd.s32 s18, s5;
	[sflag:s12] =	ssyncadd.s32 $0xFFFFF800;
	(pc) =	sbr.rel @p0 .LBB2_4-.Ltmp1, $3  }
0x19: {  	[spmem:s18] =	stream.linear.scatter [tilespmem:s11], [sflag:$0x2], $0x800, $0x38;
	[tilespmem:$0x1FC00] =	vst v63  }
0x1a: {  	s17 =	sadd.s32 $0x2000, s17;
	_ =	sdelay $0x1  }
0x1b: {  	_ =	swait.ge [sflag:s12], $0x800  }
0x1c: {  	[sflag:s12] =	ssyncset.done $0x0  }
0x1d: {  	s17 =	simm.s32 $0x0;
	[sflag:s12] =	ssyncadd.s32 $0xFFFFF800  }
0x1e: {  	[tilespmem:s17], [sflag:$0x2] =	stream.linear.gather [hbm4b:s6+s17], $0x6400, $0x38;
	[tilespmem:$0x1FC00] =	vst v63  }
0x1f: {  	_ =	swait.ge [sflag:s12], $0x6400  }
0x20: {  	[sflag:s12] =	ssyncset.done $0x0  }
0x21: {  	[sflag:s12] =	ssyncadd.s32 $0xFFFF9C00  }
0x22: {  	[tilespmem:s13], [sflag:$0x2] =	stream.linear.gather [hbm4b:s7+s17], $0x6400, $0x38;
	[tilespmem:$0x1FC00] =	vst v63  }
0x23: {  	_ =	swait.ge [sflag:s12], $0x6400  }
0x24: {  	[sflag:s12] =	ssyncset.done $0x0  }
0x25: {  	s18 =	simm.s32 $0xC800;
	[sflag:s12] =	ssyncadd.s32 $0xFFFF9C00  }
0x26: {  	[tilespmem:s18], [sflag:$0x2] =	stream.linear.gather [hbm4b:s8+s17], $0x6400, $0x38;
	[tilespmem:$0x1FC00] =	vst v63  }
0x27: {  	_ =	swait.ge [sflag:s12], $0x6400  }
0x28: {  	[sflag:s12] =	ssyncset.done $0x0  }
0x29: {  	[sflag:s12] =	ssyncadd.s32 $0xFFFF9C00  }
0x2a: {  	[bflag:$0x0] =	sbarrier.arrive $0xFFFF  }
.LBB2_6:
0x2b: {  	s19 =	sshll.u32 s17, $0x7;
	v1 =	vmov s18  }
0x2c: {  	[tilespmem:s11], [sflag:$0x1] =	stream.indirect.gather [hbm4b:s4+s14], $0x10, s19, s14, $0xb8;
	[tilespmem:$0x1FC00] =	vst v63  }
0x2d: {  	_ =	swait.ge [sflag:s15], $0x800  }
0x2e: {  	[sflag:s15] =	ssyncset.done $0x0  }
0x2f: {  	s20 =	simm.s32 $0x0;
	[sflag:s15] =	ssyncadd.s32 $0xFFFFF800  }
0x30: {  	v2 =	vld.idx.msk [tilespmem:v1+s20+$0x0 ss:$0x1], $0xffff  }
0x31: {  	s20 =	simm.s32 $0x12C80  }
0x32: {  	v3 =	vld [tilespmem:s20+$0xFFFFFF80]  }
0x33: {  	v4 =	vld [tilespmem:s20+$0xFFFFFF90]  }
0x34: {  	v5 =	vld [tilespmem:s20+$0xFFFFFFA0]  }
0x35: {  	v6 =	vld [tilespmem:s20+$0xFFFFFFB0];
	v7 =	vbroadcast v2, $0x0  }
0x36: {  	v10 =	vld [tilespmem:s20+$0xFFFFFFD0];
	v8 =	vbroadcast v2, $0x1  }
0x37: {  	v46 =	vld [tilespmem:s20+$0xFFFFFFE0];
	v11 =	vbroadcast v2, $0x2;
	v3 =	vmul.f32 v7, v3  }
0x38: {  	v9 =	vld [tilespmem:s20+$0xFFFFFFC0];
	v45 =	vbroadcast v2, $0x3;
	v4 =	vmul.f32 v4, v8  }
0x39: {  	v49 =	vld [tilespmem:s20+$0x10];
	v47 =	vbroadcast v2, $0x5;
	v5 =	vmul.f32 v5, v11;
	[tilespmem:s20+$0xFFFFFF80] =	vst v3  }
0x3a: {  	v59 =	vld [tilespmem:s20+$0x60];
	v13 =	vbroadcast v2, $0x6;
	v6 =	vmul.f32 v6, v45;
	[tilespmem:s20+$0xFFFFFF90] =	vst v4  }
0x3b: {  	v12 =	vld [tilespmem:s20+$0xFFFFFFF0];
	v7 =	vmul.f32 v10, v47;
	v3 =	vbroadcast v2, $0x4;
	[tilespmem:s20+$0xFFFFFFA0] =	vst v5  }
0x3c: {  	v48 =	vld [tilespmem:s20+$0x0];
	v53 =	vbroadcast v2, $0x9;
	v8 =	vmul.f32 v46, v13;
	[tilespmem:s20+$0xFFFFFFB0] =	vst v6  }
0x3d: {  	v52 =	vld [tilespmem:s20+$0x30];
	v62 =	vbroadcast v2, $0xE;
	[tilespmem:s20+$0xFFFFFFD0] =	vst v7;
	v3 =	vmul.f32 v9, v3  }
0x3e: {  	v55 =	vld [tilespmem:s20+$0x50];
	v50 =	vbroadcast v2, $0x7;
	v58 =	vmul.f32 v49, v53;
	[tilespmem:s20+$0xFFFFFFE0] =	vst v8  }
0x3f: {  	v51 =	vld [tilespmem:s20+$0x20];
	v63 =	vmul.f32 v59, v62;
	[tilespmem:s20+$0xFFFFFFC0] =	vst v3;
	v3 =	vbroadcast v2, $0x8  }
0x40: {  	v54 =	vld [tilespmem:s20+$0x40];
	v57 =	vbroadcast v2, $0xB;
	v5 =	vmul.f32 v12, v50;
	[tilespmem:s20+$0x10] =	vst v58  }
0x41: {  	v60 =	vld [tilespmem:s20+$0x70];
	v61 =	vbroadcast v2, $0xD;
	[tilespmem:s20+$0x60] =	vst v63;
	v3 =	vmul.f32 v48, v3  }
0x42: {  	v56 =	vbroadcast v2, $0xA;
	v4 =	vmul.f32 v52, v57;
	[tilespmem:s20+$0xFFFFFFF0] =	vst v5  }
0x43: {  	v6 =	vmul.f32 v55, v61;
	[tilespmem:s20+$0x0] =	vst v3;
	v3 =	vbroadcast v2, $0xC  }
0x44: {  	v9 =	vmul.f32 v51, v56;
	[tilespmem:s20+$0x30] =	vst v4;
	v2 =	vbroadcast v2, $0xF  }
0x45: {  	[tilespmem:s20+$0x50] =	vst v6;
	v3 =	vmul.f32 v54, v3  }
0x46: {  	[tilespmem:s20+$0x20] =	vst v9;
	v2 =	vmul.f32 v60, v2  }
0x47: {  	[tilespmem:s20+$0x40] =	vst v3  }
0x48: {  	s22 =	simm.s32 $0x10;
	s21 =	simm.s32 $0x80;
	[tilespmem:s20+$0x70] =	vst v2  }
.LBB2_7:
0x49: {  	p0 =	sne.s32 s21, $0x1C0;
	v2 =	vld.idx.msk [tilespmem:v1+s22+$0x0 ss:$0x1], $0xffff;
	s20 =	sadd.s32 $0x100, s20  }
0x4a: {  	v3 =	vld [tilespmem:s20+$0xFFFFFFB0]  }
0x4b: {  	v4 =	vld [tilespmem:s20+$0xFFFFFF90]  }
0x4c: {  	v5 =	vld [tilespmem:s20+$0xFFFFFF80]  }
0x4d: {  	v6 =	vld [tilespmem:s20+$0xFFFFFFA0]  }
0x4e: {  	v7 =	vld [tilespmem:s20+$0xFFFFFFF0]  }
0x4f: {  	v8 =	vbroadcast v2, $0x0;
	v9 =	vbroadcast v2, $0x1;
	v10 =	vld [tilespmem:s20+$0xFFFFFFD0]  }
0x50: {  	v11 =	vbroadcast v2, $0x2;
	v12 =	vbroadcast v2, $0x3;
	v13 =	vld [tilespmem:s20+$0xFFFFFFC0]  }
0x51: {  	v4 =	vmul.f32 v4, v9;
	v5 =	vmul.f32 v8, v5;
	v8 =	vld [tilespmem:s20+$0xFFFFFFE0]  }
0x52: {  	v3 =	vmul.f32 v3, v12;
	v6 =	vmul.f32 v6, v11;
	v9 =	vld [tilespmem:s20+$0x30]  }
0x53: {  	v11 =	vbroadcast v2, $0x5;
	[tilespmem:s20+$0xFFFFFF80] =	vst v5;
	v5 =	vbroadcast v2, $0x4;
	v12 =	vld [tilespmem:s20+$0x10]  }
0x54: {  	v14 =	vbroadcast v2, $0x7;
	[tilespmem:s20+$0xFFFFFF90] =	vst v4;
	v4 =	vbroadcast v2, $0x6;
	v15 =	vld [tilespmem:s20+$0x0]  }
0x55: {  	[tilespmem:s20+$0xFFFFFFA0] =	vst v6;
	v5 =	vmul.f32 v13, v5;
	v6 =	vmul.f32 v10, v11;
	v10 =	vld [tilespmem:s20+$0x20]  }
0x56: {  	[tilespmem:s20+$0xFFFFFFB0] =	vst v3;
	v3 =	vmul.f32 v8, v4;
	v4 =	vmul.f32 v7, v14;
	v7 =	vld [tilespmem:s20+$0x70]  }
0x57: {  	v8 =	vbroadcast v2, $0x9;
	[tilespmem:s20+$0xFFFFFFC0] =	vst v5;
	v5 =	vbroadcast v2, $0x8;
	v11 =	vld [tilespmem:s20+$0x50]  }
0x58: {  	v13 =	vbroadcast v2, $0xB;
	[tilespmem:s20+$0xFFFFFFD0] =	vst v6;
	v6 =	vbroadcast v2, $0xA;
	v14 =	vld [tilespmem:s20+$0x40]  }
0x59: {  	[tilespmem:s20+$0xFFFFFFE0] =	vst v3;
	v3 =	vmul.f32 v15, v5;
	v5 =	vmul.f32 v12, v8;
	v8 =	vld [tilespmem:s20+$0x60]  }
0x5a: {  	[tilespmem:s20+$0xFFFFFFF0] =	vst v4;
	v4 =	vmul.f32 v10, v6;
	v6 =	vmul.f32 v9, v13  }
0x5b: {  	v9 =	vbroadcast v2, $0xD;
	[tilespmem:s20+$0x0] =	vst v3;
	v3 =	vbroadcast v2, $0xC  }
0x5c: {  	[tilespmem:s20+$0x10] =	vst v5;
	v5 =	vbroadcast v2, $0xE;
	v2 =	vbroadcast v2, $0xF  }
0x5d: {  	[tilespmem:s20+$0x20] =	vst v4;
	v3 =	vmul.f32 v14, v3;
	v4 =	vmul.f32 v11, v9  }
.Ltmp2:
0x5e: {  	[tilespmem:s20+$0x30] =	vst v6;
	v5 =	vmul.f32 v8, v5;
	v2 =	vmul.f32 v7, v2;
	(pc) =	sbr.rel @p0 .LBB2_7-.Ltmp2, $4  }
0x5f: {  	[tilespmem:s20+$0x40] =	vst v3  }
0x60: {  	[tilespmem:s20+$0x50] =	vst v4  }
0x61: {  	[tilespmem:s20+$0x60] =	vst v5  }
0x62: {  	s22 =	sshra.s32 s21, $0x2;
	s21 =	sadd.s32 $0x40, s21;
	[tilespmem:s20+$0x70] =	vst v2  }
0x63: {  	_ =	sdelay $0x3  }
0x64: {  	v1 =	vld.idx.msk [tilespmem:v1+s22+$0x0 ss:$0x1], $0xffff  }
0x65: {  	s20 =	sadd.s32 $0x100, s20  }
0x66: {  	v2 =	vld [tilespmem:s20+$0xFFFFFF80]  }
0x67: {  	v3 =	vld [tilespmem:s20+$0xFFFFFF90]  }
0x68: {  	v4 =	vld [tilespmem:s20+$0xFFFFFFA0]  }
0x69: {  	v5 =	vld [tilespmem:s20+$0xFFFFFFB0];
	v6 =	vbroadcast v1, $0x0  }
0x6a: {  	v9 =	vld [tilespmem:s20+$0xFFFFFFD0];
	v7 =	vbroadcast v1, $0x1  }
0x6b: {  	v8 =	vld [tilespmem:s20+$0xFFFFFFC0];
	v10 =	vbroadcast v1, $0x2;
	v2 =	vmul.f32 v6, v2  }
0x6c: {  	v49 =	vld [tilespmem:s20+$0xFFFFFFE0];
	v48 =	vbroadcast v1, $0x3;
	v3 =	vmul.f32 v3, v7  }
0x6d: {  	v51 =	vld [tilespmem:s20+$0x10];
	v50 =	vbroadcast v1, $0x5;
	v4 =	vmul.f32 v4, v10;
	[tilespmem:s20+$0xFFFFFF80] =	vst v2  }
0x6e: {  	v11 =	vld [tilespmem:s20+$0xFFFFFFF0];
	v5 =	vmul.f32 v5, v48;
	v2 =	vbroadcast v1, $0x4;
	[tilespmem:s20+$0xFFFFFF90] =	vst v3  }
0x6f: {  	v12 =	vbroadcast v1, $0x6;
	v6 =	vmul.f32 v9, v50;
	v3 =	vld [tilespmem:s20+$0x0];
	[tilespmem:s20+$0xFFFFFFA0] =	vst v4  }
0x70: {  	v57 =	vld [tilespmem:s20+$0x50];
	v55 =	vbroadcast v1, $0x9;
	[tilespmem:s20+$0xFFFFFFB0] =	vst v5;
	v2 =	vmul.f32 v8, v2  }
0x71: {  	v53 =	vld [tilespmem:s20+$0x20];
	v52 =	vbroadcast v1, $0x7;
	v7 =	vmul.f32 v49, v12;
	[tilespmem:s20+$0xFFFFFFD0] =	vst v6  }
0x72: {  	v54 =	vld [tilespmem:s20+$0x30];
	v59 =	vmul.f32 v51, v55;
	[tilespmem:s20+$0xFFFFFFC0] =	vst v2;
	v2 =	vbroadcast v1, $0x8  }
0x73: {  	v56 =	vld [tilespmem:s20+$0x40];
	v62 =	vbroadcast v1, $0xD;
	v4 =	vmul.f32 v11, v52;
	[tilespmem:s20+$0xFFFFFFE0] =	vst v7  }
0x74: {  	v60 =	vld [tilespmem:s20+$0x60];
	v58 =	vbroadcast v1, $0xA;
	[tilespmem:s20+$0x10] =	vst v59;
	v2 =	vmul.f32 v3, v2  }
0x75: {  	v61 =	vld [tilespmem:s20+$0x70];
	v5 =	vmul.f32 v57, v62;
	[tilespmem:s20+$0xFFFFFFF0] =	vst v4;
	v3 =	vbroadcast v1, $0xB  }
0x76: {  	v8 =	vmul.f32 v53, v58;
	[tilespmem:s20+$0x0] =	vst v2;
	v2 =	vbroadcast v1, $0xC  }
0x77: {  	v63 =	vbroadcast v1, $0xE;
	[tilespmem:s20+$0x50] =	vst v5;
	v3 =	vmul.f32 v54, v3  }
0x78: {  	[tilespmem:s20+$0x20] =	vst v8;
	v1 =	vbroadcast v1, $0xF;
	v2 =	vmul.f32 v56, v2  }
0x79: {  	[tilespmem:s20+$0x30] =	vst v3;
	v3 =	vmul.f32 v60, v63  }
0x7a: {  	s17 =	sadd.s32 $0x1, s17;
	v1 =	vmul.f32 v61, v1;
	[tilespmem:s20+$0x40] =	vst v2  }
0x7b: {  	p0 =	sne.s32 s17, $0xC8;
	[tilespmem:s20+$0x60] =	vst v3  }
.Ltmp3:
0x7c: {  	s19 =	sadd.s32 $0x6400, s19;
	[tilespmem:s20+$0x70] =	vst v1;
	(pc) =	sbr.rel @p0 .LBB2_6-.Ltmp3, $4  }
0x7d: {  	[spmem:s2] =	stream.indirect.scatter.add.f32 [tilespmem:s11], [sflag:$0x2], $0x10, s19, s14, $0xb8;
	[tilespmem:$0x1FC00] =	vst v63  }
0x7e: {  	_ =	swait.ge [sflag:s12], $0x800  }
0x7f: {  	[sflag:s12] =	ssyncset.done $0x0  }
0x80: {  	s18 =	sadd.s32 $0x80, s18;
	[sflag:s12] =	ssyncadd.s32 $0xFFFFF800  }
0x81: {  	[bflag:$0x0] =	sbarrier.arrive $0xFFFF  }
0x82: {  	[tilespmem:s11], [sflag:$0x2] =	stream.linear.gather [spmem:s5], $0x800, $0x38;
	[tilespmem:$0x1FC00] =	vst v63  }
0x83: {  	_ =	swait.ge [sflag:s12], $0x800  }
0x84: {  	[sflag:s12] =	ssyncset.done $0x0  }
0x85: {  	s17 =	sadd.s32 $0x0, s10;
	[sflag:s12] =	ssyncadd.s32 $0xFFFFF800  }
0x86: {  	[hbm4b:s17+s3] =	stream.linear.scatter [tilespmem:s11], [sflag:$0x2], $0x800, $0x38;
	[tilespmem:$0x1FC00] =	vst v63  }
0x87: {  	_ =	swait.ge [sflag:s12], $0x800  }
0x88: {  	s18 =	smov.u32 s5;
	s17 =	simm.s32 $0x100;
	[sflag:s12] =	ssyncset.done $0x0  }
.LBB2_10:
0x89: {  	p0 =	sne.s32 s17, $0x1800;
	[sflag:s12] =	ssyncadd.s32 $0xFFFFF800;
	s18 =	sadd.s32 $0x800, s18  }
0x8a: {  	[tilespmem:s11], [sflag:$0x2] =	stream.linear.gather [spmem:s18], $0x800, $0x38;
	[tilespmem:$0x1FC00] =	vst v63  }
0x8b: {  	s19 =	smov.u32 s17;
	s17 =	sadd.s32 $0x100, s17;
	_ =	swait.ge [sflag:s12], $0x800  }
.Ltmp4:
0x8c: {  	[sflag:s12] =	ssyncset.done $0x0;
	(pc) =	sbr.rel @p0 .LBB2_10-.Ltmp4, $4  }
0x8d: {  	s19 =	sadd.s32 s19, s10;
	[sflag:s12] =	ssyncadd.s32 $0xFFFFF800  }
0x8e: {  	[hbm4b:s19+s3] =	stream.linear.scatter [tilespmem:s11], [sflag:$0x2], $0x800, $0x38;
	[tilespmem:$0x1FC00] =	vst v63  }
0x8f: {  	_ =	swait.ge [sflag:s12], $0x800  }
0x90: {  	[sflag:s12] =	ssyncset.done $0x0  }
0x91: {  	s16 =	sadd.s32 $0x1, s16  }
0x92: {  	p0 =	sne.s32 s16, s9  }
.Ltmp5:
0x93: {  	_ = 	snop;
	(pc) =	sbr.rel @p0 .LBB2_1-.Ltmp5, $2  }
0x94: {  	_ =	sdelay $0x2  }
0x95: {  	[sflag:s12] =	ssyncadd.s32 $0xFFFFF800  }
0x96: {  	_ =	sfence.sel $0x180000  }
0x97: {  	[bflag:$0x0] =	sbarrier.arrive $0xFFFF  }
0x98: {  	p0 =	sne.s32 s1, $0x0;
	_ =	strace $0x9000004A  }
0x99: {  	s0 =	sadd.s32 @!p0 $0x100000, s0;
	[bflag:$0x2] =	sbarrier.arrive $0xFFFF  }
0x9a: {  	[sflag:s0] =	ssyncadd.tile.s32 @!p0 $0x1;
	_ =	shalt  }
.Lfunc_end2:
_tile_overlayer_lowered:
.L_overlay_start_2:
0x9b: {  	(tag) =	ssettag $0x2  }
0x9c: {  	s0 =	rddreg [dreg:$0x0];
	s2 =	stileid.u32  }
0x9d: {  	s1 =	rddreg [dreg:$0x1];
	p0 =	sne.s32 s2, $0x0  }
0x9e: {  	s3 =	rddreg [dreg:$0x2];
	[bflag:$0x3] =	sbarrier.arrive $0xFFFF;
	s2 =	simm.s32 @!p0 $0x1C02  }
0x9f: {  	[timem:s3], [sflag:s2] =	dma.local @!p0 [hbm:s0], s1  }
0xa0: {  	s0 =	simm.s32 @!p0 $0x2  }
0xa1: {  	_ =	swait.ge @!p0 [sflag:s0], s1  }
0xa2: {  	s1 =	ssub.s32 @!p0 $0x0, s1;
	[sflag:s0] =	ssyncset.done @!p0 $0x0  }
0xa3: {  	[sflag:s0] =	ssyncadd.s32 @!p0 s1  }
0xa4: {  	[bflag:$0x3] =	sbarrier.arrive $0xFFFF  }
0xa5: {  	_ =	shalt  }

// kernel: kernel.17.cloned.1.call-start
scs
__scs_entry_jumppad:
0x0: {  	(pc) =	sbr.rel $0x88, $3  }
0x1: {  	(tag) =	ssettag $0x0;
	lr =	simm.s32 $0x1  }
0x2: {  	[smem:$0x3F95] =	sst lr;
	_ =	strace $0xD0000000  }
0x3: {  	_ = 	snop  }
0x4: {  	_ = 	snop  }
0x5: {  	_ = 	snop  }
0x6: {  	_ = 	snop  }
0x7: {  	_ = 	snop  }
__scs_overlays_trampoline_lowered:
0x8: {  	[smem:$0x3FA4] =	sst s0  }
0x9: {  	[smem:$0x3FA5] =	sst s1  }
0xa: {  	[smem:$0x3FA6] =	sst s2  }
0xb: {  	[smem:$0x3FA7] =	sst s3  }
0xc: {  	[smem:$0x3FA8] =	sst s4  }
0xd: {  	[smem:$0x3FA9] =	sst s5  }
0xe: {  	[smem:$0x3FAA] =	sst s6  }
0xf: {  	[smem:$0x3FAB] =	sst s7  }
0x10: {  	[smem:$0x3FAC] =	sst s8  }
0x11: {  	[smem:$0x3FAD] =	sst s9;
	s0 =	simm.s32 @!p0 $0x0  }
0x12: {  	s1 =	sld [smem:$0x3F93];
	s0 =	simm.s32 @p0 $0x1  }
0x13: {  	[smem:$0x3FAE] =	sst s0;
	s0 =	simm.s32 @!p1 $0x0  }
0x14: {  	s2 =	sld [smem:$0x3F92];
	s0 =	simm.s32 @p1 $0x1  }
0x15: {  	[smem:$0x3FAF] =	sst s0;
	s0 =	simm.s32 @!p2 $0x0  }
0x16: {  	s3 =	sld [smem:$0x3FDB];
	s0 =	simm.s32 @p2 $0x1  }
0x17: {  	s4 =	simm.s32 $0x1BF5;
	[smem:$0x3FB1] =	sst s0  }
0x18: {  	s0 =	sld [smem:$0x3F94];
	_ =	swait.ge [sflag:s4], $0x0  }
0x19: {  	s7 =	sld [smem:$0x3F95]  }
0x1a: {  	s8 =	sadd.s32 $0xFFFFE003, lr  }
0x1b: {  	s9 =	sadd.s32 $0xFFFFFEF7, lr;
	s5 =	simm.s32 $0xFFFFFFFF;
	p2 =	slt.u32 s8, $0xFFFFF086  }
0x1c: {  	p1 =	slt.u32 s9, $0xF7A;
	s5 =	simm.s32 @!p2 $0x0  }
0x1d: {  	s5 =	simm.s32 @p1 $0x1;
	p0 =	seq.s32 s7, s2  }
0x1e: {  	s7 =	smul.u32 @!p0 $0xF7A, s2;
	p2 =	seq.s32 @!p0 s5, $0x0  }
0x1f: {  	s9 =	smul.u32 $0xF7A, s1;
	s8 =	simm.s32 @!p0 $0x1BF5;
	p2 =	por !p2, p0  }
0x20: {  	[sflag:s8] =	ssyncset.s32 @!p0 $0xFFFFF086;
	s6 =	sadd.s32 @!p0 s3, s7;
	s7 =	simm.s32 @!p0 $0x108  }
0x21: {  	s3 =	sadd.s32 s3, s9;
	s6 =	sadd.s32 @!p0 $0x88, s6;
	s7 =	simm.s32 @p2 $0x1082  }
0x22: {  	[simem:s7], [sflag:s8] =	dma.local @!p0 [hbm:s6], $0xF7A  }
0x23: {  	s9 =	sor.u32 $0xD0000000, s2;
	s6 =	simm.s32 $0x108;
	_ =	swait.ge @!p0 [sflag:s8], $0x0  }
0x24: {  	s3 =	sadd.s32 $0x88, s3;
	s6 =	simm.s32 @!p1 $0x1082;
	[sflag:s4] =	ssyncset.s32 $0xFFFFF086  }
0x25: {  	[simem:s6], [sflag:s4] =	dma.local [hbm:s3], $0xF7A  }
0x26: {  	[smem:$0x3F95] =	sst s1;
	(tag) =	ssettag s2;
	_ =	strace s9  }
0x27: {  	s1 =	sld [smem:$0x3FA5]  }
0x28: {  	s2 =	sld [smem:$0x3FA6]  }
0x29: {  	s4 =	sld [smem:$0x3FA8]  }
0x2a: {  	p0 =	seq.s32 s5, $0x0;
	s5 =	sld [smem:$0x3FA9]  }
0x2b: {  	s6 =	sld [smem:$0x3FAA]  }
0x2c: {  	s7 =	sld [smem:$0x3FAB]  }
0x2d: {  	s3 =	simm.s32 $0x108;
	s8 =	sld [smem:$0x3FAC]  }
0x2e: {  	s3 =	simm.s32 @!p0 $0x1082;
	s9 =	sld [smem:$0x3FAD]  }
0x2f: {  	lr =	sadd.s32 s0, s3;
	s0 =	sld [smem:$0x3FA4]  }
0x30: {  	s3 =	sld [smem:$0x3FA7]  }
0x31: {  	[smem:$0x3FB0] =	sst s10  }
0x32: {  	s10 =	sld [smem:$0x3FAE];
	_ =	sdelay $0x3  }
0x33: {  	p0 =	seq.s32 s10, $0x1;
	s10 =	sld [smem:$0x3FB0];
	_ =	sdelay $0x3  }
0x34: {  	[smem:$0x3FB0] =	sst s10  }
0x35: {  	s10 =	sld [smem:$0x3FAF];
	_ =	sdelay $0x3  }
0x36: {  	p1 =	seq.s32 s10, $0x1;
	s10 =	sld [smem:$0x3FB0];
	_ =	sdelay $0x3  }
0x37: {  	[smem:$0x3FB0] =	sst s10  }
0x38: {  	s10 =	sld [smem:$0x3FB1]  }
0x39: {  	_ = 	snop;
	(pc) =	sbr.ind lr, $3  }
0x3a: {  	_ = 	snop  }
0x3b: {  	_ = 	snop  }
0x3c: {  	p2 =	seq.s32 s10, $0x1;
	s10 =	sld [smem:$0x3FB0]  }
0x3d: {  	_ =	shalt  }
0x3e: {  	_ =	shalt  }
0x3f: {  	_ =	shalt  }
0x40: {  	_ =	shalt  }
0x41: {  	_ =	shalt  }
0x42: {  	_ =	shalt  }
0x43: {  	_ =	shalt  }
0x44: {  	_ =	shalt  }
0x45: {  	_ =	shalt  }
0x46: {  	_ =	shalt  }
0x47: {  	_ =	shalt  }
0x48: {  	_ =	shalt  }
0x49: {  	_ =	shalt  }
0x4a: {  	_ =	shalt  }
0x4b: {  	_ =	shalt  }
0x4c: {  	_ =	shalt  }
0x4d: {  	_ =	shalt  }
0x4e: {  	_ =	shalt  }
0x4f: {  	_ =	shalt  }
0x50: {  	_ =	shalt  }
0x51: {  	_ =	shalt  }
0x52: {  	_ =	shalt  }
0x53: {  	_ =	shalt  }
0x54: {  	_ =	shalt  }
0x55: {  	_ =	shalt  }
0x56: {  	_ =	shalt  }
0x57: {  	_ =	shalt  }
0x58: {  	_ =	shalt  }
0x59: {  	_ =	shalt  }
0x5a: {  	_ =	shalt  }
0x5b: {  	_ =	shalt  }
0x5c: {  	_ =	shalt  }
0x5d: {  	_ =	shalt  }
0x5e: {  	_ =	shalt  }
0x5f: {  	_ =	shalt  }
0x60: {  	_ =	shalt  }
0x61: {  	_ =	shalt  }
0x62: {  	_ =	shalt  }
0x63: {  	_ =	shalt  }
0x64: {  	_ =	shalt  }
0x65: {  	_ =	shalt  }
0x66: {  	_ =	shalt  }
0x67: {  	_ =	shalt  }
0x68: {  	_ =	shalt  }
0x69: {  	_ =	shalt  }
0x6a: {  	_ =	shalt  }
0x6b: {  	_ =	shalt  }
0x6c: {  	_ =	shalt  }
0x6d: {  	_ =	shalt  }
0x6e: {  	_ =	shalt  }
0x6f: {  	_ =	shalt  }
0x70: {  	_ =	shalt  }
0x71: {  	_ =	shalt  }
0x72: {  	_ =	shalt  }
0x73: {  	_ =	shalt  }
0x74: {  	_ =	shalt  }
0x75: {  	_ =	shalt  }
0x76: {  	_ =	shalt  }
0x77: {  	_ =	shalt  }
0x78: {  	_ =	shalt  }
0x79: {  	_ =	shalt  }
0x7a: {  	_ =	shalt  }
0x7b: {  	_ =	shalt  }
0x7c: {  	_ =	shalt  }
0x7d: {  	_ =	shalt  }
0x7e: {  	_ =	shalt  }
0x7f: {  	_ =	shalt  }
0x80: {  	_ =	shalt  }
0x81: {  	_ =	shalt  }
0x82: {  	_ =	shalt  }
0x83: {  	_ =	shalt  }
0x84: {  	_ =	shalt  }
0x85: {  	_ =	shalt  }
0x86: {  	_ =	shalt  }
0x87: {  	_ =	shalt  }
.Lfunc_end0:
.L_simem_size_0:
called_computation.2_lowered:
.L_overlay_start_0:
0x88: {  	s2 =	sld [smem:$0x3FD9]  }
0x89: {  	s3 =	sld [smem:$0x3FFE];
	_ =	sdelay $0x1  }
0x8a: {  	s1 =	srdreg.scid  }
0x8b: {  	s0 =	sand.u32 $0x1, s1  }
0x8c: {  	s16 =	sshll.u32 s0, $0xA;
	s2 =	sadd.s32 s3, s2  }
0x8d: {  	s2 =	sadd.s32 s2, s16  }
0x8e: {  	[smem:$0x3FBC] =	sst s2  }
0x8f: {  	_ = 	snop  }
0x90: {  	(tm) =	ssettm $0x1  }
0x91: {  	s17 =	sld [smem:$0x3FFB];
	_ =	sdelay $0x3  }
0x92: {  	_ =	strace s17  }
0x93: {  	s2 =	sld [smem:$0x3FFC];
	_ =	sdelay $0x3  }
0x94: {  	_ =	strace s2  }
0x95: {  	s2 =	sld [smem:$0x3FFD];
	_ =	sdelay $0x3  }
0x96: {  	_ =	strace s2  }
0x97: {  	_ =	strace $0x8FFFFFFF  }
0x98: {  	s18 =	sld [smem:$0x3FDB];
	_ =	sdelay $0x1  }
0x99: {  	s19 =	simm.s32 $_scs_section_size  }
0x9a: {  	s4 =	simm.s32 $_size__tile_overlayer_lowered;
	s5 =	simm.s32 $_tile_overlayer_lowered  }
0x9b: {  	s22 =	simm.s32 $0x1BFF;
	s21 =	sshll.u32 s5, $0x1;
	s2 =	sadd.s32 s19, s18  }
0x9c: {  	s6 =	simm.s32 $0x0;
	s20 =	sshll.u32 s4, $0x1;
	s4 =	sadd.s32 s21, s2  }
0x9d: {  	[timem:s6], [sflag:s22] =	dma.local [hbm:s4], s20  }
0x9e: {  	_ =	swait.ge [sflag:s22], s20  }
0x9f: {  	s3 =	ssub.s32 $0x0, s20;
	[sflag:s22] =	ssyncset.done $0x0  }
0xa0: {  	[sflag:s22] =	ssyncadd.s32 s3;
	_ =	sdelay $0x1  }
0xa1: {  	s23 =	simm.s32 $0x1B8B  }
0xa2: {  	_ =	swait.ge [sflag:s23], $0x1  }
0xa3: {  	[sflag:s23] =	ssyncset.done $0x0  }
0xa4: {  	s25 =	simm.s32 $0x1B8E;
	s24 =	sld [smem:$0x3FFE];
	[sflag:s23] =	ssyncadd.s32 $0xFFFFFFFF  }
0xa5: {  	s26 =	simm.s32 $execute0_lowered;
	[smem:$0x3FD2] =	sst s25  }
0xa6: {  	s4 =	sshll.u32 s26, $0x1;
	_ =	strace $0x8000004C;
	[dreg:$0x1] =	wrdreg $0xFFFFFFFF  }
0xa7: {  	s28 =	simm.s32 $_size_execute0_lowered;
	s2 =	sadd.s32 s2, s4;
	[dreg:$0x0] =	wrdreg $0x0  }
0xa8: {  	s4 =	sshll.u32 s28, $0x1;
	[dreg:$0x2] =	wrdreg s2  }
0xa9: {  	[dreg:$0x3] =	wrdreg s4  }
0xaa: {  	[dreg:$0x4] =	wrdreg $0xC0  }
0xab: {  	_ =	task [dreg:s6], $0x5FFFF  }
0xac: {  	[dreg:$0x1] =	wrdreg $0xFFFFFFFF  }
0xad: {  	[dreg:$0x0] =	wrdreg $0x60  }
0xae: {  	[dreg:$0x2] =	wrdreg s24  }
0xaf: {  	[dreg:$0x3] =	wrdreg $0x134000  }
0xb0: {  	[dreg:$0x4] =	wrdreg $0x9  }
0xb1: {  	_ =	task.clear_ibuf [dreg:s6], $0x5FFFF;
	_ =	strace $0x9000004C  }
0xb2: {  	s29 =	simm.s32 $0x9;
	_ =	strace $0x8000004E  }
0xb3: {  	_ =	swait.ge [sflag:s29], $0x1  }
0xb4: {  	[sflag:s29] =	ssyncadd.s32 $0xFFFFFFFF  }
0xb5: {  	_ =	strace $0x9000004E  }
0xb6: {  	_ =	sfence  }
0xb7: {  	s30 =	sld [smem:$0x0];
	_ =	sdelay $0x2  }
0xb8: {  	s31 =	sshll.u32 s1, $0xD;
	s1 =	sshrl.u32 s1, $0x2  }
0xb9: {  	s3 =	sand.u32 $0x4000, s31;
	s1 =	sadd.s32 s1, s30  }
0xba: {  	s0 =	sor.u32 s3, s0;
	s1 =	sshll.u32 s1, $0x11  }
0xbb: {  	s0 =	sor.u32 s1, s0  }
0xbc: {  	s0 =	sadd.s32 $0x8F2B, s0  }
0xbd: {  	[sflag:s0] =	ssyncadd.remote.s32 $0x1  }
0xbe: {  	_ =	sfence.sel $0xFFFF  }
0xbf: {  	[dreg:$0x0] =	wrdreg $0xFFFFFFFF;
	(pc) =	sbr.abs _section_cstart, $3  }
0xc0: {  	[dreg:$0x1] =	wrdreg $0xFFFFFFFF  }
0xc1: {  	_ =	task.clear_ibuf [dreg:s6], $0x2FFFF;
	_ =	strace $0x9FFFFFFF  }
0xc2: {  	(tm) =	ssettm $0x7FFFFFFF  }
0xc3: {  	_ =	shalt  }
tec
execute0_lowered:
.L_overlay_start_1:
0x0: {  	(tag) =	ssettag $0x1  }
0x1: {  	s5 =	rddreg [dreg:$0x0]  }
0x2: {  	s2 =	rddreg [dreg:$0x1]  }
0x3: {  	s0 =	rddreg [dreg:$0x2]  }
0x4: {  	s4 =	srdreg.scid;
	s3 =	simm.s32 $0x0;
	s1 =	stileid.u32  }
0x5: {  	s12 =	simm.s32 $0x2;
	s13 =	simm.s32 $0x6400;
	s14 =	simm.s32 $0x80  }
0x6: {  	s15 =	simm.s32 $0x1;
	s16 =	simm.s32 $0x0;
	s7 =	smul.u32 $0xC800, s1  }
0x7: {  	s6 =	sand.u32 $0x1, s4;
	[smem:$0x7FF] =	sst s3;
	s30 =	smul.u32 $0x32000, s1  }
0x8: {  	s4 =	sshll.u32 s6, $0x4;
	_ =	strace $0x8000004D;
	s9 =	smul.u32 $0xC8000, s6  }
0x9: {  	s6 =	ssub.s32 $0x2, s6;
	s8 =	sor.u32 s1, s4;
	s4 =	sadd.s32 $0x118600, s5  }
0xa: {  	s10 =	sshrl.u32 s6, $0x1;
	s8 =	smul.u32 $0xC80, s8;
	s7 =	sadd.s32 s7, s9  }
0xb: {  	s31 =	sshrl.u32 s30, $0x2;
	s10 =	ssub.s32 s6, s10;
	s7 =	sshrl.u32 s7, $0x3  }
0xc: {  	s9 =	smax.u32 s10, $0x1;
	s8 =	sadd.s32 s8, s5;
	s11 =	sadd.s32 s7, s5  }
0xd: {  	s5 =	sadd.s32 s31, s2;
	s6 =	sadd.s32 $0xFF600, s8;
	s7 =	sadd.s32 $0x2400, s8  }
0xe: {  	v0 =	vimm.f32 $0.0e+00;
	s8 =	sadd.s32 $0x1B400, s8;
	s10 =	sadd.s32 $0x131600, s11;
	s11 =	simm.s32 $0x12C00  }
.LBB2_1:
0xf: {  	s17 =	simm.s32 $0x0  }
.LBB2_2:
0x10: {  	p0 =	sne.s32 s17, $0x1FC0  }
.Ltmp0:
0x11: {  	_ = 	snop;
	(pc) =	sbr.rel @p0 .LBB2_2-.Ltmp0, $3  }
0x12: {  	_ =	sdelay $0x1  }
0x13: {  	s18 =	sshra.s32 s17, $0x2  }
0x14: {  	s17 =	sadd.s32 $0x40, s17;
	[tilespmem:s18+$0x12C00] =	vst v0  }
0x15: {  	s17 =	sadd.s32 $0x0, s5  }
0x16: {  	[spmem:s17] =	stream.linear.scatter [tilespmem:s11], [sflag:$0x2], $0x800, $0x38;
	[tilespmem:$0x1FC00] =	vst v63  }
0x17: {  	s17 =	simm.s32 $0x2000;
	_ =	swait.ge [sflag:s12], $0x800  }
.LBB2_4:
0x18: {  	s18 =	sshra.s32 s17, $0x2;
	[sflag:s12] =	ssyncset.done $0x0;
	p0 =	sne.s32 s17, $0x30000  }
.Ltmp1:
0x19: {  	s18 =	sadd.s32 s18, s5;
	[sflag:s12] =	ssyncadd.s32 $0xFFFFF800;
	(pc) =	sbr.rel @p0 .LBB2_4-.Ltmp1, $3  }
0x1a: {  	[spmem:s18] =	stream.linear.scatter [tilespmem:s11], [sflag:$0x2], $0x800, $0x38;
	[tilespmem:$0x1FC00] =	vst v63  }
0x1b: {  	s17 =	sadd.s32 $0x2000, s17;
	_ =	sdelay $0x1  }
0x1c: {  	_ =	swait.ge [sflag:s12], $0x800  }
0x1d: {  	[sflag:s12] =	ssyncset.done $0x0  }
0x1e: {  	s17 =	simm.s32 $0x0;
	[sflag:s12] =	ssyncadd.s32 $0xFFFFF800  }
0x1f: {  	[tilespmem:s17], [sflag:$0x2] =	stream.linear.gather [hbm4b:s6+s17], $0x6400, $0x38;
	[tilespmem:$0x1FC00] =	vst v63  }
0x20: {  	_ =	swait.ge [sflag:s12], $0x6400  }
0x21: {  	[sflag:s12] =	ssyncset.done $0x0  }
0x22: {  	[sflag:s12] =	ssyncadd.s32 $0xFFFF9C00  }
0x23: {  	[tilespmem:s13], [sflag:$0x2] =	stream.linear.gather [hbm4b:s7+s17], $0x6400, $0x38;
	[tilespmem:$0x1FC00] =	vst v63  }
0x24: {  	_ =	swait.ge [sflag:s12], $0x6400  }
0x25: {  	[sflag:s12] =	ssyncset.done $0x0  }
0x26: {  	s18 =	simm.s32 $0xC800;
	[sflag:s12] =	ssyncadd.s32 $0xFFFF9C00  }
0x27: {  	[tilespmem:s18], [sflag:$0x2] =	stream.linear.gather [hbm4b:s8+s17], $0x6400, $0x38;
	[tilespmem:$0x1FC00] =	vst v63  }
0x28: {  	_ =	swait.ge [sflag:s12], $0x6400  }
0x29: {  	[sflag:s12] =	ssyncset.done $0x0  }
0x2a: {  	[sflag:s12] =	ssyncadd.s32 $0xFFFF9C00  }
0x2b: {  	[bflag:$0x0] =	sbarrier.arrive $0xFFFF  }
.LBB2_6:
0x2c: {  	s19 =	sshll.u32 s17, $0x7;
	v1 =	vmov s18  }
0x2d: {  	[tilespmem:s11], [sflag:$0x1] =	stream.indirect.gather [hbm4b:s4+s14], $0x10, s19, s14, $0xb8;
	[tilespmem:$0x1FC00] =	vst v63  }
0x2e: {  	_ =	swait.ge [sflag:s15], $0x800  }
0x2f: {  	[sflag:s15] =	ssyncset.done $0x0  }
0x30: {  	s20 =	simm.s32 $0x0;
	[sflag:s15] =	ssyncadd.s32 $0xFFFFF800  }
0x31: {  	v2 =	vld.idx.msk [tilespmem:v1+s20+$0x0 ss:$0x1], $0xffff  }
0x32: {  	s20 =	simm.s32 $0x12C80  }
0x33: {  	v3 =	vld [tilespmem:s20+$0xFFFFFF80]  }
0x34: {  	v4 =	vld [tilespmem:s20+$0xFFFFFF90]  }
0x35: {  	v5 =	vld [tilespmem:s20+$0xFFFFFFA0]  }
0x36: {  	v6 =	vld [tilespmem:s20+$0xFFFFFFB0];
	v7 =	vbroadcast v2, $0x0  }
0x37: {  	v10 =	vld [tilespmem:s20+$0xFFFFFFD0];
	v8 =	vbroadcast v2, $0x1  }
0x38: {  	v46 =	vld [tilespmem:s20+$0xFFFFFFE0];
	v11 =	vbroadcast v2, $0x2;
	v3 =	vmul.f32 v7, v3  }
0x39: {  	v9 =	vld [tilespmem:s20+$0xFFFFFFC0];
	v45 =	vbroadcast v2, $0x3;
	v4 =	vmul.f32 v4, v8  }
0x3a: {  	v49 =	vld [tilespmem:s20+$0x10];
	v47 =	vbroadcast v2, $0x5;
	v5 =	vmul.f32 v5, v11;
	[tilespmem:s20+$0xFFFFFF80] =	vst v3  }
0x3b: {  	v59 =	vld [tilespmem:s20+$0x60];
	v13 =	vbroadcast v2, $0x6;
	v6 =	vmul.f32 v6, v45;
	[tilespmem:s20+$0xFFFFFF90] =	vst v4  }
0x3c: {  	v12 =	vld [tilespmem:s20+$0xFFFFFFF0];
	v7 =	vmul.f32 v10, v47;
	v3 =	vbroadcast v2, $0x4;
	[tilespmem:s20+$0xFFFFFFA0] =	vst v5  }
0x3d: {  	v48 =	vld [tilespmem:s20+$0x0];
	v53 =	vbroadcast v2, $0x9;
	v8 =	vmul.f32 v46, v13;
	[tilespmem:s20+$0xFFFFFFB0] =	vst v6  }
0x3e: {  	v52 =	vld [tilespmem:s20+$0x30];
	v62 =	vbroadcast v2, $0xE;
	[tilespmem:s20+$0xFFFFFFD0] =	vst v7;
	v3 =	vmul.f32 v9, v3  }
0x3f: {  	v55 =	vld [tilespmem:s20+$0x50];
	v50 =	vbroadcast v2, $0x7;
	v58 =	vmul.f32 v49, v53;
	[tilespmem:s20+$0xFFFFFFE0] =	vst v8  }
0x40: {  	v51 =	vld [tilespmem:s20+$0x20];
	v63 =	vmul.f32 v59, v62;
	[tilespmem:s20+$0xFFFFFFC0] =	vst v3;
	v3 =	vbroadcast v2, $0x8  }
0x41: {  	v54 =	vld [tilespmem:s20+$0x40];
	v57 =	vbroadcast v2, $0xB;
	v5 =	vmul.f32 v12, v50;
	[tilespmem:s20+$0x10] =	vst v58  }
0x42: {  	v60 =	vld [tilespmem:s20+$0x70];
	v61 =	vbroadcast v2, $0xD;
	[tilespmem:s20+$0x60] =	vst v63;
	v3 =	vmul.f32 v48, v3  }
0x43: {  	v56 =	vbroadcast v2, $0xA;
	v4 =	vmul.f32 v52, v57;
	[tilespmem:s20+$0xFFFFFFF0] =	vst v5  }
0x44: {  	v6 =	vmul.f32 v55, v61;
	[tilespmem:s20+$0x0] =	vst v3;
	v3 =	vbroadcast v2, $0xC  }
0x45: {  	v9 =	vmul.f32 v51, v56;
	[tilespmem:s20+$0x30] =	vst v4;
	v2 =	vbroadcast v2, $0xF  }
0x46: {  	[tilespmem:s20+$0x50] =	vst v6;
	v3 =	vmul.f32 v54, v3  }
0x47: {  	[tilespmem:s20+$0x20] =	vst v9;
	v2 =	vmul.f32 v60, v2  }
0x48: {  	[tilespmem:s20+$0x40] =	vst v3  }
0x49: {  	s22 =	simm.s32 $0x10;
	s21 =	simm.s32 $0x80;
	[tilespmem:s20+$0x70] =	vst v2  }
.LBB2_7:
0x4a: {  	p0 =	sne.s32 s21, $0x1C0;
	v2 =	vld.idx.msk [tilespmem:v1+s22+$0x0 ss:$0x1], $0xffff;
	s20 =	sadd.s32 $0x100, s20  }
0x4b: {  	v3 =	vld [tilespmem:s20+$0xFFFFFFB0]  }
0x4c: {  	v4 =	vld [tilespmem:s20+$0xFFFFFF90]  }
0x4d: {  	v5 =	vld [tilespmem:s20+$0xFFFFFF80]  }
0x4e: {  	v6 =	vld [tilespmem:s20+$0xFFFFFFA0]  }
0x4f: {  	v7 =	vld [tilespmem:s20+$0xFFFFFFF0]  }
0x50: {  	v8 =	vbroadcast v2, $0x0;
	v9 =	vbroadcast v2, $0x1;
	v10 =	vld [tilespmem:s20+$0xFFFFFFD0]  }
0x51: {  	v11 =	vbroadcast v2, $0x2;
	v12 =	vbroadcast v2, $0x3;
	v13 =	vld [tilespmem:s20+$0xFFFFFFC0]  }
0x52: {  	v4 =	vmul.f32 v4, v9;
	v5 =	vmul.f32 v8, v5;
	v8 =	vld [tilespmem:s20+$0xFFFFFFE0]  }
0x53: {  	v3 =	vmul.f32 v3, v12;
	v6 =	vmul.f32 v6, v11;
	v9 =	vld [tilespmem:s20+$0x30]  }
0x54: {  	v11 =	vbroadcast v2, $0x5;
	[tilespmem:s20+$0xFFFFFF80] =	vst v5;
	v5 =	vbroadcast v2, $0x4;
	v12 =	vld [tilespmem:s20+$0x10]  }
0x55: {  	v14 =	vbroadcast v2, $0x7;
	[tilespmem:s20+$0xFFFFFF90] =	vst v4;
	v4 =	vbroadcast v2, $0x6;
	v15 =	vld [tilespmem:s20+$0x0]  }
0x56: {  	[tilespmem:s20+$0xFFFFFFA0] =	vst v6;
	v5 =	vmul.f32 v13, v5;
	v6 =	vmul.f32 v10, v11;
	v10 =	vld [tilespmem:s20+$0x20]  }
0x57: {  	[tilespmem:s20+$0xFFFFFFB0] =	vst v3;
	v3 =	vmul.f32 v8, v4;
	v4 =	vmul.f32 v7, v14;
	v7 =	vld [tilespmem:s20+$0x70]  }
0x58: {  	v8 =	vbroadcast v2, $0x9;
	[tilespmem:s20+$0xFFFFFFC0] =	vst v5;
	v5 =	vbroadcast v2, $0x8;
	v11 =	vld [tilespmem:s20+$0x50]  }
0x59: {  	v13 =	vbroadcast v2, $0xB;
	[tilespmem:s20+$0xFFFFFFD0] =	vst v6;
	v6 =	vbroadcast v2, $0xA;
	v14 =	vld [tilespmem:s20+$0x40]  }
0x5a: {  	[tilespmem:s20+$0xFFFFFFE0] =	vst v3;
	v3 =	vmul.f32 v15, v5;
	v5 =	vmul.f32 v12, v8;
	v8 =	vld [tilespmem:s20+$0x60]  }
0x5b: {  	[tilespmem:s20+$0xFFFFFFF0] =	vst v4;
	v4 =	vmul.f32 v10, v6;
	v6 =	vmul.f32 v9, v13  }
0x5c: {  	v9 =	vbroadcast v2, $0xD;
	[tilespmem:s20+$0x0] =	vst v3;
	v3 =	vbroadcast v2, $0xC  }
0x5d: {  	[tilespmem:s20+$0x10] =	vst v5;
	v5 =	vbroadcast v2, $0xE;
	v2 =	vbroadcast v2, $0xF  }
0x5e: {  	[tilespmem:s20+$0x20] =	vst v4;
	v3 =	vmul.f32 v14, v3;
	v4 =	vmul.f32 v11, v9  }
.Ltmp2:
0x5f: {  	[tilespmem:s20+$0x30] =	vst v6;
	v5 =	vmul.f32 v8, v5;
	v2 =	vmul.f32 v7, v2;
	(pc) =	sbr.rel @p0 .LBB2_7-.Ltmp2, $4  }
0x60: {  	[tilespmem:s20+$0x40] =	vst v3  }
0x61: {  	[tilespmem:s20+$0x50] =	vst v4  }
0x62: {  	[tilespmem:s20+$0x60] =	vst v5  }
0x63: {  	s22 =	sshra.s32 s21, $0x2;
	s21 =	sadd.s32 $0x40, s21;
	[tilespmem:s20+$0x70] =	vst v2  }
0x64: {  	_ =	sdelay $0x3  }
0x65: {  	v1 =	vld.idx.msk [tilespmem:v1+s22+$0x0 ss:$0x1], $0xffff  }
0x66: {  	s20 =	sadd.s32 $0x100, s20  }
0x67: {  	v2 =	vld [tilespmem:s20+$0xFFFFFF80]  }
0x68: {  	v3 =	vld [tilespmem:s20+$0xFFFFFF90]  }
0x69: {  	v4 =	vld [tilespmem:s20+$0xFFFFFFA0]  }
0x6a: {  	v5 =	vld [tilespmem:s20+$0xFFFFFFB0];
	v6 =	vbroadcast v1, $0x0  }
0x6b: {  	v9 =	vld [tilespmem:s20+$0xFFFFFFD0];
	v7 =	vbroadcast v1, $0x1  }
0x6c: {  	v8 =	vld [tilespmem:s20+$0xFFFFFFC0];
	v10 =	vbroadcast v1, $0x2;
	v2 =	vmul.f32 v6, v2  }
0x6d: {  	v49 =	vld [tilespmem:s20+$0xFFFFFFE0];
	v48 =	vbroadcast v1, $0x3;
	v3 =	vmul.f32 v3, v7  }
0x6e: {  	v51 =	vld [tilespmem:s20+$0x10];
	v50 =	vbroadcast v1, $0x5;
	v4 =	vmul.f32 v4, v10;
	[tilespmem:s20+$0xFFFFFF80] =	vst v2  }
0x6f: {  	v11 =	vld [tilespmem:s20+$0xFFFFFFF0];
	v5 =	vmul.f32 v5, v48;
	v2 =	vbroadcast v1, $0x4;
	[tilespmem:s20+$0xFFFFFF90] =	vst v3  }
0x70: {  	v12 =	vbroadcast v1, $0x6;
	v6 =	vmul.f32 v9, v50;
	v3 =	vld [tilespmem:s20+$0x0];
	[tilespmem:s20+$0xFFFFFFA0] =	vst v4  }
0x71: {  	v57 =	vld [tilespmem:s20+$0x50];
	v55 =	vbroadcast v1, $0x9;
	[tilespmem:s20+$0xFFFFFFB0] =	vst v5;
	v2 =	vmul.f32 v8, v2  }
0x72: {  	v53 =	vld [tilespmem:s20+$0x20];
	v52 =	vbroadcast v1, $0x7;
	v7 =	vmul.f32 v49, v12;
	[tilespmem:s20+$0xFFFFFFD0] =	vst v6  }
0x73: {  	v54 =	vld [tilespmem:s20+$0x30];
	v59 =	vmul.f32 v51, v55;
	[tilespmem:s20+$0xFFFFFFC0] =	vst v2;
	v2 =	vbroadcast v1, $0x8  }
0x74: {  	v56 =	vld [tilespmem:s20+$0x40];
	v62 =	vbroadcast v1, $0xD;
	v4 =	vmul.f32 v11, v52;
	[tilespmem:s20+$0xFFFFFFE0] =	vst v7  }
0x75: {  	v60 =	vld [tilespmem:s20+$0x60];
	v58 =	vbroadcast v1, $0xA;
	[tilespmem:s20+$0x10] =	vst v59;
	v2 =	vmul.f32 v3, v2  }
0x76: {  	v61 =	vld [tilespmem:s20+$0x70];
	v5 =	vmul.f32 v57, v62;
	[tilespmem:s20+$0xFFFFFFF0] =	vst v4;
	v3 =	vbroadcast v1, $0xB  }
0x77: {  	v8 =	vmul.f32 v53, v58;
	[tilespmem:s20+$0x0] =	vst v2;
	v2 =	vbroadcast v1, $0xC  }
0x78: {  	v63 =	vbroadcast v1, $0xE;
	[tilespmem:s20+$0x50] =	vst v5;
	v3 =	vmul.f32 v54, v3  }
0x79: {  	[tilespmem:s20+$0x20] =	vst v8;
	v1 =	vbroadcast v1, $0xF;
	v2 =	vmul.f32 v56, v2  }
0x7a: {  	[tilespmem:s20+$0x30] =	vst v3;
	v3 =	vmul.f32 v60, v63  }
0x7b: {  	s17 =	sadd.s32 $0x1, s17;
	v1 =	vmul.f32 v61, v1;
	[tilespmem:s20+$0x40] =	vst v2  }
0x7c: {  	p0 =	sne.s32 s17, $0xC8;
	[tilespmem:s20+$0x60] =	vst v3  }
.Ltmp3:
0x7d: {  	s19 =	sadd.s32 $0x6400, s19;
	[tilespmem:s20+$0x70] =	vst v1;
	(pc) =	sbr.rel @p0 .LBB2_6-.Ltmp3, $4  }
0x7e: {  	[spmem:s2] =	stream.indirect.scatter.add.f32 [tilespmem:s11], [sflag:$0x2], $0x10, s19, s14, $0xb8;
	[tilespmem:$0x1FC00] =	vst v63  }
0x7f: {  	_ =	swait.ge [sflag:s12], $0x800  }
0x80: {  	[sflag:s12] =	ssyncset.done $0x0  }
0x81: {  	s18 =	sadd.s32 $0x80, s18;
	[sflag:s12] =	ssyncadd.s32 $0xFFFFF800  }
0x82: {  	[bflag:$0x0] =	sbarrier.arrive $0xFFFF  }
0x83: {  	[tilespmem:s11], [sflag:$0x2] =	stream.linear.gather [spmem:s5], $0x800, $0x38;
	[tilespmem:$0x1FC00] =	vst v63  }
0x84: {  	_ =	swait.ge [sflag:s12], $0x800  }
0x85: {  	[sflag:s12] =	ssyncset.done $0x0  }
0x86: {  	s17 =	sadd.s32 $0x0, s10;
	[sflag:s12] =	ssyncadd.s32 $0xFFFFF800  }
0x87: {  	[hbm4b:s17+s3] =	stream.linear.scatter [tilespmem:s11], [sflag:$0x2], $0x800, $0x38;
	[tilespmem:$0x1FC00] =	vst v63  }
0x88: {  	_ =	swait.ge [sflag:s12], $0x800  }
0x89: {  	s18 =	smov.u32 s5;
	s17 =	simm.s32 $0x100;
	[sflag:s12] =	ssyncset.done $0x0  }
.LBB2_10:
0x8a: {  	p0 =	sne.s32 s17, $0x1800;
	[sflag:s12] =	ssyncadd.s32 $0xFFFFF800;
	s18 =	sadd.s32 $0x800, s18  }
0x8b: {  	[tilespmem:s11], [sflag:$0x2] =	stream.linear.gather [spmem:s18], $0x800, $0x38;
	[tilespmem:$0x1FC00] =	vst v63  }
0x8c: {  	s19 =	smov.u32 s17;
	s17 =	sadd.s32 $0x100, s17;
	_ =	swait.ge [sflag:s12], $0x800  }
.Ltmp4:
0x8d: {  	[sflag:s12] =	ssyncset.done $0x0;
	(pc) =	sbr.rel @p0 .LBB2_10-.Ltmp4, $4  }
0x8e: {  	s19 =	sadd.s32 s19, s10;
	[sflag:s12] =	ssyncadd.s32 $0xFFFFF800  }
0x8f: {  	[hbm4b:s19+s3] =	stream.linear.scatter [tilespmem:s11], [sflag:$0x2], $0x800, $0x38;
	[tilespmem:$0x1FC00] =	vst v63  }
0x90: {  	_ =	swait.ge [sflag:s12], $0x800  }
0x91: {  	[sflag:s12] =	ssyncset.done $0x0  }
0x92: {  	s16 =	sadd.s32 $0x1, s16  }
0x93: {  	p0 =	sne.s32 s16, s9  }
.Ltmp5:
0x94: {  	_ = 	snop;
	(pc) =	sbr.rel @p0 .LBB2_1-.Ltmp5, $2  }
0x95: {  	_ =	sdelay $0x2  }
0x96: {  	[sflag:s12] =	ssyncadd.s32 $0xFFFFF800  }
0x97: {  	_ =	sfence.sel $0x180000  }
0x98: {  	[bflag:$0x0] =	sbarrier.arrive $0xFFFF  }
0x99: {  	p0 =	sne.s32 s1, $0x0;
	_ =	strace $0x9000004D  }
0x9a: {  	s0 =	sadd.s32 @!p0 $0x100000, s0;
	[bflag:$0x2] =	sbarrier.arrive $0xFFFF  }
0x9b: {  	[sflag:s0] =	ssyncadd.tile.s32 @!p0 $0x1;
	_ =	shalt  }
.Lfunc_end2:
_tile_overlayer_lowered:
.L_overlay_start_2:
0x9c: {  	(tag) =	ssettag $0x2  }
0x9d: {  	s0 =	rddreg [dreg:$0x0];
	s2 =	stileid.u32  }
0x9e: {  	s1 =	rddreg [dreg:$0x1];
	p0 =	sne.s32 s2, $0x0  }
0x9f: {  	s3 =	rddreg [dreg:$0x2];
	[bflag:$0x3] =	sbarrier.arrive $0xFFFF;
	s2 =	simm.s32 @!p0 $0x1C02  }
0xa0: {  	[timem:s3], [sflag:s2] =	dma.local @!p0 [hbm:s0], s1  }
0xa1: {  	s0 =	simm.s32 @!p0 $0x2  }
0xa2: {  	_ =	swait.ge @!p0 [sflag:s0], s1  }
0xa3: {  	s1 =	ssub.s32 @!p0 $0x0, s1;
	[sflag:s0] =	ssyncset.done @!p0 $0x0  }
0xa4: {  	[sflag:s0] =	ssyncadd.s32 @!p0 s1  }
0xa5: {  	[bflag:$0x3] =	sbarrier.arrive $0xFFFF  }
0xa6: {  	_ =	shalt  }

// kernel: kernel.20.cloned.1.call-start
scs
__scs_entry_jumppad:
0x0: {  	(pc) =	sbr.rel $0x88, $3  }
0x1: {  	(tag) =	ssettag $0x0;
	lr =	simm.s32 $0x1  }
0x2: {  	[smem:$0x3F95] =	sst lr;
	_ =	strace $0xD0000000  }
0x3: {  	_ = 	snop  }
0x4: {  	_ = 	snop  }
0x5: {  	_ = 	snop  }
0x6: {  	_ = 	snop  }
0x7: {  	_ = 	snop  }
__scs_overlays_trampoline_lowered:
0x8: {  	[smem:$0x3FA4] =	sst s0  }
0x9: {  	[smem:$0x3FA5] =	sst s1  }
0xa: {  	[smem:$0x3FA6] =	sst s2  }
0xb: {  	[smem:$0x3FA7] =	sst s3  }
0xc: {  	[smem:$0x3FA8] =	sst s4  }
0xd: {  	[smem:$0x3FA9] =	sst s5  }
0xe: {  	[smem:$0x3FAA] =	sst s6  }
0xf: {  	[smem:$0x3FAB] =	sst s7  }
0x10: {  	[smem:$0x3FAC] =	sst s8  }
0x11: {  	[smem:$0x3FAD] =	sst s9;
	s0 =	simm.s32 @!p0 $0x0  }
0x12: {  	s1 =	sld [smem:$0x3F93];
	s0 =	simm.s32 @p0 $0x1  }
0x13: {  	[smem:$0x3FAE] =	sst s0;
	s0 =	simm.s32 @!p1 $0x0  }
0x14: {  	s2 =	sld [smem:$0x3F92];
	s0 =	simm.s32 @p1 $0x1  }
0x15: {  	[smem:$0x3FAF] =	sst s0;
	s0 =	simm.s32 @!p2 $0x0  }
0x16: {  	s3 =	sld [smem:$0x3FDB];
	s0 =	simm.s32 @p2 $0x1  }
0x17: {  	s4 =	simm.s32 $0x1BF5;
	[smem:$0x3FB1] =	sst s0  }
0x18: {  	s0 =	sld [smem:$0x3F94];
	_ =	swait.ge [sflag:s4], $0x0  }
0x19: {  	s7 =	sld [smem:$0x3F95]  }
0x1a: {  	s8 =	sadd.s32 $0xFFFFE003, lr  }
0x1b: {  	s9 =	sadd.s32 $0xFFFFFEF7, lr;
	s5 =	simm.s32 $0xFFFFFFFF;
	p2 =	slt.u32 s8, $0xFFFFF086  }
0x1c: {  	p1 =	slt.u32 s9, $0xF7A;
	s5 =	simm.s32 @!p2 $0x0  }
0x1d: {  	s5 =	simm.s32 @p1 $0x1;
	p0 =	seq.s32 s7, s2  }
0x1e: {  	s7 =	smul.u32 @!p0 $0xF7A, s2;
	p2 =	seq.s32 @!p0 s5, $0x0  }
0x1f: {  	s9 =	smul.u32 $0xF7A, s1;
	s8 =	simm.s32 @!p0 $0x1BF5;
	p2 =	por !p2, p0  }
0x20: {  	[sflag:s8] =	ssyncset.s32 @!p0 $0xFFFFF086;
	s6 =	sadd.s32 @!p0 s3, s7;
	s7 =	simm.s32 @!p0 $0x108  }
0x21: {  	s3 =	sadd.s32 s3, s9;
	s6 =	sadd.s32 @!p0 $0x88, s6;
	s7 =	simm.s32 @p2 $0x1082  }
0x22: {  	[simem:s7], [sflag:s8] =	dma.local @!p0 [hbm:s6], $0xF7A  }
0x23: {  	s9 =	sor.u32 $0xD0000000, s2;
	s6 =	simm.s32 $0x108;
	_ =	swait.ge @!p0 [sflag:s8], $0x0  }
0x24: {  	s3 =	sadd.s32 $0x88, s3;
	s6 =	simm.s32 @!p1 $0x1082;
	[sflag:s4] =	ssyncset.s32 $0xFFFFF086  }
0x25: {  	[simem:s6], [sflag:s4] =	dma.local [hbm:s3], $0xF7A  }
0x26: {  	[smem:$0x3F95] =	sst s1;
	(tag) =	ssettag s2;
	_ =	strace s9  }
0x27: {  	s1 =	sld [smem:$0x3FA5]  }
0x28: {  	s2 =	sld [smem:$0x3FA6]  }
0x29: {  	s4 =	sld [smem:$0x3FA8]  }
0x2a: {  	p0 =	seq.s32 s5, $0x0;
	s5 =	sld [smem:$0x3FA9]  }
0x2b: {  	s6 =	sld [smem:$0x3FAA]  }
0x2c: {  	s7 =	sld [smem:$0x3FAB]  }
0x2d: {  	s3 =	simm.s32 $0x108;
	s8 =	sld [smem:$0x3FAC]  }
0x2e: {  	s3 =	simm.s32 @!p0 $0x1082;
	s9 =	sld [smem:$0x3FAD]  }
0x2f: {  	lr =	sadd.s32 s0, s3;
	s0 =	sld [smem:$0x3FA4]  }
0x30: {  	s3 =	sld [smem:$0x3FA7]  }
0x31: {  	[smem:$0x3FB0] =	sst s10  }
0x32: {  	s10 =	sld [smem:$0x3FAE];
	_ =	sdelay $0x3  }
0x33: {  	p0 =	seq.s32 s10, $0x1;
	s10 =	sld [smem:$0x3FB0];
	_ =	sdelay $0x3  }
0x34: {  	[smem:$0x3FB0] =	sst s10  }
0x35: {  	s10 =	sld [smem:$0x3FAF];
	_ =	sdelay $0x3  }
0x36: {  	p1 =	seq.s32 s10, $0x1;
	s10 =	sld [smem:$0x3FB0];
	_ =	sdelay $0x3  }
0x37: {  	[smem:$0x3FB0] =	sst s10  }
0x38: {  	s10 =	sld [smem:$0x3FB1]  }
0x39: {  	_ = 	snop;
	(pc) =	sbr.ind lr, $3  }
0x3a: {  	_ = 	snop  }
0x3b: {  	_ = 	snop  }
0x3c: {  	p2 =	seq.s32 s10, $0x1;
	s10 =	sld [smem:$0x3FB0]  }
0x3d: {  	_ =	shalt  }
0x3e: {  	_ =	shalt  }
0x3f: {  	_ =	shalt  }
0x40: {  	_ =	shalt  }
0x41: {  	_ =	shalt  }
0x42: {  	_ =	shalt  }
0x43: {  	_ =	shalt  }
0x44: {  	_ =	shalt  }
0x45: {  	_ =	shalt  }
0x46: {  	_ =	shalt  }
0x47: {  	_ =	shalt  }
0x48: {  	_ =	shalt  }
0x49: {  	_ =	shalt  }
0x4a: {  	_ =	shalt  }
0x4b: {  	_ =	shalt  }
0x4c: {  	_ =	shalt  }
0x4d: {  	_ =	shalt  }
0x4e: {  	_ =	shalt  }
0x4f: {  	_ =	shalt  }
0x50: {  	_ =	shalt  }
0x51: {  	_ =	shalt  }
0x52: {  	_ =	shalt  }
0x53: {  	_ =	shalt  }
0x54: {  	_ =	shalt  }
0x55: {  	_ =	shalt  }
0x56: {  	_ =	shalt  }
0x57: {  	_ =	shalt  }
0x58: {  	_ =	shalt  }
0x59: {  	_ =	shalt  }
0x5a: {  	_ =	shalt  }
0x5b: {  	_ =	shalt  }
0x5c: {  	_ =	shalt  }
0x5d: {  	_ =	shalt  }
0x5e: {  	_ =	shalt  }
0x5f: {  	_ =	shalt  }
0x60: {  	_ =	shalt  }
0x61: {  	_ =	shalt  }
0x62: {  	_ =	shalt  }
0x63: {  	_ =	shalt  }
0x64: {  	_ =	shalt  }
0x65: {  	_ =	shalt  }
0x66: {  	_ =	shalt  }
0x67: {  	_ =	shalt  }
0x68: {  	_ =	shalt  }
0x69: {  	_ =	shalt  }
0x6a: {  	_ =	shalt  }
0x6b: {  	_ =	shalt  }
0x6c: {  	_ =	shalt  }
0x6d: {  	_ =	shalt  }
0x6e: {  	_ =	shalt  }
0x6f: {  	_ =	shalt  }
0x70: {  	_ =	shalt  }
0x71: {  	_ =	shalt  }
0x72: {  	_ =	shalt  }
0x73: {  	_ =	shalt  }
0x74: {  	_ =	shalt  }
0x75: {  	_ =	shalt  }
0x76: {  	_ =	shalt  }
0x77: {  	_ =	shalt  }
0x78: {  	_ =	shalt  }
0x79: {  	_ =	shalt  }
0x7a: {  	_ =	shalt  }
0x7b: {  	_ =	shalt  }
0x7c: {  	_ =	shalt  }
0x7d: {  	_ =	shalt  }
0x7e: {  	_ =	shalt  }
0x7f: {  	_ =	shalt  }
0x80: {  	_ =	shalt  }
0x81: {  	_ =	shalt  }
0x82: {  	_ =	shalt  }
0x83: {  	_ =	shalt  }
0x84: {  	_ =	shalt  }
0x85: {  	_ =	shalt  }
0x86: {  	_ =	shalt  }
0x87: {  	_ =	shalt  }
.Lfunc_end0:
.L_simem_size_0:
called_computation.3_lowered:
.L_overlay_start_0:
0x88: {  	s2 =	sld [smem:$0x3FD9]  }
0x89: {  	s3 =	sld [smem:$0x3FFE];
	_ =	sdelay $0x1  }
0x8a: {  	s1 =	srdreg.scid  }
0x8b: {  	s0 =	sand.u32 $0x1, s1  }
0x8c: {  	s17 =	sshll.u32 s0, $0xA;
	s2 =	sadd.s32 s3, s2  }
0x8d: {  	s2 =	sadd.s32 s2, s17  }
0x8e: {  	[smem:$0x3FBC] =	sst s2  }
0x8f: {  	_ = 	snop  }
0x90: {  	(tm) =	ssettm $0x1  }
0x91: {  	s18 =	sld [smem:$0x3FFB];
	_ =	sdelay $0x3  }
0x92: {  	_ =	strace s18  }
0x93: {  	s2 =	sld [smem:$0x3FFC];
	_ =	sdelay $0x3  }
0x94: {  	_ =	strace s2  }
0x95: {  	s2 =	sld [smem:$0x3FFD];
	_ =	sdelay $0x3  }
0x96: {  	_ =	strace s2  }
0x97: {  	_ =	strace $0x8FFFFFFF  }
0x98: {  	s19 =	sld [smem:$0x3FDB];
	_ =	sdelay $0x1  }
0x99: {  	s20 =	simm.s32 $_scs_section_size  }
0x9a: {  	s4 =	simm.s32 $_size__tile_overlayer_lowered;
	s5 =	simm.s32 $_tile_overlayer_lowered  }
0x9b: {  	s6 =	simm.s32 $0x1BFF;
	s21 =	sshll.u32 s5, $0x1;
	s3 =	sadd.s32 s20, s19  }
0x9c: {  	s22 =	simm.s32 $0x0;
	s4 =	sshll.u32 s4, $0x1;
	s5 =	sadd.s32 s21, s3  }
0x9d: {  	[timem:s22], [sflag:s6] =	dma.local [hbm:s5], s4  }
0x9e: {  	_ =	swait.ge [sflag:s6], s4  }
0x9f: {  	s4 =	ssub.s32 $0x0, s4;
	[sflag:s6] =	ssyncset.done $0x0  }
0xa0: {  	[sflag:s6] =	ssyncadd.s32 s4;
	_ =	sdelay $0x1  }
0xa1: {  	s23 =	simm.s32 $0x1B8B  }
0xa2: {  	_ =	swait.ge [sflag:s23], $0x1  }
0xa3: {  	[sflag:s23] =	ssyncset.done $0x0  }
0xa4: {  	[sflag:s23] =	ssyncadd.s32 $0xFFFFFFFF  }
0xa5: {  	s4 =	sld [smem:$0x0]  }
0xa6: {  	s5 =	sand.u32 $0xFFFFFFFE, s1  }
0xa7: {  	p0 =	sne.s32 s1, s5  }
0xa8: {  	s5 =	sshll.u32 @p0 s5, $0xE  }
0xa9: {  	s5 =	sadd.s32 @p0 $0x11B8D, s5;
	s6 =	sshll.u32 @p0 s4, $0x11  }
0xaa: {  	s5 =	sor.u32 @p0 s6, s5  }
0xab: {  	[sflag:s5] =	ssyncadd.remote.s32 @p0 $0x1;
	_ =	sdelay $0x1  }
0xac: {  	s5 =	simm.s32 @p0 $0x1B8D  }
0xad: {  	_ =	swait.eq @p0 [sflag:s5], $0x1  }
0xae: {  	[sflag:s5] =	ssyncadd.s32 @p0 $0xFFFFFFFF  }
0xaf: {  	s6 =	sshll.u32 @!p0 s1, $0xE  }
0xb0: {  	s6 =	sor.u32 @!p0 $0x4000, s6;
	s5 =	simm.s32 @!p0 $0x1B8D  }
0xb1: {  	s4 =	sshll.u32 @!p0 s4, $0x11;
	s6 =	sadd.s32 @!p0 $0x11B8D, s6;
	_ =	swait.eq @!p0 [sflag:s5], $0x1  }
0xb2: {  	s4 =	sor.u32 @!p0 s4, s6;
	[sflag:s5] =	ssyncadd.s32 @!p0 $0xFFFFFFFF  }
0xb3: {  	s25 =	simm.s32 $0x1B8E;
	s24 =	sld [smem:$0x3FFE];
	[sflag:s4] =	ssyncadd.remote.s32 @!p0 $0x1  }
0xb4: {  	s26 =	simm.s32 $execute0_lowered;
	[smem:$0x3FD2] =	sst s25  }
0xb5: {  	s5 =	sshll.u32 s26, $0x1;
	_ =	strace $0x80000052;
	[dreg:$0x1] =	wrdreg $0xFFFFFFFF  }
0xb6: {  	s28 =	simm.s32 $_size_execute0_lowered;
	s3 =	sadd.s32 s3, s5;
	[dreg:$0x0] =	wrdreg $0x0  }
0xb7: {  	s5 =	sshll.u32 s28, $0x1;
	[dreg:$0x2] =	wrdreg s3  }
0xb8: {  	[dreg:$0x3] =	wrdreg s5  }
0xb9: {  	[dreg:$0x4] =	wrdreg $0xC0  }
0xba: {  	_ =	task [dreg:s22], $0x5FFFF  }
0xbb: {  	[dreg:$0x1] =	wrdreg $0xFFFFFFFF  }
0xbc: {  	[dreg:$0x0] =	wrdreg $0x60  }
0xbd: {  	[dreg:$0x2] =	wrdreg s24  }
0xbe: {  	[dreg:$0x3] =	wrdreg $0x134000  }
0xbf: {  	[dreg:$0x4] =	wrdreg $0x9  }
0xc0: {  	_ =	task.clear_ibuf [dreg:s22], $0x5FFFF;
	_ =	strace $0x90000052  }
0xc1: {  	s29 =	simm.s32 $0x9;
	_ =	strace $0x80000054  }
0xc2: {  	_ =	swait.ge [sflag:s29], $0x1  }
0xc3: {  	[sflag:s29] =	ssyncadd.s32 $0xFFFFFFFF  }
0xc4: {  	_ =	strace $0x90000054  }
0xc5: {  	_ =	sfence  }
0xc6: {  	s30 =	sld [smem:$0x0];
	_ =	sdelay $0x2  }
0xc7: {  	s31 =	sshll.u32 s1, $0xD;
	s1 =	sshrl.u32 s1, $0x2  }
0xc8: {  	s4 =	sand.u32 $0x4000, s31;
	s1 =	sadd.s32 s1, s30  }
0xc9: {  	s0 =	sor.u32 s4, s0;
	s1 =	sshll.u32 s1, $0x11  }
0xca: {  	s0 =	sor.u32 s1, s0  }
0xcb: {  	s0 =	sadd.s32 $0x8F2B, s0  }
0xcc: {  	[sflag:s0] =	ssyncadd.remote.s32 $0x1  }
0xcd: {  	_ =	sfence.sel $0xFFFF  }
0xce: {  	[dreg:$0x0] =	wrdreg $0xFFFFFFFF;
	(pc) =	sbr.abs _section_cstart, $3  }
0xcf: {  	[dreg:$0x1] =	wrdreg $0xFFFFFFFF  }
0xd0: {  	_ =	task.clear_ibuf [dreg:s22], $0x2FFFF;
	_ =	strace $0x9FFFFFFF  }
0xd1: {  	(tm) =	ssettm $0x7FFFFFFF  }
tec
execute0_lowered:
.L_overlay_start_1:
0x0: {  	(tag) =	ssettag $0x1  }
0x1: {  	s5 =	rddreg [dreg:$0x0]  }
0x2: {  	s2 =	rddreg [dreg:$0x1];
	s3 =	srdreg.scid  }
0x3: {  	s0 =	rddreg [dreg:$0x2];
	s1 =	stileid.u32;
	s12 =	simm.s32 $0x2  }
0x4: {  	s13 =	simm.s32 $0x6400;
	s14 =	simm.s32 $0x80;
	s15 =	simm.s32 $0x1  }
0x5: {  	s16 =	simm.s32 $0x0;
	s6 =	sand.u32 $0x1, s3;
	s7 =	smul.u32 $0xC800, s1  }
0x6: {  	s3 =	simm.s32 $0x0;
	s30 =	smul.u32 $0x32000, s1;
	s4 =	sshll.u32 s6, $0x4  }
0x7: {  	[smem:$0x7FF] =	sst s3;
	s9 =	smul.u32 $0xC8000, s6;
	s6 =	ssub.s32 $0x2, s6  }
0x8: {  	s8 =	sor.u32 s1, s4;
	_ =	strace $0x80000053;
	s4 =	sadd.s32 $0x66400, s5  }
0x9: {  	s10 =	sshrl.u32 s6, $0x1;
	s8 =	smul.u32 $0xC80, s8;
	s7 =	sadd.s32 s7, s9  }
0xa: {  	s31 =	sshrl.u32 s30, $0x2;
	s10 =	ssub.s32 s6, s10;
	s7 =	sshrl.u32 s7, $0x3  }
0xb: {  	s9 =	smax.u32 s10, $0x1;
	s8 =	sadd.s32 s8, s5;
	s11 =	sadd.s32 s7, s5  }
0xc: {  	s5 =	sadd.s32 s31, s2;
	s6 =	sadd.s32 $0xFF600, s8;
	s7 =	sadd.s32 $0x2400, s8  }
0xd: {  	v0 =	vimm.f32 $0.0e+00;
	s8 =	sadd.s32 $0x1B400, s8;
	s10 =	sadd.s32 $0x7F400, s11;
	s11 =	simm.s32 $0x12C00  }
.LBB2_1:
0xe: {  	s17 =	simm.s32 $0x0  }
.LBB2_2:
0xf: {  	p0 =	sne.s32 s17, $0x1FC0  }
.Ltmp0:
0x10: {  	_ = 	snop;
	(pc) =	sbr.rel @p0 .LBB2_2-.Ltmp0, $3  }
0x11: {  	_ =	sdelay $0x1  }
0x12: {  	s18 =	sshra.s32 s17, $0x2  }
0x13: {  	s17 =	sadd.s32 $0x40, s17;
	[tilespmem:s18+$0x12C00] =	vst v0  }
0x14: {  	s17 =	sadd.s32 $0x0, s5  }
0x15: {  	[spmem:s17] =	stream.linear.scatter [tilespmem:s11], [sflag:$0x2], $0x800, $0x38;
	[tilespmem:$0x1FC00] =	vst v63  }
0x16: {  	s17 =	simm.s32 $0x2000;
	_ =	swait.ge [sflag:s12], $0x800  }
.LBB2_4:
0x17: {  	s18 =	sshra.s32 s17, $0x2;
	[sflag:s12] =	ssyncset.done $0x0;
	p0 =	sne.s32 s17, $0x30000  }
.Ltmp1:
0x18: {  	s18 =	sadd.s32 s18, s5;
	[sflag:s12] =	ssyncadd.s32 $0xFFFFF800;
	(pc) =	sbr.rel @p0 .LBB2_4-.Ltmp1, $3  }
0x19: {  	[spmem:s18] =	stream.linear.scatter [tilespmem:s11], [sflag:$0x2], $0x800, $0x38;
	[tilespmem:$0x1FC00] =	vst v63  }
0x1a: {  	s17 =	sadd.s32 $0x2000, s17;
	_ =	sdelay $0x1  }
0x1b: {  	_ =	swait.ge [sflag:s12], $0x800  }
0x1c: {  	[sflag:s12] =	ssyncset.done $0x0  }
0x1d: {  	s17 =	simm.s32 $0x0;
	[sflag:s12] =	ssyncadd.s32 $0xFFFFF800  }
0x1e: {  	[tilespmem:s17], [sflag:$0x2] =	stream.linear.gather [hbm4b:s6+s17], $0x6400, $0x38;
	[tilespmem:$0x1FC00] =	vst v63  }
0x1f: {  	_ =	swait.ge [sflag:s12], $0x6400  }
0x20: {  	[sflag:s12] =	ssyncset.done $0x0  }
0x21: {  	[sflag:s12] =	ssyncadd.s32 $0xFFFF9C00  }
0x22: {  	[tilespmem:s13], [sflag:$0x2] =	stream.linear.gather [hbm4b:s7+s17], $0x6400, $0x38;
	[tilespmem:$0x1FC00] =	vst v63  }
0x23: {  	_ =	swait.ge [sflag:s12], $0x6400  }
0x24: {  	[sflag:s12] =	ssyncset.done $0x0  }
0x25: {  	s18 =	simm.s32 $0xC800;
	[sflag:s12] =	ssyncadd.s32 $0xFFFF9C00  }
0x26: {  	[tilespmem:s18], [sflag:$0x2] =	stream.linear.gather [hbm4b:s8+s17], $0x6400, $0x38;
	[tilespmem:$0x1FC00] =	vst v63  }
0x27: {  	_ =	swait.ge [sflag:s12], $0x6400  }
0x28: {  	[sflag:s12] =	ssyncset.done $0x0  }
0x29: {  	[sflag:s12] =	ssyncadd.s32 $0xFFFF9C00  }
0x2a: {  	[bflag:$0x0] =	sbarrier.arrive $0xFFFF  }
.LBB2_6:
0x2b: {  	s19 =	sshll.u32 s17, $0x7;
	v1 =	vmov s18  }
0x2c: {  	[tilespmem:s11], [sflag:$0x1] =	stream.indirect.gather [hbm4b:s4+s14], $0x10, s19, s14, $0xb8;
	[tilespmem:$0x1FC00] =	vst v63  }
0x2d: {  	_ =	swait.ge [sflag:s15], $0x800  }
0x2e: {  	[sflag:s15] =	ssyncset.done $0x0  }
0x2f: {  	s20 =	simm.s32 $0x0;
	[sflag:s15] =	ssyncadd.s32 $0xFFFFF800  }
0x30: {  	v2 =	vld.idx.msk [tilespmem:v1+s20+$0x0 ss:$0x1], $0xffff  }
0x31: {  	s20 =	simm.s32 $0x12C80  }
0x32: {  	v3 =	vld [tilespmem:s20+$0xFFFFFF80]  }
0x33: {  	v4 =	vld [tilespmem:s20+$0xFFFFFF90]  }
0x34: {  	v5 =	vld [tilespmem:s20+$0xFFFFFFA0]  }
0x35: {  	v6 =	vld [tilespmem:s20+$0xFFFFFFB0];
	v7 =	vbroadcast v2, $0x0  }
0x36: {  	v10 =	vld [tilespmem:s20+$0xFFFFFFD0];
	v8 =	vbroadcast v2, $0x1  }
0x37: {  	v46 =	vld [tilespmem:s20+$0xFFFFFFE0];
	v11 =	vbroadcast v2, $0x2;
	v3 =	vmul.f32 v7, v3  }
0x38: {  	v9 =	vld [tilespmem:s20+$0xFFFFFFC0];
	v45 =	vbroadcast v2, $0x3;
	v4 =	vmul.f32 v4, v8  }
0x39: {  	v49 =	vld [tilespmem:s20+$0x10];
	v47 =	vbroadcast v2, $0x5;
	v5 =	vmul.f32 v5, v11;
	[tilespmem:s20+$0xFFFFFF80] =	vst v3  }
0x3a: {  	v59 =	vld [tilespmem:s20+$0x60];
	v13 =	vbroadcast v2, $0x6;
	v6 =	vmul.f32 v6, v45;
	[tilespmem:s20+$0xFFFFFF90] =	vst v4  }
0x3b: {  	v12 =	vld [tilespmem:s20+$0xFFFFFFF0];
	v7 =	vmul.f32 v10, v47;
	v3 =	vbroadcast v2, $0x4;
	[tilespmem:s20+$0xFFFFFFA0] =	vst v5  }
0x3c: {  	v48 =	vld [tilespmem:s20+$0x0];
	v53 =	vbroadcast v2, $0x9;
	v8 =	vmul.f32 v46, v13;
	[tilespmem:s20+$0xFFFFFFB0] =	vst v6  }
0x3d: {  	v52 =	vld [tilespmem:s20+$0x30];
	v62 =	vbroadcast v2, $0xE;
	[tilespmem:s20+$0xFFFFFFD0] =	vst v7;
	v3 =	vmul.f32 v9, v3  }
0x3e: {  	v55 =	vld [tilespmem:s20+$0x50];
	v50 =	vbroadcast v2, $0x7;
	v58 =	vmul.f32 v49, v53;
	[tilespmem:s20+$0xFFFFFFE0] =	vst v8  }
0x3f: {  	v51 =	vld [tilespmem:s20+$0x20];
	v63 =	vmul.f32 v59, v62;
	[tilespmem:s20+$0xFFFFFFC0] =	vst v3;
	v3 =	vbroadcast v2, $0x8  }
0x40: {  	v54 =	vld [tilespmem:s20+$0x40];
	v57 =	vbroadcast v2, $0xB;
	v5 =	vmul.f32 v12, v50;
	[tilespmem:s20+$0x10] =	vst v58  }
0x41: {  	v60 =	vld [tilespmem:s20+$0x70];
	v61 =	vbroadcast v2, $0xD;
	[tilespmem:s20+$0x60] =	vst v63;
	v3 =	vmul.f32 v48, v3  }
0x42: {  	v56 =	vbroadcast v2, $0xA;
	v4 =	vmul.f32 v52, v57;
	[tilespmem:s20+$0xFFFFFFF0] =	vst v5  }
0x43: {  	v6 =	vmul.f32 v55, v61;
	[tilespmem:s20+$0x0] =	vst v3;
	v3 =	vbroadcast v2, $0xC  }
0x44: {  	v9 =	vmul.f32 v51, v56;
	[tilespmem:s20+$0x30] =	vst v4;
	v2 =	vbroadcast v2, $0xF  }
0x45: {  	[tilespmem:s20+$0x50] =	vst v6;
	v3 =	vmul.f32 v54, v3  }
0x46: {  	[tilespmem:s20+$0x20] =	vst v9;
	v2 =	vmul.f32 v60, v2  }
0x47: {  	[tilespmem:s20+$0x40] =	vst v3  }
0x48: {  	s22 =	simm.s32 $0x10;
	s21 =	simm.s32 $0x80;
	[tilespmem:s20+$0x70] =	vst v2  }
.LBB2_7:
0x49: {  	p0 =	sne.s32 s21, $0x1C0;
	v2 =	vld.idx.msk [tilespmem:v1+s22+$0x0 ss:$0x1], $0xffff;
	s20 =	sadd.s32 $0x100, s20  }
0x4a: {  	v3 =	vld [tilespmem:s20+$0xFFFFFFB0]  }
0x4b: {  	v4 =	vld [tilespmem:s20+$0xFFFFFF90]  }
0x4c: {  	v5 =	vld [tilespmem:s20+$0xFFFFFF80]  }
0x4d: {  	v6 =	vld [tilespmem:s20+$0xFFFFFFA0]  }
0x4e: {  	v7 =	vld [tilespmem:s20+$0xFFFFFFF0]  }
0x4f: {  	v8 =	vbroadcast v2, $0x0;
	v9 =	vbroadcast v2, $0x1;
	v10 =	vld [tilespmem:s20+$0xFFFFFFD0]  }
0x50: {  	v11 =	vbroadcast v2, $0x2;
	v12 =	vbroadcast v2, $0x3;
	v13 =	vld [tilespmem:s20+$0xFFFFFFC0]  }
0x51: {  	v4 =	vmul.f32 v4, v9;
	v5 =	vmul.f32 v8, v5;
	v8 =	vld [tilespmem:s20+$0xFFFFFFE0]  }
0x52: {  	v3 =	vmul.f32 v3, v12;
	v6 =	vmul.f32 v6, v11;
	v9 =	vld [tilespmem:s20+$0x30]  }
0x53: {  	v11 =	vbroadcast v2, $0x5;
	[tilespmem:s20+$0xFFFFFF80] =	vst v5;
	v5 =	vbroadcast v2, $0x4;
	v12 =	vld [tilespmem:s20+$0x10]  }
0x54: {  	v14 =	vbroadcast v2, $0x7;
	[tilespmem:s20+$0xFFFFFF90] =	vst v4;
	v4 =	vbroadcast v2, $0x6;
	v15 =	vld [tilespmem:s20+$0x0]  }
0x55: {  	[tilespmem:s20+$0xFFFFFFA0] =	vst v6;
	v5 =	vmul.f32 v13, v5;
	v6 =	vmul.f32 v10, v11;
	v10 =	vld [tilespmem:s20+$0x20]  }
0x56: {  	[tilespmem:s20+$0xFFFFFFB0] =	vst v3;
	v3 =	vmul.f32 v8, v4;
	v4 =	vmul.f32 v7, v14;
	v7 =	vld [tilespmem:s20+$0x70]  }
0x57: {  	v8 =	vbroadcast v2, $0x9;
	[tilespmem:s20+$0xFFFFFFC0] =	vst v5;
	v5 =	vbroadcast v2, $0x8;
	v11 =	vld [tilespmem:s20+$0x50]  }
0x58: {  	v13 =	vbroadcast v2, $0xB;
	[tilespmem:s20+$0xFFFFFFD0] =	vst v6;
	v6 =	vbroadcast v2, $0xA;
	v14 =	vld [tilespmem:s20+$0x40]  }
0x59: {  	[tilespmem:s20+$0xFFFFFFE0] =	vst v3;
	v3 =	vmul.f32 v15, v5;
	v5 =	vmul.f32 v12, v8;
	v8 =	vld [tilespmem:s20+$0x60]  }
0x5a: {  	[tilespmem:s20+$0xFFFFFFF0] =	vst v4;
	v4 =	vmul.f32 v10, v6;
	v6 =	vmul.f32 v9, v13  }
0x5b: {  	v9 =	vbroadcast v2, $0xD;
	[tilespmem:s20+$0x0] =	vst v3;
	v3 =	vbroadcast v2, $0xC  }
0x5c: {  	[tilespmem:s20+$0x10] =	vst v5;
	v5 =	vbroadcast v2, $0xE;
	v2 =	vbroadcast v2, $0xF  }
0x5d: {  	[tilespmem:s20+$0x20] =	vst v4;
	v3 =	vmul.f32 v14, v3;
	v4 =	vmul.f32 v11, v9  }
.Ltmp2:
0x5e: {  	[tilespmem:s20+$0x30] =	vst v6;
	v5 =	vmul.f32 v8, v5;
	v2 =	vmul.f32 v7, v2;
	(pc) =	sbr.rel @p0 .LBB2_7-.Ltmp2, $4  }
0x5f: {  	[tilespmem:s20+$0x40] =	vst v3  }
0x60: {  	[tilespmem:s20+$0x50] =	vst v4  }
0x61: {  	[tilespmem:s20+$0x60] =	vst v5  }
0x62: {  	s22 =	sshra.s32 s21, $0x2;
	s21 =	sadd.s32 $0x40, s21;
	[tilespmem:s20+$0x70] =	vst v2  }
0x63: {  	_ =	sdelay $0x3  }
0x64: {  	v1 =	vld.idx.msk [tilespmem:v1+s22+$0x0 ss:$0x1], $0xffff  }
0x65: {  	s20 =	sadd.s32 $0x100, s20  }
0x66: {  	v2 =	vld [tilespmem:s20+$0xFFFFFF80]  }
0x67: {  	v3 =	vld [tilespmem:s20+$0xFFFFFF90]  }
0x68: {  	v4 =	vld [tilespmem:s20+$0xFFFFFFA0]  }
0x69: {  	v5 =	vld [tilespmem:s20+$0xFFFFFFB0];
	v6 =	vbroadcast v1, $0x0  }
0x6a: {  	v9 =	vld [tilespmem:s20+$0xFFFFFFD0];
	v7 =	vbroadcast v1, $0x1  }
0x6b: {  	v8 =	vld [tilespmem:s20+$0xFFFFFFC0];
	v10 =	vbroadcast v1, $0x2;
	v2 =	vmul.f32 v6, v2  }
0x6c: {  	v49 =	vld [tilespmem:s20+$0xFFFFFFE0];
	v48 =	vbroadcast v1, $0x3;
	v3 =	vmul.f32 v3, v7  }
0x6d: {  	v51 =	vld [tilespmem:s20+$0x10];
	v50 =	vbroadcast v1, $0x5;
	v4 =	vmul.f32 v4, v10;
	[tilespmem:s20+$0xFFFFFF80] =	vst v2  }
0x6e: {  	v11 =	vld [tilespmem:s20+$0xFFFFFFF0];
	v5 =	vmul.f32 v5, v48;
	v2 =	vbroadcast v1, $0x4;
	[tilespmem:s20+$0xFFFFFF90] =	vst v3  }
0x6f: {  	v12 =	vbroadcast v1, $0x6;
	v6 =	vmul.f32 v9, v50;
	v3 =	vld [tilespmem:s20+$0x0];
	[tilespmem:s20+$0xFFFFFFA0] =	vst v4  }
0x70: {  	v57 =	vld [tilespmem:s20+$0x50];
	v55 =	vbroadcast v1, $0x9;
	[tilespmem:s20+$0xFFFFFFB0] =	vst v5;
	v2 =	vmul.f32 v8, v2  }
0x71: {  	v53 =	vld [tilespmem:s20+$0x20];
	v52 =	vbroadcast v1, $0x7;
	v7 =	vmul.f32 v49, v12;
	[tilespmem:s20+$0xFFFFFFD0] =	vst v6  }
0x72: {  	v54 =	vld [tilespmem:s20+$0x30];
	v59 =	vmul.f32 v51, v55;
	[tilespmem:s20+$0xFFFFFFC0] =	vst v2;
	v2 =	vbroadcast v1, $0x8  }
0x73: {  	v56 =	vld [tilespmem:s20+$0x40];
	v62 =	vbroadcast v1, $0xD;
	v4 =	vmul.f32 v11, v52;
	[tilespmem:s20+$0xFFFFFFE0] =	vst v7  }
0x74: {  	v60 =	vld [tilespmem:s20+$0x60];
	v58 =	vbroadcast v1, $0xA;
	[tilespmem:s20+$0x10] =	vst v59;
	v2 =	vmul.f32 v3, v2  }
0x75: {  	v61 =	vld [tilespmem:s20+$0x70];
	v5 =	vmul.f32 v57, v62;
	[tilespmem:s20+$0xFFFFFFF0] =	vst v4;
	v3 =	vbroadcast v1, $0xB  }
0x76: {  	v8 =	vmul.f32 v53, v58;
	[tilespmem:s20+$0x0] =	vst v2;
	v2 =	vbroadcast v1, $0xC  }
0x77: {  	v63 =	vbroadcast v1, $0xE;
	[tilespmem:s20+$0x50] =	vst v5;
	v3 =	vmul.f32 v54, v3  }
0x78: {  	[tilespmem:s20+$0x20] =	vst v8;
	v1 =	vbroadcast v1, $0xF;
	v2 =	vmul.f32 v56, v2  }
0x79: {  	[tilespmem:s20+$0x30] =	vst v3;
	v3 =	vmul.f32 v60, v63  }
0x7a: {  	s17 =	sadd.s32 $0x1, s17;
	v1 =	vmul.f32 v61, v1;
	[tilespmem:s20+$0x40] =	vst v2  }
0x7b: {  	p0 =	sne.s32 s17, $0xC8;
	[tilespmem:s20+$0x60] =	vst v3  }
.Ltmp3:
0x7c: {  	s19 =	sadd.s32 $0x6400, s19;
	[tilespmem:s20+$0x70] =	vst v1;
	(pc) =	sbr.rel @p0 .LBB2_6-.Ltmp3, $4  }
0x7d: {  	[spmem:s2] =	stream.indirect.scatter.add.f32 [tilespmem:s11], [sflag:$0x2], $0x10, s19, s14, $0xb8;
	[tilespmem:$0x1FC00] =	vst v63  }
0x7e: {  	_ =	swait.ge [sflag:s12], $0x800  }
0x7f: {  	[sflag:s12] =	ssyncset.done $0x0  }
0x80: {  	s18 =	sadd.s32 $0x80, s18;
	[sflag:s12] =	ssyncadd.s32 $0xFFFFF800  }
0x81: {  	[bflag:$0x0] =	sbarrier.arrive $0xFFFF  }
0x82: {  	[tilespmem:s11], [sflag:$0x2] =	stream.linear.gather [spmem:s5], $0x800, $0x38;
	[tilespmem:$0x1FC00] =	vst v63  }
0x83: {  	_ =	swait.ge [sflag:s12], $0x800  }
0x84: {  	[sflag:s12] =	ssyncset.done $0x0  }
0x85: {  	s17 =	sadd.s32 $0x0, s10;
	[sflag:s12] =	ssyncadd.s32 $0xFFFFF800  }
0x86: {  	[hbm4b:s17+s3] =	stream.linear.scatter [tilespmem:s11], [sflag:$0x2], $0x800, $0x38;
	[tilespmem:$0x1FC00] =	vst v63  }
0x87: {  	_ =	swait.ge [sflag:s12], $0x800  }
0x88: {  	s18 =	smov.u32 s5;
	s17 =	simm.s32 $0x100;
	[sflag:s12] =	ssyncset.done $0x0  }
.LBB2_10:
0x89: {  	p0 =	sne.s32 s17, $0x1800;
	[sflag:s12] =	ssyncadd.s32 $0xFFFFF800;
	s18 =	sadd.s32 $0x800, s18  }
0x8a: {  	[tilespmem:s11], [sflag:$0x2] =	stream.linear.gather [spmem:s18], $0x800, $0x38;
	[tilespmem:$0x1FC00] =	vst v63  }
0x8b: {  	s19 =	smov.u32 s17;
	s17 =	sadd.s32 $0x100, s17;
	_ =	swait.ge [sflag:s12], $0x800  }
.Ltmp4:
0x8c: {  	[sflag:s12] =	ssyncset.done $0x0;
	(pc) =	sbr.rel @p0 .LBB2_10-.Ltmp4, $4  }
0x8d: {  	s19 =	sadd.s32 s19, s10;
	[sflag:s12] =	ssyncadd.s32 $0xFFFFF800  }
0x8e: {  	[hbm4b:s19+s3] =	stream.linear.scatter [tilespmem:s11], [sflag:$0x2], $0x800, $0x38;
	[tilespmem:$0x1FC00] =	vst v63  }
0x8f: {  	_ =	swait.ge [sflag:s12], $0x800  }
0x90: {  	[sflag:s12] =	ssyncset.done $0x0  }
0x91: {  	s16 =	sadd.s32 $0x1, s16  }
0x92: {  	p0 =	sne.s32 s16, s9  }
.Ltmp5:
0x93: {  	_ = 	snop;
	(pc) =	sbr.rel @p0 .LBB2_1-.Ltmp5, $2  }
0x94: {  	_ =	sdelay $0x2  }
0x95: {  	[sflag:s12] =	ssyncadd.s32 $0xFFFFF800  }
0x96: {  	_ =	sfence.sel $0x180000  }
0x97: {  	[bflag:$0x0] =	sbarrier.arrive $0xFFFF  }
0x98: {  	p0 =	sne.s32 s1, $0x0;
	_ =	strace $0x90000053  }
0x99: {  	s0 =	sadd.s32 @!p0 $0x100000, s0;
	[bflag:$0x2] =	sbarrier.arrive $0xFFFF  }
0x9a: {  	[sflag:s0] =	ssyncadd.tile.s32 @!p0 $0x1;
	_ =	shalt  }
.Lfunc_end2:
_tile_overlayer_lowered:
.L_overlay_start_2:
0x9b: {  	(tag) =	ssettag $0x2  }
0x9c: {  	s0 =	rddreg [dreg:$0x0];
	s2 =	stileid.u32  }
0x9d: {  	s1 =	rddreg [dreg:$0x1];
	p0 =	sne.s32 s2, $0x0  }
0x9e: {  	s3 =	rddreg [dreg:$0x2];
	[bflag:$0x3] =	sbarrier.arrive $0xFFFF;
	s2 =	simm.s32 @!p0 $0x1C02  }
0x9f: {  	[timem:s3], [sflag:s2] =	dma.local @!p0 [hbm:s0], s1  }
0xa0: {  	s0 =	simm.s32 @!p0 $0x2  }
0xa1: {  	_ =	swait.ge @!p0 [sflag:s0], s1  }
0xa2: {  	s1 =	ssub.s32 @!p0 $0x0, s1;
	[sflag:s0] =	ssyncset.done @!p0 $0x0  }
0xa3: {  	[sflag:s0] =	ssyncadd.s32 @!p0 s1  }
0xa4: {  	[bflag:$0x3] =	sbarrier.arrive $0xFFFF  }
0xa5: {  	_ =	shalt  }

// kernel: kernel.23.cloned.1.call-start
scs
__scs_entry_jumppad:
0x0: {  	(pc) =	sbr.rel $0x88, $3  }
0x1: {  	(tag) =	ssettag $0x0;
	lr =	simm.s32 $0x1  }
0x2: {  	[smem:$0x3F95] =	sst lr;
	_ =	strace $0xD0000000  }
0x3: {  	_ = 	snop  }
0x4: {  	_ = 	snop  }
0x5: {  	_ = 	snop  }
0x6: {  	_ = 	snop  }
0x7: {  	_ = 	snop  }
__scs_overlays_trampoline_lowered:
0x8: {  	[smem:$0x3FA4] =	sst s0  }
0x9: {  	[smem:$0x3FA5] =	sst s1  }
0xa: {  	[smem:$0x3FA6] =	sst s2  }
0xb: {  	[smem:$0x3FA7] =	sst s3  }
0xc: {  	[smem:$0x3FA8] =	sst s4  }
0xd: {  	[smem:$0x3FA9] =	sst s5  }
0xe: {  	[smem:$0x3FAA] =	sst s6  }
0xf: {  	[smem:$0x3FAB] =	sst s7  }
0x10: {  	[smem:$0x3FAC] =	sst s8  }
0x11: {  	[smem:$0x3FAD] =	sst s9;
	s0 =	simm.s32 @!p0 $0x0  }
0x12: {  	s1 =	sld [smem:$0x3F93];
	s0 =	simm.s32 @p0 $0x1  }
0x13: {  	[smem:$0x3FAE] =	sst s0;
	s0 =	simm.s32 @!p1 $0x0  }
0x14: {  	s2 =	sld [smem:$0x3F92];
	s0 =	simm.s32 @p1 $0x1  }
0x15: {  	[smem:$0x3FAF] =	sst s0;
	s0 =	simm.s32 @!p2 $0x0  }
0x16: {  	s3 =	sld [smem:$0x3FDB];
	s0 =	simm.s32 @p2 $0x1  }
0x17: {  	s4 =	simm.s32 $0x1BF5;
	[smem:$0x3FB1] =	sst s0  }
0x18: {  	s0 =	sld [smem:$0x3F94];
	_ =	swait.ge [sflag:s4], $0x0  }
0x19: {  	s7 =	sld [smem:$0x3F95]  }
0x1a: {  	s8 =	sadd.s32 $0xFFFFE003, lr  }
0x1b: {  	s9 =	sadd.s32 $0xFFFFFEF7, lr;
	s5 =	simm.s32 $0xFFFFFFFF;
	p2 =	slt.u32 s8, $0xFFFFF086  }
0x1c: {  	p1 =	slt.u32 s9, $0xF7A;
	s5 =	simm.s32 @!p2 $0x0  }
0x1d: {  	s5 =	simm.s32 @p1 $0x1;
	p0 =	seq.s32 s7, s2  }
0x1e: {  	s7 =	smul.u32 @!p0 $0xF7A, s2;
	p2 =	seq.s32 @!p0 s5, $0x0  }
0x1f: {  	s9 =	smul.u32 $0xF7A, s1;
	s8 =	simm.s32 @!p0 $0x1BF5;
	p2 =	por !p2, p0  }
0x20: {  	[sflag:s8] =	ssyncset.s32 @!p0 $0xFFFFF086;
	s6 =	sadd.s32 @!p0 s3, s7;
	s7 =	simm.s32 @!p0 $0x108  }
0x21: {  	s3 =	sadd.s32 s3, s9;
	s6 =	sadd.s32 @!p0 $0x88, s6;
	s7 =	simm.s32 @p2 $0x1082  }
0x22: {  	[simem:s7], [sflag:s8] =	dma.local @!p0 [hbm:s6], $0xF7A  }
0x23: {  	s9 =	sor.u32 $0xD0000000, s2;
	s6 =	simm.s32 $0x108;
	_ =	swait.ge @!p0 [sflag:s8], $0x0  }
0x24: {  	s3 =	sadd.s32 $0x88, s3;
	s6 =	simm.s32 @!p1 $0x1082;
	[sflag:s4] =	ssyncset.s32 $0xFFFFF086  }
0x25: {  	[simem:s6], [sflag:s4] =	dma.local [hbm:s3], $0xF7A  }
0x26: {  	[smem:$0x3F95] =	sst s1;
	(tag) =	ssettag s2;
	_ =	strace s9  }
0x27: {  	s1 =	sld [smem:$0x3FA5]  }
0x28: {  	s2 =	sld [smem:$0x3FA6]  }
0x29: {  	s4 =	sld [smem:$0x3FA8]  }
0x2a: {  	p0 =	seq.s32 s5, $0x0;
	s5 =	sld [smem:$0x3FA9]  }
0x2b: {  	s6 =	sld [smem:$0x3FAA]  }
0x2c: {  	s7 =	sld [smem:$0x3FAB]  }
0x2d: {  	s3 =	simm.s32 $0x108;
	s8 =	sld [smem:$0x3FAC]  }
0x2e: {  	s3 =	simm.s32 @!p0 $0x1082;
	s9 =	sld [smem:$0x3FAD]  }
0x2f: {  	lr =	sadd.s32 s0, s3;
	s0 =	sld [smem:$0x3FA4]  }
0x30: {  	s3 =	sld [smem:$0x3FA7]  }
0x31: {  	[smem:$0x3FB0] =	sst s10  }
0x32: {  	s10 =	sld [smem:$0x3FAE];
	_ =	sdelay $0x3  }
0x33: {  	p0 =	seq.s32 s10, $0x1;
	s10 =	sld [smem:$0x3FB0];
	_ =	sdelay $0x3  }
0x34: {  	[smem:$0x3FB0] =	sst s10  }
0x35: {  	s10 =	sld [smem:$0x3FAF];
	_ =	sdelay $0x3  }
0x36: {  	p1 =	seq.s32 s10, $0x1;
	s10 =	sld [smem:$0x3FB0];
	_ =	sdelay $0x3  }
0x37: {  	[smem:$0x3FB0] =	sst s10  }
0x38: {  	s10 =	sld [smem:$0x3FB1]  }
0x39: {  	_ = 	snop;
	(pc) =	sbr.ind lr, $3  }
0x3a: {  	_ = 	snop  }
0x3b: {  	_ = 	snop  }
0x3c: {  	p2 =	seq.s32 s10, $0x1;
	s10 =	sld [smem:$0x3FB0]  }
0x3d: {  	_ =	shalt  }
0x3e: {  	_ =	shalt  }
0x3f: {  	_ =	shalt  }
0x40: {  	_ =	shalt  }
0x41: {  	_ =	shalt  }
0x42: {  	_ =	shalt  }
0x43: {  	_ =	shalt  }
0x44: {  	_ =	shalt  }
0x45: {  	_ =	shalt  }
0x46: {  	_ =	shalt  }
0x47: {  	_ =	shalt  }
0x48: {  	_ =	shalt  }
0x49: {  	_ =	shalt  }
0x4a: {  	_ =	shalt  }
0x4b: {  	_ =	shalt  }
0x4c: {  	_ =	shalt  }
0x4d: {  	_ =	shalt  }
0x4e: {  	_ =	shalt  }
0x4f: {  	_ =	shalt  }
0x50: {  	_ =	shalt  }
0x51: {  	_ =	shalt  }
0x52: {  	_ =	shalt  }
0x53: {  	_ =	shalt  }
0x54: {  	_ =	shalt  }
0x55: {  	_ =	shalt  }
0x56: {  	_ =	shalt  }
0x57: {  	_ =	shalt  }
0x58: {  	_ =	shalt  }
0x59: {  	_ =	shalt  }
0x5a: {  	_ =	shalt  }
0x5b: {  	_ =	shalt  }
0x5c: {  	_ =	shalt  }
0x5d: {  	_ =	shalt  }
0x5e: {  	_ =	shalt  }
0x5f: {  	_ =	shalt  }
0x60: {  	_ =	shalt  }
0x61: {  	_ =	shalt  }
0x62: {  	_ =	shalt  }
0x63: {  	_ =	shalt  }
0x64: {  	_ =	shalt  }
0x65: {  	_ =	shalt  }
0x66: {  	_ =	shalt  }
0x67: {  	_ =	shalt  }
0x68: {  	_ =	shalt  }
0x69: {  	_ =	shalt  }
0x6a: {  	_ =	shalt  }
0x6b: {  	_ =	shalt  }
0x6c: {  	_ =	shalt  }
0x6d: {  	_ =	shalt  }
0x6e: {  	_ =	shalt  }
0x6f: {  	_ =	shalt  }
0x70: {  	_ =	shalt  }
0x71: {  	_ =	shalt  }
0x72: {  	_ =	shalt  }
0x73: {  	_ =	shalt  }
0x74: {  	_ =	shalt  }
0x75: {  	_ =	shalt  }
0x76: {  	_ =	shalt  }
0x77: {  	_ =	shalt  }
0x78: {  	_ =	shalt  }
0x79: {  	_ =	shalt  }
0x7a: {  	_ =	shalt  }
0x7b: {  	_ =	shalt  }
0x7c: {  	_ =	shalt  }
0x7d: {  	_ =	shalt  }
0x7e: {  	_ =	shalt  }
0x7f: {  	_ =	shalt  }
0x80: {  	_ =	shalt  }
0x81: {  	_ =	shalt  }
0x82: {  	_ =	shalt  }
0x83: {  	_ =	shalt  }
0x84: {  	_ =	shalt  }
0x85: {  	_ =	shalt  }
0x86: {  	_ =	shalt  }
0x87: {  	_ =	shalt  }
.Lfunc_end0:
.L_simem_size_0:
called_computation.4_lowered:
.L_overlay_start_0:
0x88: {  	s2 =	sld [smem:$0x3FD9]  }
0x89: {  	s3 =	sld [smem:$0x3FFE];
	_ =	sdelay $0x1  }
0x8a: {  	s1 =	srdreg.scid  }
0x8b: {  	s0 =	sand.u32 $0x1, s1  }
0x8c: {  	s16 =	sshll.u32 s0, $0xA;
	s2 =	sadd.s32 s3, s2  }
0x8d: {  	s2 =	sadd.s32 s2, s16  }
0x8e: {  	[smem:$0x3FBC] =	sst s2  }
0x8f: {  	_ = 	snop  }
0x90: {  	(tm) =	ssettm $0x1  }
0x91: {  	s17 =	sld [smem:$0x3FFB];
	_ =	sdelay $0x3  }
0x92: {  	_ =	strace s17  }
0x93: {  	s2 =	sld [smem:$0x3FFC];
	_ =	sdelay $0x3  }
0x94: {  	_ =	strace s2  }
0x95: {  	s2 =	sld [smem:$0x3FFD];
	_ =	sdelay $0x3  }
0x96: {  	_ =	strace s2  }
0x97: {  	_ =	strace $0x8FFFFFFF  }
0x98: {  	s18 =	sld [smem:$0x3FDB];
	_ =	sdelay $0x1  }
0x99: {  	s19 =	simm.s32 $_scs_section_size  }
0x9a: {  	s4 =	simm.s32 $_size__tile_overlayer_lowered;
	s5 =	simm.s32 $_tile_overlayer_lowered  }
0x9b: {  	s22 =	simm.s32 $0x1BFF;
	s21 =	sshll.u32 s5, $0x1;
	s2 =	sadd.s32 s19, s18  }
0x9c: {  	s6 =	simm.s32 $0x0;
	s20 =	sshll.u32 s4, $0x1;
	s4 =	sadd.s32 s21, s2  }
0x9d: {  	[timem:s6], [sflag:s22] =	dma.local [hbm:s4], s20  }
0x9e: {  	_ =	swait.ge [sflag:s22], s20  }
0x9f: {  	s3 =	ssub.s32 $0x0, s20;
	[sflag:s22] =	ssyncset.done $0x0  }
0xa0: {  	[sflag:s22] =	ssyncadd.s32 s3;
	_ =	sdelay $0x1  }
0xa1: {  	s23 =	simm.s32 $0x1B8B  }
0xa2: {  	_ =	swait.ge [sflag:s23], $0x1  }
0xa3: {  	[sflag:s23] =	ssyncset.done $0x0  }
0xa4: {  	s25 =	simm.s32 $0x1B8E;
	s24 =	sld [smem:$0x3FFE];
	[sflag:s23] =	ssyncadd.s32 $0xFFFFFFFF  }
0xa5: {  	s26 =	simm.s32 $execute0_lowered;
	[smem:$0x3FD2] =	sst s25  }
0xa6: {  	s4 =	sshll.u32 s26, $0x1;
	_ =	strace $0x8000004F;
	[dreg:$0x1] =	wrdreg $0xFFFFFFFF  }
0xa7: {  	s28 =	simm.s32 $_size_execute0_lowered;
	s2 =	sadd.s32 s2, s4;
	[dreg:$0x0] =	wrdreg $0x0  }
0xa8: {  	s4 =	sshll.u32 s28, $0x1;
	[dreg:$0x2] =	wrdreg s2  }
0xa9: {  	[dreg:$0x3] =	wrdreg s4  }
0xaa: {  	[dreg:$0x4] =	wrdreg $0xC0  }
0xab: {  	_ =	task [dreg:s6], $0x5FFFF  }
0xac: {  	[dreg:$0x1] =	wrdreg $0xFFFFFFFF  }
0xad: {  	[dreg:$0x0] =	wrdreg $0x60  }
0xae: {  	[dreg:$0x2] =	wrdreg s24  }
0xaf: {  	[dreg:$0x3] =	wrdreg $0x134000  }
0xb0: {  	[dreg:$0x4] =	wrdreg $0xA  }
0xb1: {  	_ =	task.clear_ibuf [dreg:s6], $0x5FFFF;
	_ =	strace $0x9000004F  }
0xb2: {  	s29 =	simm.s32 $0xA;
	_ =	strace $0x80000051  }
0xb3: {  	_ =	swait.ge [sflag:s29], $0x1  }
0xb4: {  	[sflag:s29] =	ssyncadd.s32 $0xFFFFFFFF  }
0xb5: {  	_ =	strace $0x90000051  }
0xb6: {  	_ =	sfence  }
0xb7: {  	s30 =	sld [smem:$0x0];
	_ =	sdelay $0x2  }
0xb8: {  	s31 =	sshll.u32 s1, $0xD;
	s1 =	sshrl.u32 s1, $0x2  }
0xb9: {  	s3 =	sand.u32 $0x4000, s31;
	s1 =	sadd.s32 s1, s30  }
0xba: {  	s0 =	sor.u32 s3, s0;
	s1 =	sshll.u32 s1, $0x11  }
0xbb: {  	s0 =	sor.u32 s1, s0  }
0xbc: {  	s0 =	sadd.s32 $0x8F2B, s0  }
0xbd: {  	[sflag:s0] =	ssyncadd.remote.s32 $0x1  }
0xbe: {  	_ =	sfence.sel $0xFFFF  }
0xbf: {  	[dreg:$0x0] =	wrdreg $0xFFFFFFFF;
	(pc) =	sbr.abs _section_cstart, $3  }
0xc0: {  	[dreg:$0x1] =	wrdreg $0xFFFFFFFF  }
0xc1: {  	_ =	task.clear_ibuf [dreg:s6], $0x2FFFF;
	_ =	strace $0x9FFFFFFF  }
0xc2: {  	(tm) =	ssettm $0x7FFFFFFF  }
0xc3: {  	_ =	shalt  }
tec
execute0_lowered:
.L_overlay_start_1:
0x0: {  	(tag) =	ssettag $0x1  }
0x1: {  	s5 =	rddreg [dreg:$0x0]  }
0x2: {  	s2 =	rddreg [dreg:$0x1]  }
0x3: {  	s0 =	rddreg [dreg:$0x2]  }
0x4: {  	s4 =	srdreg.scid;
	s3 =	simm.s32 $0x0;
	s1 =	stileid.u32  }
0x5: {  	s12 =	simm.s32 $0x2;
	s13 =	simm.s32 $0x6400;
	s14 =	simm.s32 $0x80  }
0x6: {  	s15 =	simm.s32 $0x1;
	s16 =	simm.s32 $0x0;
	s7 =	smul.u32 $0xC800, s1  }
0x7: {  	s6 =	sand.u32 $0x1, s4;
	[smem:$0x7FF] =	sst s3;
	s30 =	smul.u32 $0x32000, s1  }
0x8: {  	s4 =	sshll.u32 s6, $0x4;
	_ =	strace $0x80000050;
	s9 =	smul.u32 $0xC8000, s6  }
0x9: {  	s6 =	ssub.s32 $0x2, s6;
	s8 =	sor.u32 s1, s4;
	s4 =	sadd.s32 $0x118600, s5  }
0xa: {  	s10 =	sshrl.u32 s6, $0x1;
	s8 =	smul.u32 $0xC80, s8;
	s7 =	sadd.s32 s7, s9  }
0xb: {  	s31 =	sshrl.u32 s30, $0x2;
	s10 =	ssub.s32 s6, s10;
	s7 =	sshrl.u32 s7, $0x3  }
0xc: {  	s9 =	smax.u32 s10, $0x1;
	s8 =	sadd.s32 s8, s5;
	s11 =	sadd.s32 s7, s5  }
0xd: {  	s5 =	sadd.s32 s31, s2;
	s6 =	sadd.s32 $0xFF600, s8;
	s7 =	sadd.s32 $0x2400, s8  }
0xe: {  	v0 =	vimm.f32 $0.0e+00;
	s8 =	sadd.s32 $0x1B400, s8;
	s10 =	sadd.s32 $0x34400, s11;
	s11 =	simm.s32 $0x12C00  }
.LBB2_1:
0xf: {  	s17 =	simm.s32 $0x0  }
.LBB2_2:
0x10: {  	p0 =	sne.s32 s17, $0x1FC0  }
.Ltmp0:
0x11: {  	_ = 	snop;
	(pc) =	sbr.rel @p0 .LBB2_2-.Ltmp0, $3  }
0x12: {  	_ =	sdelay $0x1  }
0x13: {  	s18 =	sshra.s32 s17, $0x2  }
0x14: {  	s17 =	sadd.s32 $0x40, s17;
	[tilespmem:s18+$0x12C00] =	vst v0  }
0x15: {  	s17 =	sadd.s32 $0x0, s5  }
0x16: {  	[spmem:s17] =	stream.linear.scatter [tilespmem:s11], [sflag:$0x2], $0x800, $0x38;
	[tilespmem:$0x1FC00] =	vst v63  }
0x17: {  	s17 =	simm.s32 $0x2000;
	_ =	swait.ge [sflag:s12], $0x800  }
.LBB2_4:
0x18: {  	s18 =	sshra.s32 s17, $0x2;
	[sflag:s12] =	ssyncset.done $0x0;
	p0 =	sne.s32 s17, $0x30000  }
.Ltmp1:
0x19: {  	s18 =	sadd.s32 s18, s5;
	[sflag:s12] =	ssyncadd.s32 $0xFFFFF800;
	(pc) =	sbr.rel @p0 .LBB2_4-.Ltmp1, $3  }
0x1a: {  	[spmem:s18] =	stream.linear.scatter [tilespmem:s11], [sflag:$0x2], $0x800, $0x38;
	[tilespmem:$0x1FC00] =	vst v63  }
0x1b: {  	s17 =	sadd.s32 $0x2000, s17;
	_ =	sdelay $0x1  }
0x1c: {  	_ =	swait.ge [sflag:s12], $0x800  }
0x1d: {  	[sflag:s12] =	ssyncset.done $0x0  }
0x1e: {  	s17 =	simm.s32 $0x0;
	[sflag:s12] =	ssyncadd.s32 $0xFFFFF800  }
0x1f: {  	[tilespmem:s17], [sflag:$0x2] =	stream.linear.gather [hbm4b:s6+s17], $0x6400, $0x38;
	[tilespmem:$0x1FC00] =	vst v63  }
0x20: {  	_ =	swait.ge [sflag:s12], $0x6400  }
0x21: {  	[sflag:s12] =	ssyncset.done $0x0  }
0x22: {  	[sflag:s12] =	ssyncadd.s32 $0xFFFF9C00  }
0x23: {  	[tilespmem:s13], [sflag:$0x2] =	stream.linear.gather [hbm4b:s7+s17], $0x6400, $0x38;
	[tilespmem:$0x1FC00] =	vst v63  }
0x24: {  	_ =	swait.ge [sflag:s12], $0x6400  }
0x25: {  	[sflag:s12] =	ssyncset.done $0x0  }
0x26: {  	s18 =	simm.s32 $0xC800;
	[sflag:s12] =	ssyncadd.s32 $0xFFFF9C00  }
0x27: {  	[tilespmem:s18], [sflag:$0x2] =	stream.linear.gather [hbm4b:s8+s17], $0x6400, $0x38;
	[tilespmem:$0x1FC00] =	vst v63  }
0x28: {  	_ =	swait.ge [sflag:s12], $0x6400  }
0x29: {  	[sflag:s12] =	ssyncset.done $0x0  }
0x2a: {  	[sflag:s12] =	ssyncadd.s32 $0xFFFF9C00  }
0x2b: {  	[bflag:$0x0] =	sbarrier.arrive $0xFFFF  }
.LBB2_6:
0x2c: {  	s19 =	sshll.u32 s17, $0x7;
	v1 =	vmov s18  }
0x2d: {  	[tilespmem:s11], [sflag:$0x1] =	stream.indirect.gather [hbm4b:s4+s14], $0x10, s19, s14, $0xb8;
	[tilespmem:$0x1FC00] =	vst v63  }
0x2e: {  	_ =	swait.ge [sflag:s15], $0x800  }
0x2f: {  	[sflag:s15] =	ssyncset.done $0x0  }
0x30: {  	s20 =	simm.s32 $0x0;
	[sflag:s15] =	ssyncadd.s32 $0xFFFFF800  }
0x31: {  	v2 =	vld.idx.msk [tilespmem:v1+s20+$0x0 ss:$0x1], $0xffff  }
0x32: {  	s20 =	simm.s32 $0x12C80  }
0x33: {  	v3 =	vld [tilespmem:s20+$0xFFFFFF80]  }
0x34: {  	v4 =	vld [tilespmem:s20+$0xFFFFFF90]  }
0x35: {  	v5 =	vld [tilespmem:s20+$0xFFFFFFA0]  }
0x36: {  	v6 =	vld [tilespmem:s20+$0xFFFFFFB0];
	v7 =	vbroadcast v2, $0x0  }
0x37: {  	v10 =	vld [tilespmem:s20+$0xFFFFFFD0];
	v8 =	vbroadcast v2, $0x1  }
0x38: {  	v46 =	vld [tilespmem:s20+$0xFFFFFFE0];
	v11 =	vbroadcast v2, $0x2;
	v3 =	vmul.f32 v7, v3  }
0x39: {  	v9 =	vld [tilespmem:s20+$0xFFFFFFC0];
	v45 =	vbroadcast v2, $0x3;
	v4 =	vmul.f32 v4, v8  }
0x3a: {  	v49 =	vld [tilespmem:s20+$0x10];
	v47 =	vbroadcast v2, $0x5;
	v5 =	vmul.f32 v5, v11;
	[tilespmem:s20+$0xFFFFFF80] =	vst v3  }
0x3b: {  	v59 =	vld [tilespmem:s20+$0x60];
	v13 =	vbroadcast v2, $0x6;
	v6 =	vmul.f32 v6, v45;
	[tilespmem:s20+$0xFFFFFF90] =	vst v4  }
0x3c: {  	v12 =	vld [tilespmem:s20+$0xFFFFFFF0];
	v7 =	vmul.f32 v10, v47;
	v3 =	vbroadcast v2, $0x4;
	[tilespmem:s20+$0xFFFFFFA0] =	vst v5  }
0x3d: {  	v48 =	vld [tilespmem:s20+$0x0];
	v53 =	vbroadcast v2, $0x9;
	v8 =	vmul.f32 v46, v13;
	[tilespmem:s20+$0xFFFFFFB0] =	vst v6  }
0x3e: {  	v52 =	vld [tilespmem:s20+$0x30];
	v62 =	vbroadcast v2, $0xE;
	[tilespmem:s20+$0xFFFFFFD0] =	vst v7;
	v3 =	vmul.f32 v9, v3  }
0x3f: {  	v55 =	vld [tilespmem:s20+$0x50];
	v50 =	vbroadcast v2, $0x7;
	v58 =	vmul.f32 v49, v53;
	[tilespmem:s20+$0xFFFFFFE0] =	vst v8  }
0x40: {  	v51 =	vld [tilespmem:s20+$0x20];
	v63 =	vmul.f32 v59, v62;
	[tilespmem:s20+$0xFFFFFFC0] =	vst v3;
	v3 =	vbroadcast v2, $0x8  }
0x41: {  	v54 =	vld [tilespmem:s20+$0x40];
	v57 =	vbroadcast v2, $0xB;
	v5 =	vmul.f32 v12, v50;
	[tilespmem:s20+$0x10] =	vst v58  }
0x42: {  	v60 =	vld [tilespmem:s20+$0x70];
	v61 =	vbroadcast v2, $0xD;
	[tilespmem:s20+$0x60] =	vst v63;
	v3 =	vmul.f32 v48, v3  }
0x43: {  	v56 =	vbroadcast v2, $0xA;
	v4 =	vmul.f32 v52, v57;
	[tilespmem:s20+$0xFFFFFFF0] =	vst v5  }
0x44: {  	v6 =	vmul.f32 v55, v61;
	[tilespmem:s20+$0x0] =	vst v3;
	v3 =	vbroadcast v2, $0xC  }
0x45: {  	v9 =	vmul.f32 v51, v56;
	[tilespmem:s20+$0x30] =	vst v4;
	v2 =	vbroadcast v2, $0xF  }
0x46: {  	[tilespmem:s20+$0x50] =	vst v6;
	v3 =	vmul.f32 v54, v3  }
0x47: {  	[tilespmem:s20+$0x20] =	vst v9;
	v2 =	vmul.f32 v60, v2  }
0x48: {  	[tilespmem:s20+$0x40] =	vst v3  }
0x49: {  	s22 =	simm.s32 $0x10;
	s21 =	simm.s32 $0x80;
	[tilespmem:s20+$0x70] =	vst v2  }
.LBB2_7:
0x4a: {  	p0 =	sne.s32 s21, $0x1C0;
	v2 =	vld.idx.msk [tilespmem:v1+s22+$0x0 ss:$0x1], $0xffff;
	s20 =	sadd.s32 $0x100, s20  }
0x4b: {  	v3 =	vld [tilespmem:s20+$0xFFFFFFB0]  }
0x4c: {  	v4 =	vld [tilespmem:s20+$0xFFFFFF90]  }
0x4d: {  	v5 =	vld [tilespmem:s20+$0xFFFFFF80]  }
0x4e: {  	v6 =	vld [tilespmem:s20+$0xFFFFFFA0]  }
0x4f: {  	v7 =	vld [tilespmem:s20+$0xFFFFFFF0]  }
0x50: {  	v8 =	vbroadcast v2, $0x0;
	v9 =	vbroadcast v2, $0x1;
	v10 =	vld [tilespmem:s20+$0xFFFFFFD0]  }
0x51: {  	v11 =	vbroadcast v2, $0x2;
	v12 =	vbroadcast v2, $0x3;
	v13 =	vld [tilespmem:s20+$0xFFFFFFC0]  }
0x52: {  	v4 =	vmul.f32 v4, v9;
	v5 =	vmul.f32 v8, v5;
	v8 =	vld [tilespmem:s20+$0xFFFFFFE0]  }
0x53: {  	v3 =	vmul.f32 v3, v12;
	v6 =	vmul.f32 v6, v11;
	v9 =	vld [tilespmem:s20+$0x30]  }
0x54: {  	v11 =	vbroadcast v2, $0x5;
	[tilespmem:s20+$0xFFFFFF80] =	vst v5;
	v5 =	vbroadcast v2, $0x4;
	v12 =	vld [tilespmem:s20+$0x10]  }
0x55: {  	v14 =	vbroadcast v2, $0x7;
	[tilespmem:s20+$0xFFFFFF90] =	vst v4;
	v4 =	vbroadcast v2, $0x6;
	v15 =	vld [tilespmem:s20+$0x0]  }
0x56: {  	[tilespmem:s20+$0xFFFFFFA0] =	vst v6;
	v5 =	vmul.f32 v13, v5;
	v6 =	vmul.f32 v10, v11;
	v10 =	vld [tilespmem:s20+$0x20]  }
0x57: {  	[tilespmem:s20+$0xFFFFFFB0] =	vst v3;
	v3 =	vmul.f32 v8, v4;
	v4 =	vmul.f32 v7, v14;
	v7 =	vld [tilespmem:s20+$0x70]  }
0x58: {  	v8 =	vbroadcast v2, $0x9;
	[tilespmem:s20+$0xFFFFFFC0] =	vst v5;
	v5 =	vbroadcast v2, $0x8;
	v11 =	vld [tilespmem:s20+$0x50]  }
0x59: {  	v13 =	vbroadcast v2, $0xB;
	[tilespmem:s20+$0xFFFFFFD0] =	vst v6;
	v6 =	vbroadcast v2, $0xA;
	v14 =	vld [tilespmem:s20+$0x40]  }
0x5a: {  	[tilespmem:s20+$0xFFFFFFE0] =	vst v3;
	v3 =	vmul.f32 v15, v5;
	v5 =	vmul.f32 v12, v8;
	v8 =	vld [tilespmem:s20+$0x60]  }
0x5b: {  	[tilespmem:s20+$0xFFFFFFF0] =	vst v4;
	v4 =	vmul.f32 v10, v6;
	v6 =	vmul.f32 v9, v13  }
0x5c: {  	v9 =	vbroadcast v2, $0xD;
	[tilespmem:s20+$0x0] =	vst v3;
	v3 =	vbroadcast v2, $0xC  }
0x5d: {  	[tilespmem:s20+$0x10] =	vst v5;
	v5 =	vbroadcast v2, $0xE;
	v2 =	vbroadcast v2, $0xF  }
0x5e: {  	[tilespmem:s20+$0x20] =	vst v4;
	v3 =	vmul.f32 v14, v3;
	v4 =	vmul.f32 v11, v9  }
.Ltmp2:
0x5f: {  	[tilespmem:s20+$0x30] =	vst v6;
	v5 =	vmul.f32 v8, v5;
	v2 =	vmul.f32 v7, v2;
	(pc) =	sbr.rel @p0 .LBB2_7-.Ltmp2, $4  }
0x60: {  	[tilespmem:s20+$0x40] =	vst v3  }
0x61: {  	[tilespmem:s20+$0x50] =	vst v4  }
0x62: {  	[tilespmem:s20+$0x60] =	vst v5  }
0x63: {  	s22 =	sshra.s32 s21, $0x2;
	s21 =	sadd.s32 $0x40, s21;
	[tilespmem:s20+$0x70] =	vst v2  }
0x64: {  	_ =	sdelay $0x3  }
0x65: {  	v1 =	vld.idx.msk [tilespmem:v1+s22+$0x0 ss:$0x1], $0xffff  }
0x66: {  	s20 =	sadd.s32 $0x100, s20  }
0x67: {  	v2 =	vld [tilespmem:s20+$0xFFFFFF80]  }
0x68: {  	v3 =	vld [tilespmem:s20+$0xFFFFFF90]  }
0x69: {  	v4 =	vld [tilespmem:s20+$0xFFFFFFA0]  }
0x6a: {  	v5 =	vld [tilespmem:s20+$0xFFFFFFB0];
	v6 =	vbroadcast v1, $0x0  }
0x6b: {  	v9 =	vld [tilespmem:s20+$0xFFFFFFD0];
	v7 =	vbroadcast v1, $0x1  }
0x6c: {  	v8 =	vld [tilespmem:s20+$0xFFFFFFC0];
	v10 =	vbroadcast v1, $0x2;
	v2 =	vmul.f32 v6, v2  }
0x6d: {  	v49 =	vld [tilespmem:s20+$0xFFFFFFE0];
	v48 =	vbroadcast v1, $0x3;
	v3 =	vmul.f32 v3, v7  }
0x6e: {  	v51 =	vld [tilespmem:s20+$0x10];
	v50 =	vbroadcast v1, $0x5;
	v4 =	vmul.f32 v4, v10;
	[tilespmem:s20+$0xFFFFFF80] =	vst v2  }
0x6f: {  	v11 =	vld [tilespmem:s20+$0xFFFFFFF0];
	v5 =	vmul.f32 v5, v48;
	v2 =	vbroadcast v1, $0x4;
	[tilespmem:s20+$0xFFFFFF90] =	vst v3  }
0x70: {  	v12 =	vbroadcast v1, $0x6;
	v6 =	vmul.f32 v9, v50;
	v3 =	vld [tilespmem:s20+$0x0];
	[tilespmem:s20+$0xFFFFFFA0] =	vst v4  }
0x71: {  	v57 =	vld [tilespmem:s20+$0x50];
	v55 =	vbroadcast v1, $0x9;
	[tilespmem:s20+$0xFFFFFFB0] =	vst v5;
	v2 =	vmul.f32 v8, v2  }
0x72: {  	v53 =	vld [tilespmem:s20+$0x20];
	v52 =	vbroadcast v1, $0x7;
	v7 =	vmul.f32 v49, v12;
	[tilespmem:s20+$0xFFFFFFD0] =	vst v6  }
0x73: {  	v54 =	vld [tilespmem:s20+$0x30];
	v59 =	vmul.f32 v51, v55;
	[tilespmem:s20+$0xFFFFFFC0] =	vst v2;
	v2 =	vbroadcast v1, $0x8  }
0x74: {  	v56 =	vld [tilespmem:s20+$0x40];
	v62 =	vbroadcast v1, $0xD;
	v4 =	vmul.f32 v11, v52;
	[tilespmem:s20+$0xFFFFFFE0] =	vst v7  }
0x75: {  	v60 =	vld [tilespmem:s20+$0x60];
	v58 =	vbroadcast v1, $0xA;
	[tilespmem:s20+$0x10] =	vst v59;
	v2 =	vmul.f32 v3, v2  }
0x76: {  	v61 =	vld [tilespmem:s20+$0x70];
	v5 =	vmul.f32 v57, v62;
	[tilespmem:s20+$0xFFFFFFF0] =	vst v4;
	v3 =	vbroadcast v1, $0xB  }
0x77: {  	v8 =	vmul.f32 v53, v58;
	[tilespmem:s20+$0x0] =	vst v2;
	v2 =	vbroadcast v1, $0xC  }
0x78: {  	v63 =	vbroadcast v1, $0xE;
	[tilespmem:s20+$0x50] =	vst v5;
	v3 =	vmul.f32 v54, v3  }
0x79: {  	[tilespmem:s20+$0x20] =	vst v8;
	v1 =	vbroadcast v1, $0xF;
	v2 =	vmul.f32 v56, v2  }
0x7a: {  	[tilespmem:s20+$0x30] =	vst v3;
	v3 =	vmul.f32 v60, v63  }
0x7b: {  	s17 =	sadd.s32 $0x1, s17;
	v1 =	vmul.f32 v61, v1;
	[tilespmem:s20+$0x40] =	vst v2  }
0x7c: {  	p0 =	sne.s32 s17, $0xC8;
	[tilespmem:s20+$0x60] =	vst v3  }
.Ltmp3:
0x7d: {  	s19 =	sadd.s32 $0x6400, s19;
	[tilespmem:s20+$0x70] =	vst v1;
	(pc) =	sbr.rel @p0 .LBB2_6-.Ltmp3, $4  }
0x7e: {  	[spmem:s2] =	stream.indirect.scatter.add.f32 [tilespmem:s11], [sflag:$0x2], $0x10, s19, s14, $0xb8;
	[tilespmem:$0x1FC00] =	vst v63  }
0x7f: {  	_ =	swait.ge [sflag:s12], $0x800  }
0x80: {  	[sflag:s12] =	ssyncset.done $0x0  }
0x81: {  	s18 =	sadd.s32 $0x80, s18;
	[sflag:s12] =	ssyncadd.s32 $0xFFFFF800  }
0x82: {  	[bflag:$0x0] =	sbarrier.arrive $0xFFFF  }
0x83: {  	[tilespmem:s11], [sflag:$0x2] =	stream.linear.gather [spmem:s5], $0x800, $0x38;
	[tilespmem:$0x1FC00] =	vst v63  }
0x84: {  	_ =	swait.ge [sflag:s12], $0x800  }
0x85: {  	[sflag:s12] =	ssyncset.done $0x0  }
0x86: {  	s17 =	sadd.s32 $0x0, s10;
	[sflag:s12] =	ssyncadd.s32 $0xFFFFF800  }
0x87: {  	[hbm4b:s17+s3] =	stream.linear.scatter [tilespmem:s11], [sflag:$0x2], $0x800, $0x38;
	[tilespmem:$0x1FC00] =	vst v63  }
0x88: {  	_ =	swait.ge [sflag:s12], $0x800  }
0x89: {  	s18 =	smov.u32 s5;
	s17 =	simm.s32 $0x100;
	[sflag:s12] =	ssyncset.done $0x0  }
.LBB2_10:
0x8a: {  	p0 =	sne.s32 s17, $0x1800;
	[sflag:s12] =	ssyncadd.s32 $0xFFFFF800;
	s18 =	sadd.s32 $0x800, s18  }
0x8b: {  	[tilespmem:s11], [sflag:$0x2] =	stream.linear.gather [spmem:s18], $0x800, $0x38;
	[tilespmem:$0x1FC00] =	vst v63  }
0x8c: {  	s19 =	smov.u32 s17;
	s17 =	sadd.s32 $0x100, s17;
	_ =	swait.ge [sflag:s12], $0x800  }
.Ltmp4:
0x8d: {  	[sflag:s12] =	ssyncset.done $0x0;
	(pc) =	sbr.rel @p0 .LBB2_10-.Ltmp4, $4  }
0x8e: {  	s19 =	sadd.s32 s19, s10;
	[sflag:s12] =	ssyncadd.s32 $0xFFFFF800  }
0x8f: {  	[hbm4b:s19+s3] =	stream.linear.scatter [tilespmem:s11], [sflag:$0x2], $0x800, $0x38;
	[tilespmem:$0x1FC00] =	vst v63  }
0x90: {  	_ =	swait.ge [sflag:s12], $0x800  }
0x91: {  	[sflag:s12] =	ssyncset.done $0x0  }
0x92: {  	s16 =	sadd.s32 $0x1, s16  }
0x93: {  	p0 =	sne.s32 s16, s9  }
.Ltmp5:
0x94: {  	_ = 	snop;
	(pc) =	sbr.rel @p0 .LBB2_1-.Ltmp5, $2  }
0x95: {  	_ =	sdelay $0x2  }
0x96: {  	[sflag:s12] =	ssyncadd.s32 $0xFFFFF800  }
0x97: {  	_ =	sfence.sel $0x180000  }
0x98: {  	[bflag:$0x0] =	sbarrier.arrive $0xFFFF  }
0x99: {  	p0 =	sne.s32 s1, $0x0;
	_ =	strace $0x90000050  }
0x9a: {  	s0 =	sadd.s32 @!p0 $0x100000, s0;
	[bflag:$0x2] =	sbarrier.arrive $0xFFFF  }
0x9b: {  	[sflag:s0] =	ssyncadd.tile.s32 @!p0 $0x1;
	_ =	shalt  }
.Lfunc_end2:
_tile_overlayer_lowered:
.L_overlay_start_2:
0x9c: {  	(tag) =	ssettag $0x2  }
0x9d: {  	s0 =	rddreg [dreg:$0x0];
	s2 =	stileid.u32  }
0x9e: {  	s1 =	rddreg [dreg:$0x1];
	p0 =	sne.s32 s2, $0x0  }
0x9f: {  	s3 =	rddreg [dreg:$0x2];
	[bflag:$0x3] =	sbarrier.arrive $0xFFFF;
	s2 =	simm.s32 @!p0 $0x1C02  }
0xa0: {  	[timem:s3], [sflag:s2] =	dma.local @!p0 [hbm:s0], s1  }
0xa1: {  	s0 =	simm.s32 @!p0 $0x2  }
0xa2: {  	_ =	swait.ge @!p0 [sflag:s0], s1  }
0xa3: {  	s1 =	ssub.s32 @!p0 $0x0, s1;
	[sflag:s0] =	ssyncset.done @!p0 $0x0  }
0xa4: {  	[sflag:s0] =	ssyncadd.s32 @!p0 s1  }
0xa5: {  	[bflag:$0x3] =	sbarrier.arrive $0xFFFF  }
0xa6: {  	_ =	shalt  }

</sc_bundles>
